<compile_context>
chip_gen: v7x
topology: tpu7x:2x2x1
jax: 0.10.2.dev20260603
libtpu: 0.0.44.dev20260713+nightly
codegen_flags: <defaults>
</compile_context>

<pallas_src>
import functools

import jax
import jax.numpy as jnp
from jax import lax
from jax.experimental import pallas as pl
from jax.experimental.pallas import tpu as pltpu
from jax.experimental.pallas import tpu_sc as plsc

_NC = 2
_NS = 16
_NW = _NC * _NS
_PC = 32
_L = 16


@functools.lru_cache(maxsize=None)
def _build_sc_call(B, T, D, V, PMAX):
    PW = T // _NW
    NPC = PW // _PC
    NCH = NPC * B
    VPR = D // _L

    mesh = plsc.VectorSubcoreMesh(core_axis_name="c", subcore_axis_name="s")

    @functools.partial(
        pl.kernel,
        mesh=mesh,
        out_type=jax.ShapeDtypeStruct((B * T, D), jnp.float32),
        scratch_types=[
            pltpu.VMEM((NCH, _PC), jnp.int32),
            pltpu.VMEM((_PC, D), jnp.float32),
            pltpu.VMEM((2, _PC, D), jnp.float32),
            pltpu.SemaphoreType.DMA,
            pltpu.SemaphoreType.DMA,
            pltpu.SemaphoreType.DMA,
            pltpu.SemaphoreType.DMA,
        ],
    )
    def sc_embed(idx_hbm, emb_hbm, pos_hbm, out_hbm, idx_v, pos_v, tok_v,
                 gsem0, gsem1, wsem0, wsem1):
        gsems = [gsem0, gsem1]
        wsems = [wsem0, wsem1]
        wid = lax.axis_index("s") * _NC + lax.axis_index("c")
        pos0 = wid * PW

        pltpu.sync_copy(idx_hbm.at[wid], idx_v)

        def start_gather(k, buf):
            return pltpu.async_copy(emb_hbm.at[idx_v.at[k]], tok_v.at[buf],
                                    gsems[buf])

        def start_write(k, buf):
            pc, b = divmod(k, B)
            base = b * T + pos0 + pc * _PC
            return pltpu.async_copy(tok_v.at[buf], out_hbm.at[pl.ds(base, _PC)],
                                    wsems[buf])

        def add_pos(buf):
            @plsc.parallel_loop(0, _PC * VPR, unroll=8)
            def col_body(i):
                r = i // VPR
                sl = pl.ds((i - r * VPR) * _L, _L)
                tok_v[buf, r, sl] = tok_v[buf, r, sl] + pos_v[r, sl]

        g_handles = [None, None]
        w_handles = [None, None]
        g_handles[0] = start_gather(0, 0)
        for k in range(NCH):
            pc, b = divmod(k, B)
            buf = k % 2
            if b == 0:
                pltpu.sync_copy(pos_hbm.at[pl.ds(pos0 + pc * _PC, _PC)], pos_v)
            if k + 1 < NCH:
                nbuf = (k + 1) % 2
                if w_handles[nbuf] is not None:
                    w_handles[nbuf].wait()
                g_handles[nbuf] = start_gather(k + 1, nbuf)
            g_handles[buf].wait()
            add_pos(buf)
            w_handles[buf] = start_write(k, buf)
        w_handles[0].wait()
        w_handles[1].wait()

    return sc_embed


def kernel(token_ids, token_emb, pos_emb):
    B, T = token_ids.shape
    V, D = token_emb.shape
    PMAX = pos_emb.shape[0]
    PW = T // _NW
    NPC = PW // _PC

    ids = token_ids.astype(jnp.int32)
    idx = (ids.reshape(B, _NW, NPC, _PC)
              .transpose(1, 2, 0, 3)
              .reshape(_NW, NPC * B, _PC))

    sc_embed = _build_sc_call(B, T, D, V, PMAX)
    out_flat = sc_embed(idx, token_emb, pos_emb)
    return out_flat.reshape(B, T, D)

# --- scband reference (transcript-rebuilt; emitter-appended) ---
"""Pipeline reference for scband-input-embedding-55216099558065 (READ-ONLY COPY).

The authoritative reference and input builder live on the scoring server;
editing this copy changes nothing except your own understanding.
"""

import jax, jax.numpy as jnp
import numpy as np

VOCAB = 100000
D_MODEL = 1024
MAX_SEQ_LEN = 8192
B, T = 4, 4096

def setup_inputs(seed: int = 0) -> dict:
    key = jax.random.key(seed)
    k1, k2, k3 = jax.random.split(key, 3)
    token_ids = jax.random.randint(k1, (B, T), 0, VOCAB, dtype=jnp.int64 if jax.config.jax_enable_x64 else jnp.int32)
    token_emb = jax.random.normal(k2, (VOCAB, D_MODEL), dtype=jnp.float32) * 0.02
    pos_emb = jax.random.normal(k3, (MAX_SEQ_LEN, D_MODEL), dtype=jnp.float32) * 0.02
    return {"token_ids": token_ids, "token_emb": token_emb, "pos_emb": pos_emb}

def reference(token_ids, token_emb, pos_emb):
    Bc, Tc = token_ids.shape
    positions = jnp.arange(Tc)
    tok = jnp.take(token_emb, token_ids, axis=0)          # (B, T, d_model)
    pos = jnp.take(pos_emb, positions, axis=0)[None, :, :]  # (1, T, d_model)
    return tok + pos

if __name__ == "__main__":
    import jax
    _d = setup_inputs()
    print(jax.jit(kernel)(*tuple(_d.values())))

</pallas_src>

<mosaic_0001>
#map = affine_map<(d0, d1) -> (0, 0, 0)>
#map1 = affine_map<(d0, d1) -> (0, 0)>
module attributes {stable_mosaic.version = 14 : i64} {
  func.func @sc_embed(%arg0: i32, %arg1: i32, %arg2: memref<32x16x32xi32, #tpu.memory_space<hbm>>, %arg3: memref<100000x1024xf32, #tpu.memory_space<hbm>>, %arg4: memref<8192x1024xf32, #tpu.memory_space<hbm>>, %arg5: memref<16384x1024xf32, #tpu.memory_space<hbm>>, %arg6: memref<16x32xi32, #tpu.memory_space<vmem>>, %arg7: memref<32x1024xf32, #tpu.memory_space<vmem>>, %arg8: memref<2x32x1024xf32, #tpu.memory_space<vmem>>, %arg9: memref<!tpu.dma_semaphore, #tpu.memory_space<semaphore_mem>>, %arg10: memref<!tpu.dma_semaphore, #tpu.memory_space<semaphore_mem>>, %arg11: memref<!tpu.dma_semaphore, #tpu.memory_space<semaphore_mem>>, %arg12: memref<!tpu.dma_semaphore, #tpu.memory_space<semaphore_mem>>) attributes {dimension_semantics = [#tpu.dimension_semantics<core_parallel>, #tpu.dimension_semantics<subcore_parallel>], iteration_bounds = array<i64: 2, 16>, scalar_prefetch = 0 : i64, scratch_operands = 7 : i64, tpu.core_type = #tpu.core_type<sc_vector_subcore>, window_params = [{transform_indices = #map}, {transform_indices = #map1}, {transform_indices = #map1}, {transform_indices = #map1}]} {
    %mul3A = arith.constant 2 : i32
    %mul3A_0 = arith.muli %arg1, %mul3A : i32
    %add3A = arith.addi %mul3A_0, %arg0 : i32
    %mul3A_1 = arith.constant 128 : i32
    %mul3A_2 = arith.muli %add3A, %mul3A_1 : i32
    "tpu.region"() ({
      %run_scoped3A = tpu.sem_alloc : memref<!tpu.dma_semaphore, #tpu.memory_space<semaphore_mem>>
      %dma_start3A_920 = arith.constant 0 : i32
      %dma_start3A_921 = arith.constant 0 : i32
      %dma_start3A_922 = tpu.memref_slice %arg2[%add3A, %dma_start3A_920, %dma_start3A_921] : memref<32x16x32xi32, #tpu.memory_space<hbm>> -> memref<1x16x32xi32, #tpu.memory_space<hbm>>
      %dma_start3A_923 = tpu.memref_squeeze %dma_start3A_922 : memref<1x16x32xi32, #tpu.memory_space<hbm>> -> memref<16x32xi32, #tpu.memory_space<hbm>>
      %dma_start3A_924 = arith.constant 0 : i32
      %dma_start3A_925 = arith.constant 0 : i32
      %dma_start3A_926 = tpu.memref_slice %arg2[%add3A, %dma_start3A_924, %dma_start3A_925] : memref<32x16x32xi32, #tpu.memory_space<hbm>> -> memref<1x16x32xi32, #tpu.memory_space<hbm>>
      %dma_start3A_927 = tpu.memref_squeeze %dma_start3A_926 : memref<1x16x32xi32, #tpu.memory_space<hbm>> -> memref<16x32xi32, #tpu.memory_space<hbm>>
      tpu.enqueue_dma source(%dma_start3A_927 : memref<16x32xi32, #tpu.memory_space<hbm>>) target(%arg6 : memref<16x32xi32, #tpu.memory_space<vmem>>) target_semaphore(%run_scoped3A : memref<!tpu.dma_semaphore, #tpu.memory_space<semaphore_mem>>)
      %dma_wait3A_928 = arith.constant 0 : i32
      %dma_wait3A_929 = arith.constant 0 : i32
      %dma_wait3A_930 = tpu.memref_slice %arg2[%add3A, %dma_wait3A_928, %dma_wait3A_929] : memref<32x16x32xi32, #tpu.memory_space<hbm>> -> memref<1x16x32xi32, #tpu.memory_space<hbm>>
      %dma_wait3A_931 = tpu.memref_squeeze %dma_wait3A_930 : memref<1x16x32xi32, #tpu.memory_space<hbm>> -> memref<16x32xi32, #tpu.memory_space<hbm>>
      %dma_wait3A_932 = arith.constant 0 : i32
      %dma_wait3A_933 = arith.constant 0 : i32
      %dma_wait3A_934 = tpu.memref_slice %arg2[%add3A, %dma_wait3A_932, %dma_wait3A_933] : memref<32x16x32xi32, #tpu.memory_space<hbm>> -> memref<1x16x32xi32, #tpu.memory_space<hbm>>
      %dma_wait3A_935 = tpu.memref_squeeze %dma_wait3A_934 : memref<1x16x32xi32, #tpu.memory_space<hbm>> -> memref<16x32xi32, #tpu.memory_space<hbm>>
      tpu.wait_dma2 semaphore(%run_scoped3A : memref<!tpu.dma_semaphore, #tpu.memory_space<semaphore_mem>>) src(%dma_wait3A_935 : memref<16x32xi32, #tpu.memory_space<hbm>>) dst(%arg6 : memref<16x32xi32, #tpu.memory_space<vmem>>)
      tpu.yield
    }) : () -> ()
    %dma_start3A = arith.constant 0 : i32
    %dma_start3A_3 = arith.constant 0 : i32
    %dma_start3A_4 = arith.constant 0 : i32
    %dma_start3A_5 = arith.constant 0 : i32
    %dma_start3A_6 = tpu.memref_slice %arg8[%dma_start3A_3, %dma_start3A_4, %dma_start3A_5] : memref<2x32x1024xf32, #tpu.memory_space<vmem>> -> memref<1x32x1024xf32, #tpu.memory_space<vmem>>
    %dma_start3A_7 = tpu.memref_squeeze %dma_start3A_6 : memref<1x32x1024xf32, #tpu.memory_space<vmem>> -> memref<32x1024xf32, #tpu.memory_space<vmem>>
    %dma_start3A_8 = arith.constant 0 : i32
    %dma_start3A_9 = tpu.memref_slice %arg6[%dma_start3A, %dma_start3A_8] : memref<16x32xi32, #tpu.memory_space<vmem>> -> memref<1x32xi32, #tpu.memory_space<vmem>>
    %dma_start3A_10 = tpu.memref_squeeze %dma_start3A_9 : memref<1x32xi32, #tpu.memory_space<vmem>> -> memref<32xi32, #tpu.memory_space<vmem>>
    %dma_start3A_11 = arith.constant 0 : i32
    %dma_start3A_12 = arith.constant 0 : i32
    %dma_start3A_13 = tpu.memref_slice %arg3[%dma_start3A_11, %dma_start3A_12] : memref<100000x1024xf32, #tpu.memory_space<hbm>> -> memref<100000x1024xf32, #tpu.memory_space<hbm>>
    tpu.enqueue_indirect_dma source(%dma_start3A_13 : memref<100000x1024xf32, #tpu.memory_space<hbm>>) target(%dma_start3A_7 : memref<32x1024xf32, #tpu.memory_space<vmem>>) offsets(%dma_start3A_10 : memref<32xi32, #tpu.memory_space<vmem>>) semaphore(%arg9 : memref<!tpu.dma_semaphore, #tpu.memory_space<semaphore_mem>>)
    %add3A_14 = arith.constant 0 : i32
    %add3A_15 = arith.addi %mul3A_2, %add3A_14 : i32
    "tpu.region"() ({
      %run_scoped3A = tpu.sem_alloc : memref<!tpu.dma_semaphore, #tpu.memory_space<semaphore_mem>>
      %dma_start3A_920 = arith.constant 0 : i32
      %dma_start3A_921 = tpu.memref_slice %arg4[%add3A_15, %dma_start3A_920] : memref<8192x1024xf32, #tpu.memory_space<hbm>> -> memref<32x1024xf32, #tpu.memory_space<hbm>>
      %dma_start3A_922 = arith.constant 0 : i32
      %dma_start3A_923 = tpu.memref_slice %arg4[%add3A_15, %dma_start3A_922] : memref<8192x1024xf32, #tpu.memory_space<hbm>> -> memref<32x1024xf32, #tpu.memory_space<hbm>>
      tpu.enqueue_dma source(%dma_start3A_923 : memref<32x1024xf32, #tpu.memory_space<hbm>>) target(%arg7 : memref<32x1024xf32, #tpu.memory_space<vmem>>) target_semaphore(%run_scoped3A : memref<!tpu.dma_semaphore, #tpu.memory_space<semaphore_mem>>)
      %dma_wait3A_924 = arith.constant 0 : i32
      %dma_wait3A_925 = tpu.memref_slice %arg4[%add3A_15, %dma_wait3A_924] : memref<8192x1024xf32, #tpu.memory_space<hbm>> -> memref<32x1024xf32, #tpu.memory_space<hbm>>
      %dma_wait3A_926 = arith.constant 0 : i32
      %dma_wait3A_927 = tpu.memref_slice %arg4[%add3A_15, %dma_wait3A_926] : memref<8192x1024xf32, #tpu.memory_space<hbm>> -> memref<32x1024xf32, #tpu.memory_space<hbm>>
      tpu.wait_dma2 semaphore(%run_scoped3A : memref<!tpu.dma_semaphore, #tpu.memory_space<semaphore_mem>>) src(%dma_wait3A_927 : memref<32x1024xf32, #tpu.memory_space<hbm>>) dst(%arg7 : memref<32x1024xf32, #tpu.memory_space<vmem>>)
      tpu.yield
    }) : () -> ()
    %dma_start3A_16 = arith.constant 1 : i32
    %dma_start3A_17 = arith.constant 1 : i32
    %dma_start3A_18 = arith.constant 0 : i32
    %dma_start3A_19 = arith.constant 0 : i32
    %dma_start3A_20 = tpu.memref_slice %arg8[%dma_start3A_17, %dma_start3A_18, %dma_start3A_19] : memref<2x32x1024xf32, #tpu.memory_space<vmem>> -> memref<1x32x1024xf32, #tpu.memory_space<vmem>>
    %dma_start3A_21 = tpu.memref_squeeze %dma_start3A_20 : memref<1x32x1024xf32, #tpu.memory_space<vmem>> -> memref<32x1024xf32, #tpu.memory_space<vmem>>
    %dma_start3A_22 = arith.constant 0 : i32
    %dma_start3A_23 = tpu.memref_slice %arg6[%dma_start3A_16, %dma_start3A_22] : memref<16x32xi32, #tpu.memory_space<vmem>> -> memref<1x32xi32, #tpu.memory_space<vmem>>
    %dma_start3A_24 = tpu.memref_squeeze %dma_start3A_23 : memref<1x32xi32, #tpu.memory_space<vmem>> -> memref<32xi32, #tpu.memory_space<vmem>>
    %dma_start3A_25 = arith.constant 0 : i32
    %dma_start3A_26 = arith.constant 0 : i32
    %dma_start3A_27 = tpu.memref_slice %arg3[%dma_start3A_25, %dma_start3A_26] : memref<100000x1024xf32, #tpu.memory_space<hbm>> -> memref<100000x1024xf32, #tpu.memory_space<hbm>>
    tpu.enqueue_indirect_dma source(%dma_start3A_27 : memref<100000x1024xf32, #tpu.memory_space<hbm>>) target(%dma_start3A_21 : memref<32x1024xf32, #tpu.memory_space<vmem>>) offsets(%dma_start3A_24 : memref<32xi32, #tpu.memory_space<vmem>>) semaphore(%arg10 : memref<!tpu.dma_semaphore, #tpu.memory_space<semaphore_mem>>)
    %dma_wait3A = arith.constant 0 : i32
    %dma_wait3A_28 = arith.constant 0 : i32
    %dma_wait3A_29 = arith.constant 0 : i32
    %dma_wait3A_30 = arith.constant 0 : i32
    %dma_wait3A_31 = tpu.memref_slice %arg8[%dma_wait3A_28, %dma_wait3A_29, %dma_wait3A_30] : memref<2x32x1024xf32, #tpu.memory_space<vmem>> -> memref<1x32x1024xf32, #tpu.memory_space<vmem>>
    %dma_wait3A_32 = tpu.memref_squeeze %dma_wait3A_31 : memref<1x32x1024xf32, #tpu.memory_space<vmem>> -> memref<32x1024xf32, #tpu.memory_space<vmem>>
    %dma_wait3A_33 = arith.constant 0 : i32
    %dma_wait3A_34 = tpu.memref_slice %arg6[%dma_wait3A, %dma_wait3A_33] : memref<16x32xi32, #tpu.memory_space<vmem>> -> memref<1x32xi32, #tpu.memory_space<vmem>>
    %dma_wait3A_35 = tpu.memref_squeeze %dma_wait3A_34 : memref<1x32xi32, #tpu.memory_space<vmem>> -> memref<32xi32, #tpu.memory_space<vmem>>
    %dma_wait3A_36 = arith.constant 0 : i32
    %dma_wait3A_37 = arith.constant 0 : i32
    %dma_wait3A_38 = tpu.memref_slice %arg3[%dma_wait3A_36, %dma_wait3A_37] : memref<100000x1024xf32, #tpu.memory_space<hbm>> -> memref<100000x1024xf32, #tpu.memory_space<hbm>>
    tpu.wait_indirect_dma semaphore(%arg9 : memref<!tpu.dma_semaphore, #tpu.memory_space<semaphore_mem>>) src(%dma_wait3A_38 : memref<100000x1024xf32, #tpu.memory_space<hbm>>) dst(%dma_wait3A_32 : memref<32x1024xf32, #tpu.memory_space<vmem>>)
    %parallel_loop3A = arith.constant 0 : i32
    %parallel_loop3A_39 = arith.constant 2048 : i32
    %parallel_loop3A_40 = arith.constant 1 : i32
    scf.for %parallel_loop3A_920 = %parallel_loop3A to %parallel_loop3A_39 step %parallel_loop3A_40  : i32 {
      %parallel_loop3A_921 = arith.constant 64 : i32
      %parallel_loop3A_922 = arith.divsi %parallel_loop3A_920, %parallel_loop3A_921 : i32
      %parallel_loop3A_923 = arith.constant 0 : i32
      %parallel_loop3A_924 = arith.cmpi sgt, %parallel_loop3A_920, %parallel_loop3A_923 : i32
      %parallel_loop3A_925 = arith.extui %parallel_loop3A_924 : i1 to i32
      %parallel_loop3A_926 = arith.constant 0 : i32
      %parallel_loop3A_927 = arith.cmpi slt, %parallel_loop3A_920, %parallel_loop3A_926 : i32
      %parallel_loop3A_928 = arith.extui %parallel_loop3A_927 : i1 to i32
      %parallel_loop3A_929 = arith.subi %parallel_loop3A_925, %parallel_loop3A_928 : i32
      %parallel_loop3A_930 = arith.constant 0 : i32
      %parallel_loop3A_931 = arith.cmpi sgt, %parallel_loop3A_921, %parallel_loop3A_930 : i32
      %parallel_loop3A_932 = arith.extui %parallel_loop3A_931 : i1 to i32
      %parallel_loop3A_933 = arith.constant 0 : i32
      %parallel_loop3A_934 = arith.cmpi slt, %parallel_loop3A_921, %parallel_loop3A_933 : i32
      %parallel_loop3A_935 = arith.extui %parallel_loop3A_934 : i1 to i32
      %parallel_loop3A_936 = arith.subi %parallel_loop3A_932, %parallel_loop3A_935 : i32
      %parallel_loop3A_937 = arith.cmpi ne, %parallel_loop3A_929, %parallel_loop3A_936 : i32
      %parallel_loop3A_938 = arith.remsi %parallel_loop3A_920, %parallel_loop3A_921 : i32
      %parallel_loop3A_939 = arith.constant 0 : i32
      %parallel_loop3A_940 = arith.cmpi ne, %parallel_loop3A_938, %parallel_loop3A_939 : i32
      %parallel_loop3A_941 = arith.andi %parallel_loop3A_937, %parallel_loop3A_940 : i1
      %parallel_loop3A_942 = arith.constant 1 : i32
      %parallel_loop3A_943 = arith.subi %parallel_loop3A_922, %parallel_loop3A_942 : i32
      %parallel_loop3A_944 = arith.select %parallel_loop3A_941, %parallel_loop3A_943, %parallel_loop3A_922 : i32
      %parallel_loop3A_945 = arith.constant 64 : i32
      %parallel_loop3A_946 = arith.muli %parallel_loop3A_944, %parallel_loop3A_945 : i32
      %parallel_loop3A_947 = arith.subi %parallel_loop3A_920, %parallel_loop3A_946 : i32
      %parallel_loop3A_948 = arith.constant 16 : i32
      %parallel_loop3A_949 = arith.muli %parallel_loop3A_947, %parallel_loop3A_948 : i32
      %parallel_loop3A_950 = arith.constant 0 : i32
      %parallel_loop3A_951 = arith.index_cast %parallel_loop3A_950 : i32 to index
      %parallel_loop3A_952 = arith.index_cast %parallel_loop3A_944 : i32 to index
      %parallel_loop3A_953 = arith.index_cast %parallel_loop3A_949 : i32 to index
      %parallel_loop3A_954 = tpu.vector_load %arg8[%parallel_loop3A_951, %parallel_loop3A_952, %parallel_loop3A_953] {strides = array<i32>} : memref<2x32x1024xf32, #tpu.memory_space<vmem>>, vector<1x1x16xf32>,
      %parallel_loop3A_955 = vector.shape_cast %parallel_loop3A_954 : vector<1x1x16xf32> to vector<16xf32>
      %parallel_loop3A_956 = arith.index_cast %parallel_loop3A_944 : i32 to index
      %parallel_loop3A_957 = arith.index_cast %parallel_loop3A_949 : i32 to index
      %parallel_loop3A_958 = tpu.vector_load %arg7[%parallel_loop3A_956, %parallel_loop3A_957] {strides = array<i32>} : memref<32x1024xf32, #tpu.memory_space<vmem>>, vector<1x16xf32>,
      %parallel_loop3A_959 = vector.shape_cast %parallel_loop3A_958 : vector<1x16xf32> to vector<16xf32>
      %parallel_loop3A_960 = arith.addf %parallel_loop3A_955, %parallel_loop3A_959 : vector<16xf32>
      %parallel_loop3A_961 = arith.constant 0 : i32
      %parallel_loop3A_962 = arith.index_cast %parallel_loop3A_961 : i32 to index
      %parallel_loop3A_963 = arith.index_cast %parallel_loop3A_944 : i32 to index
      %parallel_loop3A_964 = arith.index_cast %parallel_loop3A_949 : i32 to index
      %parallel_loop3A_965 = tpu.vector_load %arg8[%parallel_loop3A_962, %parallel_loop3A_963, %parallel_loop3A_964] {strides = array<i32>} : memref<2x32x1024xf32, #tpu.memory_space<vmem>>, vector<1x1x16xf32>,
      %parallel_loop3A_966 = vector.shape_cast %parallel_loop3A_965 : vector<1x1x16xf32> to vector<16xf32>
      %parallel_loop3A_967 = vector.shape_cast %parallel_loop3A_960 : vector<16xf32> to vector<1x1x16xf32>
      tpu.vector_store %arg8[%parallel_loop3A_962, %parallel_loop3A_963, %parallel_loop3A_964], %parallel_loop3A_967 {strides = array<i32>} : memref<2x32x1024xf32, #tpu.memory_space<vmem>>, vector<1x1x16xf32>,
    } {sc.loop_unroll_factor = 8 : i64, sc.parallel_access}
    %add3A_41 = arith.constant 0 : i32
    %add3A_42 = arith.addi %add3A_41, %mul3A_2 : i32
    %add3A_43 = arith.constant 0 : i32
    %add3A_44 = arith.addi %add3A_42, %add3A_43 : i32
    %dma_start3A_45 = arith.constant 0 : i32
    %dma_start3A_46 = arith.constant 0 : i32
    %dma_start3A_47 = arith.constant 0 : i32
    %dma_start3A_48 = tpu.memref_slice %arg8[%dma_start3A_45, %dma_start3A_46, %dma_start3A_47] : memref<2x32x1024xf32, #tpu.memory_space<vmem>> -> memref<1x32x1024xf32, #tpu.memory_space<vmem>>
    %dma_start3A_49 = tpu.memref_squeeze %dma_start3A_48 : memref<1x32x1024xf32, #tpu.memory_space<vmem>> -> memref<32x1024xf32, #tpu.memory_space<vmem>>
    %dma_start3A_50 = arith.constant 0 : i32
    %dma_start3A_51 = tpu.memref_slice %arg5[%add3A_44, %dma_start3A_50] : memref<16384x1024xf32, #tpu.memory_space<hbm>> -> memref<32x1024xf32, #tpu.memory_space<hbm>>
    %dma_start3A_52 = arith.constant 0 : i32
    %dma_start3A_53 = tpu.memref_slice %arg5[%add3A_44, %dma_start3A_52] : memref<16384x1024xf32, #tpu.memory_space<hbm>> -> memref<32x1024xf32, #tpu.memory_space<hbm>>
    %dma_start3A_54 = arith.constant 0 : i32
    %dma_start3A_55 = arith.constant 0 : i32
    %dma_start3A_56 = tpu.memref_slice %arg8[%dma_start3A_45, %dma_start3A_54, %dma_start3A_55] : memref<2x32x1024xf32, #tpu.memory_space<vmem>> -> memref<1x32x1024xf32, #tpu.memory_space<vmem>>
    %dma_start3A_57 = tpu.memref_squeeze %dma_start3A_56 : memref<1x32x1024xf32, #tpu.memory_space<vmem>> -> memref<32x1024xf32, #tpu.memory_space<vmem>>
    tpu.enqueue_dma source(%dma_start3A_57 : memref<32x1024xf32, #tpu.memory_space<vmem>>) target(%dma_start3A_53 : memref<32x1024xf32, #tpu.memory_space<hbm>>) target_semaphore(%arg11 : memref<!tpu.dma_semaphore, #tpu.memory_space<semaphore_mem>>)
    %dma_wait3A_58 = arith.constant 0 : i32
    %dma_wait3A_59 = arith.constant 0 : i32
    %dma_wait3A_60 = arith.constant 0 : i32
    %dma_wait3A_61 = tpu.memref_slice %arg8[%dma_wait3A_58, %dma_wait3A_59, %dma_wait3A_60] : memref<2x32x1024xf32, #tpu.memory_space<vmem>> -> memref<1x32x1024xf32, #tpu.memory_space<vmem>>
    %dma_wait3A_62 = tpu.memref_squeeze %dma_wait3A_61 : memref<1x32x1024xf32, #tpu.memory_space<vmem>> -> memref<32x1024xf32, #tpu.memory_space<vmem>>
    %dma_wait3A_63 = arith.constant 0 : i32
    %dma_wait3A_64 = tpu.memref_slice %arg5[%add3A_44, %dma_wait3A_63] : memref<16384x1024xf32, #tpu.memory_space<hbm>> -> memref<32x1024xf32, #tpu.memory_space<hbm>>
    %dma_wait3A_65 = arith.constant 0 : i32
    %dma_wait3A_66 = tpu.memref_slice %arg5[%add3A_44, %dma_wait3A_65] : memref<16384x1024xf32, #tpu.memory_space<hbm>> -> memref<32x1024xf32, #tpu.memory_space<hbm>>
    %dma_wait3A_67 = arith.constant 0 : i32
    %dma_wait3A_68 = arith.constant 0 : i32
    %dma_wait3A_69 = tpu.memref_slice %arg8[%dma_wait3A_58, %dma_wait3A_67, %dma_wait3A_68] : memref<2x32x1024xf32, #tpu.memory_space<vmem>> -> memref<1x32x1024xf32, #tpu.memory_space<vmem>>
    %dma_wait3A_70 = tpu.memref_squeeze %dma_wait3A_69 : memref<1x32x1024xf32, #tpu.memory_space<vmem>> -> memref<32x1024xf32, #tpu.memory_space<vmem>>
    tpu.wait_dma2 semaphore(%arg11 : memref<!tpu.dma_semaphore, #tpu.memory_space<semaphore_mem>>) src(%dma_wait3A_70 : memref<32x1024xf32, #tpu.memory_space<vmem>>) dst(%dma_wait3A_66 : memref<32x1024xf32, #tpu.memory_space<hbm>>)
    %dma_start3A_71 = arith.constant 2 : i32
    %dma_start3A_72 = arith.constant 0 : i32
    %dma_start3A_73 = arith.constant 0 : i32
    %dma_start3A_74 = arith.constant 0 : i32
    %dma_start3A_75 = tpu.memref_slice %arg8[%dma_start3A_72, %dma_start3A_73, %dma_start3A_74] : memref<2x32x1024xf32, #tpu.memory_space<vmem>> -> memref<1x32x1024xf32, #tpu.memory_space<vmem>>
    %dma_start3A_76 = tpu.memref_squeeze %dma_start3A_75 : memref<1x32x1024xf32, #tpu.memory_space<vmem>> -> memref<32x1024xf32, #tpu.memory_space<vmem>>
    %dma_start3A_77 = arith.constant 0 : i32
    %dma_start3A_78 = tpu.memref_slice %arg6[%dma_start3A_71, %dma_start3A_77] : memref<16x32xi32, #tpu.memory_space<vmem>> -> memref<1x32xi32, #tpu.memory_space<vmem>>
    %dma_start3A_79 = tpu.memref_squeeze %dma_start3A_78 : memref<1x32xi32, #tpu.memory_space<vmem>> -> memref<32xi32, #tpu.memory_space<vmem>>
    %dma_start3A_80 = arith.constant 0 : i32
    %dma_start3A_81 = arith.constant 0 : i32
    %dma_start3A_82 = tpu.memref_slice %arg3[%dma_start3A_80, %dma_start3A_81] : memref<100000x1024xf32, #tpu.memory_space<hbm>> -> memref<100000x1024xf32, #tpu.memory_space<hbm>>
    tpu.enqueue_indirect_dma source(%dma_start3A_82 : memref<100000x1024xf32, #tpu.memory_space<hbm>>) target(%dma_start3A_76 : memref<32x1024xf32, #tpu.memory_space<vmem>>) offsets(%dma_start3A_79 : memref<32xi32, #tpu.memory_space<vmem>>) semaphore(%arg9 : memref<!tpu.dma_semaphore, #tpu.memory_space<semaphore_mem>>)
    %dma_wait3A_83 = arith.constant 1 : i32
    %dma_wait3A_84 = arith.constant 1 : i32
    %dma_wait3A_85 = arith.constant 0 : i32
    %dma_wait3A_86 = arith.constant 0 : i32
    %dma_wait3A_87 = tpu.memref_slice %arg8[%dma_wait3A_84, %dma_wait3A_85, %dma_wait3A_86] : memref<2x32x1024xf32, #tpu.memory_space<vmem>> -> memref<1x32x1024xf32, #tpu.memory_space<vmem>>
    %dma_wait3A_88 = tpu.memref_squeeze %dma_wait3A_87 : memref<1x32x1024xf32, #tpu.memory_space<vmem>> -> memref<32x1024xf32, #tpu.memory_space<vmem>>
    %dma_wait3A_89 = arith.constant 0 : i32
    %dma_wait3A_90 = tpu.memref_slice %arg6[%dma_wait3A_83, %dma_wait3A_89] : memref<16x32xi32, #tpu.memory_space<vmem>> -> memref<1x32xi32, #tpu.memory_space<vmem>>
    %dma_wait3A_91 = tpu.memref_squeeze %dma_wait3A_90 : memref<1x32xi32, #tpu.memory_space<vmem>> -> memref<32xi32, #tpu.memory_space<vmem>>
    %dma_wait3A_92 = arith.constant 0 : i32
    %dma_wait3A_93 = arith.constant 0 : i32
    %dma_wait3A_94 = tpu.memref_slice %arg3[%dma_wait3A_92, %dma_wait3A_93] : memref<100000x1024xf32, #tpu.memory_space<hbm>> -> memref<100000x1024xf32, #tpu.memory_space<hbm>>
    tpu.wait_indirect_dma semaphore(%arg10 : memref<!tpu.dma_semaphore, #tpu.memory_space<semaphore_mem>>) src(%dma_wait3A_94 : memref<100000x1024xf32, #tpu.memory_space<hbm>>) dst(%dma_wait3A_88 : memref<32x1024xf32, #tpu.memory_space<vmem>>)
    %parallel_loop3A_95 = arith.constant 0 : i32
    %parallel_loop3A_96 = arith.constant 2048 : i32
    %parallel_loop3A_97 = arith.constant 1 : i32
    scf.for %parallel_loop3A_920 = %parallel_loop3A_95 to %parallel_loop3A_96 step %parallel_loop3A_97  : i32 {
      %parallel_loop3A_921 = arith.constant 64 : i32
      %parallel_loop3A_922 = arith.divsi %parallel_loop3A_920, %parallel_loop3A_921 : i32
      %parallel_loop3A_923 = arith.constant 0 : i32
      %parallel_loop3A_924 = arith.cmpi sgt, %parallel_loop3A_920, %parallel_loop3A_923 : i32
      %parallel_loop3A_925 = arith.extui %parallel_loop3A_924 : i1 to i32
      %parallel_loop3A_926 = arith.constant 0 : i32
      %parallel_loop3A_927 = arith.cmpi slt, %parallel_loop3A_920, %parallel_loop3A_926 : i32
      %parallel_loop3A_928 = arith.extui %parallel_loop3A_927 : i1 to i32
      %parallel_loop3A_929 = arith.subi %parallel_loop3A_925, %parallel_loop3A_928 : i32
      %parallel_loop3A_930 = arith.constant 0 : i32
      %parallel_loop3A_931 = arith.cmpi sgt, %parallel_loop3A_921, %parallel_loop3A_930 : i32
      %parallel_loop3A_932 = arith.extui %parallel_loop3A_931 : i1 to i32
      %parallel_loop3A_933 = arith.constant 0 : i32
      %parallel_loop3A_934 = arith.cmpi slt, %parallel_loop3A_921, %parallel_loop3A_933 : i32
      %parallel_loop3A_935 = arith.extui %parallel_loop3A_934 : i1 to i32
      %parallel_loop3A_936 = arith.subi %parallel_loop3A_932, %parallel_loop3A_935 : i32
      %parallel_loop3A_937 = arith.cmpi ne, %parallel_loop3A_929, %parallel_loop3A_936 : i32
      %parallel_loop3A_938 = arith.remsi %parallel_loop3A_920, %parallel_loop3A_921 : i32
      %parallel_loop3A_939 = arith.constant 0 : i32
      %parallel_loop3A_940 = arith.cmpi ne, %parallel_loop3A_938, %parallel_loop3A_939 : i32
      %parallel_loop3A_941 = arith.andi %parallel_loop3A_937, %parallel_loop3A_940 : i1
      %parallel_loop3A_942 = arith.constant 1 : i32
      %parallel_loop3A_943 = arith.subi %parallel_loop3A_922, %parallel_loop3A_942 : i32
      %parallel_loop3A_944 = arith.select %parallel_loop3A_941, %parallel_loop3A_943, %parallel_loop3A_922 : i32
      %parallel_loop3A_945 = arith.constant 64 : i32
      %parallel_loop3A_946 = arith.muli %parallel_loop3A_944, %parallel_loop3A_945 : i32
      %parallel_loop3A_947 = arith.subi %parallel_loop3A_920, %parallel_loop3A_946 : i32
      %parallel_loop3A_948 = arith.constant 16 : i32
      %parallel_loop3A_949 = arith.muli %parallel_loop3A_947, %parallel_loop3A_948 : i32
      %parallel_loop3A_950 = arith.constant 1 : i32
      %parallel_loop3A_951 = arith.index_cast %parallel_loop3A_950 : i32 to index
      %parallel_loop3A_952 = arith.index_cast %parallel_loop3A_944 : i32 to index
      %parallel_loop3A_953 = arith.index_cast %parallel_loop3A_949 : i32 to index
      %parallel_loop3A_954 = tpu.vector_load %arg8[%parallel_loop3A_951, %parallel_loop3A_952, %parallel_loop3A_953] {strides = array<i32>} : memref<2x32x1024xf32, #tpu.memory_space<vmem>>, vector<1x1x16xf32>,
      %parallel_loop3A_955 = vector.shape_cast %parallel_loop3A_954 : vector<1x1x16xf32> to vector<16xf32>
      %parallel_loop3A_956 = arith.index_cast %parallel_loop3A_944 : i32 to index
      %parallel_loop3A_957 = arith.index_cast %parallel_loop3A_949 : i32 to index
      %parallel_loop3A_958 = tpu.vector_load %arg7[%parallel_loop3A_956, %parallel_loop3A_957] {strides = array<i32>} : memref<32x1024xf32, #tpu.memory_space<vmem>>, vector<1x16xf32>,
      %parallel_loop3A_959 = vector.shape_cast %parallel_loop3A_958 : vector<1x16xf32> to vector<16xf32>
      %parallel_loop3A_960 = arith.addf %parallel_loop3A_955, %parallel_loop3A_959 : vector<16xf32>
      %parallel_loop3A_961 = arith.constant 1 : i32
      %parallel_loop3A_962 = arith.index_cast %parallel_loop3A_961 : i32 to index
      %parallel_loop3A_963 = arith.index_cast %parallel_loop3A_944 : i32 to index
      %parallel_loop3A_964 = arith.index_cast %parallel_loop3A_949 : i32 to index
      %parallel_loop3A_965 = tpu.vector_load %arg8[%parallel_loop3A_962, %parallel_loop3A_963, %parallel_loop3A_964] {strides = array<i32>} : memref<2x32x1024xf32, #tpu.memory_space<vmem>>, vector<1x1x16xf32>,
      %parallel_loop3A_966 = vector.shape_cast %parallel_loop3A_965 : vector<1x1x16xf32> to vector<16xf32>
      %parallel_loop3A_967 = vector.shape_cast %parallel_loop3A_960 : vector<16xf32> to vector<1x1x16xf32>
      tpu.vector_store %arg8[%parallel_loop3A_962, %parallel_loop3A_963, %parallel_loop3A_964], %parallel_loop3A_967 {strides = array<i32>} : memref<2x32x1024xf32, #tpu.memory_space<vmem>>, vector<1x1x16xf32>,
    } {sc.loop_unroll_factor = 8 : i64, sc.parallel_access}
    %add3A_98 = arith.constant 4096 : i32
    %add3A_99 = arith.addi %add3A_98, %mul3A_2 : i32
    %add3A_100 = arith.constant 0 : i32
    %add3A_101 = arith.addi %add3A_99, %add3A_100 : i32
    %dma_start3A_102 = arith.constant 1 : i32
    %dma_start3A_103 = arith.constant 0 : i32
    %dma_start3A_104 = arith.constant 0 : i32
    %dma_start3A_105 = tpu.memref_slice %arg8[%dma_start3A_102, %dma_start3A_103, %dma_start3A_104] : memref<2x32x1024xf32, #tpu.memory_space<vmem>> -> memref<1x32x1024xf32, #tpu.memory_space<vmem>>
    %dma_start3A_106 = tpu.memref_squeeze %dma_start3A_105 : memref<1x32x1024xf32, #tpu.memory_space<vmem>> -> memref<32x1024xf32, #tpu.memory_space<vmem>>
    %dma_start3A_107 = arith.constant 0 : i32
    %dma_start3A_108 = tpu.memref_slice %arg5[%add3A_101, %dma_start3A_107] : memref<16384x1024xf32, #tpu.memory_space<hbm>> -> memref<32x1024xf32, #tpu.memory_space<hbm>>
    %dma_start3A_109 = arith.constant 0 : i32
    %dma_start3A_110 = tpu.memref_slice %arg5[%add3A_101, %dma_start3A_109] : memref<16384x1024xf32, #tpu.memory_space<hbm>> -> memref<32x1024xf32, #tpu.memory_space<hbm>>
    %dma_start3A_111 = arith.constant 0 : i32
    %dma_start3A_112 = arith.constant 0 : i32
    %dma_start3A_113 = tpu.memref_slice %arg8[%dma_start3A_102, %dma_start3A_111, %dma_start3A_112] : memref<2x32x1024xf32, #tpu.memory_space<vmem>> -> memref<1x32x1024xf32, #tpu.memory_space<vmem>>
    %dma_start3A_114 = tpu.memref_squeeze %dma_start3A_113 : memref<1x32x1024xf32, #tpu.memory_space<vmem>> -> memref<32x1024xf32, #tpu.memory_space<vmem>>
    tpu.enqueue_dma source(%dma_start3A_114 : memref<32x1024xf32, #tpu.memory_space<vmem>>) target(%dma_start3A_110 : memref<32x1024xf32, #tpu.memory_space<hbm>>) target_semaphore(%arg12 : memref<!tpu.dma_semaphore, #tpu.memory_space<semaphore_mem>>)
    %dma_wait3A_115 = arith.constant 1 : i32
    %dma_wait3A_116 = arith.constant 0 : i32
    %dma_wait3A_117 = arith.constant 0 : i32
    %dma_wait3A_118 = tpu.memref_slice %arg8[%dma_wait3A_115, %dma_wait3A_116, %dma_wait3A_117] : memref<2x32x1024xf32, #tpu.memory_space<vmem>> -> memref<1x32x1024xf32, #tpu.memory_space<vmem>>
    %dma_wait3A_119 = tpu.memref_squeeze %dma_wait3A_118 : memref<1x32x1024xf32, #tpu.memory_space<vmem>> -> memref<32x1024xf32, #tpu.memory_space<vmem>>
    %dma_wait3A_120 = arith.constant 0 : i32
    %dma_wait3A_121 = tpu.memref_slice %arg5[%add3A_101, %dma_wait3A_120] : memref<16384x1024xf32, #tpu.memory_space<hbm>> -> memref<32x1024xf32, #tpu.memory_space<hbm>>
    %dma_wait3A_122 = arith.constant 0 : i32
    %dma_wait3A_123 = tpu.memref_slice %arg5[%add3A_101, %dma_wait3A_122] : memref<16384x1024xf32, #tpu.memory_space<hbm>> -> memref<32x1024xf32, #tpu.memory_space<hbm>>
    %dma_wait3A_124 = arith.constant 0 : i32
    %dma_wait3A_125 = arith.constant 0 : i32
    %dma_wait3A_126 = tpu.memref_slice %arg8[%dma_wait3A_115, %dma_wait3A_124, %dma_wait3A_125] : memref<2x32x1024xf32, #tpu.memory_space<vmem>> -> memref<1x32x1024xf32, #tpu.memory_space<vmem>>
    %dma_wait3A_127 = tpu.memref_squeeze %dma_wait3A_126 : memref<1x32x1024xf32, #tpu.memory_space<vmem>> -> memref<32x1024xf32, #tpu.memory_space<vmem>>
    tpu.wait_dma2 semaphore(%arg12 : memref<!tpu.dma_semaphore, #tpu.memory_space<semaphore_mem>>) src(%dma_wait3A_127 : memref<32x1024xf32, #tpu.memory_space<vmem>>) dst(%dma_wait3A_123 : memref<32x1024xf32, #tpu.memory_space<hbm>>)
    %dma_start3A_128 = arith.constant 3 : i32
    %dma_start3A_129 = arith.constant 1 : i32
    %dma_start3A_130 = arith.constant 0 : i32
    %dma_start3A_131 = arith.constant 0 : i32
    %dma_start3A_132 = tpu.memref_slice %arg8[%dma_start3A_129, %dma_start3A_130, %dma_start3A_131] : memref<2x32x1024xf32, #tpu.memory_space<vmem>> -> memref<1x32x1024xf32, #tpu.memory_space<vmem>>
    %dma_start3A_133 = tpu.memref_squeeze %dma_start3A_132 : memref<1x32x1024xf32, #tpu.memory_space<vmem>> -> memref<32x1024xf32, #tpu.memory_space<vmem>>
    %dma_start3A_134 = arith.constant 0 : i32
    %dma_start3A_135 = tpu.memref_slice %arg6[%dma_start3A_128, %dma_start3A_134] : memref<16x32xi32, #tpu.memory_space<vmem>> -> memref<1x32xi32, #tpu.memory_space<vmem>>
    %dma_start3A_136 = tpu.memref_squeeze %dma_start3A_135 : memref<1x32xi32, #tpu.memory_space<vmem>> -> memref<32xi32, #tpu.memory_space<vmem>>
    %dma_start3A_137 = arith.constant 0 : i32
    %dma_start3A_138 = arith.constant 0 : i32
    %dma_start3A_139 = tpu.memref_slice %arg3[%dma_start3A_137, %dma_start3A_138] : memref<100000x1024xf32, #tpu.memory_space<hbm>> -> memref<100000x1024xf32, #tpu.memory_space<hbm>>
    tpu.enqueue_indirect_dma source(%dma_start3A_139 : memref<100000x1024xf32, #tpu.memory_space<hbm>>) target(%dma_start3A_133 : memref<32x1024xf32, #tpu.memory_space<vmem>>) offsets(%dma_start3A_136 : memref<32xi32, #tpu.memory_space<vmem>>) semaphore(%arg10 : memref<!tpu.dma_semaphore, #tpu.memory_space<semaphore_mem>>)
    %dma_wait3A_140 = arith.constant 2 : i32
    %dma_wait3A_141 = arith.constant 0 : i32
    %dma_wait3A_142 = arith.constant 0 : i32
    %dma_wait3A_143 = arith.constant 0 : i32
    %dma_wait3A_144 = tpu.memref_slice %arg8[%dma_wait3A_141, %dma_wait3A_142, %dma_wait3A_143] : memref<2x32x1024xf32, #tpu.memory_space<vmem>> -> memref<1x32x1024xf32, #tpu.memory_space<vmem>>
    %dma_wait3A_145 = tpu.memref_squeeze %dma_wait3A_144 : memref<1x32x1024xf32, #tpu.memory_space<vmem>> -> memref<32x1024xf32, #tpu.memory_space<vmem>>
    %dma_wait3A_146 = arith.constant 0 : i32
    %dma_wait3A_147 = tpu.memref_slice %arg6[%dma_wait3A_140, %dma_wait3A_146] : memref<16x32xi32, #tpu.memory_space<vmem>> -> memref<1x32xi32, #tpu.memory_space<vmem>>
    %dma_wait3A_148 = tpu.memref_squeeze %dma_wait3A_147 : memref<1x32xi32, #tpu.memory_space<vmem>> -> memref<32xi32, #tpu.memory_space<vmem>>
    %dma_wait3A_149 = arith.constant 0 : i32
    %dma_wait3A_150 = arith.constant 0 : i32
    %dma_wait3A_151 = tpu.memref_slice %arg3[%dma_wait3A_149, %dma_wait3A_150] : memref<100000x1024xf32, #tpu.memory_space<hbm>> -> memref<100000x1024xf32, #tpu.memory_space<hbm>>
    tpu.wait_indirect_dma semaphore(%arg9 : memref<!tpu.dma_semaphore, #tpu.memory_space<semaphore_mem>>) src(%dma_wait3A_151 : memref<100000x1024xf32, #tpu.memory_space<hbm>>) dst(%dma_wait3A_145 : memref<32x1024xf32, #tpu.memory_space<vmem>>)
    %parallel_loop3A_152 = arith.constant 0 : i32
    %parallel_loop3A_153 = arith.constant 2048 : i32
    %parallel_loop3A_154 = arith.constant 1 : i32
    scf.for %parallel_loop3A_920 = %parallel_loop3A_152 to %parallel_loop3A_153 step %parallel_loop3A_154  : i32 {
      %parallel_loop3A_921 = arith.constant 64 : i32
      %parallel_loop3A_922 = arith.divsi %parallel_loop3A_920, %parallel_loop3A_921 : i32
      %parallel_loop3A_923 = arith.constant 0 : i32
      %parallel_loop3A_924 = arith.cmpi sgt, %parallel_loop3A_920, %parallel_loop3A_923 : i32
      %parallel_loop3A_925 = arith.extui %parallel_loop3A_924 : i1 to i32
      %parallel_loop3A_926 = arith.constant 0 : i32
      %parallel_loop3A_927 = arith.cmpi slt, %parallel_loop3A_920, %parallel_loop3A_926 : i32
      %parallel_loop3A_928 = arith.extui %parallel_loop3A_927 : i1 to i32
      %parallel_loop3A_929 = arith.subi %parallel_loop3A_925, %parallel_loop3A_928 : i32
      %parallel_loop3A_930 = arith.constant 0 : i32
      %parallel_loop3A_931 = arith.cmpi sgt, %parallel_loop3A_921, %parallel_loop3A_930 : i32
      %parallel_loop3A_932 = arith.extui %parallel_loop3A_931 : i1 to i32
      %parallel_loop3A_933 = arith.constant 0 : i32
      %parallel_loop3A_934 = arith.cmpi slt, %parallel_loop3A_921, %parallel_loop3A_933 : i32
      %parallel_loop3A_935 = arith.extui %parallel_loop3A_934 : i1 to i32
      %parallel_loop3A_936 = arith.subi %parallel_loop3A_932, %parallel_loop3A_935 : i32
      %parallel_loop3A_937 = arith.cmpi ne, %parallel_loop3A_929, %parallel_loop3A_936 : i32
      %parallel_loop3A_938 = arith.remsi %parallel_loop3A_920, %parallel_loop3A_921 : i32
      %parallel_loop3A_939 = arith.constant 0 : i32
      %parallel_loop3A_940 = arith.cmpi ne, %parallel_loop3A_938, %parallel_loop3A_939 : i32
      %parallel_loop3A_941 = arith.andi %parallel_loop3A_937, %parallel_loop3A_940 : i1
      %parallel_loop3A_942 = arith.constant 1 : i32
      %parallel_loop3A_943 = arith.subi %parallel_loop3A_922, %parallel_loop3A_942 : i32
      %parallel_loop3A_944 = arith.select %parallel_loop3A_941, %parallel_loop3A_943, %parallel_loop3A_922 : i32
      %parallel_loop3A_945 = arith.constant 64 : i32
      %parallel_loop3A_946 = arith.muli %parallel_loop3A_944, %parallel_loop3A_945 : i32
      %parallel_loop3A_947 = arith.subi %parallel_loop3A_920, %parallel_loop3A_946 : i32
      %parallel_loop3A_948 = arith.constant 16 : i32
      %parallel_loop3A_949 = arith.muli %parallel_loop3A_947, %parallel_loop3A_948 : i32
      %parallel_loop3A_950 = arith.constant 0 : i32
      %parallel_loop3A_951 = arith.index_cast %parallel_loop3A_950 : i32 to index
      %parallel_loop3A_952 = arith.index_cast %parallel_loop3A_944 : i32 to index
      %parallel_loop3A_953 = arith.index_cast %parallel_loop3A_949 : i32 to index
      %parallel_loop3A_954 = tpu.vector_load %arg8[%parallel_loop3A_951, %parallel_loop3A_952, %parallel_loop3A_953] {strides = array<i32>} : memref<2x32x1024xf32, #tpu.memory_space<vmem>>, vector<1x1x16xf32>,
      %parallel_loop3A_955 = vector.shape_cast %parallel_loop3A_954 : vector<1x1x16xf32> to vector<16xf32>
      %parallel_loop3A_956 = arith.index_cast %parallel_loop3A_944 : i32 to index
      %parallel_loop3A_957 = arith.index_cast %parallel_loop3A_949 : i32 to index
      %parallel_loop3A_958 = tpu.vector_load %arg7[%parallel_loop3A_956, %parallel_loop3A_957] {strides = array<i32>} : memref<32x1024xf32, #tpu.memory_space<vmem>>, vector<1x16xf32>,
      %parallel_loop3A_959 = vector.shape_cast %parallel_loop3A_958 : vector<1x16xf32> to vector<16xf32>
      %parallel_loop3A_960 = arith.addf %parallel_loop3A_955, %parallel_loop3A_959 : vector<16xf32>
      %parallel_loop3A_961 = arith.constant 0 : i32
      %parallel_loop3A_962 = arith.index_cast %parallel_loop3A_961 : i32 to index
      %parallel_loop3A_963 = arith.index_cast %parallel_loop3A_944 : i32 to index
      %parallel_loop3A_964 = arith.index_cast %parallel_loop3A_949 : i32 to index
      %parallel_loop3A_965 = tpu.vector_load %arg8[%parallel_loop3A_962, %parallel_loop3A_963, %parallel_loop3A_964] {strides = array<i32>} : memref<2x32x1024xf32, #tpu.memory_space<vmem>>, vector<1x1x16xf32>,
      %parallel_loop3A_966 = vector.shape_cast %parallel_loop3A_965 : vector<1x1x16xf32> to vector<16xf32>
      %parallel_loop3A_967 = vector.shape_cast %parallel_loop3A_960 : vector<16xf32> to vector<1x1x16xf32>
      tpu.vector_store %arg8[%parallel_loop3A_962, %parallel_loop3A_963, %parallel_loop3A_964], %parallel_loop3A_967 {strides = array<i32>} : memref<2x32x1024xf32, #tpu.memory_space<vmem>>, vector<1x1x16xf32>,
    } {sc.loop_unroll_factor = 8 : i64, sc.parallel_access}
    %add3A_155 = arith.constant 8192 : i32
    %add3A_156 = arith.addi %add3A_155, %mul3A_2 : i32
    %add3A_157 = arith.constant 0 : i32
    %add3A_158 = arith.addi %add3A_156, %add3A_157 : i32
    %dma_start3A_159 = arith.constant 0 : i32
    %dma_start3A_160 = arith.constant 0 : i32
    %dma_start3A_161 = arith.constant 0 : i32
    %dma_start3A_162 = tpu.memref_slice %arg8[%dma_start3A_159, %dma_start3A_160, %dma_start3A_161] : memref<2x32x1024xf32, #tpu.memory_space<vmem>> -> memref<1x32x1024xf32, #tpu.memory_space<vmem>>
    %dma_start3A_163 = tpu.memref_squeeze %dma_start3A_162 : memref<1x32x1024xf32, #tpu.memory_space<vmem>> -> memref<32x1024xf32, #tpu.memory_space<vmem>>
    %dma_start3A_164 = arith.constant 0 : i32
    %dma_start3A_165 = tpu.memref_slice %arg5[%add3A_158, %dma_start3A_164] : memref<16384x1024xf32, #tpu.memory_space<hbm>> -> memref<32x1024xf32, #tpu.memory_space<hbm>>
    %dma_start3A_166 = arith.constant 0 : i32
    %dma_start3A_167 = tpu.memref_slice %arg5[%add3A_158, %dma_start3A_166] : memref<16384x1024xf32, #tpu.memory_space<hbm>> -> memref<32x1024xf32, #tpu.memory_space<hbm>>
    %dma_start3A_168 = arith.constant 0 : i32
    %dma_start3A_169 = arith.constant 0 : i32
    %dma_start3A_170 = tpu.memref_slice %arg8[%dma_start3A_159, %dma_start3A_168, %dma_start3A_169] : memref<2x32x1024xf32, #tpu.memory_space<vmem>> -> memref<1x32x1024xf32, #tpu.memory_space<vmem>>
    %dma_start3A_171 = tpu.memref_squeeze %dma_start3A_170 : memref<1x32x1024xf32, #tpu.memory_space<vmem>> -> memref<32x1024xf32, #tpu.memory_space<vmem>>
    tpu.enqueue_dma source(%dma_start3A_171 : memref<32x1024xf32, #tpu.memory_space<vmem>>) target(%dma_start3A_167 : memref<32x1024xf32, #tpu.memory_space<hbm>>) target_semaphore(%arg11 : memref<!tpu.dma_semaphore, #tpu.memory_space<semaphore_mem>>)
    %dma_wait3A_172 = arith.constant 0 : i32
    %dma_wait3A_173 = arith.constant 0 : i32
    %dma_wait3A_174 = arith.constant 0 : i32
    %dma_wait3A_175 = tpu.memref_slice %arg8[%dma_wait3A_172, %dma_wait3A_173, %dma_wait3A_174] : memref<2x32x1024xf32, #tpu.memory_space<vmem>> -> memref<1x32x1024xf32, #tpu.memory_space<vmem>>
    %dma_wait3A_176 = tpu.memref_squeeze %dma_wait3A_175 : memref<1x32x1024xf32, #tpu.memory_space<vmem>> -> memref<32x1024xf32, #tpu.memory_space<vmem>>
    %dma_wait3A_177 = arith.constant 0 : i32
    %dma_wait3A_178 = tpu.memref_slice %arg5[%add3A_158, %dma_wait3A_177] : memref<16384x1024xf32, #tpu.memory_space<hbm>> -> memref<32x1024xf32, #tpu.memory_space<hbm>>
    %dma_wait3A_179 = arith.constant 0 : i32
    %dma_wait3A_180 = tpu.memref_slice %arg5[%add3A_158, %dma_wait3A_179] : memref<16384x1024xf32, #tpu.memory_space<hbm>> -> memref<32x1024xf32, #tpu.memory_space<hbm>>
    %dma_wait3A_181 = arith.constant 0 : i32
    %dma_wait3A_182 = arith.constant 0 : i32
    %dma_wait3A_183 = tpu.memref_slice %arg8[%dma_wait3A_172, %dma_wait3A_181, %dma_wait3A_182] : memref<2x32x1024xf32, #tpu.memory_space<vmem>> -> memref<1x32x1024xf32, #tpu.memory_space<vmem>>
    %dma_wait3A_184 = tpu.memref_squeeze %dma_wait3A_183 : memref<1x32x1024xf32, #tpu.memory_space<vmem>> -> memref<32x1024xf32, #tpu.memory_space<vmem>>
    tpu.wait_dma2 semaphore(%arg11 : memref<!tpu.dma_semaphore, #tpu.memory_space<semaphore_mem>>) src(%dma_wait3A_184 : memref<32x1024xf32, #tpu.memory_space<vmem>>) dst(%dma_wait3A_180 : memref<32x1024xf32, #tpu.memory_space<hbm>>)
    %dma_start3A_185 = arith.constant 4 : i32
    %dma_start3A_186 = arith.constant 0 : i32
    %dma_start3A_187 = arith.constant 0 : i32
    %dma_start3A_188 = arith.constant 0 : i32
    %dma_start3A_189 = tpu.memref_slice %arg8[%dma_start3A_186, %dma_start3A_187, %dma_start3A_188] : memref<2x32x1024xf32, #tpu.memory_space<vmem>> -> memref<1x32x1024xf32, #tpu.memory_space<vmem>>
    %dma_start3A_190 = tpu.memref_squeeze %dma_start3A_189 : memref<1x32x1024xf32, #tpu.memory_space<vmem>> -> memref<32x1024xf32, #tpu.memory_space<vmem>>
    %dma_start3A_191 = arith.constant 0 : i32
    %dma_start3A_192 = tpu.memref_slice %arg6[%dma_start3A_185, %dma_start3A_191] : memref<16x32xi32, #tpu.memory_space<vmem>> -> memref<1x32xi32, #tpu.memory_space<vmem>>
    %dma_start3A_193 = tpu.memref_squeeze %dma_start3A_192 : memref<1x32xi32, #tpu.memory_space<vmem>> -> memref<32xi32, #tpu.memory_space<vmem>>
    %dma_start3A_194 = arith.constant 0 : i32
    %dma_start3A_195 = arith.constant 0 : i32
    %dma_start3A_196 = tpu.memref_slice %arg3[%dma_start3A_194, %dma_start3A_195] : memref<100000x1024xf32, #tpu.memory_space<hbm>> -> memref<100000x1024xf32, #tpu.memory_space<hbm>>
    tpu.enqueue_indirect_dma source(%dma_start3A_196 : memref<100000x1024xf32, #tpu.memory_space<hbm>>) target(%dma_start3A_190 : memref<32x1024xf32, #tpu.memory_space<vmem>>) offsets(%dma_start3A_193 : memref<32xi32, #tpu.memory_space<vmem>>) semaphore(%arg9 : memref<!tpu.dma_semaphore, #tpu.memory_space<semaphore_mem>>)
    %dma_wait3A_197 = arith.constant 3 : i32
    %dma_wait3A_198 = arith.constant 1 : i32
    %dma_wait3A_199 = arith.constant 0 : i32
    %dma_wait3A_200 = arith.constant 0 : i32
    %dma_wait3A_201 = tpu.memref_slice %arg8[%dma_wait3A_198, %dma_wait3A_199, %dma_wait3A_200] : memref<2x32x1024xf32, #tpu.memory_space<vmem>> -> memref<1x32x1024xf32, #tpu.memory_space<vmem>>
    %dma_wait3A_202 = tpu.memref_squeeze %dma_wait3A_201 : memref<1x32x1024xf32, #tpu.memory_space<vmem>> -> memref<32x1024xf32, #tpu.memory_space<vmem>>
    %dma_wait3A_203 = arith.constant 0 : i32
    %dma_wait3A_204 = tpu.memref_slice %arg6[%dma_wait3A_197, %dma_wait3A_203] : memref<16x32xi32, #tpu.memory_space<vmem>> -> memref<1x32xi32, #tpu.memory_space<vmem>>
    %dma_wait3A_205 = tpu.memref_squeeze %dma_wait3A_204 : memref<1x32xi32, #tpu.memory_space<vmem>> -> memref<32xi32, #tpu.memory_space<vmem>>
    %dma_wait3A_206 = arith.constant 0 : i32
    %dma_wait3A_207 = arith.constant 0 : i32
    %dma_wait3A_208 = tpu.memref_slice %arg3[%dma_wait3A_206, %dma_wait3A_207] : memref<100000x1024xf32, #tpu.memory_space<hbm>> -> memref<100000x1024xf32, #tpu.memory_space<hbm>>
    tpu.wait_indirect_dma semaphore(%arg10 : memref<!tpu.dma_semaphore, #tpu.memory_space<semaphore_mem>>) src(%dma_wait3A_208 : memref<100000x1024xf32, #tpu.memory_space<hbm>>) dst(%dma_wait3A_202 : memref<32x1024xf32, #tpu.memory_space<vmem>>)
    %parallel_loop3A_209 = arith.constant 0 : i32
    %parallel_loop3A_210 = arith.constant 2048 : i32
    %parallel_loop3A_211 = arith.constant 1 : i32
    scf.for %parallel_loop3A_920 = %parallel_loop3A_209 to %parallel_loop3A_210 step %parallel_loop3A_211  : i32 {
      %parallel_loop3A_921 = arith.constant 64 : i32
      %parallel_loop3A_922 = arith.divsi %parallel_loop3A_920, %parallel_loop3A_921 : i32
      %parallel_loop3A_923 = arith.constant 0 : i32
      %parallel_loop3A_924 = arith.cmpi sgt, %parallel_loop3A_920, %parallel_loop3A_923 : i32
      %parallel_loop3A_925 = arith.extui %parallel_loop3A_924 : i1 to i32
      %parallel_loop3A_926 = arith.constant 0 : i32
      %parallel_loop3A_927 = arith.cmpi slt, %parallel_loop3A_920, %parallel_loop3A_926 : i32
      %parallel_loop3A_928 = arith.extui %parallel_loop3A_927 : i1 to i32
      %parallel_loop3A_929 = arith.subi %parallel_loop3A_925, %parallel_loop3A_928 : i32
      %parallel_loop3A_930 = arith.constant 0 : i32
      %parallel_loop3A_931 = arith.cmpi sgt, %parallel_loop3A_921, %parallel_loop3A_930 : i32
      %parallel_loop3A_932 = arith.extui %parallel_loop3A_931 : i1 to i32
      %parallel_loop3A_933 = arith.constant 0 : i32
      %parallel_loop3A_934 = arith.cmpi slt, %parallel_loop3A_921, %parallel_loop3A_933 : i32
      %parallel_loop3A_935 = arith.extui %parallel_loop3A_934 : i1 to i32
      %parallel_loop3A_936 = arith.subi %parallel_loop3A_932, %parallel_loop3A_935 : i32
      %parallel_loop3A_937 = arith.cmpi ne, %parallel_loop3A_929, %parallel_loop3A_936 : i32
      %parallel_loop3A_938 = arith.remsi %parallel_loop3A_920, %parallel_loop3A_921 : i32
      %parallel_loop3A_939 = arith.constant 0 : i32
      %parallel_loop3A_940 = arith.cmpi ne, %parallel_loop3A_938, %parallel_loop3A_939 : i32
      %parallel_loop3A_941 = arith.andi %parallel_loop3A_937, %parallel_loop3A_940 : i1
      %parallel_loop3A_942 = arith.constant 1 : i32
      %parallel_loop3A_943 = arith.subi %parallel_loop3A_922, %parallel_loop3A_942 : i32
      %parallel_loop3A_944 = arith.select %parallel_loop3A_941, %parallel_loop3A_943, %parallel_loop3A_922 : i32
      %parallel_loop3A_945 = arith.constant 64 : i32
      %parallel_loop3A_946 = arith.muli %parallel_loop3A_944, %parallel_loop3A_945 : i32
      %parallel_loop3A_947 = arith.subi %parallel_loop3A_920, %parallel_loop3A_946 : i32
      %parallel_loop3A_948 = arith.constant 16 : i32
      %parallel_loop3A_949 = arith.muli %parallel_loop3A_947, %parallel_loop3A_948 : i32
      %parallel_loop3A_950 = arith.constant 1 : i32
      %parallel_loop3A_951 = arith.index_cast %parallel_loop3A_950 : i32 to index
      %parallel_loop3A_952 = arith.index_cast %parallel_loop3A_944 : i32 to index
      %parallel_loop3A_953 = arith.index_cast %parallel_loop3A_949 : i32 to index
      %parallel_loop3A_954 = tpu.vector_load %arg8[%parallel_loop3A_951, %parallel_loop3A_952, %parallel_loop3A_953] {strides = array<i32>} : memref<2x32x1024xf32, #tpu.memory_space<vmem>>, vector<1x1x16xf32>,
      %parallel_loop3A_955 = vector.shape_cast %parallel_loop3A_954 : vector<1x1x16xf32> to vector<16xf32>
      %parallel_loop3A_956 = arith.index_cast %parallel_loop3A_944 : i32 to index
      %parallel_loop3A_957 = arith.index_cast %parallel_loop3A_949 : i32 to index
      %parallel_loop3A_958 = tpu.vector_load %arg7[%parallel_loop3A_956, %parallel_loop3A_957] {strides = array<i32>} : memref<32x1024xf32, #tpu.memory_space<vmem>>, vector<1x16xf32>,
      %parallel_loop3A_959 = vector.shape_cast %parallel_loop3A_958 : vector<1x16xf32> to vector<16xf32>
      %parallel_loop3A_960 = arith.addf %parallel_loop3A_955, %parallel_loop3A_959 : vector<16xf32>
      %parallel_loop3A_961 = arith.constant 1 : i32
      %parallel_loop3A_962 = arith.index_cast %parallel_loop3A_961 : i32 to index
      %parallel_loop3A_963 = arith.index_cast %parallel_loop3A_944 : i32 to index
      %parallel_loop3A_964 = arith.index_cast %parallel_loop3A_949 : i32 to index
      %parallel_loop3A_965 = tpu.vector_load %arg8[%parallel_loop3A_962, %parallel_loop3A_963, %parallel_loop3A_964] {strides = array<i32>} : memref<2x32x1024xf32, #tpu.memory_space<vmem>>, vector<1x1x16xf32>,
      %parallel_loop3A_966 = vector.shape_cast %parallel_loop3A_965 : vector<1x1x16xf32> to vector<16xf32>
      %parallel_loop3A_967 = vector.shape_cast %parallel_loop3A_960 : vector<16xf32> to vector<1x1x16xf32>
      tpu.vector_store %arg8[%parallel_loop3A_962, %parallel_loop3A_963, %parallel_loop3A_964], %parallel_loop3A_967 {strides = array<i32>} : memref<2x32x1024xf32, #tpu.memory_space<vmem>>, vector<1x1x16xf32>,
    } {sc.loop_unroll_factor = 8 : i64, sc.parallel_access}
    %add3A_212 = arith.constant 12288 : i32
    %add3A_213 = arith.addi %add3A_212, %mul3A_2 : i32
    %add3A_214 = arith.constant 0 : i32
    %add3A_215 = arith.addi %add3A_213, %add3A_214 : i32
    %dma_start3A_216 = arith.constant 1 : i32
    %dma_start3A_217 = arith.constant 0 : i32
    %dma_start3A_218 = arith.constant 0 : i32
    %dma_start3A_219 = tpu.memref_slice %arg8[%dma_start3A_216, %dma_start3A_217, %dma_start3A_218] : memref<2x32x1024xf32, #tpu.memory_space<vmem>> -> memref<1x32x1024xf32, #tpu.memory_space<vmem>>
    %dma_start3A_220 = tpu.memref_squeeze %dma_start3A_219 : memref<1x32x1024xf32, #tpu.memory_space<vmem>> -> memref<32x1024xf32, #tpu.memory_space<vmem>>
    %dma_start3A_221 = arith.constant 0 : i32
    %dma_start3A_222 = tpu.memref_slice %arg5[%add3A_215, %dma_start3A_221] : memref<16384x1024xf32, #tpu.memory_space<hbm>> -> memref<32x1024xf32, #tpu.memory_space<hbm>>
    %dma_start3A_223 = arith.constant 0 : i32
    %dma_start3A_224 = tpu.memref_slice %arg5[%add3A_215, %dma_start3A_223] : memref<16384x1024xf32, #tpu.memory_space<hbm>> -> memref<32x1024xf32, #tpu.memory_space<hbm>>
    %dma_start3A_225 = arith.constant 0 : i32
    %dma_start3A_226 = arith.constant 0 : i32
    %dma_start3A_227 = tpu.memref_slice %arg8[%dma_start3A_216, %dma_start3A_225, %dma_start3A_226] : memref<2x32x1024xf32, #tpu.memory_space<vmem>> -> memref<1x32x1024xf32, #tpu.memory_space<vmem>>
    %dma_start3A_228 = tpu.memref_squeeze %dma_start3A_227 : memref<1x32x1024xf32, #tpu.memory_space<vmem>> -> memref<32x1024xf32, #tpu.memory_space<vmem>>
    tpu.enqueue_dma source(%dma_start3A_228 : memref<32x1024xf32, #tpu.memory_space<vmem>>) target(%dma_start3A_224 : memref<32x1024xf32, #tpu.memory_space<hbm>>) target_semaphore(%arg12 : memref<!tpu.dma_semaphore, #tpu.memory_space<semaphore_mem>>)
    %add3A_229 = arith.constant 32 : i32
    %add3A_230 = arith.addi %mul3A_2, %add3A_229 : i32
    "tpu.region"() ({
      %run_scoped3A = tpu.sem_alloc : memref<!tpu.dma_semaphore, #tpu.memory_space<semaphore_mem>>
      %dma_start3A_920 = arith.constant 0 : i32
      %dma_start3A_921 = tpu.memref_slice %arg4[%add3A_230, %dma_start3A_920] : memref<8192x1024xf32, #tpu.memory_space<hbm>> -> memref<32x1024xf32, #tpu.memory_space<hbm>>
      %dma_start3A_922 = arith.constant 0 : i32
      %dma_start3A_923 = tpu.memref_slice %arg4[%add3A_230, %dma_start3A_922] : memref<8192x1024xf32, #tpu.memory_space<hbm>> -> memref<32x1024xf32, #tpu.memory_space<hbm>>
      tpu.enqueue_dma source(%dma_start3A_923 : memref<32x1024xf32, #tpu.memory_space<hbm>>) target(%arg7 : memref<32x1024xf32, #tpu.memory_space<vmem>>) target_semaphore(%run_scoped3A : memref<!tpu.dma_semaphore, #tpu.memory_space<semaphore_mem>>)
      %dma_wait3A_924 = arith.constant 0 : i32
      %dma_wait3A_925 = tpu.memref_slice %arg4[%add3A_230, %dma_wait3A_924] : memref<8192x1024xf32, #tpu.memory_space<hbm>> -> memref<32x1024xf32, #tpu.memory_space<hbm>>
      %dma_wait3A_926 = arith.constant 0 : i32
      %dma_wait3A_927 = tpu.memref_slice %arg4[%add3A_230, %dma_wait3A_926] : memref<8192x1024xf32, #tpu.memory_space<hbm>> -> memref<32x1024xf32, #tpu.memory_space<hbm>>
      tpu.wait_dma2 semaphore(%run_scoped3A : memref<!tpu.dma_semaphore, #tpu.memory_space<semaphore_mem>>) src(%dma_wait3A_927 : memref<32x1024xf32, #tpu.memory_space<hbm>>) dst(%arg7 : memref<32x1024xf32, #tpu.memory_space<vmem>>)
      tpu.yield
    }) : () -> ()
    %dma_wait3A_231 = arith.constant 1 : i32
    %dma_wait3A_232 = arith.constant 0 : i32
    %dma_wait3A_233 = arith.constant 0 : i32
    %dma_wait3A_234 = tpu.memref_slice %arg8[%dma_wait3A_231, %dma_wait3A_232, %dma_wait3A_233] : memref<2x32x1024xf32, #tpu.memory_space<vmem>> -> memref<1x32x1024xf32, #tpu.memory_space<vmem>>
    %dma_wait3A_235 = tpu.memref_squeeze %dma_wait3A_234 : memref<1x32x1024xf32, #tpu.memory_space<vmem>> -> memref<32x1024xf32, #tpu.memory_space<vmem>>
    %dma_wait3A_236 = arith.constant 0 : i32
    %dma_wait3A_237 = tpu.memref_slice %arg5[%add3A_215, %dma_wait3A_236] : memref<16384x1024xf32, #tpu.memory_space<hbm>> -> memref<32x1024xf32, #tpu.memory_space<hbm>>
    %dma_wait3A_238 = arith.constant 0 : i32
    %dma_wait3A_239 = tpu.memref_slice %arg5[%add3A_215, %dma_wait3A_238] : memref<16384x1024xf32, #tpu.memory_space<hbm>> -> memref<32x1024xf32, #tpu.memory_space<hbm>>
    %dma_wait3A_240 = arith.constant 0 : i32
    %dma_wait3A_241 = arith.constant 0 : i32
    %dma_wait3A_242 = tpu.memref_slice %arg8[%dma_wait3A_231, %dma_wait3A_240, %dma_wait3A_241] : memref<2x32x1024xf32, #tpu.memory_space<vmem>> -> memref<1x32x1024xf32, #tpu.memory_space<vmem>>
    %dma_wait3A_243 = tpu.memref_squeeze %dma_wait3A_242 : memref<1x32x1024xf32, #tpu.memory_space<vmem>> -> memref<32x1024xf32, #tpu.memory_space<vmem>>
    tpu.wait_dma2 semaphore(%arg12 : memref<!tpu.dma_semaphore, #tpu.memory_space<semaphore_mem>>) src(%dma_wait3A_243 : memref<32x1024xf32, #tpu.memory_space<vmem>>) dst(%dma_wait3A_239 : memref<32x1024xf32, #tpu.memory_space<hbm>>)
    %dma_start3A_244 = arith.constant 5 : i32
    %dma_start3A_245 = arith.constant 1 : i32
    %dma_start3A_246 = arith.constant 0 : i32
    %dma_start3A_247 = arith.constant 0 : i32
    %dma_start3A_248 = tpu.memref_slice %arg8[%dma_start3A_245, %dma_start3A_246, %dma_start3A_247] : memref<2x32x1024xf32, #tpu.memory_space<vmem>> -> memref<1x32x1024xf32, #tpu.memory_space<vmem>>
    %dma_start3A_249 = tpu.memref_squeeze %dma_start3A_248 : memref<1x32x1024xf32, #tpu.memory_space<vmem>> -> memref<32x1024xf32, #tpu.memory_space<vmem>>
    %dma_start3A_250 = arith.constant 0 : i32
    %dma_start3A_251 = tpu.memref_slice %arg6[%dma_start3A_244, %dma_start3A_250] : memref<16x32xi32, #tpu.memory_space<vmem>> -> memref<1x32xi32, #tpu.memory_space<vmem>>
    %dma_start3A_252 = tpu.memref_squeeze %dma_start3A_251 : memref<1x32xi32, #tpu.memory_space<vmem>> -> memref<32xi32, #tpu.memory_space<vmem>>
    %dma_start3A_253 = arith.constant 0 : i32
    %dma_start3A_254 = arith.constant 0 : i32
    %dma_start3A_255 = tpu.memref_slice %arg3[%dma_start3A_253, %dma_start3A_254] : memref<100000x1024xf32, #tpu.memory_space<hbm>> -> memref<100000x1024xf32, #tpu.memory_space<hbm>>
    tpu.enqueue_indirect_dma source(%dma_start3A_255 : memref<100000x1024xf32, #tpu.memory_space<hbm>>) target(%dma_start3A_249 : memref<32x1024xf32, #tpu.memory_space<vmem>>) offsets(%dma_start3A_252 : memref<32xi32, #tpu.memory_space<vmem>>) semaphore(%arg10 : memref<!tpu.dma_semaphore, #tpu.memory_space<semaphore_mem>>)
    %dma_wait3A_256 = arith.constant 4 : i32
    %dma_wait3A_257 = arith.constant 0 : i32
    %dma_wait3A_258 = arith.constant 0 : i32
    %dma_wait3A_259 = arith.constant 0 : i32
    %dma_wait3A_260 = tpu.memref_slice %arg8[%dma_wait3A_257, %dma_wait3A_258, %dma_wait3A_259] : memref<2x32x1024xf32, #tpu.memory_space<vmem>> -> memref<1x32x1024xf32, #tpu.memory_space<vmem>>
    %dma_wait3A_261 = tpu.memref_squeeze %dma_wait3A_260 : memref<1x32x1024xf32, #tpu.memory_space<vmem>> -> memref<32x1024xf32, #tpu.memory_space<vmem>>
    %dma_wait3A_262 = arith.constant 0 : i32
    %dma_wait3A_263 = tpu.memref_slice %arg6[%dma_wait3A_256, %dma_wait3A_262] : memref<16x32xi32, #tpu.memory_space<vmem>> -> memref<1x32xi32, #tpu.memory_space<vmem>>
    %dma_wait3A_264 = tpu.memref_squeeze %dma_wait3A_263 : memref<1x32xi32, #tpu.memory_space<vmem>> -> memref<32xi32, #tpu.memory_space<vmem>>
    %dma_wait3A_265 = arith.constant 0 : i32
    %dma_wait3A_266 = arith.constant 0 : i32
    %dma_wait3A_267 = tpu.memref_slice %arg3[%dma_wait3A_265, %dma_wait3A_266] : memref<100000x1024xf32, #tpu.memory_space<hbm>> -> memref<100000x1024xf32, #tpu.memory_space<hbm>>
    tpu.wait_indirect_dma semaphore(%arg9 : memref<!tpu.dma_semaphore, #tpu.memory_space<semaphore_mem>>) src(%dma_wait3A_267 : memref<100000x1024xf32, #tpu.memory_space<hbm>>) dst(%dma_wait3A_261 : memref<32x1024xf32, #tpu.memory_space<vmem>>)
    %parallel_loop3A_268 = arith.constant 0 : i32
    %parallel_loop3A_269 = arith.constant 2048 : i32
    %parallel_loop3A_270 = arith.constant 1 : i32
    scf.for %parallel_loop3A_920 = %parallel_loop3A_268 to %parallel_loop3A_269 step %parallel_loop3A_270  : i32 {
      %parallel_loop3A_921 = arith.constant 64 : i32
      %parallel_loop3A_922 = arith.divsi %parallel_loop3A_920, %parallel_loop3A_921 : i32
      %parallel_loop3A_923 = arith.constant 0 : i32
      %parallel_loop3A_924 = arith.cmpi sgt, %parallel_loop3A_920, %parallel_loop3A_923 : i32
      %parallel_loop3A_925 = arith.extui %parallel_loop3A_924 : i1 to i32
      %parallel_loop3A_926 = arith.constant 0 : i32
      %parallel_loop3A_927 = arith.cmpi slt, %parallel_loop3A_920, %parallel_loop3A_926 : i32
      %parallel_loop3A_928 = arith.extui %parallel_loop3A_927 : i1 to i32
      %parallel_loop3A_929 = arith.subi %parallel_loop3A_925, %parallel_loop3A_928 : i32
      %parallel_loop3A_930 = arith.constant 0 : i32
      %parallel_loop3A_931 = arith.cmpi sgt, %parallel_loop3A_921, %parallel_loop3A_930 : i32
      %parallel_loop3A_932 = arith.extui %parallel_loop3A_931 : i1 to i32
      %parallel_loop3A_933 = arith.constant 0 : i32
      %parallel_loop3A_934 = arith.cmpi slt, %parallel_loop3A_921, %parallel_loop3A_933 : i32
      %parallel_loop3A_935 = arith.extui %parallel_loop3A_934 : i1 to i32
      %parallel_loop3A_936 = arith.subi %parallel_loop3A_932, %parallel_loop3A_935 : i32
      %parallel_loop3A_937 = arith.cmpi ne, %parallel_loop3A_929, %parallel_loop3A_936 : i32
      %parallel_loop3A_938 = arith.remsi %parallel_loop3A_920, %parallel_loop3A_921 : i32
      %parallel_loop3A_939 = arith.constant 0 : i32
      %parallel_loop3A_940 = arith.cmpi ne, %parallel_loop3A_938, %parallel_loop3A_939 : i32
      %parallel_loop3A_941 = arith.andi %parallel_loop3A_937, %parallel_loop3A_940 : i1
      %parallel_loop3A_942 = arith.constant 1 : i32
      %parallel_loop3A_943 = arith.subi %parallel_loop3A_922, %parallel_loop3A_942 : i32
      %parallel_loop3A_944 = arith.select %parallel_loop3A_941, %parallel_loop3A_943, %parallel_loop3A_922 : i32
      %parallel_loop3A_945 = arith.constant 64 : i32
      %parallel_loop3A_946 = arith.muli %parallel_loop3A_944, %parallel_loop3A_945 : i32
      %parallel_loop3A_947 = arith.subi %parallel_loop3A_920, %parallel_loop3A_946 : i32
      %parallel_loop3A_948 = arith.constant 16 : i32
      %parallel_loop3A_949 = arith.muli %parallel_loop3A_947, %parallel_loop3A_948 : i32
      %parallel_loop3A_950 = arith.constant 0 : i32
      %parallel_loop3A_951 = arith.index_cast %parallel_loop3A_950 : i32 to index
      %parallel_loop3A_952 = arith.index_cast %parallel_loop3A_944 : i32 to index
      %parallel_loop3A_953 = arith.index_cast %parallel_loop3A_949 : i32 to index
      %parallel_loop3A_954 = tpu.vector_load %arg8[%parallel_loop3A_951, %parallel_loop3A_952, %parallel_loop3A_953] {strides = array<i32>} : memref<2x32x1024xf32, #tpu.memory_space<vmem>>, vector<1x1x16xf32>,
      %parallel_loop3A_955 = vector.shape_cast %parallel_loop3A_954 : vector<1x1x16xf32> to vector<16xf32>
      %parallel_loop3A_956 = arith.index_cast %parallel_loop3A_944 : i32 to index
      %parallel_loop3A_957 = arith.index_cast %parallel_loop3A_949 : i32 to index
      %parallel_loop3A_958 = tpu.vector_load %arg7[%parallel_loop3A_956, %parallel_loop3A_957] {strides = array<i32>} : memref<32x1024xf32, #tpu.memory_space<vmem>>, vector<1x16xf32>,
      %parallel_loop3A_959 = vector.shape_cast %parallel_loop3A_958 : vector<1x16xf32> to vector<16xf32>
      %parallel_loop3A_960 = arith.addf %parallel_loop3A_955, %parallel_loop3A_959 : vector<16xf32>
      %parallel_loop3A_961 = arith.constant 0 : i32
      %parallel_loop3A_962 = arith.index_cast %parallel_loop3A_961 : i32 to index
      %parallel_loop3A_963 = arith.index_cast %parallel_loop3A_944 : i32 to index
      %parallel_loop3A_964 = arith.index_cast %parallel_loop3A_949 : i32 to index
      %parallel_loop3A_965 = tpu.vector_load %arg8[%parallel_loop3A_962, %parallel_loop3A_963, %parallel_loop3A_964] {strides = array<i32>} : memref<2x32x1024xf32, #tpu.memory_space<vmem>>, vector<1x1x16xf32>,
      %parallel_loop3A_966 = vector.shape_cast %parallel_loop3A_965 : vector<1x1x16xf32> to vector<16xf32>
      %parallel_loop3A_967 = vector.shape_cast %parallel_loop3A_960 : vector<16xf32> to vector<1x1x16xf32>
      tpu.vector_store %arg8[%parallel_loop3A_962, %parallel_loop3A_963, %parallel_loop3A_964], %parallel_loop3A_967 {strides = array<i32>} : memref<2x32x1024xf32, #tpu.memory_space<vmem>>, vector<1x1x16xf32>,
    } {sc.loop_unroll_factor = 8 : i64, sc.parallel_access}
    %add3A_271 = arith.constant 0 : i32
    %add3A_272 = arith.addi %add3A_271, %mul3A_2 : i32
    %add3A_273 = arith.constant 32 : i32
    %add3A_274 = arith.addi %add3A_272, %add3A_273 : i32
    %dma_start3A_275 = arith.constant 0 : i32
    %dma_start3A_276 = arith.constant 0 : i32
    %dma_start3A_277 = arith.constant 0 : i32
    %dma_start3A_278 = tpu.memref_slice %arg8[%dma_start3A_275, %dma_start3A_276, %dma_start3A_277] : memref<2x32x1024xf32, #tpu.memory_space<vmem>> -> memref<1x32x1024xf32, #tpu.memory_space<vmem>>
    %dma_start3A_279 = tpu.memref_squeeze %dma_start3A_278 : memref<1x32x1024xf32, #tpu.memory_space<vmem>> -> memref<32x1024xf32, #tpu.memory_space<vmem>>
    %dma_start3A_280 = arith.constant 0 : i32
    %dma_start3A_281 = tpu.memref_slice %arg5[%add3A_274, %dma_start3A_280] : memref<16384x1024xf32, #tpu.memory_space<hbm>> -> memref<32x1024xf32, #tpu.memory_space<hbm>>
    %dma_start3A_282 = arith.constant 0 : i32
    %dma_start3A_283 = tpu.memref_slice %arg5[%add3A_274, %dma_start3A_282] : memref<16384x1024xf32, #tpu.memory_space<hbm>> -> memref<32x1024xf32, #tpu.memory_space<hbm>>
    %dma_start3A_284 = arith.constant 0 : i32
    %dma_start3A_285 = arith.constant 0 : i32
    %dma_start3A_286 = tpu.memref_slice %arg8[%dma_start3A_275, %dma_start3A_284, %dma_start3A_285] : memref<2x32x1024xf32, #tpu.memory_space<vmem>> -> memref<1x32x1024xf32, #tpu.memory_space<vmem>>
    %dma_start3A_287 = tpu.memref_squeeze %dma_start3A_286 : memref<1x32x1024xf32, #tpu.memory_space<vmem>> -> memref<32x1024xf32, #tpu.memory_space<vmem>>
    tpu.enqueue_dma source(%dma_start3A_287 : memref<32x1024xf32, #tpu.memory_space<vmem>>) target(%dma_start3A_283 : memref<32x1024xf32, #tpu.memory_space<hbm>>) target_semaphore(%arg11 : memref<!tpu.dma_semaphore, #tpu.memory_space<semaphore_mem>>)
    %dma_wait3A_288 = arith.constant 0 : i32
    %dma_wait3A_289 = arith.constant 0 : i32
    %dma_wait3A_290 = arith.constant 0 : i32
    %dma_wait3A_291 = tpu.memref_slice %arg8[%dma_wait3A_288, %dma_wait3A_289, %dma_wait3A_290] : memref<2x32x1024xf32, #tpu.memory_space<vmem>> -> memref<1x32x1024xf32, #tpu.memory_space<vmem>>
    %dma_wait3A_292 = tpu.memref_squeeze %dma_wait3A_291 : memref<1x32x1024xf32, #tpu.memory_space<vmem>> -> memref<32x1024xf32, #tpu.memory_space<vmem>>
    %dma_wait3A_293 = arith.constant 0 : i32
    %dma_wait3A_294 = tpu.memref_slice %arg5[%add3A_274, %dma_wait3A_293] : memref<16384x1024xf32, #tpu.memory_space<hbm>> -> memref<32x1024xf32, #tpu.memory_space<hbm>>
    %dma_wait3A_295 = arith.constant 0 : i32
    %dma_wait3A_296 = tpu.memref_slice %arg5[%add3A_274, %dma_wait3A_295] : memref<16384x1024xf32, #tpu.memory_space<hbm>> -> memref<32x1024xf32, #tpu.memory_space<hbm>>
    %dma_wait3A_297 = arith.constant 0 : i32
    %dma_wait3A_298 = arith.constant 0 : i32
    %dma_wait3A_299 = tpu.memref_slice %arg8[%dma_wait3A_288, %dma_wait3A_297, %dma_wait3A_298] : memref<2x32x1024xf32, #tpu.memory_space<vmem>> -> memref<1x32x1024xf32, #tpu.memory_space<vmem>>
    %dma_wait3A_300 = tpu.memref_squeeze %dma_wait3A_299 : memref<1x32x1024xf32, #tpu.memory_space<vmem>> -> memref<32x1024xf32, #tpu.memory_space<vmem>>
    tpu.wait_dma2 semaphore(%arg11 : memref<!tpu.dma_semaphore, #tpu.memory_space<semaphore_mem>>) src(%dma_wait3A_300 : memref<32x1024xf32, #tpu.memory_space<vmem>>) dst(%dma_wait3A_296 : memref<32x1024xf32, #tpu.memory_space<hbm>>)
    %dma_start3A_301 = arith.constant 6 : i32
    %dma_start3A_302 = arith.constant 0 : i32
    %dma_start3A_303 = arith.constant 0 : i32
    %dma_start3A_304 = arith.constant 0 : i32
    %dma_start3A_305 = tpu.memref_slice %arg8[%dma_start3A_302, %dma_start3A_303, %dma_start3A_304] : memref<2x32x1024xf32, #tpu.memory_space<vmem>> -> memref<1x32x1024xf32, #tpu.memory_space<vmem>>
    %dma_start3A_306 = tpu.memref_squeeze %dma_start3A_305 : memref<1x32x1024xf32, #tpu.memory_space<vmem>> -> memref<32x1024xf32, #tpu.memory_space<vmem>>
    %dma_start3A_307 = arith.constant 0 : i32
    %dma_start3A_308 = tpu.memref_slice %arg6[%dma_start3A_301, %dma_start3A_307] : memref<16x32xi32, #tpu.memory_space<vmem>> -> memref<1x32xi32, #tpu.memory_space<vmem>>
    %dma_start3A_309 = tpu.memref_squeeze %dma_start3A_308 : memref<1x32xi32, #tpu.memory_space<vmem>> -> memref<32xi32, #tpu.memory_space<vmem>>
    %dma_start3A_310 = arith.constant 0 : i32
    %dma_start3A_311 = arith.constant 0 : i32
    %dma_start3A_312 = tpu.memref_slice %arg3[%dma_start3A_310, %dma_start3A_311] : memref<100000x1024xf32, #tpu.memory_space<hbm>> -> memref<100000x1024xf32, #tpu.memory_space<hbm>>
    tpu.enqueue_indirect_dma source(%dma_start3A_312 : memref<100000x1024xf32, #tpu.memory_space<hbm>>) target(%dma_start3A_306 : memref<32x1024xf32, #tpu.memory_space<vmem>>) offsets(%dma_start3A_309 : memref<32xi32, #tpu.memory_space<vmem>>) semaphore(%arg9 : memref<!tpu.dma_semaphore, #tpu.memory_space<semaphore_mem>>)
    %dma_wait3A_313 = arith.constant 5 : i32
    %dma_wait3A_314 = arith.constant 1 : i32
    %dma_wait3A_315 = arith.constant 0 : i32
    %dma_wait3A_316 = arith.constant 0 : i32
    %dma_wait3A_317 = tpu.memref_slice %arg8[%dma_wait3A_314, %dma_wait3A_315, %dma_wait3A_316] : memref<2x32x1024xf32, #tpu.memory_space<vmem>> -> memref<1x32x1024xf32, #tpu.memory_space<vmem>>
    %dma_wait3A_318 = tpu.memref_squeeze %dma_wait3A_317 : memref<1x32x1024xf32, #tpu.memory_space<vmem>> -> memref<32x1024xf32, #tpu.memory_space<vmem>>
    %dma_wait3A_319 = arith.constant 0 : i32
    %dma_wait3A_320 = tpu.memref_slice %arg6[%dma_wait3A_313, %dma_wait3A_319] : memref<16x32xi32, #tpu.memory_space<vmem>> -> memref<1x32xi32, #tpu.memory_space<vmem>>
    %dma_wait3A_321 = tpu.memref_squeeze %dma_wait3A_320 : memref<1x32xi32, #tpu.memory_space<vmem>> -> memref<32xi32, #tpu.memory_space<vmem>>
    %dma_wait3A_322 = arith.constant 0 : i32
    %dma_wait3A_323 = arith.constant 0 : i32
    %dma_wait3A_324 = tpu.memref_slice %arg3[%dma_wait3A_322, %dma_wait3A_323] : memref<100000x1024xf32, #tpu.memory_space<hbm>> -> memref<100000x1024xf32, #tpu.memory_space<hbm>>
    tpu.wait_indirect_dma semaphore(%arg10 : memref<!tpu.dma_semaphore, #tpu.memory_space<semaphore_mem>>) src(%dma_wait3A_324 : memref<100000x1024xf32, #tpu.memory_space<hbm>>) dst(%dma_wait3A_318 : memref<32x1024xf32, #tpu.memory_space<vmem>>)
    %parallel_loop3A_325 = arith.constant 0 : i32
    %parallel_loop3A_326 = arith.constant 2048 : i32
    %parallel_loop3A_327 = arith.constant 1 : i32
    scf.for %parallel_loop3A_920 = %parallel_loop3A_325 to %parallel_loop3A_326 step %parallel_loop3A_327  : i32 {
      %parallel_loop3A_921 = arith.constant 64 : i32
      %parallel_loop3A_922 = arith.divsi %parallel_loop3A_920, %parallel_loop3A_921 : i32
      %parallel_loop3A_923 = arith.constant 0 : i32
      %parallel_loop3A_924 = arith.cmpi sgt, %parallel_loop3A_920, %parallel_loop3A_923 : i32
      %parallel_loop3A_925 = arith.extui %parallel_loop3A_924 : i1 to i32
      %parallel_loop3A_926 = arith.constant 0 : i32
      %parallel_loop3A_927 = arith.cmpi slt, %parallel_loop3A_920, %parallel_loop3A_926 : i32
      %parallel_loop3A_928 = arith.extui %parallel_loop3A_927 : i1 to i32
      %parallel_loop3A_929 = arith.subi %parallel_loop3A_925, %parallel_loop3A_928 : i32
      %parallel_loop3A_930 = arith.constant 0 : i32
      %parallel_loop3A_931 = arith.cmpi sgt, %parallel_loop3A_921, %parallel_loop3A_930 : i32
      %parallel_loop3A_932 = arith.extui %parallel_loop3A_931 : i1 to i32
      %parallel_loop3A_933 = arith.constant 0 : i32
      %parallel_loop3A_934 = arith.cmpi slt, %parallel_loop3A_921, %parallel_loop3A_933 : i32
      %parallel_loop3A_935 = arith.extui %parallel_loop3A_934 : i1 to i32
      %parallel_loop3A_936 = arith.subi %parallel_loop3A_932, %parallel_loop3A_935 : i32
      %parallel_loop3A_937 = arith.cmpi ne, %parallel_loop3A_929, %parallel_loop3A_936 : i32
      %parallel_loop3A_938 = arith.remsi %parallel_loop3A_920, %parallel_loop3A_921 : i32
      %parallel_loop3A_939 = arith.constant 0 : i32
      %parallel_loop3A_940 = arith.cmpi ne, %parallel_loop3A_938, %parallel_loop3A_939 : i32
      %parallel_loop3A_941 = arith.andi %parallel_loop3A_937, %parallel_loop3A_940 : i1
      %parallel_loop3A_942 = arith.constant 1 : i32
      %parallel_loop3A_943 = arith.subi %parallel_loop3A_922, %parallel_loop3A_942 : i32
      %parallel_loop3A_944 = arith.select %parallel_loop3A_941, %parallel_loop3A_943, %parallel_loop3A_922 : i32
      %parallel_loop3A_945 = arith.constant 64 : i32
      %parallel_loop3A_946 = arith.muli %parallel_loop3A_944, %parallel_loop3A_945 : i32
      %parallel_loop3A_947 = arith.subi %parallel_loop3A_920, %parallel_loop3A_946 : i32
      %parallel_loop3A_948 = arith.constant 16 : i32
      %parallel_loop3A_949 = arith.muli %parallel_loop3A_947, %parallel_loop3A_948 : i32
      %parallel_loop3A_950 = arith.constant 1 : i32
      %parallel_loop3A_951 = arith.index_cast %parallel_loop3A_950 : i32 to index
      %parallel_loop3A_952 = arith.index_cast %parallel_loop3A_944 : i32 to index
      %parallel_loop3A_953 = arith.index_cast %parallel_loop3A_949 : i32 to index
      %parallel_loop3A_954 = tpu.vector_load %arg8[%parallel_loop3A_951, %parallel_loop3A_952, %parallel_loop3A_953] {strides = array<i32>} : memref<2x32x1024xf32, #tpu.memory_space<vmem>>, vector<1x1x16xf32>,
      %parallel_loop3A_955 = vector.shape_cast %parallel_loop3A_954 : vector<1x1x16xf32> to vector<16xf32>
      %parallel_loop3A_956 = arith.index_cast %parallel_loop3A_944 : i32 to index
      %parallel_loop3A_957 = arith.index_cast %parallel_loop3A_949 : i32 to index
      %parallel_loop3A_958 = tpu.vector_load %arg7[%parallel_loop3A_956, %parallel_loop3A_957] {strides = array<i32>} : memref<32x1024xf32, #tpu.memory_space<vmem>>, vector<1x16xf32>,
      %parallel_loop3A_959 = vector.shape_cast %parallel_loop3A_958 : vector<1x16xf32> to vector<16xf32>
      %parallel_loop3A_960 = arith.addf %parallel_loop3A_955, %parallel_loop3A_959 : vector<16xf32>
      %parallel_loop3A_961 = arith.constant 1 : i32
      %parallel_loop3A_962 = arith.index_cast %parallel_loop3A_961 : i32 to index
      %parallel_loop3A_963 = arith.index_cast %parallel_loop3A_944 : i32 to index
      %parallel_loop3A_964 = arith.index_cast %parallel_loop3A_949 : i32 to index
      %parallel_loop3A_965 = tpu.vector_load %arg8[%parallel_loop3A_962, %parallel_loop3A_963, %parallel_loop3A_964] {strides = array<i32>} : memref<2x32x1024xf32, #tpu.memory_space<vmem>>, vector<1x1x16xf32>,
      %parallel_loop3A_966 = vector.shape_cast %parallel_loop3A_965 : vector<1x1x16xf32> to vector<16xf32>
      %parallel_loop3A_967 = vector.shape_cast %parallel_loop3A_960 : vector<16xf32> to vector<1x1x16xf32>
      tpu.vector_store %arg8[%parallel_loop3A_962, %parallel_loop3A_963, %parallel_loop3A_964], %parallel_loop3A_967 {strides = array<i32>} : memref<2x32x1024xf32, #tpu.memory_space<vmem>>, vector<1x1x16xf32>,
    } {sc.loop_unroll_factor = 8 : i64, sc.parallel_access}
    %add3A_328 = arith.constant 4096 : i32
    %add3A_329 = arith.addi %add3A_328, %mul3A_2 : i32
    %add3A_330 = arith.constant 32 : i32
    %add3A_331 = arith.addi %add3A_329, %add3A_330 : i32
    %dma_start3A_332 = arith.constant 1 : i32
    %dma_start3A_333 = arith.constant 0 : i32
    %dma_start3A_334 = arith.constant 0 : i32
    %dma_start3A_335 = tpu.memref_slice %arg8[%dma_start3A_332, %dma_start3A_333, %dma_start3A_334] : memref<2x32x1024xf32, #tpu.memory_space<vmem>> -> memref<1x32x1024xf32, #tpu.memory_space<vmem>>
    %dma_start3A_336 = tpu.memref_squeeze %dma_start3A_335 : memref<1x32x1024xf32, #tpu.memory_space<vmem>> -> memref<32x1024xf32, #tpu.memory_space<vmem>>
    %dma_start3A_337 = arith.constant 0 : i32
    %dma_start3A_338 = tpu.memref_slice %arg5[%add3A_331, %dma_start3A_337] : memref<16384x1024xf32, #tpu.memory_space<hbm>> -> memref<32x1024xf32, #tpu.memory_space<hbm>>
    %dma_start3A_339 = arith.constant 0 : i32
    %dma_start3A_340 = tpu.memref_slice %arg5[%add3A_331, %dma_start3A_339] : memref<16384x1024xf32, #tpu.memory_space<hbm>> -> memref<32x1024xf32, #tpu.memory_space<hbm>>
    %dma_start3A_341 = arith.constant 0 : i32
    %dma_start3A_342 = arith.constant 0 : i32
    %dma_start3A_343 = tpu.memref_slice %arg8[%dma_start3A_332, %dma_start3A_341, %dma_start3A_342] : memref<2x32x1024xf32, #tpu.memory_space<vmem>> -> memref<1x32x1024xf32, #tpu.memory_space<vmem>>
    %dma_start3A_344 = tpu.memref_squeeze %dma_start3A_343 : memref<1x32x1024xf32, #tpu.memory_space<vmem>> -> memref<32x1024xf32, #tpu.memory_space<vmem>>
    tpu.enqueue_dma source(%dma_start3A_344 : memref<32x1024xf32, #tpu.memory_space<vmem>>) target(%dma_start3A_340 : memref<32x1024xf32, #tpu.memory_space<hbm>>) target_semaphore(%arg12 : memref<!tpu.dma_semaphore, #tpu.memory_space<semaphore_mem>>)
    %dma_wait3A_345 = arith.constant 1 : i32
    %dma_wait3A_346 = arith.constant 0 : i32
    %dma_wait3A_347 = arith.constant 0 : i32
    %dma_wait3A_348 = tpu.memref_slice %arg8[%dma_wait3A_345, %dma_wait3A_346, %dma_wait3A_347] : memref<2x32x1024xf32, #tpu.memory_space<vmem>> -> memref<1x32x1024xf32, #tpu.memory_space<vmem>>
    %dma_wait3A_349 = tpu.memref_squeeze %dma_wait3A_348 : memref<1x32x1024xf32, #tpu.memory_space<vmem>> -> memref<32x1024xf32, #tpu.memory_space<vmem>>
    %dma_wait3A_350 = arith.constant 0 : i32
    %dma_wait3A_351 = tpu.memref_slice %arg5[%add3A_331, %dma_wait3A_350] : memref<16384x1024xf32, #tpu.memory_space<hbm>> -> memref<32x1024xf32, #tpu.memory_space<hbm>>
    %dma_wait3A_352 = arith.constant 0 : i32
    %dma_wait3A_353 = tpu.memref_slice %arg5[%add3A_331, %dma_wait3A_352] : memref<16384x1024xf32, #tpu.memory_space<hbm>> -> memref<32x1024xf32, #tpu.memory_space<hbm>>
    %dma_wait3A_354 = arith.constant 0 : i32
    %dma_wait3A_355 = arith.constant 0 : i32
    %dma_wait3A_356 = tpu.memref_slice %arg8[%dma_wait3A_345, %dma_wait3A_354, %dma_wait3A_355] : memref<2x32x1024xf32, #tpu.memory_space<vmem>> -> memref<1x32x1024xf32, #tpu.memory_space<vmem>>
    %dma_wait3A_357 = tpu.memref_squeeze %dma_wait3A_356 : memref<1x32x1024xf32, #tpu.memory_space<vmem>> -> memref<32x1024xf32, #tpu.memory_space<vmem>>
    tpu.wait_dma2 semaphore(%arg12 : memref<!tpu.dma_semaphore, #tpu.memory_space<semaphore_mem>>) src(%dma_wait3A_357 : memref<32x1024xf32, #tpu.memory_space<vmem>>) dst(%dma_wait3A_353 : memref<32x1024xf32, #tpu.memory_space<hbm>>)
    %dma_start3A_358 = arith.constant 7 : i32
    %dma_start3A_359 = arith.constant 1 : i32
    %dma_start3A_360 = arith.constant 0 : i32
    %dma_start3A_361 = arith.constant 0 : i32
    %dma_start3A_362 = tpu.memref_slice %arg8[%dma_start3A_359, %dma_start3A_360, %dma_start3A_361] : memref<2x32x1024xf32, #tpu.memory_space<vmem>> -> memref<1x32x1024xf32, #tpu.memory_space<vmem>>
    %dma_start3A_363 = tpu.memref_squeeze %dma_start3A_362 : memref<1x32x1024xf32, #tpu.memory_space<vmem>> -> memref<32x1024xf32, #tpu.memory_space<vmem>>
    %dma_start3A_364 = arith.constant 0 : i32
    %dma_start3A_365 = tpu.memref_slice %arg6[%dma_start3A_358, %dma_start3A_364] : memref<16x32xi32, #tpu.memory_space<vmem>> -> memref<1x32xi32, #tpu.memory_space<vmem>>
    %dma_start3A_366 = tpu.memref_squeeze %dma_start3A_365 : memref<1x32xi32, #tpu.memory_space<vmem>> -> memref<32xi32, #tpu.memory_space<vmem>>
    %dma_start3A_367 = arith.constant 0 : i32
    %dma_start3A_368 = arith.constant 0 : i32
    %dma_start3A_369 = tpu.memref_slice %arg3[%dma_start3A_367, %dma_start3A_368] : memref<100000x1024xf32, #tpu.memory_space<hbm>> -> memref<100000x1024xf32, #tpu.memory_space<hbm>>
    tpu.enqueue_indirect_dma source(%dma_start3A_369 : memref<100000x1024xf32, #tpu.memory_space<hbm>>) target(%dma_start3A_363 : memref<32x1024xf32, #tpu.memory_space<vmem>>) offsets(%dma_start3A_366 : memref<32xi32, #tpu.memory_space<vmem>>) semaphore(%arg10 : memref<!tpu.dma_semaphore, #tpu.memory_space<semaphore_mem>>)
    %dma_wait3A_370 = arith.constant 6 : i32
    %dma_wait3A_371 = arith.constant 0 : i32
    %dma_wait3A_372 = arith.constant 0 : i32
    %dma_wait3A_373 = arith.constant 0 : i32
    %dma_wait3A_374 = tpu.memref_slice %arg8[%dma_wait3A_371, %dma_wait3A_372, %dma_wait3A_373] : memref<2x32x1024xf32, #tpu.memory_space<vmem>> -> memref<1x32x1024xf32, #tpu.memory_space<vmem>>
    %dma_wait3A_375 = tpu.memref_squeeze %dma_wait3A_374 : memref<1x32x1024xf32, #tpu.memory_space<vmem>> -> memref<32x1024xf32, #tpu.memory_space<vmem>>
    %dma_wait3A_376 = arith.constant 0 : i32
    %dma_wait3A_377 = tpu.memref_slice %arg6[%dma_wait3A_370, %dma_wait3A_376] : memref<16x32xi32, #tpu.memory_space<vmem>> -> memref<1x32xi32, #tpu.memory_space<vmem>>
    %dma_wait3A_378 = tpu.memref_squeeze %dma_wait3A_377 : memref<1x32xi32, #tpu.memory_space<vmem>> -> memref<32xi32, #tpu.memory_space<vmem>>
    %dma_wait3A_379 = arith.constant 0 : i32
    %dma_wait3A_380 = arith.constant 0 : i32
    %dma_wait3A_381 = tpu.memref_slice %arg3[%dma_wait3A_379, %dma_wait3A_380] : memref<100000x1024xf32, #tpu.memory_space<hbm>> -> memref<100000x1024xf32, #tpu.memory_space<hbm>>
    tpu.wait_indirect_dma semaphore(%arg9 : memref<!tpu.dma_semaphore, #tpu.memory_space<semaphore_mem>>) src(%dma_wait3A_381 : memref<100000x1024xf32, #tpu.memory_space<hbm>>) dst(%dma_wait3A_375 : memref<32x1024xf32, #tpu.memory_space<vmem>>)
    %parallel_loop3A_382 = arith.constant 0 : i32
    %parallel_loop3A_383 = arith.constant 2048 : i32
    %parallel_loop3A_384 = arith.constant 1 : i32
    scf.for %parallel_loop3A_920 = %parallel_loop3A_382 to %parallel_loop3A_383 step %parallel_loop3A_384  : i32 {
      %parallel_loop3A_921 = arith.constant 64 : i32
      %parallel_loop3A_922 = arith.divsi %parallel_loop3A_920, %parallel_loop3A_921 : i32
      %parallel_loop3A_923 = arith.constant 0 : i32
      %parallel_loop3A_924 = arith.cmpi sgt, %parallel_loop3A_920, %parallel_loop3A_923 : i32
      %parallel_loop3A_925 = arith.extui %parallel_loop3A_924 : i1 to i32
      %parallel_loop3A_926 = arith.constant 0 : i32
      %parallel_loop3A_927 = arith.cmpi slt, %parallel_loop3A_920, %parallel_loop3A_926 : i32
      %parallel_loop3A_928 = arith.extui %parallel_loop3A_927 : i1 to i32
      %parallel_loop3A_929 = arith.subi %parallel_loop3A_925, %parallel_loop3A_928 : i32
      %parallel_loop3A_930 = arith.constant 0 : i32
      %parallel_loop3A_931 = arith.cmpi sgt, %parallel_loop3A_921, %parallel_loop3A_930 : i32
      %parallel_loop3A_932 = arith.extui %parallel_loop3A_931 : i1 to i32
      %parallel_loop3A_933 = arith.constant 0 : i32
      %parallel_loop3A_934 = arith.cmpi slt, %parallel_loop3A_921, %parallel_loop3A_933 : i32
      %parallel_loop3A_935 = arith.extui %parallel_loop3A_934 : i1 to i32
      %parallel_loop3A_936 = arith.subi %parallel_loop3A_932, %parallel_loop3A_935 : i32
      %parallel_loop3A_937 = arith.cmpi ne, %parallel_loop3A_929, %parallel_loop3A_936 : i32
      %parallel_loop3A_938 = arith.remsi %parallel_loop3A_920, %parallel_loop3A_921 : i32
      %parallel_loop3A_939 = arith.constant 0 : i32
      %parallel_loop3A_940 = arith.cmpi ne, %parallel_loop3A_938, %parallel_loop3A_939 : i32
      %parallel_loop3A_941 = arith.andi %parallel_loop3A_937, %parallel_loop3A_940 : i1
      %parallel_loop3A_942 = arith.constant 1 : i32
      %parallel_loop3A_943 = arith.subi %parallel_loop3A_922, %parallel_loop3A_942 : i32
      %parallel_loop3A_944 = arith.select %parallel_loop3A_941, %parallel_loop3A_943, %parallel_loop3A_922 : i32
      %parallel_loop3A_945 = arith.constant 64 : i32
      %parallel_loop3A_946 = arith.muli %parallel_loop3A_944, %parallel_loop3A_945 : i32
      %parallel_loop3A_947 = arith.subi %parallel_loop3A_920, %parallel_loop3A_946 : i32
      %parallel_loop3A_948 = arith.constant 16 : i32
      %parallel_loop3A_949 = arith.muli %parallel_loop3A_947, %parallel_loop3A_948 : i32
      %parallel_loop3A_950 = arith.constant 0 : i32
      %parallel_loop3A_951 = arith.index_cast %parallel_loop3A_950 : i32 to index
      %parallel_loop3A_952 = arith.index_cast %parallel_loop3A_944 : i32 to index
      %parallel_loop3A_953 = arith.index_cast %parallel_loop3A_949 : i32 to index
      %parallel_loop3A_954 = tpu.vector_load %arg8[%parallel_loop3A_951, %parallel_loop3A_952, %parallel_loop3A_953] {strides = array<i32>} : memref<2x32x1024xf32, #tpu.memory_space<vmem>>, vector<1x1x16xf32>,
      %parallel_loop3A_955 = vector.shape_cast %parallel_loop3A_954 : vector<1x1x16xf32> to vector<16xf32>
      %parallel_loop3A_956 = arith.index_cast %parallel_loop3A_944 : i32 to index
      %parallel_loop3A_957 = arith.index_cast %parallel_loop3A_949 : i32 to index
      %parallel_loop3A_958 = tpu.vector_load %arg7[%parallel_loop3A_956, %parallel_loop3A_957] {strides = array<i32>} : memref<32x1024xf32, #tpu.memory_space<vmem>>, vector<1x16xf32>,
      %parallel_loop3A_959 = vector.shape_cast %parallel_loop3A_958 : vector<1x16xf32> to vector<16xf32>
      %parallel_loop3A_960 = arith.addf %parallel_loop3A_955, %parallel_loop3A_959 : vector<16xf32>
      %parallel_loop3A_961 = arith.constant 0 : i32
      %parallel_loop3A_962 = arith.index_cast %parallel_loop3A_961 : i32 to index
      %parallel_loop3A_963 = arith.index_cast %parallel_loop3A_944 : i32 to index
      %parallel_loop3A_964 = arith.index_cast %parallel_loop3A_949 : i32 to index
      %parallel_loop3A_965 = tpu.vector_load %arg8[%parallel_loop3A_962, %parallel_loop3A_963, %parallel_loop3A_964] {strides = array<i32>} : memref<2x32x1024xf32, #tpu.memory_space<vmem>>, vector<1x1x16xf32>,
      %parallel_loop3A_966 = vector.shape_cast %parallel_loop3A_965 : vector<1x1x16xf32> to vector<16xf32>
      %parallel_loop3A_967 = vector.shape_cast %parallel_loop3A_960 : vector<16xf32> to vector<1x1x16xf32>
      tpu.vector_store %arg8[%parallel_loop3A_962, %parallel_loop3A_963, %parallel_loop3A_964], %parallel_loop3A_967 {strides = array<i32>} : memref<2x32x1024xf32, #tpu.memory_space<vmem>>, vector<1x1x16xf32>,
    } {sc.loop_unroll_factor = 8 : i64, sc.parallel_access}
    %add3A_385 = arith.constant 8192 : i32
    %add3A_386 = arith.addi %add3A_385, %mul3A_2 : i32
    %add3A_387 = arith.constant 32 : i32
    %add3A_388 = arith.addi %add3A_386, %add3A_387 : i32
    %dma_start3A_389 = arith.constant 0 : i32
    %dma_start3A_390 = arith.constant 0 : i32
    %dma_start3A_391 = arith.constant 0 : i32
    %dma_start3A_392 = tpu.memref_slice %arg8[%dma_start3A_389, %dma_start3A_390, %dma_start3A_391] : memref<2x32x1024xf32, #tpu.memory_space<vmem>> -> memref<1x32x1024xf32, #tpu.memory_space<vmem>>
    %dma_start3A_393 = tpu.memref_squeeze %dma_start3A_392 : memref<1x32x1024xf32, #tpu.memory_space<vmem>> -> memref<32x1024xf32, #tpu.memory_space<vmem>>
    %dma_start3A_394 = arith.constant 0 : i32
    %dma_start3A_395 = tpu.memref_slice %arg5[%add3A_388, %dma_start3A_394] : memref<16384x1024xf32, #tpu.memory_space<hbm>> -> memref<32x1024xf32, #tpu.memory_space<hbm>>
    %dma_start3A_396 = arith.constant 0 : i32
    %dma_start3A_397 = tpu.memref_slice %arg5[%add3A_388, %dma_start3A_396] : memref<16384x1024xf32, #tpu.memory_space<hbm>> -> memref<32x1024xf32, #tpu.memory_space<hbm>>
    %dma_start3A_398 = arith.constant 0 : i32
    %dma_start3A_399 = arith.constant 0 : i32
    %dma_start3A_400 = tpu.memref_slice %arg8[%dma_start3A_389, %dma_start3A_398, %dma_start3A_399] : memref<2x32x1024xf32, #tpu.memory_space<vmem>> -> memref<1x32x1024xf32, #tpu.memory_space<vmem>>
    %dma_start3A_401 = tpu.memref_squeeze %dma_start3A_400 : memref<1x32x1024xf32, #tpu.memory_space<vmem>> -> memref<32x1024xf32, #tpu.memory_space<vmem>>
    tpu.enqueue_dma source(%dma_start3A_401 : memref<32x1024xf32, #tpu.memory_space<vmem>>) target(%dma_start3A_397 : memref<32x1024xf32, #tpu.memory_space<hbm>>) target_semaphore(%arg11 : memref<!tpu.dma_semaphore, #tpu.memory_space<semaphore_mem>>)
    %dma_wait3A_402 = arith.constant 0 : i32
    %dma_wait3A_403 = arith.constant 0 : i32
    %dma_wait3A_404 = arith.constant 0 : i32
    %dma_wait3A_405 = tpu.memref_slice %arg8[%dma_wait3A_402, %dma_wait3A_403, %dma_wait3A_404] : memref<2x32x1024xf32, #tpu.memory_space<vmem>> -> memref<1x32x1024xf32, #tpu.memory_space<vmem>>
    %dma_wait3A_406 = tpu.memref_squeeze %dma_wait3A_405 : memref<1x32x1024xf32, #tpu.memory_space<vmem>> -> memref<32x1024xf32, #tpu.memory_space<vmem>>
    %dma_wait3A_407 = arith.constant 0 : i32
    %dma_wait3A_408 = tpu.memref_slice %arg5[%add3A_388, %dma_wait3A_407] : memref<16384x1024xf32, #tpu.memory_space<hbm>> -> memref<32x1024xf32, #tpu.memory_space<hbm>>
    %dma_wait3A_409 = arith.constant 0 : i32
    %dma_wait3A_410 = tpu.memref_slice %arg5[%add3A_388, %dma_wait3A_409] : memref<16384x1024xf32, #tpu.memory_space<hbm>> -> memref<32x1024xf32, #tpu.memory_space<hbm>>
    %dma_wait3A_411 = arith.constant 0 : i32
    %dma_wait3A_412 = arith.constant 0 : i32
    %dma_wait3A_413 = tpu.memref_slice %arg8[%dma_wait3A_402, %dma_wait3A_411, %dma_wait3A_412] : memref<2x32x1024xf32, #tpu.memory_space<vmem>> -> memref<1x32x1024xf32, #tpu.memory_space<vmem>>
    %dma_wait3A_414 = tpu.memref_squeeze %dma_wait3A_413 : memref<1x32x1024xf32, #tpu.memory_space<vmem>> -> memref<32x1024xf32, #tpu.memory_space<vmem>>
    tpu.wait_dma2 semaphore(%arg11 : memref<!tpu.dma_semaphore, #tpu.memory_space<semaphore_mem>>) src(%dma_wait3A_414 : memref<32x1024xf32, #tpu.memory_space<vmem>>) dst(%dma_wait3A_410 : memref<32x1024xf32, #tpu.memory_space<hbm>>)
    %dma_start3A_415 = arith.constant 8 : i32
    %dma_start3A_416 = arith.constant 0 : i32
    %dma_start3A_417 = arith.constant 0 : i32
    %dma_start3A_418 = arith.constant 0 : i32
    %dma_start3A_419 = tpu.memref_slice %arg8[%dma_start3A_416, %dma_start3A_417, %dma_start3A_418] : memref<2x32x1024xf32, #tpu.memory_space<vmem>> -> memref<1x32x1024xf32, #tpu.memory_space<vmem>>
    %dma_start3A_420 = tpu.memref_squeeze %dma_start3A_419 : memref<1x32x1024xf32, #tpu.memory_space<vmem>> -> memref<32x1024xf32, #tpu.memory_space<vmem>>
    %dma_start3A_421 = arith.constant 0 : i32
    %dma_start3A_422 = tpu.memref_slice %arg6[%dma_start3A_415, %dma_start3A_421] : memref<16x32xi32, #tpu.memory_space<vmem>> -> memref<1x32xi32, #tpu.memory_space<vmem>>
    %dma_start3A_423 = tpu.memref_squeeze %dma_start3A_422 : memref<1x32xi32, #tpu.memory_space<vmem>> -> memref<32xi32, #tpu.memory_space<vmem>>
    %dma_start3A_424 = arith.constant 0 : i32
    %dma_start3A_425 = arith.constant 0 : i32
    %dma_start3A_426 = tpu.memref_slice %arg3[%dma_start3A_424, %dma_start3A_425] : memref<100000x1024xf32, #tpu.memory_space<hbm>> -> memref<100000x1024xf32, #tpu.memory_space<hbm>>
    tpu.enqueue_indirect_dma source(%dma_start3A_426 : memref<100000x1024xf32, #tpu.memory_space<hbm>>) target(%dma_start3A_420 : memref<32x1024xf32, #tpu.memory_space<vmem>>) offsets(%dma_start3A_423 : memref<32xi32, #tpu.memory_space<vmem>>) semaphore(%arg9 : memref<!tpu.dma_semaphore, #tpu.memory_space<semaphore_mem>>)
    %dma_wait3A_427 = arith.constant 7 : i32
    %dma_wait3A_428 = arith.constant 1 : i32
    %dma_wait3A_429 = arith.constant 0 : i32
    %dma_wait3A_430 = arith.constant 0 : i32
    %dma_wait3A_431 = tpu.memref_slice %arg8[%dma_wait3A_428, %dma_wait3A_429, %dma_wait3A_430] : memref<2x32x1024xf32, #tpu.memory_space<vmem>> -> memref<1x32x1024xf32, #tpu.memory_space<vmem>>
    %dma_wait3A_432 = tpu.memref_squeeze %dma_wait3A_431 : memref<1x32x1024xf32, #tpu.memory_space<vmem>> -> memref<32x1024xf32, #tpu.memory_space<vmem>>
    %dma_wait3A_433 = arith.constant 0 : i32
    %dma_wait3A_434 = tpu.memref_slice %arg6[%dma_wait3A_427, %dma_wait3A_433] : memref<16x32xi32, #tpu.memory_space<vmem>> -> memref<1x32xi32, #tpu.memory_space<vmem>>
    %dma_wait3A_435 = tpu.memref_squeeze %dma_wait3A_434 : memref<1x32xi32, #tpu.memory_space<vmem>> -> memref<32xi32, #tpu.memory_space<vmem>>
    %dma_wait3A_436 = arith.constant 0 : i32
    %dma_wait3A_437 = arith.constant 0 : i32
    %dma_wait3A_438 = tpu.memref_slice %arg3[%dma_wait3A_436, %dma_wait3A_437] : memref<100000x1024xf32, #tpu.memory_space<hbm>> -> memref<100000x1024xf32, #tpu.memory_space<hbm>>
    tpu.wait_indirect_dma semaphore(%arg10 : memref<!tpu.dma_semaphore, #tpu.memory_space<semaphore_mem>>) src(%dma_wait3A_438 : memref<100000x1024xf32, #tpu.memory_space<hbm>>) dst(%dma_wait3A_432 : memref<32x1024xf32, #tpu.memory_space<vmem>>)
    %parallel_loop3A_439 = arith.constant 0 : i32
    %parallel_loop3A_440 = arith.constant 2048 : i32
    %parallel_loop3A_441 = arith.constant 1 : i32
    scf.for %parallel_loop3A_920 = %parallel_loop3A_439 to %parallel_loop3A_440 step %parallel_loop3A_441  : i32 {
      %parallel_loop3A_921 = arith.constant 64 : i32
      %parallel_loop3A_922 = arith.divsi %parallel_loop3A_920, %parallel_loop3A_921 : i32
      %parallel_loop3A_923 = arith.constant 0 : i32
      %parallel_loop3A_924 = arith.cmpi sgt, %parallel_loop3A_920, %parallel_loop3A_923 : i32
      %parallel_loop3A_925 = arith.extui %parallel_loop3A_924 : i1 to i32
      %parallel_loop3A_926 = arith.constant 0 : i32
      %parallel_loop3A_927 = arith.cmpi slt, %parallel_loop3A_920, %parallel_loop3A_926 : i32
      %parallel_loop3A_928 = arith.extui %parallel_loop3A_927 : i1 to i32
      %parallel_loop3A_929 = arith.subi %parallel_loop3A_925, %parallel_loop3A_928 : i32
      %parallel_loop3A_930 = arith.constant 0 : i32
      %parallel_loop3A_931 = arith.cmpi sgt, %parallel_loop3A_921, %parallel_loop3A_930 : i32
      %parallel_loop3A_932 = arith.extui %parallel_loop3A_931 : i1 to i32
      %parallel_loop3A_933 = arith.constant 0 : i32
      %parallel_loop3A_934 = arith.cmpi slt, %parallel_loop3A_921, %parallel_loop3A_933 : i32
      %parallel_loop3A_935 = arith.extui %parallel_loop3A_934 : i1 to i32
      %parallel_loop3A_936 = arith.subi %parallel_loop3A_932, %parallel_loop3A_935 : i32
      %parallel_loop3A_937 = arith.cmpi ne, %parallel_loop3A_929, %parallel_loop3A_936 : i32
      %parallel_loop3A_938 = arith.remsi %parallel_loop3A_920, %parallel_loop3A_921 : i32
      %parallel_loop3A_939 = arith.constant 0 : i32
      %parallel_loop3A_940 = arith.cmpi ne, %parallel_loop3A_938, %parallel_loop3A_939 : i32
      %parallel_loop3A_941 = arith.andi %parallel_loop3A_937, %parallel_loop3A_940 : i1
      %parallel_loop3A_942 = arith.constant 1 : i32
      %parallel_loop3A_943 = arith.subi %parallel_loop3A_922, %parallel_loop3A_942 : i32
      %parallel_loop3A_944 = arith.select %parallel_loop3A_941, %parallel_loop3A_943, %parallel_loop3A_922 : i32
      %parallel_loop3A_945 = arith.constant 64 : i32
      %parallel_loop3A_946 = arith.muli %parallel_loop3A_944, %parallel_loop3A_945 : i32
      %parallel_loop3A_947 = arith.subi %parallel_loop3A_920, %parallel_loop3A_946 : i32
      %parallel_loop3A_948 = arith.constant 16 : i32
      %parallel_loop3A_949 = arith.muli %parallel_loop3A_947, %parallel_loop3A_948 : i32
      %parallel_loop3A_950 = arith.constant 1 : i32
      %parallel_loop3A_951 = arith.index_cast %parallel_loop3A_950 : i32 to index
      %parallel_loop3A_952 = arith.index_cast %parallel_loop3A_944 : i32 to index
      %parallel_loop3A_953 = arith.index_cast %parallel_loop3A_949 : i32 to index
      %parallel_loop3A_954 = tpu.vector_load %arg8[%parallel_loop3A_951, %parallel_loop3A_952, %parallel_loop3A_953] {strides = array<i32>} : memref<2x32x1024xf32, #tpu.memory_space<vmem>>, vector<1x1x16xf32>,
      %parallel_loop3A_955 = vector.shape_cast %parallel_loop3A_954 : vector<1x1x16xf32> to vector<16xf32>
      %parallel_loop3A_956 = arith.index_cast %parallel_loop3A_944 : i32 to index
      %parallel_loop3A_957 = arith.index_cast %parallel_loop3A_949 : i32 to index
      %parallel_loop3A_958 = tpu.vector_load %arg7[%parallel_loop3A_956, %parallel_loop3A_957] {strides = array<i32>} : memref<32x1024xf32, #tpu.memory_space<vmem>>, vector<1x16xf32>,
      %parallel_loop3A_959 = vector.shape_cast %parallel_loop3A_958 : vector<1x16xf32> to vector<16xf32>
      %parallel_loop3A_960 = arith.addf %parallel_loop3A_955, %parallel_loop3A_959 : vector<16xf32>
      %parallel_loop3A_961 = arith.constant 1 : i32
      %parallel_loop3A_962 = arith.index_cast %parallel_loop3A_961 : i32 to index
      %parallel_loop3A_963 = arith.index_cast %parallel_loop3A_944 : i32 to index
      %parallel_loop3A_964 = arith.index_cast %parallel_loop3A_949 : i32 to index
      %parallel_loop3A_965 = tpu.vector_load %arg8[%parallel_loop3A_962, %parallel_loop3A_963, %parallel_loop3A_964] {strides = array<i32>} : memref<2x32x1024xf32, #tpu.memory_space<vmem>>, vector<1x1x16xf32>,
      %parallel_loop3A_966 = vector.shape_cast %parallel_loop3A_965 : vector<1x1x16xf32> to vector<16xf32>
      %parallel_loop3A_967 = vector.shape_cast %parallel_loop3A_960 : vector<16xf32> to vector<1x1x16xf32>
      tpu.vector_store %arg8[%parallel_loop3A_962, %parallel_loop3A_963, %parallel_loop3A_964], %parallel_loop3A_967 {strides = array<i32>} : memref<2x32x1024xf32, #tpu.memory_space<vmem>>, vector<1x1x16xf32>,
    } {sc.loop_unroll_factor = 8 : i64, sc.parallel_access}
    %add3A_442 = arith.constant 12288 : i32
    %add3A_443 = arith.addi %add3A_442, %mul3A_2 : i32
    %add3A_444 = arith.constant 32 : i32
    %add3A_445 = arith.addi %add3A_443, %add3A_444 : i32
    %dma_start3A_446 = arith.constant 1 : i32
    %dma_start3A_447 = arith.constant 0 : i32
    %dma_start3A_448 = arith.constant 0 : i32
    %dma_start3A_449 = tpu.memref_slice %arg8[%dma_start3A_446, %dma_start3A_447, %dma_start3A_448] : memref<2x32x1024xf32, #tpu.memory_space<vmem>> -> memref<1x32x1024xf32, #tpu.memory_space<vmem>>
    %dma_start3A_450 = tpu.memref_squeeze %dma_start3A_449 : memref<1x32x1024xf32, #tpu.memory_space<vmem>> -> memref<32x1024xf32, #tpu.memory_space<vmem>>
    %dma_start3A_451 = arith.constant 0 : i32
    %dma_start3A_452 = tpu.memref_slice %arg5[%add3A_445, %dma_start3A_451] : memref<16384x1024xf32, #tpu.memory_space<hbm>> -> memref<32x1024xf32, #tpu.memory_space<hbm>>
    %dma_start3A_453 = arith.constant 0 : i32
    %dma_start3A_454 = tpu.memref_slice %arg5[%add3A_445, %dma_start3A_453] : memref<16384x1024xf32, #tpu.memory_space<hbm>> -> memref<32x1024xf32, #tpu.memory_space<hbm>>
    %dma_start3A_455 = arith.constant 0 : i32
    %dma_start3A_456 = arith.constant 0 : i32
    %dma_start3A_457 = tpu.memref_slice %arg8[%dma_start3A_446, %dma_start3A_455, %dma_start3A_456] : memref<2x32x1024xf32, #tpu.memory_space<vmem>> -> memref<1x32x1024xf32, #tpu.memory_space<vmem>>
    %dma_start3A_458 = tpu.memref_squeeze %dma_start3A_457 : memref<1x32x1024xf32, #tpu.memory_space<vmem>> -> memref<32x1024xf32, #tpu.memory_space<vmem>>
    tpu.enqueue_dma source(%dma_start3A_458 : memref<32x1024xf32, #tpu.memory_space<vmem>>) target(%dma_start3A_454 : memref<32x1024xf32, #tpu.memory_space<hbm>>) target_semaphore(%arg12 : memref<!tpu.dma_semaphore, #tpu.memory_space<semaphore_mem>>)
    %add3A_459 = arith.constant 64 : i32
    %add3A_460 = arith.addi %mul3A_2, %add3A_459 : i32
    "tpu.region"() ({
      %run_scoped3A = tpu.sem_alloc : memref<!tpu.dma_semaphore, #tpu.memory_space<semaphore_mem>>
      %dma_start3A_920 = arith.constant 0 : i32
      %dma_start3A_921 = tpu.memref_slice %arg4[%add3A_460, %dma_start3A_920] : memref<8192x1024xf32, #tpu.memory_space<hbm>> -> memref<32x1024xf32, #tpu.memory_space<hbm>>
      %dma_start3A_922 = arith.constant 0 : i32
      %dma_start3A_923 = tpu.memref_slice %arg4[%add3A_460, %dma_start3A_922] : memref<8192x1024xf32, #tpu.memory_space<hbm>> -> memref<32x1024xf32, #tpu.memory_space<hbm>>
      tpu.enqueue_dma source(%dma_start3A_923 : memref<32x1024xf32, #tpu.memory_space<hbm>>) target(%arg7 : memref<32x1024xf32, #tpu.memory_space<vmem>>) target_semaphore(%run_scoped3A : memref<!tpu.dma_semaphore, #tpu.memory_space<semaphore_mem>>)
      %dma_wait3A_924 = arith.constant 0 : i32
      %dma_wait3A_925 = tpu.memref_slice %arg4[%add3A_460, %dma_wait3A_924] : memref<8192x1024xf32, #tpu.memory_space<hbm>> -> memref<32x1024xf32, #tpu.memory_space<hbm>>
      %dma_wait3A_926 = arith.constant 0 : i32
      %dma_wait3A_927 = tpu.memref_slice %arg4[%add3A_460, %dma_wait3A_926] : memref<8192x1024xf32, #tpu.memory_space<hbm>> -> memref<32x1024xf32, #tpu.memory_space<hbm>>
      tpu.wait_dma2 semaphore(%run_scoped3A : memref<!tpu.dma_semaphore, #tpu.memory_space<semaphore_mem>>) src(%dma_wait3A_927 : memref<32x1024xf32, #tpu.memory_space<hbm>>) dst(%arg7 : memref<32x1024xf32, #tpu.memory_space<vmem>>)
      tpu.yield
    }) : () -> ()
    %dma_wait3A_461 = arith.constant 1 : i32
    %dma_wait3A_462 = arith.constant 0 : i32
    %dma_wait3A_463 = arith.constant 0 : i32
    %dma_wait3A_464 = tpu.memref_slice %arg8[%dma_wait3A_461, %dma_wait3A_462, %dma_wait3A_463] : memref<2x32x1024xf32, #tpu.memory_space<vmem>> -> memref<1x32x1024xf32, #tpu.memory_space<vmem>>
    %dma_wait3A_465 = tpu.memref_squeeze %dma_wait3A_464 : memref<1x32x1024xf32, #tpu.memory_space<vmem>> -> memref<32x1024xf32, #tpu.memory_space<vmem>>
    %dma_wait3A_466 = arith.constant 0 : i32
    %dma_wait3A_467 = tpu.memref_slice %arg5[%add3A_445, %dma_wait3A_466] : memref<16384x1024xf32, #tpu.memory_space<hbm>> -> memref<32x1024xf32, #tpu.memory_space<hbm>>
    %dma_wait3A_468 = arith.constant 0 : i32
    %dma_wait3A_469 = tpu.memref_slice %arg5[%add3A_445, %dma_wait3A_468] : memref<16384x1024xf32, #tpu.memory_space<hbm>> -> memref<32x1024xf32, #tpu.memory_space<hbm>>
    %dma_wait3A_470 = arith.constant 0 : i32
    %dma_wait3A_471 = arith.constant 0 : i32
    %dma_wait3A_472 = tpu.memref_slice %arg8[%dma_wait3A_461, %dma_wait3A_470, %dma_wait3A_471] : memref<2x32x1024xf32, #tpu.memory_space<vmem>> -> memref<1x32x1024xf32, #tpu.memory_space<vmem>>
    %dma_wait3A_473 = tpu.memref_squeeze %dma_wait3A_472 : memref<1x32x1024xf32, #tpu.memory_space<vmem>> -> memref<32x1024xf32, #tpu.memory_space<vmem>>
    tpu.wait_dma2 semaphore(%arg12 : memref<!tpu.dma_semaphore, #tpu.memory_space<semaphore_mem>>) src(%dma_wait3A_473 : memref<32x1024xf32, #tpu.memory_space<vmem>>) dst(%dma_wait3A_469 : memref<32x1024xf32, #tpu.memory_space<hbm>>)
    %dma_start3A_474 = arith.constant 9 : i32
    %dma_start3A_475 = arith.constant 1 : i32
    %dma_start3A_476 = arith.constant 0 : i32
    %dma_start3A_477 = arith.constant 0 : i32
    %dma_start3A_478 = tpu.memref_slice %arg8[%dma_start3A_475, %dma_start3A_476, %dma_start3A_477] : memref<2x32x1024xf32, #tpu.memory_space<vmem>> -> memref<1x32x1024xf32, #tpu.memory_space<vmem>>
    %dma_start3A_479 = tpu.memref_squeeze %dma_start3A_478 : memref<1x32x1024xf32, #tpu.memory_space<vmem>> -> memref<32x1024xf32, #tpu.memory_space<vmem>>
    %dma_start3A_480 = arith.constant 0 : i32
    %dma_start3A_481 = tpu.memref_slice %arg6[%dma_start3A_474, %dma_start3A_480] : memref<16x32xi32, #tpu.memory_space<vmem>> -> memref<1x32xi32, #tpu.memory_space<vmem>>
    %dma_start3A_482 = tpu.memref_squeeze %dma_start3A_481 : memref<1x32xi32, #tpu.memory_space<vmem>> -> memref<32xi32, #tpu.memory_space<vmem>>
    %dma_start3A_483 = arith.constant 0 : i32
    %dma_start3A_484 = arith.constant 0 : i32
    %dma_start3A_485 = tpu.memref_slice %arg3[%dma_start3A_483, %dma_start3A_484] : memref<100000x1024xf32, #tpu.memory_space<hbm>> -> memref<100000x1024xf32, #tpu.memory_space<hbm>>
    tpu.enqueue_indirect_dma source(%dma_start3A_485 : memref<100000x1024xf32, #tpu.memory_space<hbm>>) target(%dma_start3A_479 : memref<32x1024xf32, #tpu.memory_space<vmem>>) offsets(%dma_start3A_482 : memref<32xi32, #tpu.memory_space<vmem>>) semaphore(%arg10 : memref<!tpu.dma_semaphore, #tpu.memory_space<semaphore_mem>>)
    %dma_wait3A_486 = arith.constant 8 : i32
    %dma_wait3A_487 = arith.constant 0 : i32
    %dma_wait3A_488 = arith.constant 0 : i32
    %dma_wait3A_489 = arith.constant 0 : i32
    %dma_wait3A_490 = tpu.memref_slice %arg8[%dma_wait3A_487, %dma_wait3A_488, %dma_wait3A_489] : memref<2x32x1024xf32, #tpu.memory_space<vmem>> -> memref<1x32x1024xf32, #tpu.memory_space<vmem>>
    %dma_wait3A_491 = tpu.memref_squeeze %dma_wait3A_490 : memref<1x32x1024xf32, #tpu.memory_space<vmem>> -> memref<32x1024xf32, #tpu.memory_space<vmem>>
    %dma_wait3A_492 = arith.constant 0 : i32
    %dma_wait3A_493 = tpu.memref_slice %arg6[%dma_wait3A_486, %dma_wait3A_492] : memref<16x32xi32, #tpu.memory_space<vmem>> -> memref<1x32xi32, #tpu.memory_space<vmem>>
    %dma_wait3A_494 = tpu.memref_squeeze %dma_wait3A_493 : memref<1x32xi32, #tpu.memory_space<vmem>> -> memref<32xi32, #tpu.memory_space<vmem>>
    %dma_wait3A_495 = arith.constant 0 : i32
    %dma_wait3A_496 = arith.constant 0 : i32
    %dma_wait3A_497 = tpu.memref_slice %arg3[%dma_wait3A_495, %dma_wait3A_496] : memref<100000x1024xf32, #tpu.memory_space<hbm>> -> memref<100000x1024xf32, #tpu.memory_space<hbm>>
    tpu.wait_indirect_dma semaphore(%arg9 : memref<!tpu.dma_semaphore, #tpu.memory_space<semaphore_mem>>) src(%dma_wait3A_497 : memref<100000x1024xf32, #tpu.memory_space<hbm>>) dst(%dma_wait3A_491 : memref<32x1024xf32, #tpu.memory_space<vmem>>)
    %parallel_loop3A_498 = arith.constant 0 : i32
    %parallel_loop3A_499 = arith.constant 2048 : i32
    %parallel_loop3A_500 = arith.constant 1 : i32
    scf.for %parallel_loop3A_920 = %parallel_loop3A_498 to %parallel_loop3A_499 step %parallel_loop3A_500  : i32 {
      %parallel_loop3A_921 = arith.constant 64 : i32
      %parallel_loop3A_922 = arith.divsi %parallel_loop3A_920, %parallel_loop3A_921 : i32
      %parallel_loop3A_923 = arith.constant 0 : i32
      %parallel_loop3A_924 = arith.cmpi sgt, %parallel_loop3A_920, %parallel_loop3A_923 : i32
      %parallel_loop3A_925 = arith.extui %parallel_loop3A_924 : i1 to i32
      %parallel_loop3A_926 = arith.constant 0 : i32
      %parallel_loop3A_927 = arith.cmpi slt, %parallel_loop3A_920, %parallel_loop3A_926 : i32
      %parallel_loop3A_928 = arith.extui %parallel_loop3A_927 : i1 to i32
      %parallel_loop3A_929 = arith.subi %parallel_loop3A_925, %parallel_loop3A_928 : i32
      %parallel_loop3A_930 = arith.constant 0 : i32
      %parallel_loop3A_931 = arith.cmpi sgt, %parallel_loop3A_921, %parallel_loop3A_930 : i32
      %parallel_loop3A_932 = arith.extui %parallel_loop3A_931 : i1 to i32
      %parallel_loop3A_933 = arith.constant 0 : i32
      %parallel_loop3A_934 = arith.cmpi slt, %parallel_loop3A_921, %parallel_loop3A_933 : i32
      %parallel_loop3A_935 = arith.extui %parallel_loop3A_934 : i1 to i32
      %parallel_loop3A_936 = arith.subi %parallel_loop3A_932, %parallel_loop3A_935 : i32
      %parallel_loop3A_937 = arith.cmpi ne, %parallel_loop3A_929, %parallel_loop3A_936 : i32
      %parallel_loop3A_938 = arith.remsi %parallel_loop3A_920, %parallel_loop3A_921 : i32
      %parallel_loop3A_939 = arith.constant 0 : i32
      %parallel_loop3A_940 = arith.cmpi ne, %parallel_loop3A_938, %parallel_loop3A_939 : i32
      %parallel_loop3A_941 = arith.andi %parallel_loop3A_937, %parallel_loop3A_940 : i1
      %parallel_loop3A_942 = arith.constant 1 : i32
      %parallel_loop3A_943 = arith.subi %parallel_loop3A_922, %parallel_loop3A_942 : i32
      %parallel_loop3A_944 = arith.select %parallel_loop3A_941, %parallel_loop3A_943, %parallel_loop3A_922 : i32
      %parallel_loop3A_945 = arith.constant 64 : i32
      %parallel_loop3A_946 = arith.muli %parallel_loop3A_944, %parallel_loop3A_945 : i32
      %parallel_loop3A_947 = arith.subi %parallel_loop3A_920, %parallel_loop3A_946 : i32
      %parallel_loop3A_948 = arith.constant 16 : i32
      %parallel_loop3A_949 = arith.muli %parallel_loop3A_947, %parallel_loop3A_948 : i32
      %parallel_loop3A_950 = arith.constant 0 : i32
      %parallel_loop3A_951 = arith.index_cast %parallel_loop3A_950 : i32 to index
      %parallel_loop3A_952 = arith.index_cast %parallel_loop3A_944 : i32 to index
      %parallel_loop3A_953 = arith.index_cast %parallel_loop3A_949 : i32 to index
      %parallel_loop3A_954 = tpu.vector_load %arg8[%parallel_loop3A_951, %parallel_loop3A_952, %parallel_loop3A_953] {strides = array<i32>} : memref<2x32x1024xf32, #tpu.memory_space<vmem>>, vector<1x1x16xf32>,
      %parallel_loop3A_955 = vector.shape_cast %parallel_loop3A_954 : vector<1x1x16xf32> to vector<16xf32>
      %parallel_loop3A_956 = arith.index_cast %parallel_loop3A_944 : i32 to index
      %parallel_loop3A_957 = arith.index_cast %parallel_loop3A_949 : i32 to index
      %parallel_loop3A_958 = tpu.vector_load %arg7[%parallel_loop3A_956, %parallel_loop3A_957] {strides = array<i32>} : memref<32x1024xf32, #tpu.memory_space<vmem>>, vector<1x16xf32>,
      %parallel_loop3A_959 = vector.shape_cast %parallel_loop3A_958 : vector<1x16xf32> to vector<16xf32>
      %parallel_loop3A_960 = arith.addf %parallel_loop3A_955, %parallel_loop3A_959 : vector<16xf32>
      %parallel_loop3A_961 = arith.constant 0 : i32
      %parallel_loop3A_962 = arith.index_cast %parallel_loop3A_961 : i32 to index
      %parallel_loop3A_963 = arith.index_cast %parallel_loop3A_944 : i32 to index
      %parallel_loop3A_964 = arith.index_cast %parallel_loop3A_949 : i32 to index
      %parallel_loop3A_965 = tpu.vector_load %arg8[%parallel_loop3A_962, %parallel_loop3A_963, %parallel_loop3A_964] {strides = array<i32>} : memref<2x32x1024xf32, #tpu.memory_space<vmem>>, vector<1x1x16xf32>,
      %parallel_loop3A_966 = vector.shape_cast %parallel_loop3A_965 : vector<1x1x16xf32> to vector<16xf32>
      %parallel_loop3A_967 = vector.shape_cast %parallel_loop3A_960 : vector<16xf32> to vector<1x1x16xf32>
      tpu.vector_store %arg8[%parallel_loop3A_962, %parallel_loop3A_963, %parallel_loop3A_964], %parallel_loop3A_967 {strides = array<i32>} : memref<2x32x1024xf32, #tpu.memory_space<vmem>>, vector<1x1x16xf32>,
    } {sc.loop_unroll_factor = 8 : i64, sc.parallel_access}
    %add3A_501 = arith.constant 0 : i32
    %add3A_502 = arith.addi %add3A_501, %mul3A_2 : i32
    %add3A_503 = arith.constant 64 : i32
    %add3A_504 = arith.addi %add3A_502, %add3A_503 : i32
    %dma_start3A_505 = arith.constant 0 : i32
    %dma_start3A_506 = arith.constant 0 : i32
    %dma_start3A_507 = arith.constant 0 : i32
    %dma_start3A_508 = tpu.memref_slice %arg8[%dma_start3A_505, %dma_start3A_506, %dma_start3A_507] : memref<2x32x1024xf32, #tpu.memory_space<vmem>> -> memref<1x32x1024xf32, #tpu.memory_space<vmem>>
    %dma_start3A_509 = tpu.memref_squeeze %dma_start3A_508 : memref<1x32x1024xf32, #tpu.memory_space<vmem>> -> memref<32x1024xf32, #tpu.memory_space<vmem>>
    %dma_start3A_510 = arith.constant 0 : i32
    %dma_start3A_511 = tpu.memref_slice %arg5[%add3A_504, %dma_start3A_510] : memref<16384x1024xf32, #tpu.memory_space<hbm>> -> memref<32x1024xf32, #tpu.memory_space<hbm>>
    %dma_start3A_512 = arith.constant 0 : i32
    %dma_start3A_513 = tpu.memref_slice %arg5[%add3A_504, %dma_start3A_512] : memref<16384x1024xf32, #tpu.memory_space<hbm>> -> memref<32x1024xf32, #tpu.memory_space<hbm>>
    %dma_start3A_514 = arith.constant 0 : i32
    %dma_start3A_515 = arith.constant 0 : i32
    %dma_start3A_516 = tpu.memref_slice %arg8[%dma_start3A_505, %dma_start3A_514, %dma_start3A_515] : memref<2x32x1024xf32, #tpu.memory_space<vmem>> -> memref<1x32x1024xf32, #tpu.memory_space<vmem>>
    %dma_start3A_517 = tpu.memref_squeeze %dma_start3A_516 : memref<1x32x1024xf32, #tpu.memory_space<vmem>> -> memref<32x1024xf32, #tpu.memory_space<vmem>>
    tpu.enqueue_dma source(%dma_start3A_517 : memref<32x1024xf32, #tpu.memory_space<vmem>>) target(%dma_start3A_513 : memref<32x1024xf32, #tpu.memory_space<hbm>>) target_semaphore(%arg11 : memref<!tpu.dma_semaphore, #tpu.memory_space<semaphore_mem>>)
    %dma_wait3A_518 = arith.constant 0 : i32
    %dma_wait3A_519 = arith.constant 0 : i32
    %dma_wait3A_520 = arith.constant 0 : i32
    %dma_wait3A_521 = tpu.memref_slice %arg8[%dma_wait3A_518, %dma_wait3A_519, %dma_wait3A_520] : memref<2x32x1024xf32, #tpu.memory_space<vmem>> -> memref<1x32x1024xf32, #tpu.memory_space<vmem>>
    %dma_wait3A_522 = tpu.memref_squeeze %dma_wait3A_521 : memref<1x32x1024xf32, #tpu.memory_space<vmem>> -> memref<32x1024xf32, #tpu.memory_space<vmem>>
    %dma_wait3A_523 = arith.constant 0 : i32
    %dma_wait3A_524 = tpu.memref_slice %arg5[%add3A_504, %dma_wait3A_523] : memref<16384x1024xf32, #tpu.memory_space<hbm>> -> memref<32x1024xf32, #tpu.memory_space<hbm>>
    %dma_wait3A_525 = arith.constant 0 : i32
    %dma_wait3A_526 = tpu.memref_slice %arg5[%add3A_504, %dma_wait3A_525] : memref<16384x1024xf32, #tpu.memory_space<hbm>> -> memref<32x1024xf32, #tpu.memory_space<hbm>>
    %dma_wait3A_527 = arith.constant 0 : i32
    %dma_wait3A_528 = arith.constant 0 : i32
    %dma_wait3A_529 = tpu.memref_slice %arg8[%dma_wait3A_518, %dma_wait3A_527, %dma_wait3A_528] : memref<2x32x1024xf32, #tpu.memory_space<vmem>> -> memref<1x32x1024xf32, #tpu.memory_space<vmem>>
    %dma_wait3A_530 = tpu.memref_squeeze %dma_wait3A_529 : memref<1x32x1024xf32, #tpu.memory_space<vmem>> -> memref<32x1024xf32, #tpu.memory_space<vmem>>
    tpu.wait_dma2 semaphore(%arg11 : memref<!tpu.dma_semaphore, #tpu.memory_space<semaphore_mem>>) src(%dma_wait3A_530 : memref<32x1024xf32, #tpu.memory_space<vmem>>) dst(%dma_wait3A_526 : memref<32x1024xf32, #tpu.memory_space<hbm>>)
    %dma_start3A_531 = arith.constant 10 : i32
    %dma_start3A_532 = arith.constant 0 : i32
    %dma_start3A_533 = arith.constant 0 : i32
    %dma_start3A_534 = arith.constant 0 : i32
    %dma_start3A_535 = tpu.memref_slice %arg8[%dma_start3A_532, %dma_start3A_533, %dma_start3A_534] : memref<2x32x1024xf32, #tpu.memory_space<vmem>> -> memref<1x32x1024xf32, #tpu.memory_space<vmem>>
    %dma_start3A_536 = tpu.memref_squeeze %dma_start3A_535 : memref<1x32x1024xf32, #tpu.memory_space<vmem>> -> memref<32x1024xf32, #tpu.memory_space<vmem>>
    %dma_start3A_537 = arith.constant 0 : i32
    %dma_start3A_538 = tpu.memref_slice %arg6[%dma_start3A_531, %dma_start3A_537] : memref<16x32xi32, #tpu.memory_space<vmem>> -> memref<1x32xi32, #tpu.memory_space<vmem>>
    %dma_start3A_539 = tpu.memref_squeeze %dma_start3A_538 : memref<1x32xi32, #tpu.memory_space<vmem>> -> memref<32xi32, #tpu.memory_space<vmem>>
    %dma_start3A_540 = arith.constant 0 : i32
    %dma_start3A_541 = arith.constant 0 : i32
    %dma_start3A_542 = tpu.memref_slice %arg3[%dma_start3A_540, %dma_start3A_541] : memref<100000x1024xf32, #tpu.memory_space<hbm>> -> memref<100000x1024xf32, #tpu.memory_space<hbm>>
    tpu.enqueue_indirect_dma source(%dma_start3A_542 : memref<100000x1024xf32, #tpu.memory_space<hbm>>) target(%dma_start3A_536 : memref<32x1024xf32, #tpu.memory_space<vmem>>) offsets(%dma_start3A_539 : memref<32xi32, #tpu.memory_space<vmem>>) semaphore(%arg9 : memref<!tpu.dma_semaphore, #tpu.memory_space<semaphore_mem>>)
    %dma_wait3A_543 = arith.constant 9 : i32
    %dma_wait3A_544 = arith.constant 1 : i32
    %dma_wait3A_545 = arith.constant 0 : i32
    %dma_wait3A_546 = arith.constant 0 : i32
    %dma_wait3A_547 = tpu.memref_slice %arg8[%dma_wait3A_544, %dma_wait3A_545, %dma_wait3A_546] : memref<2x32x1024xf32, #tpu.memory_space<vmem>> -> memref<1x32x1024xf32, #tpu.memory_space<vmem>>
    %dma_wait3A_548 = tpu.memref_squeeze %dma_wait3A_547 : memref<1x32x1024xf32, #tpu.memory_space<vmem>> -> memref<32x1024xf32, #tpu.memory_space<vmem>>
    %dma_wait3A_549 = arith.constant 0 : i32
    %dma_wait3A_550 = tpu.memref_slice %arg6[%dma_wait3A_543, %dma_wait3A_549] : memref<16x32xi32, #tpu.memory_space<vmem>> -> memref<1x32xi32, #tpu.memory_space<vmem>>
    %dma_wait3A_551 = tpu.memref_squeeze %dma_wait3A_550 : memref<1x32xi32, #tpu.memory_space<vmem>> -> memref<32xi32, #tpu.memory_space<vmem>>
    %dma_wait3A_552 = arith.constant 0 : i32
    %dma_wait3A_553 = arith.constant 0 : i32
    %dma_wait3A_554 = tpu.memref_slice %arg3[%dma_wait3A_552, %dma_wait3A_553] : memref<100000x1024xf32, #tpu.memory_space<hbm>> -> memref<100000x1024xf32, #tpu.memory_space<hbm>>
    tpu.wait_indirect_dma semaphore(%arg10 : memref<!tpu.dma_semaphore, #tpu.memory_space<semaphore_mem>>) src(%dma_wait3A_554 : memref<100000x1024xf32, #tpu.memory_space<hbm>>) dst(%dma_wait3A_548 : memref<32x1024xf32, #tpu.memory_space<vmem>>)
    %parallel_loop3A_555 = arith.constant 0 : i32
    %parallel_loop3A_556 = arith.constant 2048 : i32
    %parallel_loop3A_557 = arith.constant 1 : i32
    scf.for %parallel_loop3A_920 = %parallel_loop3A_555 to %parallel_loop3A_556 step %parallel_loop3A_557  : i32 {
      %parallel_loop3A_921 = arith.constant 64 : i32
      %parallel_loop3A_922 = arith.divsi %parallel_loop3A_920, %parallel_loop3A_921 : i32
      %parallel_loop3A_923 = arith.constant 0 : i32
      %parallel_loop3A_924 = arith.cmpi sgt, %parallel_loop3A_920, %parallel_loop3A_923 : i32
      %parallel_loop3A_925 = arith.extui %parallel_loop3A_924 : i1 to i32
      %parallel_loop3A_926 = arith.constant 0 : i32
      %parallel_loop3A_927 = arith.cmpi slt, %parallel_loop3A_920, %parallel_loop3A_926 : i32
      %parallel_loop3A_928 = arith.extui %parallel_loop3A_927 : i1 to i32
      %parallel_loop3A_929 = arith.subi %parallel_loop3A_925, %parallel_loop3A_928 : i32
      %parallel_loop3A_930 = arith.constant 0 : i32
      %parallel_loop3A_931 = arith.cmpi sgt, %parallel_loop3A_921, %parallel_loop3A_930 : i32
      %parallel_loop3A_932 = arith.extui %parallel_loop3A_931 : i1 to i32
      %parallel_loop3A_933 = arith.constant 0 : i32
      %parallel_loop3A_934 = arith.cmpi slt, %parallel_loop3A_921, %parallel_loop3A_933 : i32
      %parallel_loop3A_935 = arith.extui %parallel_loop3A_934 : i1 to i32
      %parallel_loop3A_936 = arith.subi %parallel_loop3A_932, %parallel_loop3A_935 : i32
      %parallel_loop3A_937 = arith.cmpi ne, %parallel_loop3A_929, %parallel_loop3A_936 : i32
      %parallel_loop3A_938 = arith.remsi %parallel_loop3A_920, %parallel_loop3A_921 : i32
      %parallel_loop3A_939 = arith.constant 0 : i32
      %parallel_loop3A_940 = arith.cmpi ne, %parallel_loop3A_938, %parallel_loop3A_939 : i32
      %parallel_loop3A_941 = arith.andi %parallel_loop3A_937, %parallel_loop3A_940 : i1
      %parallel_loop3A_942 = arith.constant 1 : i32
      %parallel_loop3A_943 = arith.subi %parallel_loop3A_922, %parallel_loop3A_942 : i32
      %parallel_loop3A_944 = arith.select %parallel_loop3A_941, %parallel_loop3A_943, %parallel_loop3A_922 : i32
      %parallel_loop3A_945 = arith.constant 64 : i32
      %parallel_loop3A_946 = arith.muli %parallel_loop3A_944, %parallel_loop3A_945 : i32
      %parallel_loop3A_947 = arith.subi %parallel_loop3A_920, %parallel_loop3A_946 : i32
      %parallel_loop3A_948 = arith.constant 16 : i32
      %parallel_loop3A_949 = arith.muli %parallel_loop3A_947, %parallel_loop3A_948 : i32
      %parallel_loop3A_950 = arith.constant 1 : i32
      %parallel_loop3A_951 = arith.index_cast %parallel_loop3A_950 : i32 to index
      %parallel_loop3A_952 = arith.index_cast %parallel_loop3A_944 : i32 to index
      %parallel_loop3A_953 = arith.index_cast %parallel_loop3A_949 : i32 to index
      %parallel_loop3A_954 = tpu.vector_load %arg8[%parallel_loop3A_951, %parallel_loop3A_952, %parallel_loop3A_953] {strides = array<i32>} : memref<2x32x1024xf32, #tpu.memory_space<vmem>>, vector<1x1x16xf32>,
      %parallel_loop3A_955 = vector.shape_cast %parallel_loop3A_954 : vector<1x1x16xf32> to vector<16xf32>
      %parallel_loop3A_956 = arith.index_cast %parallel_loop3A_944 : i32 to index
      %parallel_loop3A_957 = arith.index_cast %parallel_loop3A_949 : i32 to index
      %parallel_loop3A_958 = tpu.vector_load %arg7[%parallel_loop3A_956, %parallel_loop3A_957] {strides = array<i32>} : memref<32x1024xf32, #tpu.memory_space<vmem>>, vector<1x16xf32>,
      %parallel_loop3A_959 = vector.shape_cast %parallel_loop3A_958 : vector<1x16xf32> to vector<16xf32>
      %parallel_loop3A_960 = arith.addf %parallel_loop3A_955, %parallel_loop3A_959 : vector<16xf32>
      %parallel_loop3A_961 = arith.constant 1 : i32
      %parallel_loop3A_962 = arith.index_cast %parallel_loop3A_961 : i32 to index
      %parallel_loop3A_963 = arith.index_cast %parallel_loop3A_944 : i32 to index
      %parallel_loop3A_964 = arith.index_cast %parallel_loop3A_949 : i32 to index
      %parallel_loop3A_965 = tpu.vector_load %arg8[%parallel_loop3A_962, %parallel_loop3A_963, %parallel_loop3A_964] {strides = array<i32>} : memref<2x32x1024xf32, #tpu.memory_space<vmem>>, vector<1x1x16xf32>,
      %parallel_loop3A_966 = vector.shape_cast %parallel_loop3A_965 : vector<1x1x16xf32> to vector<16xf32>
      %parallel_loop3A_967 = vector.shape_cast %parallel_loop3A_960 : vector<16xf32> to vector<1x1x16xf32>
      tpu.vector_store %arg8[%parallel_loop3A_962, %parallel_loop3A_963, %parallel_loop3A_964], %parallel_loop3A_967 {strides = array<i32>} : memref<2x32x1024xf32, #tpu.memory_space<vmem>>, vector<1x1x16xf32>,
    } {sc.loop_unroll_factor = 8 : i64, sc.parallel_access}
    %add3A_558 = arith.constant 4096 : i32
    %add3A_559 = arith.addi %add3A_558, %mul3A_2 : i32
    %add3A_560 = arith.constant 64 : i32
    %add3A_561 = arith.addi %add3A_559, %add3A_560 : i32
    %dma_start3A_562 = arith.constant 1 : i32
    %dma_start3A_563 = arith.constant 0 : i32
    %dma_start3A_564 = arith.constant 0 : i32
    %dma_start3A_565 = tpu.memref_slice %arg8[%dma_start3A_562, %dma_start3A_563, %dma_start3A_564] : memref<2x32x1024xf32, #tpu.memory_space<vmem>> -> memref<1x32x1024xf32, #tpu.memory_space<vmem>>
    %dma_start3A_566 = tpu.memref_squeeze %dma_start3A_565 : memref<1x32x1024xf32, #tpu.memory_space<vmem>> -> memref<32x1024xf32, #tpu.memory_space<vmem>>
    %dma_start3A_567 = arith.constant 0 : i32
    %dma_start3A_568 = tpu.memref_slice %arg5[%add3A_561, %dma_start3A_567] : memref<16384x1024xf32, #tpu.memory_space<hbm>> -> memref<32x1024xf32, #tpu.memory_space<hbm>>
    %dma_start3A_569 = arith.constant 0 : i32
    %dma_start3A_570 = tpu.memref_slice %arg5[%add3A_561, %dma_start3A_569] : memref<16384x1024xf32, #tpu.memory_space<hbm>> -> memref<32x1024xf32, #tpu.memory_space<hbm>>
    %dma_start3A_571 = arith.constant 0 : i32
    %dma_start3A_572 = arith.constant 0 : i32
    %dma_start3A_573 = tpu.memref_slice %arg8[%dma_start3A_562, %dma_start3A_571, %dma_start3A_572] : memref<2x32x1024xf32, #tpu.memory_space<vmem>> -> memref<1x32x1024xf32, #tpu.memory_space<vmem>>
    %dma_start3A_574 = tpu.memref_squeeze %dma_start3A_573 : memref<1x32x1024xf32, #tpu.memory_space<vmem>> -> memref<32x1024xf32, #tpu.memory_space<vmem>>
    tpu.enqueue_dma source(%dma_start3A_574 : memref<32x1024xf32, #tpu.memory_space<vmem>>) target(%dma_start3A_570 : memref<32x1024xf32, #tpu.memory_space<hbm>>) target_semaphore(%arg12 : memref<!tpu.dma_semaphore, #tpu.memory_space<semaphore_mem>>)
    %dma_wait3A_575 = arith.constant 1 : i32
    %dma_wait3A_576 = arith.constant 0 : i32
    %dma_wait3A_577 = arith.constant 0 : i32
    %dma_wait3A_578 = tpu.memref_slice %arg8[%dma_wait3A_575, %dma_wait3A_576, %dma_wait3A_577] : memref<2x32x1024xf32, #tpu.memory_space<vmem>> -> memref<1x32x1024xf32, #tpu.memory_space<vmem>>
    %dma_wait3A_579 = tpu.memref_squeeze %dma_wait3A_578 : memref<1x32x1024xf32, #tpu.memory_space<vmem>> -> memref<32x1024xf32, #tpu.memory_space<vmem>>
    %dma_wait3A_580 = arith.constant 0 : i32
    %dma_wait3A_581 = tpu.memref_slice %arg5[%add3A_561, %dma_wait3A_580] : memref<16384x1024xf32, #tpu.memory_space<hbm>> -> memref<32x1024xf32, #tpu.memory_space<hbm>>
    %dma_wait3A_582 = arith.constant 0 : i32
    %dma_wait3A_583 = tpu.memref_slice %arg5[%add3A_561, %dma_wait3A_582] : memref<16384x1024xf32, #tpu.memory_space<hbm>> -> memref<32x1024xf32, #tpu.memory_space<hbm>>
    %dma_wait3A_584 = arith.constant 0 : i32
    %dma_wait3A_585 = arith.constant 0 : i32
    %dma_wait3A_586 = tpu.memref_slice %arg8[%dma_wait3A_575, %dma_wait3A_584, %dma_wait3A_585] : memref<2x32x1024xf32, #tpu.memory_space<vmem>> -> memref<1x32x1024xf32, #tpu.memory_space<vmem>>
    %dma_wait3A_587 = tpu.memref_squeeze %dma_wait3A_586 : memref<1x32x1024xf32, #tpu.memory_space<vmem>> -> memref<32x1024xf32, #tpu.memory_space<vmem>>
    tpu.wait_dma2 semaphore(%arg12 : memref<!tpu.dma_semaphore, #tpu.memory_space<semaphore_mem>>) src(%dma_wait3A_587 : memref<32x1024xf32, #tpu.memory_space<vmem>>) dst(%dma_wait3A_583 : memref<32x1024xf32, #tpu.memory_space<hbm>>)
    %dma_start3A_588 = arith.constant 11 : i32
    %dma_start3A_589 = arith.constant 1 : i32
    %dma_start3A_590 = arith.constant 0 : i32
    %dma_start3A_591 = arith.constant 0 : i32
    %dma_start3A_592 = tpu.memref_slice %arg8[%dma_start3A_589, %dma_start3A_590, %dma_start3A_591] : memref<2x32x1024xf32, #tpu.memory_space<vmem>> -> memref<1x32x1024xf32, #tpu.memory_space<vmem>>
    %dma_start3A_593 = tpu.memref_squeeze %dma_start3A_592 : memref<1x32x1024xf32, #tpu.memory_space<vmem>> -> memref<32x1024xf32, #tpu.memory_space<vmem>>
    %dma_start3A_594 = arith.constant 0 : i32
    %dma_start3A_595 = tpu.memref_slice %arg6[%dma_start3A_588, %dma_start3A_594] : memref<16x32xi32, #tpu.memory_space<vmem>> -> memref<1x32xi32, #tpu.memory_space<vmem>>
    %dma_start3A_596 = tpu.memref_squeeze %dma_start3A_595 : memref<1x32xi32, #tpu.memory_space<vmem>> -> memref<32xi32, #tpu.memory_space<vmem>>
    %dma_start3A_597 = arith.constant 0 : i32
    %dma_start3A_598 = arith.constant 0 : i32
    %dma_start3A_599 = tpu.memref_slice %arg3[%dma_start3A_597, %dma_start3A_598] : memref<100000x1024xf32, #tpu.memory_space<hbm>> -> memref<100000x1024xf32, #tpu.memory_space<hbm>>
    tpu.enqueue_indirect_dma source(%dma_start3A_599 : memref<100000x1024xf32, #tpu.memory_space<hbm>>) target(%dma_start3A_593 : memref<32x1024xf32, #tpu.memory_space<vmem>>) offsets(%dma_start3A_596 : memref<32xi32, #tpu.memory_space<vmem>>) semaphore(%arg10 : memref<!tpu.dma_semaphore, #tpu.memory_space<semaphore_mem>>)
    %dma_wait3A_600 = arith.constant 10 : i32
    %dma_wait3A_601 = arith.constant 0 : i32
    %dma_wait3A_602 = arith.constant 0 : i32
    %dma_wait3A_603 = arith.constant 0 : i32
    %dma_wait3A_604 = tpu.memref_slice %arg8[%dma_wait3A_601, %dma_wait3A_602, %dma_wait3A_603] : memref<2x32x1024xf32, #tpu.memory_space<vmem>> -> memref<1x32x1024xf32, #tpu.memory_space<vmem>>
    %dma_wait3A_605 = tpu.memref_squeeze %dma_wait3A_604 : memref<1x32x1024xf32, #tpu.memory_space<vmem>> -> memref<32x1024xf32, #tpu.memory_space<vmem>>
    %dma_wait3A_606 = arith.constant 0 : i32
    %dma_wait3A_607 = tpu.memref_slice %arg6[%dma_wait3A_600, %dma_wait3A_606] : memref<16x32xi32, #tpu.memory_space<vmem>> -> memref<1x32xi32, #tpu.memory_space<vmem>>
    %dma_wait3A_608 = tpu.memref_squeeze %dma_wait3A_607 : memref<1x32xi32, #tpu.memory_space<vmem>> -> memref<32xi32, #tpu.memory_space<vmem>>
    %dma_wait3A_609 = arith.constant 0 : i32
    %dma_wait3A_610 = arith.constant 0 : i32
    %dma_wait3A_611 = tpu.memref_slice %arg3[%dma_wait3A_609, %dma_wait3A_610] : memref<100000x1024xf32, #tpu.memory_space<hbm>> -> memref<100000x1024xf32, #tpu.memory_space<hbm>>
    tpu.wait_indirect_dma semaphore(%arg9 : memref<!tpu.dma_semaphore, #tpu.memory_space<semaphore_mem>>) src(%dma_wait3A_611 : memref<100000x1024xf32, #tpu.memory_space<hbm>>) dst(%dma_wait3A_605 : memref<32x1024xf32, #tpu.memory_space<vmem>>)
    %parallel_loop3A_612 = arith.constant 0 : i32
    %parallel_loop3A_613 = arith.constant 2048 : i32
    %parallel_loop3A_614 = arith.constant 1 : i32
    scf.for %parallel_loop3A_920 = %parallel_loop3A_612 to %parallel_loop3A_613 step %parallel_loop3A_614  : i32 {
      %parallel_loop3A_921 = arith.constant 64 : i32
      %parallel_loop3A_922 = arith.divsi %parallel_loop3A_920, %parallel_loop3A_921 : i32
      %parallel_loop3A_923 = arith.constant 0 : i32
      %parallel_loop3A_924 = arith.cmpi sgt, %parallel_loop3A_920, %parallel_loop3A_923 : i32
      %parallel_loop3A_925 = arith.extui %parallel_loop3A_924 : i1 to i32
      %parallel_loop3A_926 = arith.constant 0 : i32
      %parallel_loop3A_927 = arith.cmpi slt, %parallel_loop3A_920, %parallel_loop3A_926 : i32
      %parallel_loop3A_928 = arith.extui %parallel_loop3A_927 : i1 to i32
      %parallel_loop3A_929 = arith.subi %parallel_loop3A_925, %parallel_loop3A_928 : i32
      %parallel_loop3A_930 = arith.constant 0 : i32
      %parallel_loop3A_931 = arith.cmpi sgt, %parallel_loop3A_921, %parallel_loop3A_930 : i32
      %parallel_loop3A_932 = arith.extui %parallel_loop3A_931 : i1 to i32
      %parallel_loop3A_933 = arith.constant 0 : i32
      %parallel_loop3A_934 = arith.cmpi slt, %parallel_loop3A_921, %parallel_loop3A_933 : i32
      %parallel_loop3A_935 = arith.extui %parallel_loop3A_934 : i1 to i32
      %parallel_loop3A_936 = arith.subi %parallel_loop3A_932, %parallel_loop3A_935 : i32
      %parallel_loop3A_937 = arith.cmpi ne, %parallel_loop3A_929, %parallel_loop3A_936 : i32
      %parallel_loop3A_938 = arith.remsi %parallel_loop3A_920, %parallel_loop3A_921 : i32
      %parallel_loop3A_939 = arith.constant 0 : i32
      %parallel_loop3A_940 = arith.cmpi ne, %parallel_loop3A_938, %parallel_loop3A_939 : i32
      %parallel_loop3A_941 = arith.andi %parallel_loop3A_937, %parallel_loop3A_940 : i1
      %parallel_loop3A_942 = arith.constant 1 : i32
      %parallel_loop3A_943 = arith.subi %parallel_loop3A_922, %parallel_loop3A_942 : i32
      %parallel_loop3A_944 = arith.select %parallel_loop3A_941, %parallel_loop3A_943, %parallel_loop3A_922 : i32
      %parallel_loop3A_945 = arith.constant 64 : i32
      %parallel_loop3A_946 = arith.muli %parallel_loop3A_944, %parallel_loop3A_945 : i32
      %parallel_loop3A_947 = arith.subi %parallel_loop3A_920, %parallel_loop3A_946 : i32
      %parallel_loop3A_948 = arith.constant 16 : i32
      %parallel_loop3A_949 = arith.muli %parallel_loop3A_947, %parallel_loop3A_948 : i32
      %parallel_loop3A_950 = arith.constant 0 : i32
      %parallel_loop3A_951 = arith.index_cast %parallel_loop3A_950 : i32 to index
      %parallel_loop3A_952 = arith.index_cast %parallel_loop3A_944 : i32 to index
      %parallel_loop3A_953 = arith.index_cast %parallel_loop3A_949 : i32 to index
      %parallel_loop3A_954 = tpu.vector_load %arg8[%parallel_loop3A_951, %parallel_loop3A_952, %parallel_loop3A_953] {strides = array<i32>} : memref<2x32x1024xf32, #tpu.memory_space<vmem>>, vector<1x1x16xf32>,
      %parallel_loop3A_955 = vector.shape_cast %parallel_loop3A_954 : vector<1x1x16xf32> to vector<16xf32>
      %parallel_loop3A_956 = arith.index_cast %parallel_loop3A_944 : i32 to index
      %parallel_loop3A_957 = arith.index_cast %parallel_loop3A_949 : i32 to index
      %parallel_loop3A_958 = tpu.vector_load %arg7[%parallel_loop3A_956, %parallel_loop3A_957] {strides = array<i32>} : memref<32x1024xf32, #tpu.memory_space<vmem>>, vector<1x16xf32>,
      %parallel_loop3A_959 = vector.shape_cast %parallel_loop3A_958 : vector<1x16xf32> to vector<16xf32>
      %parallel_loop3A_960 = arith.addf %parallel_loop3A_955, %parallel_loop3A_959 : vector<16xf32>
      %parallel_loop3A_961 = arith.constant 0 : i32
      %parallel_loop3A_962 = arith.index_cast %parallel_loop3A_961 : i32 to index
      %parallel_loop3A_963 = arith.index_cast %parallel_loop3A_944 : i32 to index
      %parallel_loop3A_964 = arith.index_cast %parallel_loop3A_949 : i32 to index
      %parallel_loop3A_965 = tpu.vector_load %arg8[%parallel_loop3A_962, %parallel_loop3A_963, %parallel_loop3A_964] {strides = array<i32>} : memref<2x32x1024xf32, #tpu.memory_space<vmem>>, vector<1x1x16xf32>,
      %parallel_loop3A_966 = vector.shape_cast %parallel_loop3A_965 : vector<1x1x16xf32> to vector<16xf32>
      %parallel_loop3A_967 = vector.shape_cast %parallel_loop3A_960 : vector<16xf32> to vector<1x1x16xf32>
      tpu.vector_store %arg8[%parallel_loop3A_962, %parallel_loop3A_963, %parallel_loop3A_964], %parallel_loop3A_967 {strides = array<i32>} : memref<2x32x1024xf32, #tpu.memory_space<vmem>>, vector<1x1x16xf32>,
    } {sc.loop_unroll_factor = 8 : i64, sc.parallel_access}
    %add3A_615 = arith.constant 8192 : i32
    %add3A_616 = arith.addi %add3A_615, %mul3A_2 : i32
    %add3A_617 = arith.constant 64 : i32
    %add3A_618 = arith.addi %add3A_616, %add3A_617 : i32
    %dma_start3A_619 = arith.constant 0 : i32
    %dma_start3A_620 = arith.constant 0 : i32
    %dma_start3A_621 = arith.constant 0 : i32
    %dma_start3A_622 = tpu.memref_slice %arg8[%dma_start3A_619, %dma_start3A_620, %dma_start3A_621] : memref<2x32x1024xf32, #tpu.memory_space<vmem>> -> memref<1x32x1024xf32, #tpu.memory_space<vmem>>
    %dma_start3A_623 = tpu.memref_squeeze %dma_start3A_622 : memref<1x32x1024xf32, #tpu.memory_space<vmem>> -> memref<32x1024xf32, #tpu.memory_space<vmem>>
    %dma_start3A_624 = arith.constant 0 : i32
    %dma_start3A_625 = tpu.memref_slice %arg5[%add3A_618, %dma_start3A_624] : memref<16384x1024xf32, #tpu.memory_space<hbm>> -> memref<32x1024xf32, #tpu.memory_space<hbm>>
    %dma_start3A_626 = arith.constant 0 : i32
    %dma_start3A_627 = tpu.memref_slice %arg5[%add3A_618, %dma_start3A_626] : memref<16384x1024xf32, #tpu.memory_space<hbm>> -> memref<32x1024xf32, #tpu.memory_space<hbm>>
    %dma_start3A_628 = arith.constant 0 : i32
    %dma_start3A_629 = arith.constant 0 : i32
    %dma_start3A_630 = tpu.memref_slice %arg8[%dma_start3A_619, %dma_start3A_628, %dma_start3A_629] : memref<2x32x1024xf32, #tpu.memory_space<vmem>> -> memref<1x32x1024xf32, #tpu.memory_space<vmem>>
    %dma_start3A_631 = tpu.memref_squeeze %dma_start3A_630 : memref<1x32x1024xf32, #tpu.memory_space<vmem>> -> memref<32x1024xf32, #tpu.memory_space<vmem>>
    tpu.enqueue_dma source(%dma_start3A_631 : memref<32x1024xf32, #tpu.memory_space<vmem>>) target(%dma_start3A_627 : memref<32x1024xf32, #tpu.memory_space<hbm>>) target_semaphore(%arg11 : memref<!tpu.dma_semaphore, #tpu.memory_space<semaphore_mem>>)
    %dma_wait3A_632 = arith.constant 0 : i32
    %dma_wait3A_633 = arith.constant 0 : i32
    %dma_wait3A_634 = arith.constant 0 : i32
    %dma_wait3A_635 = tpu.memref_slice %arg8[%dma_wait3A_632, %dma_wait3A_633, %dma_wait3A_634] : memref<2x32x1024xf32, #tpu.memory_space<vmem>> -> memref<1x32x1024xf32, #tpu.memory_space<vmem>>
    %dma_wait3A_636 = tpu.memref_squeeze %dma_wait3A_635 : memref<1x32x1024xf32, #tpu.memory_space<vmem>> -> memref<32x1024xf32, #tpu.memory_space<vmem>>
    %dma_wait3A_637 = arith.constant 0 : i32
    %dma_wait3A_638 = tpu.memref_slice %arg5[%add3A_618, %dma_wait3A_637] : memref<16384x1024xf32, #tpu.memory_space<hbm>> -> memref<32x1024xf32, #tpu.memory_space<hbm>>
    %dma_wait3A_639 = arith.constant 0 : i32
    %dma_wait3A_640 = tpu.memref_slice %arg5[%add3A_618, %dma_wait3A_639] : memref<16384x1024xf32, #tpu.memory_space<hbm>> -> memref<32x1024xf32, #tpu.memory_space<hbm>>
    %dma_wait3A_641 = arith.constant 0 : i32
    %dma_wait3A_642 = arith.constant 0 : i32
    %dma_wait3A_643 = tpu.memref_slice %arg8[%dma_wait3A_632, %dma_wait3A_641, %dma_wait3A_642] : memref<2x32x1024xf32, #tpu.memory_space<vmem>> -> memref<1x32x1024xf32, #tpu.memory_space<vmem>>
    %dma_wait3A_644 = tpu.memref_squeeze %dma_wait3A_643 : memref<1x32x1024xf32, #tpu.memory_space<vmem>> -> memref<32x1024xf32, #tpu.memory_space<vmem>>
    tpu.wait_dma2 semaphore(%arg11 : memref<!tpu.dma_semaphore, #tpu.memory_space<semaphore_mem>>) src(%dma_wait3A_644 : memref<32x1024xf32, #tpu.memory_space<vmem>>) dst(%dma_wait3A_640 : memref<32x1024xf32, #tpu.memory_space<hbm>>)
    %dma_start3A_645 = arith.constant 12 : i32
    %dma_start3A_646 = arith.constant 0 : i32
    %dma_start3A_647 = arith.constant 0 : i32
    %dma_start3A_648 = arith.constant 0 : i32
    %dma_start3A_649 = tpu.memref_slice %arg8[%dma_start3A_646, %dma_start3A_647, %dma_start3A_648] : memref<2x32x1024xf32, #tpu.memory_space<vmem>> -> memref<1x32x1024xf32, #tpu.memory_space<vmem>>
    %dma_start3A_650 = tpu.memref_squeeze %dma_start3A_649 : memref<1x32x1024xf32, #tpu.memory_space<vmem>> -> memref<32x1024xf32, #tpu.memory_space<vmem>>
    %dma_start3A_651 = arith.constant 0 : i32
    %dma_start3A_652 = tpu.memref_slice %arg6[%dma_start3A_645, %dma_start3A_651] : memref<16x32xi32, #tpu.memory_space<vmem>> -> memref<1x32xi32, #tpu.memory_space<vmem>>
    %dma_start3A_653 = tpu.memref_squeeze %dma_start3A_652 : memref<1x32xi32, #tpu.memory_space<vmem>> -> memref<32xi32, #tpu.memory_space<vmem>>
    %dma_start3A_654 = arith.constant 0 : i32
    %dma_start3A_655 = arith.constant 0 : i32
    %dma_start3A_656 = tpu.memref_slice %arg3[%dma_start3A_654, %dma_start3A_655] : memref<100000x1024xf32, #tpu.memory_space<hbm>> -> memref<100000x1024xf32, #tpu.memory_space<hbm>>
    tpu.enqueue_indirect_dma source(%dma_start3A_656 : memref<100000x1024xf32, #tpu.memory_space<hbm>>) target(%dma_start3A_650 : memref<32x1024xf32, #tpu.memory_space<vmem>>) offsets(%dma_start3A_653 : memref<32xi32, #tpu.memory_space<vmem>>) semaphore(%arg9 : memref<!tpu.dma_semaphore, #tpu.memory_space<semaphore_mem>>)
    %dma_wait3A_657 = arith.constant 11 : i32
    %dma_wait3A_658 = arith.constant 1 : i32
    %dma_wait3A_659 = arith.constant 0 : i32
    %dma_wait3A_660 = arith.constant 0 : i32
    %dma_wait3A_661 = tpu.memref_slice %arg8[%dma_wait3A_658, %dma_wait3A_659, %dma_wait3A_660] : memref<2x32x1024xf32, #tpu.memory_space<vmem>> -> memref<1x32x1024xf32, #tpu.memory_space<vmem>>
    %dma_wait3A_662 = tpu.memref_squeeze %dma_wait3A_661 : memref<1x32x1024xf32, #tpu.memory_space<vmem>> -> memref<32x1024xf32, #tpu.memory_space<vmem>>
    %dma_wait3A_663 = arith.constant 0 : i32
    %dma_wait3A_664 = tpu.memref_slice %arg6[%dma_wait3A_657, %dma_wait3A_663] : memref<16x32xi32, #tpu.memory_space<vmem>> -> memref<1x32xi32, #tpu.memory_space<vmem>>
    %dma_wait3A_665 = tpu.memref_squeeze %dma_wait3A_664 : memref<1x32xi32, #tpu.memory_space<vmem>> -> memref<32xi32, #tpu.memory_space<vmem>>
    %dma_wait3A_666 = arith.constant 0 : i32
    %dma_wait3A_667 = arith.constant 0 : i32
    %dma_wait3A_668 = tpu.memref_slice %arg3[%dma_wait3A_666, %dma_wait3A_667] : memref<100000x1024xf32, #tpu.memory_space<hbm>> -> memref<100000x1024xf32, #tpu.memory_space<hbm>>
    tpu.wait_indirect_dma semaphore(%arg10 : memref<!tpu.dma_semaphore, #tpu.memory_space<semaphore_mem>>) src(%dma_wait3A_668 : memref<100000x1024xf32, #tpu.memory_space<hbm>>) dst(%dma_wait3A_662 : memref<32x1024xf32, #tpu.memory_space<vmem>>)
    %parallel_loop3A_669 = arith.constant 0 : i32
    %parallel_loop3A_670 = arith.constant 2048 : i32
    %parallel_loop3A_671 = arith.constant 1 : i32
    scf.for %parallel_loop3A_920 = %parallel_loop3A_669 to %parallel_loop3A_670 step %parallel_loop3A_671  : i32 {
      %parallel_loop3A_921 = arith.constant 64 : i32
      %parallel_loop3A_922 = arith.divsi %parallel_loop3A_920, %parallel_loop3A_921 : i32
      %parallel_loop3A_923 = arith.constant 0 : i32
      %parallel_loop3A_924 = arith.cmpi sgt, %parallel_loop3A_920, %parallel_loop3A_923 : i32
      %parallel_loop3A_925 = arith.extui %parallel_loop3A_924 : i1 to i32
      %parallel_loop3A_926 = arith.constant 0 : i32
      %parallel_loop3A_927 = arith.cmpi slt, %parallel_loop3A_920, %parallel_loop3A_926 : i32
      %parallel_loop3A_928 = arith.extui %parallel_loop3A_927 : i1 to i32
      %parallel_loop3A_929 = arith.subi %parallel_loop3A_925, %parallel_loop3A_928 : i32
      %parallel_loop3A_930 = arith.constant 0 : i32
      %parallel_loop3A_931 = arith.cmpi sgt, %parallel_loop3A_921, %parallel_loop3A_930 : i32
      %parallel_loop3A_932 = arith.extui %parallel_loop3A_931 : i1 to i32
      %parallel_loop3A_933 = arith.constant 0 : i32
      %parallel_loop3A_934 = arith.cmpi slt, %parallel_loop3A_921, %parallel_loop3A_933 : i32
      %parallel_loop3A_935 = arith.extui %parallel_loop3A_934 : i1 to i32
      %parallel_loop3A_936 = arith.subi %parallel_loop3A_932, %parallel_loop3A_935 : i32
      %parallel_loop3A_937 = arith.cmpi ne, %parallel_loop3A_929, %parallel_loop3A_936 : i32
      %parallel_loop3A_938 = arith.remsi %parallel_loop3A_920, %parallel_loop3A_921 : i32
      %parallel_loop3A_939 = arith.constant 0 : i32
      %parallel_loop3A_940 = arith.cmpi ne, %parallel_loop3A_938, %parallel_loop3A_939 : i32
      %parallel_loop3A_941 = arith.andi %parallel_loop3A_937, %parallel_loop3A_940 : i1
      %parallel_loop3A_942 = arith.constant 1 : i32
      %parallel_loop3A_943 = arith.subi %parallel_loop3A_922, %parallel_loop3A_942 : i32
      %parallel_loop3A_944 = arith.select %parallel_loop3A_941, %parallel_loop3A_943, %parallel_loop3A_922 : i32
      %parallel_loop3A_945 = arith.constant 64 : i32
      %parallel_loop3A_946 = arith.muli %parallel_loop3A_944, %parallel_loop3A_945 : i32
      %parallel_loop3A_947 = arith.subi %parallel_loop3A_920, %parallel_loop3A_946 : i32
      %parallel_loop3A_948 = arith.constant 16 : i32
      %parallel_loop3A_949 = arith.muli %parallel_loop3A_947, %parallel_loop3A_948 : i32
      %parallel_loop3A_950 = arith.constant 1 : i32
      %parallel_loop3A_951 = arith.index_cast %parallel_loop3A_950 : i32 to index
      %parallel_loop3A_952 = arith.index_cast %parallel_loop3A_944 : i32 to index
      %parallel_loop3A_953 = arith.index_cast %parallel_loop3A_949 : i32 to index
      %parallel_loop3A_954 = tpu.vector_load %arg8[%parallel_loop3A_951, %parallel_loop3A_952, %parallel_loop3A_953] {strides = array<i32>} : memref<2x32x1024xf32, #tpu.memory_space<vmem>>, vector<1x1x16xf32>,
      %parallel_loop3A_955 = vector.shape_cast %parallel_loop3A_954 : vector<1x1x16xf32> to vector<16xf32>
      %parallel_loop3A_956 = arith.index_cast %parallel_loop3A_944 : i32 to index
      %parallel_loop3A_957 = arith.index_cast %parallel_loop3A_949 : i32 to index
      %parallel_loop3A_958 = tpu.vector_load %arg7[%parallel_loop3A_956, %parallel_loop3A_957] {strides = array<i32>} : memref<32x1024xf32, #tpu.memory_space<vmem>>, vector<1x16xf32>,
      %parallel_loop3A_959 = vector.shape_cast %parallel_loop3A_958 : vector<1x16xf32> to vector<16xf32>
      %parallel_loop3A_960 = arith.addf %parallel_loop3A_955, %parallel_loop3A_959 : vector<16xf32>
      %parallel_loop3A_961 = arith.constant 1 : i32
      %parallel_loop3A_962 = arith.index_cast %parallel_loop3A_961 : i32 to index
      %parallel_loop3A_963 = arith.index_cast %parallel_loop3A_944 : i32 to index
      %parallel_loop3A_964 = arith.index_cast %parallel_loop3A_949 : i32 to index
      %parallel_loop3A_965 = tpu.vector_load %arg8[%parallel_loop3A_962, %parallel_loop3A_963, %parallel_loop3A_964] {strides = array<i32>} : memref<2x32x1024xf32, #tpu.memory_space<vmem>>, vector<1x1x16xf32>,
      %parallel_loop3A_966 = vector.shape_cast %parallel_loop3A_965 : vector<1x1x16xf32> to vector<16xf32>
      %parallel_loop3A_967 = vector.shape_cast %parallel_loop3A_960 : vector<16xf32> to vector<1x1x16xf32>
      tpu.vector_store %arg8[%parallel_loop3A_962, %parallel_loop3A_963, %parallel_loop3A_964], %parallel_loop3A_967 {strides = array<i32>} : memref<2x32x1024xf32, #tpu.memory_space<vmem>>, vector<1x1x16xf32>,
    } {sc.loop_unroll_factor = 8 : i64, sc.parallel_access}
    %add3A_672 = arith.constant 12288 : i32
    %add3A_673 = arith.addi %add3A_672, %mul3A_2 : i32
    %add3A_674 = arith.constant 64 : i32
    %add3A_675 = arith.addi %add3A_673, %add3A_674 : i32
    %dma_start3A_676 = arith.constant 1 : i32
    %dma_start3A_677 = arith.constant 0 : i32
    %dma_start3A_678 = arith.constant 0 : i32
    %dma_start3A_679 = tpu.memref_slice %arg8[%dma_start3A_676, %dma_start3A_677, %dma_start3A_678] : memref<2x32x1024xf32, #tpu.memory_space<vmem>> -> memref<1x32x1024xf32, #tpu.memory_space<vmem>>
    %dma_start3A_680 = tpu.memref_squeeze %dma_start3A_679 : memref<1x32x1024xf32, #tpu.memory_space<vmem>> -> memref<32x1024xf32, #tpu.memory_space<vmem>>
    %dma_start3A_681 = arith.constant 0 : i32
    %dma_start3A_682 = tpu.memref_slice %arg5[%add3A_675, %dma_start3A_681] : memref<16384x1024xf32, #tpu.memory_space<hbm>> -> memref<32x1024xf32, #tpu.memory_space<hbm>>
    %dma_start3A_683 = arith.constant 0 : i32
    %dma_start3A_684 = tpu.memref_slice %arg5[%add3A_675, %dma_start3A_683] : memref<16384x1024xf32, #tpu.memory_space<hbm>> -> memref<32x1024xf32, #tpu.memory_space<hbm>>
    %dma_start3A_685 = arith.constant 0 : i32
    %dma_start3A_686 = arith.constant 0 : i32
    %dma_start3A_687 = tpu.memref_slice %arg8[%dma_start3A_676, %dma_start3A_685, %dma_start3A_686] : memref<2x32x1024xf32, #tpu.memory_space<vmem>> -> memref<1x32x1024xf32, #tpu.memory_space<vmem>>
    %dma_start3A_688 = tpu.memref_squeeze %dma_start3A_687 : memref<1x32x1024xf32, #tpu.memory_space<vmem>> -> memref<32x1024xf32, #tpu.memory_space<vmem>>
    tpu.enqueue_dma source(%dma_start3A_688 : memref<32x1024xf32, #tpu.memory_space<vmem>>) target(%dma_start3A_684 : memref<32x1024xf32, #tpu.memory_space<hbm>>) target_semaphore(%arg12 : memref<!tpu.dma_semaphore, #tpu.memory_space<semaphore_mem>>)
    %add3A_689 = arith.constant 96 : i32
    %add3A_690 = arith.addi %mul3A_2, %add3A_689 : i32
    "tpu.region"() ({
      %run_scoped3A = tpu.sem_alloc : memref<!tpu.dma_semaphore, #tpu.memory_space<semaphore_mem>>
      %dma_start3A_920 = arith.constant 0 : i32
      %dma_start3A_921 = tpu.memref_slice %arg4[%add3A_690, %dma_start3A_920] : memref<8192x1024xf32, #tpu.memory_space<hbm>> -> memref<32x1024xf32, #tpu.memory_space<hbm>>
      %dma_start3A_922 = arith.constant 0 : i32
      %dma_start3A_923 = tpu.memref_slice %arg4[%add3A_690, %dma_start3A_922] : memref<8192x1024xf32, #tpu.memory_space<hbm>> -> memref<32x1024xf32, #tpu.memory_space<hbm>>
      tpu.enqueue_dma source(%dma_start3A_923 : memref<32x1024xf32, #tpu.memory_space<hbm>>) target(%arg7 : memref<32x1024xf32, #tpu.memory_space<vmem>>) target_semaphore(%run_scoped3A : memref<!tpu.dma_semaphore, #tpu.memory_space<semaphore_mem>>)
      %dma_wait3A_924 = arith.constant 0 : i32
      %dma_wait3A_925 = tpu.memref_slice %arg4[%add3A_690, %dma_wait3A_924] : memref<8192x1024xf32, #tpu.memory_space<hbm>> -> memref<32x1024xf32, #tpu.memory_space<hbm>>
      %dma_wait3A_926 = arith.constant 0 : i32
      %dma_wait3A_927 = tpu.memref_slice %arg4[%add3A_690, %dma_wait3A_926] : memref<8192x1024xf32, #tpu.memory_space<hbm>> -> memref<32x1024xf32, #tpu.memory_space<hbm>>
      tpu.wait_dma2 semaphore(%run_scoped3A : memref<!tpu.dma_semaphore, #tpu.memory_space<semaphore_mem>>) src(%dma_wait3A_927 : memref<32x1024xf32, #tpu.memory_space<hbm>>) dst(%arg7 : memref<32x1024xf32, #tpu.memory_space<vmem>>)
      tpu.yield
    }) : () -> ()
    %dma_wait3A_691 = arith.constant 1 : i32
    %dma_wait3A_692 = arith.constant 0 : i32
    %dma_wait3A_693 = arith.constant 0 : i32
    %dma_wait3A_694 = tpu.memref_slice %arg8[%dma_wait3A_691, %dma_wait3A_692, %dma_wait3A_693] : memref<2x32x1024xf32, #tpu.memory_space<vmem>> -> memref<1x32x1024xf32, #tpu.memory_space<vmem>>
    %dma_wait3A_695 = tpu.memref_squeeze %dma_wait3A_694 : memref<1x32x1024xf32, #tpu.memory_space<vmem>> -> memref<32x1024xf32, #tpu.memory_space<vmem>>
    %dma_wait3A_696 = arith.constant 0 : i32
    %dma_wait3A_697 = tpu.memref_slice %arg5[%add3A_675, %dma_wait3A_696] : memref<16384x1024xf32, #tpu.memory_space<hbm>> -> memref<32x1024xf32, #tpu.memory_space<hbm>>
    %dma_wait3A_698 = arith.constant 0 : i32
    %dma_wait3A_699 = tpu.memref_slice %arg5[%add3A_675, %dma_wait3A_698] : memref<16384x1024xf32, #tpu.memory_space<hbm>> -> memref<32x1024xf32, #tpu.memory_space<hbm>>
    %dma_wait3A_700 = arith.constant 0 : i32
    %dma_wait3A_701 = arith.constant 0 : i32
    %dma_wait3A_702 = tpu.memref_slice %arg8[%dma_wait3A_691, %dma_wait3A_700, %dma_wait3A_701] : memref<2x32x1024xf32, #tpu.memory_space<vmem>> -> memref<1x32x1024xf32, #tpu.memory_space<vmem>>
    %dma_wait3A_703 = tpu.memref_squeeze %dma_wait3A_702 : memref<1x32x1024xf32, #tpu.memory_space<vmem>> -> memref<32x1024xf32, #tpu.memory_space<vmem>>
    tpu.wait_dma2 semaphore(%arg12 : memref<!tpu.dma_semaphore, #tpu.memory_space<semaphore_mem>>) src(%dma_wait3A_703 : memref<32x1024xf32, #tpu.memory_space<vmem>>) dst(%dma_wait3A_699 : memref<32x1024xf32, #tpu.memory_space<hbm>>)
    %dma_start3A_704 = arith.constant 13 : i32
    %dma_start3A_705 = arith.constant 1 : i32
    %dma_start3A_706 = arith.constant 0 : i32
    %dma_start3A_707 = arith.constant 0 : i32
    %dma_start3A_708 = tpu.memref_slice %arg8[%dma_start3A_705, %dma_start3A_706, %dma_start3A_707] : memref<2x32x1024xf32, #tpu.memory_space<vmem>> -> memref<1x32x1024xf32, #tpu.memory_space<vmem>>
    %dma_start3A_709 = tpu.memref_squeeze %dma_start3A_708 : memref<1x32x1024xf32, #tpu.memory_space<vmem>> -> memref<32x1024xf32, #tpu.memory_space<vmem>>
    %dma_start3A_710 = arith.constant 0 : i32
    %dma_start3A_711 = tpu.memref_slice %arg6[%dma_start3A_704, %dma_start3A_710] : memref<16x32xi32, #tpu.memory_space<vmem>> -> memref<1x32xi32, #tpu.memory_space<vmem>>
    %dma_start3A_712 = tpu.memref_squeeze %dma_start3A_711 : memref<1x32xi32, #tpu.memory_space<vmem>> -> memref<32xi32, #tpu.memory_space<vmem>>
    %dma_start3A_713 = arith.constant 0 : i32
    %dma_start3A_714 = arith.constant 0 : i32
    %dma_start3A_715 = tpu.memref_slice %arg3[%dma_start3A_713, %dma_start3A_714] : memref<100000x1024xf32, #tpu.memory_space<hbm>> -> memref<100000x1024xf32, #tpu.memory_space<hbm>>
    tpu.enqueue_indirect_dma source(%dma_start3A_715 : memref<100000x1024xf32, #tpu.memory_space<hbm>>) target(%dma_start3A_709 : memref<32x1024xf32, #tpu.memory_space<vmem>>) offsets(%dma_start3A_712 : memref<32xi32, #tpu.memory_space<vmem>>) semaphore(%arg10 : memref<!tpu.dma_semaphore, #tpu.memory_space<semaphore_mem>>)
    %dma_wait3A_716 = arith.constant 12 : i32
    %dma_wait3A_717 = arith.constant 0 : i32
    %dma_wait3A_718 = arith.constant 0 : i32
    %dma_wait3A_719 = arith.constant 0 : i32
    %dma_wait3A_720 = tpu.memref_slice %arg8[%dma_wait3A_717, %dma_wait3A_718, %dma_wait3A_719] : memref<2x32x1024xf32, #tpu.memory_space<vmem>> -> memref<1x32x1024xf32, #tpu.memory_space<vmem>>
    %dma_wait3A_721 = tpu.memref_squeeze %dma_wait3A_720 : memref<1x32x1024xf32, #tpu.memory_space<vmem>> -> memref<32x1024xf32, #tpu.memory_space<vmem>>
    %dma_wait3A_722 = arith.constant 0 : i32
    %dma_wait3A_723 = tpu.memref_slice %arg6[%dma_wait3A_716, %dma_wait3A_722] : memref<16x32xi32, #tpu.memory_space<vmem>> -> memref<1x32xi32, #tpu.memory_space<vmem>>
    %dma_wait3A_724 = tpu.memref_squeeze %dma_wait3A_723 : memref<1x32xi32, #tpu.memory_space<vmem>> -> memref<32xi32, #tpu.memory_space<vmem>>
    %dma_wait3A_725 = arith.constant 0 : i32
    %dma_wait3A_726 = arith.constant 0 : i32
    %dma_wait3A_727 = tpu.memref_slice %arg3[%dma_wait3A_725, %dma_wait3A_726] : memref<100000x1024xf32, #tpu.memory_space<hbm>> -> memref<100000x1024xf32, #tpu.memory_space<hbm>>
    tpu.wait_indirect_dma semaphore(%arg9 : memref<!tpu.dma_semaphore, #tpu.memory_space<semaphore_mem>>) src(%dma_wait3A_727 : memref<100000x1024xf32, #tpu.memory_space<hbm>>) dst(%dma_wait3A_721 : memref<32x1024xf32, #tpu.memory_space<vmem>>)
    %parallel_loop3A_728 = arith.constant 0 : i32
    %parallel_loop3A_729 = arith.constant 2048 : i32
    %parallel_loop3A_730 = arith.constant 1 : i32
    scf.for %parallel_loop3A_920 = %parallel_loop3A_728 to %parallel_loop3A_729 step %parallel_loop3A_730  : i32 {
      %parallel_loop3A_921 = arith.constant 64 : i32
      %parallel_loop3A_922 = arith.divsi %parallel_loop3A_920, %parallel_loop3A_921 : i32
      %parallel_loop3A_923 = arith.constant 0 : i32
      %parallel_loop3A_924 = arith.cmpi sgt, %parallel_loop3A_920, %parallel_loop3A_923 : i32
      %parallel_loop3A_925 = arith.extui %parallel_loop3A_924 : i1 to i32
      %parallel_loop3A_926 = arith.constant 0 : i32
      %parallel_loop3A_927 = arith.cmpi slt, %parallel_loop3A_920, %parallel_loop3A_926 : i32
      %parallel_loop3A_928 = arith.extui %parallel_loop3A_927 : i1 to i32
      %parallel_loop3A_929 = arith.subi %parallel_loop3A_925, %parallel_loop3A_928 : i32
      %parallel_loop3A_930 = arith.constant 0 : i32
      %parallel_loop3A_931 = arith.cmpi sgt, %parallel_loop3A_921, %parallel_loop3A_930 : i32
      %parallel_loop3A_932 = arith.extui %parallel_loop3A_931 : i1 to i32
      %parallel_loop3A_933 = arith.constant 0 : i32
      %parallel_loop3A_934 = arith.cmpi slt, %parallel_loop3A_921, %parallel_loop3A_933 : i32
      %parallel_loop3A_935 = arith.extui %parallel_loop3A_934 : i1 to i32
      %parallel_loop3A_936 = arith.subi %parallel_loop3A_932, %parallel_loop3A_935 : i32
      %parallel_loop3A_937 = arith.cmpi ne, %parallel_loop3A_929, %parallel_loop3A_936 : i32
      %parallel_loop3A_938 = arith.remsi %parallel_loop3A_920, %parallel_loop3A_921 : i32
      %parallel_loop3A_939 = arith.constant 0 : i32
      %parallel_loop3A_940 = arith.cmpi ne, %parallel_loop3A_938, %parallel_loop3A_939 : i32
      %parallel_loop3A_941 = arith.andi %parallel_loop3A_937, %parallel_loop3A_940 : i1
      %parallel_loop3A_942 = arith.constant 1 : i32
      %parallel_loop3A_943 = arith.subi %parallel_loop3A_922, %parallel_loop3A_942 : i32
      %parallel_loop3A_944 = arith.select %parallel_loop3A_941, %parallel_loop3A_943, %parallel_loop3A_922 : i32
      %parallel_loop3A_945 = arith.constant 64 : i32
      %parallel_loop3A_946 = arith.muli %parallel_loop3A_944, %parallel_loop3A_945 : i32
      %parallel_loop3A_947 = arith.subi %parallel_loop3A_920, %parallel_loop3A_946 : i32
      %parallel_loop3A_948 = arith.constant 16 : i32
      %parallel_loop3A_949 = arith.muli %parallel_loop3A_947, %parallel_loop3A_948 : i32
      %parallel_loop3A_950 = arith.constant 0 : i32
      %parallel_loop3A_951 = arith.index_cast %parallel_loop3A_950 : i32 to index
      %parallel_loop3A_952 = arith.index_cast %parallel_loop3A_944 : i32 to index
      %parallel_loop3A_953 = arith.index_cast %parallel_loop3A_949 : i32 to index
      %parallel_loop3A_954 = tpu.vector_load %arg8[%parallel_loop3A_951, %parallel_loop3A_952, %parallel_loop3A_953] {strides = array<i32>} : memref<2x32x1024xf32, #tpu.memory_space<vmem>>, vector<1x1x16xf32>,
      %parallel_loop3A_955 = vector.shape_cast %parallel_loop3A_954 : vector<1x1x16xf32> to vector<16xf32>
      %parallel_loop3A_956 = arith.index_cast %parallel_loop3A_944 : i32 to index
      %parallel_loop3A_957 = arith.index_cast %parallel_loop3A_949 : i32 to index
      %parallel_loop3A_958 = tpu.vector_load %arg7[%parallel_loop3A_956, %parallel_loop3A_957] {strides = array<i32>} : memref<32x1024xf32, #tpu.memory_space<vmem>>, vector<1x16xf32>,
      %parallel_loop3A_959 = vector.shape_cast %parallel_loop3A_958 : vector<1x16xf32> to vector<16xf32>
      %parallel_loop3A_960 = arith.addf %parallel_loop3A_955, %parallel_loop3A_959 : vector<16xf32>
      %parallel_loop3A_961 = arith.constant 0 : i32
      %parallel_loop3A_962 = arith.index_cast %parallel_loop3A_961 : i32 to index
      %parallel_loop3A_963 = arith.index_cast %parallel_loop3A_944 : i32 to index
      %parallel_loop3A_964 = arith.index_cast %parallel_loop3A_949 : i32 to index
      %parallel_loop3A_965 = tpu.vector_load %arg8[%parallel_loop3A_962, %parallel_loop3A_963, %parallel_loop3A_964] {strides = array<i32>} : memref<2x32x1024xf32, #tpu.memory_space<vmem>>, vector<1x1x16xf32>,
      %parallel_loop3A_966 = vector.shape_cast %parallel_loop3A_965 : vector<1x1x16xf32> to vector<16xf32>
      %parallel_loop3A_967 = vector.shape_cast %parallel_loop3A_960 : vector<16xf32> to vector<1x1x16xf32>
      tpu.vector_store %arg8[%parallel_loop3A_962, %parallel_loop3A_963, %parallel_loop3A_964], %parallel_loop3A_967 {strides = array<i32>} : memref<2x32x1024xf32, #tpu.memory_space<vmem>>, vector<1x1x16xf32>,
    } {sc.loop_unroll_factor = 8 : i64, sc.parallel_access}
    %add3A_731 = arith.constant 0 : i32
    %add3A_732 = arith.addi %add3A_731, %mul3A_2 : i32
    %add3A_733 = arith.constant 96 : i32
    %add3A_734 = arith.addi %add3A_732, %add3A_733 : i32
    %dma_start3A_735 = arith.constant 0 : i32
    %dma_start3A_736 = arith.constant 0 : i32
    %dma_start3A_737 = arith.constant 0 : i32
    %dma_start3A_738 = tpu.memref_slice %arg8[%dma_start3A_735, %dma_start3A_736, %dma_start3A_737] : memref<2x32x1024xf32, #tpu.memory_space<vmem>> -> memref<1x32x1024xf32, #tpu.memory_space<vmem>>
    %dma_start3A_739 = tpu.memref_squeeze %dma_start3A_738 : memref<1x32x1024xf32, #tpu.memory_space<vmem>> -> memref<32x1024xf32, #tpu.memory_space<vmem>>
    %dma_start3A_740 = arith.constant 0 : i32
    %dma_start3A_741 = tpu.memref_slice %arg5[%add3A_734, %dma_start3A_740] : memref<16384x1024xf32, #tpu.memory_space<hbm>> -> memref<32x1024xf32, #tpu.memory_space<hbm>>
    %dma_start3A_742 = arith.constant 0 : i32
    %dma_start3A_743 = tpu.memref_slice %arg5[%add3A_734, %dma_start3A_742] : memref<16384x1024xf32, #tpu.memory_space<hbm>> -> memref<32x1024xf32, #tpu.memory_space<hbm>>
    %dma_start3A_744 = arith.constant 0 : i32
    %dma_start3A_745 = arith.constant 0 : i32
    %dma_start3A_746 = tpu.memref_slice %arg8[%dma_start3A_735, %dma_start3A_744, %dma_start3A_745] : memref<2x32x1024xf32, #tpu.memory_space<vmem>> -> memref<1x32x1024xf32, #tpu.memory_space<vmem>>
    %dma_start3A_747 = tpu.memref_squeeze %dma_start3A_746 : memref<1x32x1024xf32, #tpu.memory_space<vmem>> -> memref<32x1024xf32, #tpu.memory_space<vmem>>
    tpu.enqueue_dma source(%dma_start3A_747 : memref<32x1024xf32, #tpu.memory_space<vmem>>) target(%dma_start3A_743 : memref<32x1024xf32, #tpu.memory_space<hbm>>) target_semaphore(%arg11 : memref<!tpu.dma_semaphore, #tpu.memory_space<semaphore_mem>>)
    %dma_wait3A_748 = arith.constant 0 : i32
    %dma_wait3A_749 = arith.constant 0 : i32
    %dma_wait3A_750 = arith.constant 0 : i32
    %dma_wait3A_751 = tpu.memref_slice %arg8[%dma_wait3A_748, %dma_wait3A_749, %dma_wait3A_750] : memref<2x32x1024xf32, #tpu.memory_space<vmem>> -> memref<1x32x1024xf32, #tpu.memory_space<vmem>>
    %dma_wait3A_752 = tpu.memref_squeeze %dma_wait3A_751 : memref<1x32x1024xf32, #tpu.memory_space<vmem>> -> memref<32x1024xf32, #tpu.memory_space<vmem>>
    %dma_wait3A_753 = arith.constant 0 : i32
    %dma_wait3A_754 = tpu.memref_slice %arg5[%add3A_734, %dma_wait3A_753] : memref<16384x1024xf32, #tpu.memory_space<hbm>> -> memref<32x1024xf32, #tpu.memory_space<hbm>>
    %dma_wait3A_755 = arith.constant 0 : i32
    %dma_wait3A_756 = tpu.memref_slice %arg5[%add3A_734, %dma_wait3A_755] : memref<16384x1024xf32, #tpu.memory_space<hbm>> -> memref<32x1024xf32, #tpu.memory_space<hbm>>
    %dma_wait3A_757 = arith.constant 0 : i32
    %dma_wait3A_758 = arith.constant 0 : i32
    %dma_wait3A_759 = tpu.memref_slice %arg8[%dma_wait3A_748, %dma_wait3A_757, %dma_wait3A_758] : memref<2x32x1024xf32, #tpu.memory_space<vmem>> -> memref<1x32x1024xf32, #tpu.memory_space<vmem>>
    %dma_wait3A_760 = tpu.memref_squeeze %dma_wait3A_759 : memref<1x32x1024xf32, #tpu.memory_space<vmem>> -> memref<32x1024xf32, #tpu.memory_space<vmem>>
    tpu.wait_dma2 semaphore(%arg11 : memref<!tpu.dma_semaphore, #tpu.memory_space<semaphore_mem>>) src(%dma_wait3A_760 : memref<32x1024xf32, #tpu.memory_space<vmem>>) dst(%dma_wait3A_756 : memref<32x1024xf32, #tpu.memory_space<hbm>>)
    %dma_start3A_761 = arith.constant 14 : i32
    %dma_start3A_762 = arith.constant 0 : i32
    %dma_start3A_763 = arith.constant 0 : i32
    %dma_start3A_764 = arith.constant 0 : i32
    %dma_start3A_765 = tpu.memref_slice %arg8[%dma_start3A_762, %dma_start3A_763, %dma_start3A_764] : memref<2x32x1024xf32, #tpu.memory_space<vmem>> -> memref<1x32x1024xf32, #tpu.memory_space<vmem>>
    %dma_start3A_766 = tpu.memref_squeeze %dma_start3A_765 : memref<1x32x1024xf32, #tpu.memory_space<vmem>> -> memref<32x1024xf32, #tpu.memory_space<vmem>>
    %dma_start3A_767 = arith.constant 0 : i32
    %dma_start3A_768 = tpu.memref_slice %arg6[%dma_start3A_761, %dma_start3A_767] : memref<16x32xi32, #tpu.memory_space<vmem>> -> memref<1x32xi32, #tpu.memory_space<vmem>>
    %dma_start3A_769 = tpu.memref_squeeze %dma_start3A_768 : memref<1x32xi32, #tpu.memory_space<vmem>> -> memref<32xi32, #tpu.memory_space<vmem>>
    %dma_start3A_770 = arith.constant 0 : i32
    %dma_start3A_771 = arith.constant 0 : i32
    %dma_start3A_772 = tpu.memref_slice %arg3[%dma_start3A_770, %dma_start3A_771] : memref<100000x1024xf32, #tpu.memory_space<hbm>> -> memref<100000x1024xf32, #tpu.memory_space<hbm>>
    tpu.enqueue_indirect_dma source(%dma_start3A_772 : memref<100000x1024xf32, #tpu.memory_space<hbm>>) target(%dma_start3A_766 : memref<32x1024xf32, #tpu.memory_space<vmem>>) offsets(%dma_start3A_769 : memref<32xi32, #tpu.memory_space<vmem>>) semaphore(%arg9 : memref<!tpu.dma_semaphore, #tpu.memory_space<semaphore_mem>>)
    %dma_wait3A_773 = arith.constant 13 : i32
    %dma_wait3A_774 = arith.constant 1 : i32
    %dma_wait3A_775 = arith.constant 0 : i32
    %dma_wait3A_776 = arith.constant 0 : i32
    %dma_wait3A_777 = tpu.memref_slice %arg8[%dma_wait3A_774, %dma_wait3A_775, %dma_wait3A_776] : memref<2x32x1024xf32, #tpu.memory_space<vmem>> -> memref<1x32x1024xf32, #tpu.memory_space<vmem>>
    %dma_wait3A_778 = tpu.memref_squeeze %dma_wait3A_777 : memref<1x32x1024xf32, #tpu.memory_space<vmem>> -> memref<32x1024xf32, #tpu.memory_space<vmem>>
    %dma_wait3A_779 = arith.constant 0 : i32
    %dma_wait3A_780 = tpu.memref_slice %arg6[%dma_wait3A_773, %dma_wait3A_779] : memref<16x32xi32, #tpu.memory_space<vmem>> -> memref<1x32xi32, #tpu.memory_space<vmem>>
    %dma_wait3A_781 = tpu.memref_squeeze %dma_wait3A_780 : memref<1x32xi32, #tpu.memory_space<vmem>> -> memref<32xi32, #tpu.memory_space<vmem>>
    %dma_wait3A_782 = arith.constant 0 : i32
    %dma_wait3A_783 = arith.constant 0 : i32
    %dma_wait3A_784 = tpu.memref_slice %arg3[%dma_wait3A_782, %dma_wait3A_783] : memref<100000x1024xf32, #tpu.memory_space<hbm>> -> memref<100000x1024xf32, #tpu.memory_space<hbm>>
    tpu.wait_indirect_dma semaphore(%arg10 : memref<!tpu.dma_semaphore, #tpu.memory_space<semaphore_mem>>) src(%dma_wait3A_784 : memref<100000x1024xf32, #tpu.memory_space<hbm>>) dst(%dma_wait3A_778 : memref<32x1024xf32, #tpu.memory_space<vmem>>)
    %parallel_loop3A_785 = arith.constant 0 : i32
    %parallel_loop3A_786 = arith.constant 2048 : i32
    %parallel_loop3A_787 = arith.constant 1 : i32
    scf.for %parallel_loop3A_920 = %parallel_loop3A_785 to %parallel_loop3A_786 step %parallel_loop3A_787  : i32 {
      %parallel_loop3A_921 = arith.constant 64 : i32
      %parallel_loop3A_922 = arith.divsi %parallel_loop3A_920, %parallel_loop3A_921 : i32
      %parallel_loop3A_923 = arith.constant 0 : i32
      %parallel_loop3A_924 = arith.cmpi sgt, %parallel_loop3A_920, %parallel_loop3A_923 : i32
      %parallel_loop3A_925 = arith.extui %parallel_loop3A_924 : i1 to i32
      %parallel_loop3A_926 = arith.constant 0 : i32
      %parallel_loop3A_927 = arith.cmpi slt, %parallel_loop3A_920, %parallel_loop3A_926 : i32
      %parallel_loop3A_928 = arith.extui %parallel_loop3A_927 : i1 to i32
      %parallel_loop3A_929 = arith.subi %parallel_loop3A_925, %parallel_loop3A_928 : i32
      %parallel_loop3A_930 = arith.constant 0 : i32
      %parallel_loop3A_931 = arith.cmpi sgt, %parallel_loop3A_921, %parallel_loop3A_930 : i32
      %parallel_loop3A_932 = arith.extui %parallel_loop3A_931 : i1 to i32
      %parallel_loop3A_933 = arith.constant 0 : i32
      %parallel_loop3A_934 = arith.cmpi slt, %parallel_loop3A_921, %parallel_loop3A_933 : i32
      %parallel_loop3A_935 = arith.extui %parallel_loop3A_934 : i1 to i32
      %parallel_loop3A_936 = arith.subi %parallel_loop3A_932, %parallel_loop3A_935 : i32
      %parallel_loop3A_937 = arith.cmpi ne, %parallel_loop3A_929, %parallel_loop3A_936 : i32
      %parallel_loop3A_938 = arith.remsi %parallel_loop3A_920, %parallel_loop3A_921 : i32
      %parallel_loop3A_939 = arith.constant 0 : i32
      %parallel_loop3A_940 = arith.cmpi ne, %parallel_loop3A_938, %parallel_loop3A_939 : i32
      %parallel_loop3A_941 = arith.andi %parallel_loop3A_937, %parallel_loop3A_940 : i1
      %parallel_loop3A_942 = arith.constant 1 : i32
      %parallel_loop3A_943 = arith.subi %parallel_loop3A_922, %parallel_loop3A_942 : i32
      %parallel_loop3A_944 = arith.select %parallel_loop3A_941, %parallel_loop3A_943, %parallel_loop3A_922 : i32
      %parallel_loop3A_945 = arith.constant 64 : i32
      %parallel_loop3A_946 = arith.muli %parallel_loop3A_944, %parallel_loop3A_945 : i32
      %parallel_loop3A_947 = arith.subi %parallel_loop3A_920, %parallel_loop3A_946 : i32
      %parallel_loop3A_948 = arith.constant 16 : i32
      %parallel_loop3A_949 = arith.muli %parallel_loop3A_947, %parallel_loop3A_948 : i32
      %parallel_loop3A_950 = arith.constant 1 : i32
      %parallel_loop3A_951 = arith.index_cast %parallel_loop3A_950 : i32 to index
      %parallel_loop3A_952 = arith.index_cast %parallel_loop3A_944 : i32 to index
      %parallel_loop3A_953 = arith.index_cast %parallel_loop3A_949 : i32 to index
      %parallel_loop3A_954 = tpu.vector_load %arg8[%parallel_loop3A_951, %parallel_loop3A_952, %parallel_loop3A_953] {strides = array<i32>} : memref<2x32x1024xf32, #tpu.memory_space<vmem>>, vector<1x1x16xf32>,
      %parallel_loop3A_955 = vector.shape_cast %parallel_loop3A_954 : vector<1x1x16xf32> to vector<16xf32>
      %parallel_loop3A_956 = arith.index_cast %parallel_loop3A_944 : i32 to index
      %parallel_loop3A_957 = arith.index_cast %parallel_loop3A_949 : i32 to index
      %parallel_loop3A_958 = tpu.vector_load %arg7[%parallel_loop3A_956, %parallel_loop3A_957] {strides = array<i32>} : memref<32x1024xf32, #tpu.memory_space<vmem>>, vector<1x16xf32>,
      %parallel_loop3A_959 = vector.shape_cast %parallel_loop3A_958 : vector<1x16xf32> to vector<16xf32>
      %parallel_loop3A_960 = arith.addf %parallel_loop3A_955, %parallel_loop3A_959 : vector<16xf32>
      %parallel_loop3A_961 = arith.constant 1 : i32
      %parallel_loop3A_962 = arith.index_cast %parallel_loop3A_961 : i32 to index
      %parallel_loop3A_963 = arith.index_cast %parallel_loop3A_944 : i32 to index
      %parallel_loop3A_964 = arith.index_cast %parallel_loop3A_949 : i32 to index
      %parallel_loop3A_965 = tpu.vector_load %arg8[%parallel_loop3A_962, %parallel_loop3A_963, %parallel_loop3A_964] {strides = array<i32>} : memref<2x32x1024xf32, #tpu.memory_space<vmem>>, vector<1x1x16xf32>,
      %parallel_loop3A_966 = vector.shape_cast %parallel_loop3A_965 : vector<1x1x16xf32> to vector<16xf32>
      %parallel_loop3A_967 = vector.shape_cast %parallel_loop3A_960 : vector<16xf32> to vector<1x1x16xf32>
      tpu.vector_store %arg8[%parallel_loop3A_962, %parallel_loop3A_963, %parallel_loop3A_964], %parallel_loop3A_967 {strides = array<i32>} : memref<2x32x1024xf32, #tpu.memory_space<vmem>>, vector<1x1x16xf32>,
    } {sc.loop_unroll_factor = 8 : i64, sc.parallel_access}
    %add3A_788 = arith.constant 4096 : i32
    %add3A_789 = arith.addi %add3A_788, %mul3A_2 : i32
    %add3A_790 = arith.constant 96 : i32
    %add3A_791 = arith.addi %add3A_789, %add3A_790 : i32
    %dma_start3A_792 = arith.constant 1 : i32
    %dma_start3A_793 = arith.constant 0 : i32
    %dma_start3A_794 = arith.constant 0 : i32
    %dma_start3A_795 = tpu.memref_slice %arg8[%dma_start3A_792, %dma_start3A_793, %dma_start3A_794] : memref<2x32x1024xf32, #tpu.memory_space<vmem>> -> memref<1x32x1024xf32, #tpu.memory_space<vmem>>
    %dma_start3A_796 = tpu.memref_squeeze %dma_start3A_795 : memref<1x32x1024xf32, #tpu.memory_space<vmem>> -> memref<32x1024xf32, #tpu.memory_space<vmem>>
    %dma_start3A_797 = arith.constant 0 : i32
    %dma_start3A_798 = tpu.memref_slice %arg5[%add3A_791, %dma_start3A_797] : memref<16384x1024xf32, #tpu.memory_space<hbm>> -> memref<32x1024xf32, #tpu.memory_space<hbm>>
    %dma_start3A_799 = arith.constant 0 : i32
    %dma_start3A_800 = tpu.memref_slice %arg5[%add3A_791, %dma_start3A_799] : memref<16384x1024xf32, #tpu.memory_space<hbm>> -> memref<32x1024xf32, #tpu.memory_space<hbm>>
    %dma_start3A_801 = arith.constant 0 : i32
    %dma_start3A_802 = arith.constant 0 : i32
    %dma_start3A_803 = tpu.memref_slice %arg8[%dma_start3A_792, %dma_start3A_801, %dma_start3A_802] : memref<2x32x1024xf32, #tpu.memory_space<vmem>> -> memref<1x32x1024xf32, #tpu.memory_space<vmem>>
    %dma_start3A_804 = tpu.memref_squeeze %dma_start3A_803 : memref<1x32x1024xf32, #tpu.memory_space<vmem>> -> memref<32x1024xf32, #tpu.memory_space<vmem>>
    tpu.enqueue_dma source(%dma_start3A_804 : memref<32x1024xf32, #tpu.memory_space<vmem>>) target(%dma_start3A_800 : memref<32x1024xf32, #tpu.memory_space<hbm>>) target_semaphore(%arg12 : memref<!tpu.dma_semaphore, #tpu.memory_space<semaphore_mem>>)
    %dma_wait3A_805 = arith.constant 1 : i32
    %dma_wait3A_806 = arith.constant 0 : i32
    %dma_wait3A_807 = arith.constant 0 : i32
    %dma_wait3A_808 = tpu.memref_slice %arg8[%dma_wait3A_805, %dma_wait3A_806, %dma_wait3A_807] : memref<2x32x1024xf32, #tpu.memory_space<vmem>> -> memref<1x32x1024xf32, #tpu.memory_space<vmem>>
    %dma_wait3A_809 = tpu.memref_squeeze %dma_wait3A_808 : memref<1x32x1024xf32, #tpu.memory_space<vmem>> -> memref<32x1024xf32, #tpu.memory_space<vmem>>
    %dma_wait3A_810 = arith.constant 0 : i32
    %dma_wait3A_811 = tpu.memref_slice %arg5[%add3A_791, %dma_wait3A_810] : memref<16384x1024xf32, #tpu.memory_space<hbm>> -> memref<32x1024xf32, #tpu.memory_space<hbm>>
    %dma_wait3A_812 = arith.constant 0 : i32
    %dma_wait3A_813 = tpu.memref_slice %arg5[%add3A_791, %dma_wait3A_812] : memref<16384x1024xf32, #tpu.memory_space<hbm>> -> memref<32x1024xf32, #tpu.memory_space<hbm>>
    %dma_wait3A_814 = arith.constant 0 : i32
    %dma_wait3A_815 = arith.constant 0 : i32
    %dma_wait3A_816 = tpu.memref_slice %arg8[%dma_wait3A_805, %dma_wait3A_814, %dma_wait3A_815] : memref<2x32x1024xf32, #tpu.memory_space<vmem>> -> memref<1x32x1024xf32, #tpu.memory_space<vmem>>
    %dma_wait3A_817 = tpu.memref_squeeze %dma_wait3A_816 : memref<1x32x1024xf32, #tpu.memory_space<vmem>> -> memref<32x1024xf32, #tpu.memory_space<vmem>>
    tpu.wait_dma2 semaphore(%arg12 : memref<!tpu.dma_semaphore, #tpu.memory_space<semaphore_mem>>) src(%dma_wait3A_817 : memref<32x1024xf32, #tpu.memory_space<vmem>>) dst(%dma_wait3A_813 : memref<32x1024xf32, #tpu.memory_space<hbm>>)
    %dma_start3A_818 = arith.constant 15 : i32
    %dma_start3A_819 = arith.constant 1 : i32
    %dma_start3A_820 = arith.constant 0 : i32
    %dma_start3A_821 = arith.constant 0 : i32
    %dma_start3A_822 = tpu.memref_slice %arg8[%dma_start3A_819, %dma_start3A_820, %dma_start3A_821] : memref<2x32x1024xf32, #tpu.memory_space<vmem>> -> memref<1x32x1024xf32, #tpu.memory_space<vmem>>
    %dma_start3A_823 = tpu.memref_squeeze %dma_start3A_822 : memref<1x32x1024xf32, #tpu.memory_space<vmem>> -> memref<32x1024xf32, #tpu.memory_space<vmem>>
    %dma_start3A_824 = arith.constant 0 : i32
    %dma_start3A_825 = tpu.memref_slice %arg6[%dma_start3A_818, %dma_start3A_824] : memref<16x32xi32, #tpu.memory_space<vmem>> -> memref<1x32xi32, #tpu.memory_space<vmem>>
    %dma_start3A_826 = tpu.memref_squeeze %dma_start3A_825 : memref<1x32xi32, #tpu.memory_space<vmem>> -> memref<32xi32, #tpu.memory_space<vmem>>
    %dma_start3A_827 = arith.constant 0 : i32
    %dma_start3A_828 = arith.constant 0 : i32
    %dma_start3A_829 = tpu.memref_slice %arg3[%dma_start3A_827, %dma_start3A_828] : memref<100000x1024xf32, #tpu.memory_space<hbm>> -> memref<100000x1024xf32, #tpu.memory_space<hbm>>
    tpu.enqueue_indirect_dma source(%dma_start3A_829 : memref<100000x1024xf32, #tpu.memory_space<hbm>>) target(%dma_start3A_823 : memref<32x1024xf32, #tpu.memory_space<vmem>>) offsets(%dma_start3A_826 : memref<32xi32, #tpu.memory_space<vmem>>) semaphore(%arg10 : memref<!tpu.dma_semaphore, #tpu.memory_space<semaphore_mem>>)
    %dma_wait3A_830 = arith.constant 14 : i32
    %dma_wait3A_831 = arith.constant 0 : i32
    %dma_wait3A_832 = arith.constant 0 : i32
    %dma_wait3A_833 = arith.constant 0 : i32
    %dma_wait3A_834 = tpu.memref_slice %arg8[%dma_wait3A_831, %dma_wait3A_832, %dma_wait3A_833] : memref<2x32x1024xf32, #tpu.memory_space<vmem>> -> memref<1x32x1024xf32, #tpu.memory_space<vmem>>
    %dma_wait3A_835 = tpu.memref_squeeze %dma_wait3A_834 : memref<1x32x1024xf32, #tpu.memory_space<vmem>> -> memref<32x1024xf32, #tpu.memory_space<vmem>>
    %dma_wait3A_836 = arith.constant 0 : i32
    %dma_wait3A_837 = tpu.memref_slice %arg6[%dma_wait3A_830, %dma_wait3A_836] : memref<16x32xi32, #tpu.memory_space<vmem>> -> memref<1x32xi32, #tpu.memory_space<vmem>>
    %dma_wait3A_838 = tpu.memref_squeeze %dma_wait3A_837 : memref<1x32xi32, #tpu.memory_space<vmem>> -> memref<32xi32, #tpu.memory_space<vmem>>
    %dma_wait3A_839 = arith.constant 0 : i32
    %dma_wait3A_840 = arith.constant 0 : i32
    %dma_wait3A_841 = tpu.memref_slice %arg3[%dma_wait3A_839, %dma_wait3A_840] : memref<100000x1024xf32, #tpu.memory_space<hbm>> -> memref<100000x1024xf32, #tpu.memory_space<hbm>>
    tpu.wait_indirect_dma semaphore(%arg9 : memref<!tpu.dma_semaphore, #tpu.memory_space<semaphore_mem>>) src(%dma_wait3A_841 : memref<100000x1024xf32, #tpu.memory_space<hbm>>) dst(%dma_wait3A_835 : memref<32x1024xf32, #tpu.memory_space<vmem>>)
    %parallel_loop3A_842 = arith.constant 0 : i32
    %parallel_loop3A_843 = arith.constant 2048 : i32
    %parallel_loop3A_844 = arith.constant 1 : i32
    scf.for %parallel_loop3A_920 = %parallel_loop3A_842 to %parallel_loop3A_843 step %parallel_loop3A_844  : i32 {
      %parallel_loop3A_921 = arith.constant 64 : i32
      %parallel_loop3A_922 = arith.divsi %parallel_loop3A_920, %parallel_loop3A_921 : i32
      %parallel_loop3A_923 = arith.constant 0 : i32
      %parallel_loop3A_924 = arith.cmpi sgt, %parallel_loop3A_920, %parallel_loop3A_923 : i32
      %parallel_loop3A_925 = arith.extui %parallel_loop3A_924 : i1 to i32
      %parallel_loop3A_926 = arith.constant 0 : i32
      %parallel_loop3A_927 = arith.cmpi slt, %parallel_loop3A_920, %parallel_loop3A_926 : i32
      %parallel_loop3A_928 = arith.extui %parallel_loop3A_927 : i1 to i32
      %parallel_loop3A_929 = arith.subi %parallel_loop3A_925, %parallel_loop3A_928 : i32
      %parallel_loop3A_930 = arith.constant 0 : i32
      %parallel_loop3A_931 = arith.cmpi sgt, %parallel_loop3A_921, %parallel_loop3A_930 : i32
      %parallel_loop3A_932 = arith.extui %parallel_loop3A_931 : i1 to i32
      %parallel_loop3A_933 = arith.constant 0 : i32
      %parallel_loop3A_934 = arith.cmpi slt, %parallel_loop3A_921, %parallel_loop3A_933 : i32
      %parallel_loop3A_935 = arith.extui %parallel_loop3A_934 : i1 to i32
      %parallel_loop3A_936 = arith.subi %parallel_loop3A_932, %parallel_loop3A_935 : i32
      %parallel_loop3A_937 = arith.cmpi ne, %parallel_loop3A_929, %parallel_loop3A_936 : i32
      %parallel_loop3A_938 = arith.remsi %parallel_loop3A_920, %parallel_loop3A_921 : i32
      %parallel_loop3A_939 = arith.constant 0 : i32
      %parallel_loop3A_940 = arith.cmpi ne, %parallel_loop3A_938, %parallel_loop3A_939 : i32
      %parallel_loop3A_941 = arith.andi %parallel_loop3A_937, %parallel_loop3A_940 : i1
      %parallel_loop3A_942 = arith.constant 1 : i32
      %parallel_loop3A_943 = arith.subi %parallel_loop3A_922, %parallel_loop3A_942 : i32
      %parallel_loop3A_944 = arith.select %parallel_loop3A_941, %parallel_loop3A_943, %parallel_loop3A_922 : i32
      %parallel_loop3A_945 = arith.constant 64 : i32
      %parallel_loop3A_946 = arith.muli %parallel_loop3A_944, %parallel_loop3A_945 : i32
      %parallel_loop3A_947 = arith.subi %parallel_loop3A_920, %parallel_loop3A_946 : i32
      %parallel_loop3A_948 = arith.constant 16 : i32
      %parallel_loop3A_949 = arith.muli %parallel_loop3A_947, %parallel_loop3A_948 : i32
      %parallel_loop3A_950 = arith.constant 0 : i32
      %parallel_loop3A_951 = arith.index_cast %parallel_loop3A_950 : i32 to index
      %parallel_loop3A_952 = arith.index_cast %parallel_loop3A_944 : i32 to index
      %parallel_loop3A_953 = arith.index_cast %parallel_loop3A_949 : i32 to index
      %parallel_loop3A_954 = tpu.vector_load %arg8[%parallel_loop3A_951, %parallel_loop3A_952, %parallel_loop3A_953] {strides = array<i32>} : memref<2x32x1024xf32, #tpu.memory_space<vmem>>, vector<1x1x16xf32>,
      %parallel_loop3A_955 = vector.shape_cast %parallel_loop3A_954 : vector<1x1x16xf32> to vector<16xf32>
      %parallel_loop3A_956 = arith.index_cast %parallel_loop3A_944 : i32 to index
      %parallel_loop3A_957 = arith.index_cast %parallel_loop3A_949 : i32 to index
      %parallel_loop3A_958 = tpu.vector_load %arg7[%parallel_loop3A_956, %parallel_loop3A_957] {strides = array<i32>} : memref<32x1024xf32, #tpu.memory_space<vmem>>, vector<1x16xf32>,
      %parallel_loop3A_959 = vector.shape_cast %parallel_loop3A_958 : vector<1x16xf32> to vector<16xf32>
      %parallel_loop3A_960 = arith.addf %parallel_loop3A_955, %parallel_loop3A_959 : vector<16xf32>
      %parallel_loop3A_961 = arith.constant 0 : i32
      %parallel_loop3A_962 = arith.index_cast %parallel_loop3A_961 : i32 to index
      %parallel_loop3A_963 = arith.index_cast %parallel_loop3A_944 : i32 to index
      %parallel_loop3A_964 = arith.index_cast %parallel_loop3A_949 : i32 to index
      %parallel_loop3A_965 = tpu.vector_load %arg8[%parallel_loop3A_962, %parallel_loop3A_963, %parallel_loop3A_964] {strides = array<i32>} : memref<2x32x1024xf32, #tpu.memory_space<vmem>>, vector<1x1x16xf32>,
      %parallel_loop3A_966 = vector.shape_cast %parallel_loop3A_965 : vector<1x1x16xf32> to vector<16xf32>
      %parallel_loop3A_967 = vector.shape_cast %parallel_loop3A_960 : vector<16xf32> to vector<1x1x16xf32>
      tpu.vector_store %arg8[%parallel_loop3A_962, %parallel_loop3A_963, %parallel_loop3A_964], %parallel_loop3A_967 {strides = array<i32>} : memref<2x32x1024xf32, #tpu.memory_space<vmem>>, vector<1x1x16xf32>,
    } {sc.loop_unroll_factor = 8 : i64, sc.parallel_access}
    %add3A_845 = arith.constant 8192 : i32
    %add3A_846 = arith.addi %add3A_845, %mul3A_2 : i32
    %add3A_847 = arith.constant 96 : i32
    %add3A_848 = arith.addi %add3A_846, %add3A_847 : i32
    %dma_start3A_849 = arith.constant 0 : i32
    %dma_start3A_850 = arith.constant 0 : i32
    %dma_start3A_851 = arith.constant 0 : i32
    %dma_start3A_852 = tpu.memref_slice %arg8[%dma_start3A_849, %dma_start3A_850, %dma_start3A_851] : memref<2x32x1024xf32, #tpu.memory_space<vmem>> -> memref<1x32x1024xf32, #tpu.memory_space<vmem>>
    %dma_start3A_853 = tpu.memref_squeeze %dma_start3A_852 : memref<1x32x1024xf32, #tpu.memory_space<vmem>> -> memref<32x1024xf32, #tpu.memory_space<vmem>>
    %dma_start3A_854 = arith.constant 0 : i32
    %dma_start3A_855 = tpu.memref_slice %arg5[%add3A_848, %dma_start3A_854] : memref<16384x1024xf32, #tpu.memory_space<hbm>> -> memref<32x1024xf32, #tpu.memory_space<hbm>>
    %dma_start3A_856 = arith.constant 0 : i32
    %dma_start3A_857 = tpu.memref_slice %arg5[%add3A_848, %dma_start3A_856] : memref<16384x1024xf32, #tpu.memory_space<hbm>> -> memref<32x1024xf32, #tpu.memory_space<hbm>>
    %dma_start3A_858 = arith.constant 0 : i32
    %dma_start3A_859 = arith.constant 0 : i32
    %dma_start3A_860 = tpu.memref_slice %arg8[%dma_start3A_849, %dma_start3A_858, %dma_start3A_859] : memref<2x32x1024xf32, #tpu.memory_space<vmem>> -> memref<1x32x1024xf32, #tpu.memory_space<vmem>>
    %dma_start3A_861 = tpu.memref_squeeze %dma_start3A_860 : memref<1x32x1024xf32, #tpu.memory_space<vmem>> -> memref<32x1024xf32, #tpu.memory_space<vmem>>
    tpu.enqueue_dma source(%dma_start3A_861 : memref<32x1024xf32, #tpu.memory_space<vmem>>) target(%dma_start3A_857 : memref<32x1024xf32, #tpu.memory_space<hbm>>) target_semaphore(%arg11 : memref<!tpu.dma_semaphore, #tpu.memory_space<semaphore_mem>>)
    %dma_wait3A_862 = arith.constant 15 : i32
    %dma_wait3A_863 = arith.constant 1 : i32
    %dma_wait3A_864 = arith.constant 0 : i32
    %dma_wait3A_865 = arith.constant 0 : i32
    %dma_wait3A_866 = tpu.memref_slice %arg8[%dma_wait3A_863, %dma_wait3A_864, %dma_wait3A_865] : memref<2x32x1024xf32, #tpu.memory_space<vmem>> -> memref<1x32x1024xf32, #tpu.memory_space<vmem>>
    %dma_wait3A_867 = tpu.memref_squeeze %dma_wait3A_866 : memref<1x32x1024xf32, #tpu.memory_space<vmem>> -> memref<32x1024xf32, #tpu.memory_space<vmem>>
    %dma_wait3A_868 = arith.constant 0 : i32
    %dma_wait3A_869 = tpu.memref_slice %arg6[%dma_wait3A_862, %dma_wait3A_868] : memref<16x32xi32, #tpu.memory_space<vmem>> -> memref<1x32xi32, #tpu.memory_space<vmem>>
    %dma_wait3A_870 = tpu.memref_squeeze %dma_wait3A_869 : memref<1x32xi32, #tpu.memory_space<vmem>> -> memref<32xi32, #tpu.memory_space<vmem>>
    %dma_wait3A_871 = arith.constant 0 : i32
    %dma_wait3A_872 = arith.constant 0 : i32
    %dma_wait3A_873 = tpu.memref_slice %arg3[%dma_wait3A_871, %dma_wait3A_872] : memref<100000x1024xf32, #tpu.memory_space<hbm>> -> memref<100000x1024xf32, #tpu.memory_space<hbm>>
    tpu.wait_indirect_dma semaphore(%arg10 : memref<!tpu.dma_semaphore, #tpu.memory_space<semaphore_mem>>) src(%dma_wait3A_873 : memref<100000x1024xf32, #tpu.memory_space<hbm>>) dst(%dma_wait3A_867 : memref<32x1024xf32, #tpu.memory_space<vmem>>)
    %parallel_loop3A_874 = arith.constant 0 : i32
    %parallel_loop3A_875 = arith.constant 2048 : i32
    %parallel_loop3A_876 = arith.constant 1 : i32
    scf.for %parallel_loop3A_920 = %parallel_loop3A_874 to %parallel_loop3A_875 step %parallel_loop3A_876  : i32 {
      %parallel_loop3A_921 = arith.constant 64 : i32
      %parallel_loop3A_922 = arith.divsi %parallel_loop3A_920, %parallel_loop3A_921 : i32
      %parallel_loop3A_923 = arith.constant 0 : i32
      %parallel_loop3A_924 = arith.cmpi sgt, %parallel_loop3A_920, %parallel_loop3A_923 : i32
      %parallel_loop3A_925 = arith.extui %parallel_loop3A_924 : i1 to i32
      %parallel_loop3A_926 = arith.constant 0 : i32
      %parallel_loop3A_927 = arith.cmpi slt, %parallel_loop3A_920, %parallel_loop3A_926 : i32
      %parallel_loop3A_928 = arith.extui %parallel_loop3A_927 : i1 to i32
      %parallel_loop3A_929 = arith.subi %parallel_loop3A_925, %parallel_loop3A_928 : i32
      %parallel_loop3A_930 = arith.constant 0 : i32
      %parallel_loop3A_931 = arith.cmpi sgt, %parallel_loop3A_921, %parallel_loop3A_930 : i32
      %parallel_loop3A_932 = arith.extui %parallel_loop3A_931 : i1 to i32
      %parallel_loop3A_933 = arith.constant 0 : i32
      %parallel_loop3A_934 = arith.cmpi slt, %parallel_loop3A_921, %parallel_loop3A_933 : i32
      %parallel_loop3A_935 = arith.extui %parallel_loop3A_934 : i1 to i32
      %parallel_loop3A_936 = arith.subi %parallel_loop3A_932, %parallel_loop3A_935 : i32
      %parallel_loop3A_937 = arith.cmpi ne, %parallel_loop3A_929, %parallel_loop3A_936 : i32
      %parallel_loop3A_938 = arith.remsi %parallel_loop3A_920, %parallel_loop3A_921 : i32
      %parallel_loop3A_939 = arith.constant 0 : i32
      %parallel_loop3A_940 = arith.cmpi ne, %parallel_loop3A_938, %parallel_loop3A_939 : i32
      %parallel_loop3A_941 = arith.andi %parallel_loop3A_937, %parallel_loop3A_940 : i1
      %parallel_loop3A_942 = arith.constant 1 : i32
      %parallel_loop3A_943 = arith.subi %parallel_loop3A_922, %parallel_loop3A_942 : i32
      %parallel_loop3A_944 = arith.select %parallel_loop3A_941, %parallel_loop3A_943, %parallel_loop3A_922 : i32
      %parallel_loop3A_945 = arith.constant 64 : i32
      %parallel_loop3A_946 = arith.muli %parallel_loop3A_944, %parallel_loop3A_945 : i32
      %parallel_loop3A_947 = arith.subi %parallel_loop3A_920, %parallel_loop3A_946 : i32
      %parallel_loop3A_948 = arith.constant 16 : i32
      %parallel_loop3A_949 = arith.muli %parallel_loop3A_947, %parallel_loop3A_948 : i32
      %parallel_loop3A_950 = arith.constant 1 : i32
      %parallel_loop3A_951 = arith.index_cast %parallel_loop3A_950 : i32 to index
      %parallel_loop3A_952 = arith.index_cast %parallel_loop3A_944 : i32 to index
      %parallel_loop3A_953 = arith.index_cast %parallel_loop3A_949 : i32 to index
      %parallel_loop3A_954 = tpu.vector_load %arg8[%parallel_loop3A_951, %parallel_loop3A_952, %parallel_loop3A_953] {strides = array<i32>} : memref<2x32x1024xf32, #tpu.memory_space<vmem>>, vector<1x1x16xf32>,
      %parallel_loop3A_955 = vector.shape_cast %parallel_loop3A_954 : vector<1x1x16xf32> to vector<16xf32>
      %parallel_loop3A_956 = arith.index_cast %parallel_loop3A_944 : i32 to index
      %parallel_loop3A_957 = arith.index_cast %parallel_loop3A_949 : i32 to index
      %parallel_loop3A_958 = tpu.vector_load %arg7[%parallel_loop3A_956, %parallel_loop3A_957] {strides = array<i32>} : memref<32x1024xf32, #tpu.memory_space<vmem>>, vector<1x16xf32>,
      %parallel_loop3A_959 = vector.shape_cast %parallel_loop3A_958 : vector<1x16xf32> to vector<16xf32>
      %parallel_loop3A_960 = arith.addf %parallel_loop3A_955, %parallel_loop3A_959 : vector<16xf32>
      %parallel_loop3A_961 = arith.constant 1 : i32
      %parallel_loop3A_962 = arith.index_cast %parallel_loop3A_961 : i32 to index
      %parallel_loop3A_963 = arith.index_cast %parallel_loop3A_944 : i32 to index
      %parallel_loop3A_964 = arith.index_cast %parallel_loop3A_949 : i32 to index
      %parallel_loop3A_965 = tpu.vector_load %arg8[%parallel_loop3A_962, %parallel_loop3A_963, %parallel_loop3A_964] {strides = array<i32>} : memref<2x32x1024xf32, #tpu.memory_space<vmem>>, vector<1x1x16xf32>,
      %parallel_loop3A_966 = vector.shape_cast %parallel_loop3A_965 : vector<1x1x16xf32> to vector<16xf32>
      %parallel_loop3A_967 = vector.shape_cast %parallel_loop3A_960 : vector<16xf32> to vector<1x1x16xf32>
      tpu.vector_store %arg8[%parallel_loop3A_962, %parallel_loop3A_963, %parallel_loop3A_964], %parallel_loop3A_967 {strides = array<i32>} : memref<2x32x1024xf32, #tpu.memory_space<vmem>>, vector<1x1x16xf32>,
    } {sc.loop_unroll_factor = 8 : i64, sc.parallel_access}
    %add3A_877 = arith.constant 12288 : i32
    %add3A_878 = arith.addi %add3A_877, %mul3A_2 : i32
    %add3A_879 = arith.constant 96 : i32
    %add3A_880 = arith.addi %add3A_878, %add3A_879 : i32
    %dma_start3A_881 = arith.constant 1 : i32
    %dma_start3A_882 = arith.constant 0 : i32
    %dma_start3A_883 = arith.constant 0 : i32
    %dma_start3A_884 = tpu.memref_slice %arg8[%dma_start3A_881, %dma_start3A_882, %dma_start3A_883] : memref<2x32x1024xf32, #tpu.memory_space<vmem>> -> memref<1x32x1024xf32, #tpu.memory_space<vmem>>
    %dma_start3A_885 = tpu.memref_squeeze %dma_start3A_884 : memref<1x32x1024xf32, #tpu.memory_space<vmem>> -> memref<32x1024xf32, #tpu.memory_space<vmem>>
    %dma_start3A_886 = arith.constant 0 : i32
    %dma_start3A_887 = tpu.memref_slice %arg5[%add3A_880, %dma_start3A_886] : memref<16384x1024xf32, #tpu.memory_space<hbm>> -> memref<32x1024xf32, #tpu.memory_space<hbm>>
    %dma_start3A_888 = arith.constant 0 : i32
    %dma_start3A_889 = tpu.memref_slice %arg5[%add3A_880, %dma_start3A_888] : memref<16384x1024xf32, #tpu.memory_space<hbm>> -> memref<32x1024xf32, #tpu.memory_space<hbm>>
    %dma_start3A_890 = arith.constant 0 : i32
    %dma_start3A_891 = arith.constant 0 : i32
    %dma_start3A_892 = tpu.memref_slice %arg8[%dma_start3A_881, %dma_start3A_890, %dma_start3A_891] : memref<2x32x1024xf32, #tpu.memory_space<vmem>> -> memref<1x32x1024xf32, #tpu.memory_space<vmem>>
    %dma_start3A_893 = tpu.memref_squeeze %dma_start3A_892 : memref<1x32x1024xf32, #tpu.memory_space<vmem>> -> memref<32x1024xf32, #tpu.memory_space<vmem>>
    tpu.enqueue_dma source(%dma_start3A_893 : memref<32x1024xf32, #tpu.memory_space<vmem>>) target(%dma_start3A_889 : memref<32x1024xf32, #tpu.memory_space<hbm>>) target_semaphore(%arg12 : memref<!tpu.dma_semaphore, #tpu.memory_space<semaphore_mem>>)
    %dma_wait3A_894 = arith.constant 0 : i32
    %dma_wait3A_895 = arith.constant 0 : i32
    %dma_wait3A_896 = arith.constant 0 : i32
    %dma_wait3A_897 = tpu.memref_slice %arg8[%dma_wait3A_894, %dma_wait3A_895, %dma_wait3A_896] : memref<2x32x1024xf32, #tpu.memory_space<vmem>> -> memref<1x32x1024xf32, #tpu.memory_space<vmem>>
    %dma_wait3A_898 = tpu.memref_squeeze %dma_wait3A_897 : memref<1x32x1024xf32, #tpu.memory_space<vmem>> -> memref<32x1024xf32, #tpu.memory_space<vmem>>
    %dma_wait3A_899 = arith.constant 0 : i32
    %dma_wait3A_900 = tpu.memref_slice %arg5[%add3A_848, %dma_wait3A_899] : memref<16384x1024xf32, #tpu.memory_space<hbm>> -> memref<32x1024xf32, #tpu.memory_space<hbm>>
    %dma_wait3A_901 = arith.constant 0 : i32
    %dma_wait3A_902 = tpu.memref_slice %arg5[%add3A_848, %dma_wait3A_901] : memref<16384x1024xf32, #tpu.memory_space<hbm>> -> memref<32x1024xf32, #tpu.memory_space<hbm>>
    %dma_wait3A_903 = arith.constant 0 : i32
    %dma_wait3A_904 = arith.constant 0 : i32
    %dma_wait3A_905 = tpu.memref_slice %arg8[%dma_wait3A_894, %dma_wait3A_903, %dma_wait3A_904] : memref<2x32x1024xf32, #tpu.memory_space<vmem>> -> memref<1x32x1024xf32, #tpu.memory_space<vmem>>
    %dma_wait3A_906 = tpu.memref_squeeze %dma_wait3A_905 : memref<1x32x1024xf32, #tpu.memory_space<vmem>> -> memref<32x1024xf32, #tpu.memory_space<vmem>>
    tpu.wait_dma2 semaphore(%arg11 : memref<!tpu.dma_semaphore, #tpu.memory_space<semaphore_mem>>) src(%dma_wait3A_906 : memref<32x1024xf32, #tpu.memory_space<vmem>>) dst(%dma_wait3A_902 : memref<32x1024xf32, #tpu.memory_space<hbm>>)
    %dma_wait3A_907 = arith.constant 1 : i32
    %dma_wait3A_908 = arith.constant 0 : i32
    %dma_wait3A_909 = arith.constant 0 : i32
    %dma_wait3A_910 = tpu.memref_slice %arg8[%dma_wait3A_907, %dma_wait3A_908, %dma_wait3A_909] : memref<2x32x1024xf32, #tpu.memory_space<vmem>> -> memref<1x32x1024xf32, #tpu.memory_space<vmem>>
    %dma_wait3A_911 = tpu.memref_squeeze %dma_wait3A_910 : memref<1x32x1024xf32, #tpu.memory_space<vmem>> -> memref<32x1024xf32, #tpu.memory_space<vmem>>
    %dma_wait3A_912 = arith.constant 0 : i32
    %dma_wait3A_913 = tpu.memref_slice %arg5[%add3A_880, %dma_wait3A_912] : memref<16384x1024xf32, #tpu.memory_space<hbm>> -> memref<32x1024xf32, #tpu.memory_space<hbm>>
    %dma_wait3A_914 = arith.constant 0 : i32
    %dma_wait3A_915 = tpu.memref_slice %arg5[%add3A_880, %dma_wait3A_914] : memref<16384x1024xf32, #tpu.memory_space<hbm>> -> memref<32x1024xf32, #tpu.memory_space<hbm>>
    %dma_wait3A_916 = arith.constant 0 : i32
    %dma_wait3A_917 = arith.constant 0 : i32
    %dma_wait3A_918 = tpu.memref_slice %arg8[%dma_wait3A_907, %dma_wait3A_916, %dma_wait3A_917] : memref<2x32x1024xf32, #tpu.memory_space<vmem>> -> memref<1x32x1024xf32, #tpu.memory_space<vmem>>
    %dma_wait3A_919 = tpu.memref_squeeze %dma_wait3A_918 : memref<1x32x1024xf32, #tpu.memory_space<vmem>> -> memref<32x1024xf32, #tpu.memory_space<vmem>>
    tpu.wait_dma2 semaphore(%arg12 : memref<!tpu.dma_semaphore, #tpu.memory_space<semaphore_mem>>) src(%dma_wait3A_919 : memref<32x1024xf32, #tpu.memory_space<vmem>>) dst(%dma_wait3A_915 : memref<32x1024xf32, #tpu.memory_space<hbm>>)
    return
  }
}

</mosaic_0001>

<sc_bundles>
// kernel: kernel.3.cloned.1.call-start
scs
__scs_entry_jumppad:
0x0: {  	(pc) =	sbr.rel $0x88, $3  }
0x1: {  	(tag) =	ssettag $0x0;
	lr =	simm.s32 $0x1  }
0x2: {  	[smem:$0x3F9E] =	sst lr;
	_ =	strace $0xD0000000  }
0x3: {  	_ = 	snop  }
0x4: {  	_ = 	snop  }
0x5: {  	_ = 	snop  }
0x6: {  	_ = 	snop  }
0x7: {  	_ = 	snop  }
__scs_overlays_trampoline_lowered:
0x8: {  	[smem:$0x3FAD] =	sst s0  }
0x9: {  	[smem:$0x3FAE] =	sst s1  }
0xa: {  	[smem:$0x3FAF] =	sst s2  }
0xb: {  	[smem:$0x3FB0] =	sst s3  }
0xc: {  	[smem:$0x3FB1] =	sst s4  }
0xd: {  	[smem:$0x3FB2] =	sst s5  }
0xe: {  	[smem:$0x3FB3] =	sst s6  }
0xf: {  	[smem:$0x3FB4] =	sst s7  }
0x10: {  	[smem:$0x3FB5] =	sst s8  }
0x11: {  	[smem:$0x3FB6] =	sst s9;
	s0 =	simm.s32 @!p0 $0x0  }
0x12: {  	s1 =	sld [smem:$0x3F9C];
	s0 =	simm.s32 @p0 $0x1  }
0x13: {  	[smem:$0x3FB7] =	sst s0;
	s0 =	simm.s32 @!p1 $0x0  }
0x14: {  	s2 =	sld [smem:$0x3F9B];
	s0 =	simm.s32 @p1 $0x1  }
0x15: {  	[smem:$0x3FB8] =	sst s0;
	s0 =	simm.s32 @!p2 $0x0  }
0x16: {  	s3 =	sld [smem:$0x3FDB];
	s0 =	simm.s32 @p2 $0x1  }
0x17: {  	s4 =	simm.s32 $0x1BF5;
	[smem:$0x3FBA] =	sst s0  }
0x18: {  	s0 =	sld [smem:$0x3F9D];
	_ =	swait.ge [sflag:s4], $0x0  }
0x19: {  	s7 =	sld [smem:$0x3F9E]  }
0x1a: {  	s8 =	sadd.s32 $0xFFFFE003, lr  }
0x1b: {  	s9 =	sadd.s32 $0xFFFFFEF7, lr;
	s5 =	simm.s32 $0xFFFFFFFF;
	p2 =	slt.u32 s8, $0xFFFFF086  }
0x1c: {  	p1 =	slt.u32 s9, $0xF7A;
	s5 =	simm.s32 @!p2 $0x0  }
0x1d: {  	s5 =	simm.s32 @p1 $0x1;
	p0 =	seq.s32 s7, s2  }
0x1e: {  	s7 =	smul.u32 @!p0 $0xF7A, s2;
	p2 =	seq.s32 @!p0 s5, $0x0  }
0x1f: {  	s9 =	smul.u32 $0xF7A, s1;
	s8 =	simm.s32 @!p0 $0x1BF5;
	p2 =	por !p2, p0  }
0x20: {  	[sflag:s8] =	ssyncset.s32 @!p0 $0xFFFFF086;
	s6 =	sadd.s32 @!p0 s3, s7;
	s7 =	simm.s32 @!p0 $0x108  }
0x21: {  	s3 =	sadd.s32 s3, s9;
	s6 =	sadd.s32 @!p0 $0x88, s6;
	s7 =	simm.s32 @p2 $0x1082  }
0x22: {  	[simem:s7], [sflag:s8] =	dma.local @!p0 [hbm:s6], $0xF7A  }
0x23: {  	s9 =	sor.u32 $0xD0000000, s2;
	s6 =	simm.s32 $0x108;
	_ =	swait.ge @!p0 [sflag:s8], $0x0  }
0x24: {  	s3 =	sadd.s32 $0x88, s3;
	s6 =	simm.s32 @!p1 $0x1082;
	[sflag:s4] =	ssyncset.s32 $0xFFFFF086  }
0x25: {  	[simem:s6], [sflag:s4] =	dma.local [hbm:s3], $0xF7A  }
0x26: {  	[smem:$0x3F9E] =	sst s1;
	(tag) =	ssettag s2;
	_ =	strace s9  }
0x27: {  	s1 =	sld [smem:$0x3FAE]  }
0x28: {  	s2 =	sld [smem:$0x3FAF]  }
0x29: {  	s4 =	sld [smem:$0x3FB1]  }
0x2a: {  	p0 =	seq.s32 s5, $0x0;
	s5 =	sld [smem:$0x3FB2]  }
0x2b: {  	s6 =	sld [smem:$0x3FB3]  }
0x2c: {  	s7 =	sld [smem:$0x3FB4]  }
0x2d: {  	s3 =	simm.s32 $0x108;
	s8 =	sld [smem:$0x3FB5]  }
0x2e: {  	s3 =	simm.s32 @!p0 $0x1082;
	s9 =	sld [smem:$0x3FB6]  }
0x2f: {  	lr =	sadd.s32 s0, s3;
	s0 =	sld [smem:$0x3FAD]  }
0x30: {  	s3 =	sld [smem:$0x3FB0]  }
0x31: {  	[smem:$0x3FB9] =	sst s10  }
0x32: {  	s10 =	sld [smem:$0x3FB7];
	_ =	sdelay $0x3  }
0x33: {  	p0 =	seq.s32 s10, $0x1;
	s10 =	sld [smem:$0x3FB9];
	_ =	sdelay $0x3  }
0x34: {  	[smem:$0x3FB9] =	sst s10  }
0x35: {  	s10 =	sld [smem:$0x3FB8];
	_ =	sdelay $0x3  }
0x36: {  	p1 =	seq.s32 s10, $0x1;
	s10 =	sld [smem:$0x3FB9];
	_ =	sdelay $0x3  }
0x37: {  	[smem:$0x3FB9] =	sst s10  }
0x38: {  	s10 =	sld [smem:$0x3FBA]  }
0x39: {  	_ = 	snop;
	(pc) =	sbr.ind lr, $3  }
0x3a: {  	_ = 	snop  }
0x3b: {  	_ = 	snop  }
0x3c: {  	p2 =	seq.s32 s10, $0x1;
	s10 =	sld [smem:$0x3FB9]  }
0x3d: {  	_ =	shalt  }
0x3e: {  	_ =	shalt  }
0x3f: {  	_ =	shalt  }
0x40: {  	_ =	shalt  }
0x41: {  	_ =	shalt  }
0x42: {  	_ =	shalt  }
0x43: {  	_ =	shalt  }
0x44: {  	_ =	shalt  }
0x45: {  	_ =	shalt  }
0x46: {  	_ =	shalt  }
0x47: {  	_ =	shalt  }
0x48: {  	_ =	shalt  }
0x49: {  	_ =	shalt  }
0x4a: {  	_ =	shalt  }
0x4b: {  	_ =	shalt  }
0x4c: {  	_ =	shalt  }
0x4d: {  	_ =	shalt  }
0x4e: {  	_ =	shalt  }
0x4f: {  	_ =	shalt  }
0x50: {  	_ =	shalt  }
0x51: {  	_ =	shalt  }
0x52: {  	_ =	shalt  }
0x53: {  	_ =	shalt  }
0x54: {  	_ =	shalt  }
0x55: {  	_ =	shalt  }
0x56: {  	_ =	shalt  }
0x57: {  	_ =	shalt  }
0x58: {  	_ =	shalt  }
0x59: {  	_ =	shalt  }
0x5a: {  	_ =	shalt  }
0x5b: {  	_ =	shalt  }
0x5c: {  	_ =	shalt  }
0x5d: {  	_ =	shalt  }
0x5e: {  	_ =	shalt  }
0x5f: {  	_ =	shalt  }
0x60: {  	_ =	shalt  }
0x61: {  	_ =	shalt  }
0x62: {  	_ =	shalt  }
0x63: {  	_ =	shalt  }
0x64: {  	_ =	shalt  }
0x65: {  	_ =	shalt  }
0x66: {  	_ =	shalt  }
0x67: {  	_ =	shalt  }
0x68: {  	_ =	shalt  }
0x69: {  	_ =	shalt  }
0x6a: {  	_ =	shalt  }
0x6b: {  	_ =	shalt  }
0x6c: {  	_ =	shalt  }
0x6d: {  	_ =	shalt  }
0x6e: {  	_ =	shalt  }
0x6f: {  	_ =	shalt  }
0x70: {  	_ =	shalt  }
0x71: {  	_ =	shalt  }
0x72: {  	_ =	shalt  }
0x73: {  	_ =	shalt  }
0x74: {  	_ =	shalt  }
0x75: {  	_ =	shalt  }
0x76: {  	_ =	shalt  }
0x77: {  	_ =	shalt  }
0x78: {  	_ =	shalt  }
0x79: {  	_ =	shalt  }
0x7a: {  	_ =	shalt  }
0x7b: {  	_ =	shalt  }
0x7c: {  	_ =	shalt  }
0x7d: {  	_ =	shalt  }
0x7e: {  	_ =	shalt  }
0x7f: {  	_ =	shalt  }
0x80: {  	_ =	shalt  }
0x81: {  	_ =	shalt  }
0x82: {  	_ =	shalt  }
0x83: {  	_ =	shalt  }
0x84: {  	_ =	shalt  }
0x85: {  	_ =	shalt  }
0x86: {  	_ =	shalt  }
0x87: {  	_ =	shalt  }
.Lfunc_end0:
.L_simem_size_0:
called_computation_lowered:
.L_overlay_start_0:
0x88: {  	s2 =	sld [smem:$0x3FD9]  }
0x89: {  	s3 =	sld [smem:$0x3FFE];
	_ =	sdelay $0x1  }
0x8a: {  	s1 =	srdreg.scid  }
0x8b: {  	s0 =	sand.u32 $0x1, s1  }
0x8c: {  	s17 =	sshll.u32 s0, $0xA;
	s2 =	sadd.s32 s3, s2  }
0x8d: {  	s2 =	sadd.s32 s2, s17  }
0x8e: {  	[smem:$0x3FC5] =	sst s2  }
0x8f: {  	_ = 	snop  }
0x90: {  	s2 =	sld [smem:$0x3FC8]  }
0x91: {  	s18 =	sld [smem:$0x3FC7]  }
0x92: {  	s4 =	sld [smem:$0x3FD0];
	(tm) =	ssettm $0x1  }
0x93: {  	s5 =	sld [smem:$0x3FFB];
	_ =	sdelay $0x3  }
0x94: {  	_ =	strace s5  }
0x95: {  	s5 =	sld [smem:$0x3FFC];
	_ =	sdelay $0x3  }
0x96: {  	_ =	strace s5  }
0x97: {  	s5 =	sld [smem:$0x3FFD];
	_ =	sdelay $0x3  }
0x98: {  	_ =	strace s5  }
0x99: {  	_ =	strace $0x8FFFFFFF  }
0x9a: {  	s19 =	sld [smem:$0x3FDB];
	_ =	sdelay $0x1  }
0x9b: {  	s6 =	simm.s32 $_scs_section_size  }
0x9c: {  	s7 =	simm.s32 $_size__tile_overlayer_lowered;
	s8 =	simm.s32 $_tile_overlayer_lowered  }
0x9d: {  	s22 =	simm.s32 $0x1BFF;
	s21 =	sshll.u32 s8, $0x1;
	s5 =	sadd.s32 s6, s19  }
0x9e: {  	s9 =	simm.s32 $0x0;
	s20 =	sshll.u32 s7, $0x1;
	s7 =	sadd.s32 s21, s5  }
0x9f: {  	[timem:s9], [sflag:s22] =	dma.local [hbm:s7], s20  }
0xa0: {  	_ =	swait.ge [sflag:s22], s20  }
0xa1: {  	s6 =	ssub.s32 $0x0, s20;
	[sflag:s22] =	ssyncset.done $0x0  }
0xa2: {  	[sflag:s22] =	ssyncadd.s32 s6;
	_ =	sdelay $0x1  }
0xa3: {  	s23 =	simm.s32 $0x1B8B  }
0xa4: {  	_ =	swait.ge [sflag:s23], $0x1  }
0xa5: {  	[sflag:s23] =	ssyncset.done $0x0  }
0xa6: {  	s25 =	simm.s32 $0x1B8E;
	s24 =	sld [smem:$0x3FFE];
	[sflag:s23] =	ssyncadd.s32 $0xFFFFFFFF  }
0xa7: {  	s26 =	simm.s32 $execute0_lowered;
	[smem:$0x3FD2] =	sst s25  }
0xa8: {  	s7 =	sshll.u32 s26, $0x1;
	_ =	strace $0x80000046;
	[dreg:$0x1] =	wrdreg $0xFFFFFFFF  }
0xa9: {  	s28 =	simm.s32 $_size_execute0_lowered;
	s5 =	sadd.s32 s5, s7;
	[dreg:$0x0] =	wrdreg $0x0  }
0xaa: {  	s7 =	sshll.u32 s28, $0x1;
	[dreg:$0x2] =	wrdreg s5  }
0xab: {  	[dreg:$0x3] =	wrdreg s7  }
0xac: {  	[dreg:$0x4] =	wrdreg $0xC0  }
0xad: {  	_ =	task [dreg:s9], $0x5FFFF  }
0xae: {  	[dreg:$0x1] =	wrdreg $0xFFFFFFFF  }
0xaf: {  	[dreg:$0x0] =	wrdreg $0x60  }
0xb0: {  	[dreg:$0x2] =	wrdreg s24  }
0xb1: {  	[dreg:$0x3] =	wrdreg s2  }
0xb2: {  	[dreg:$0x4] =	wrdreg s18  }
0xb3: {  	[dreg:$0x5] =	wrdreg s4  }
0xb4: {  	[dreg:$0x6] =	wrdreg $0x9  }
0xb5: {  	_ =	task.clear_ibuf [dreg:s9], $0x7FFFF;
	_ =	strace $0x90000046  }
0xb6: {  	s29 =	simm.s32 $0x9;
	_ =	strace $0x80000048  }
0xb7: {  	_ =	swait.ge [sflag:s29], $0x1  }
0xb8: {  	[sflag:s29] =	ssyncadd.s32 $0xFFFFFFFF  }
0xb9: {  	_ =	strace $0x90000048  }
0xba: {  	_ =	sfence  }
0xbb: {  	s30 =	sld [smem:$0x0];
	_ =	sdelay $0x2  }
0xbc: {  	s31 =	sshll.u32 s1, $0xD;
	s1 =	sshrl.u32 s1, $0x2  }
0xbd: {  	s3 =	sand.u32 $0x4000, s31;
	s1 =	sadd.s32 s1, s30  }
0xbe: {  	s0 =	sor.u32 s3, s0;
	s1 =	sshll.u32 s1, $0x11  }
0xbf: {  	s0 =	sor.u32 s1, s0  }
0xc0: {  	s0 =	sadd.s32 $0x8F2B, s0  }
0xc1: {  	[sflag:s0] =	ssyncadd.remote.s32 $0x1  }
0xc2: {  	_ =	sfence.sel $0xFFFF  }
0xc3: {  	[dreg:$0x0] =	wrdreg $0xFFFFFFFF;
	(pc) =	sbr.abs _section_cstart, $3  }
0xc4: {  	[dreg:$0x1] =	wrdreg $0xFFFFFFFF  }
0xc5: {  	_ =	task.clear_ibuf [dreg:s9], $0x2FFFF;
	_ =	strace $0x9FFFFFFF  }
0xc6: {  	(tm) =	ssettm $0x7FFFFFFF  }
0xc7: {  	_ =	shalt  }
tec
execute0_lowered:
.L_overlay_start_1:
0x0: {  	(tag) =	ssettag $0x1  }
0x1: {  	s0 =	rddreg [dreg:$0x0]  }
0x2: {  	s1 =	rddreg [dreg:$0x1]  }
0x3: {  	s2 =	rddreg [dreg:$0x2];
	s3 =	srdreg.scid  }
0x4: {  	s6 =	stileid.u32;
	s4 =	rddreg [dreg:$0x3]  }
0x5: {  	s5 =	sand.u32 $0x1, s3;
	s6 =	sshll.u32 s6, $0x1;
	s3 =	simm.s32 $0x0  }
0x6: {  	s6 =	sor.u32 s5, s6;
	[smem:$0x7FF] =	sst s3;
	s5 =	ssub.s32 $0x2, s5  }
0x7: {  	s7 =	sshll.u32 s6, $0x8;
	_ =	strace $0x80000047;
	s9 =	sshll.u32 s6, $0xE  }
0x8: {  	s10 =	sshrl.u32 s5, $0x1;
	s0 =	sadd.s32 s7, s0;
	s11 =	sadd.s32 s2, s9  }
0x9: {  	s7 =	ssub.s32 s5, s10;
	s10 =	sadd.s32 s4, s9;
	[dreg:$0x7] =	wrdreg s11  }
0xa: {  	s0 =	sadd.s32 $0x400, s0;
	[dreg:$0x6] =	wrdreg s10  }
0xb: {  	s12 =	sadd.s32 $0x80000, s10;
	[dreg:$0x5] =	wrdreg s0  }
0xc: {  	s13 =	sadd.s32 $0x100000, s10;
	[dreg:$0x8] =	wrdreg s12  }
0xd: {  	s15 =	sor.u32 $0x1000, s9;
	s14 =	sadd.s32 $0x180000, s10;
	[dreg:$0x9] =	wrdreg s13  }
0xe: {  	s11 =	sadd.s32 s2, s15;
	[dreg:$0xa] =	wrdreg s14  }
0xf: {  	s16 =	sadd.s32 $0x81000, s10;
	[dreg:$0xb] =	wrdreg s11  }
0x10: {  	s30 =	simm.s32 $0x5;
	s17 =	sadd.s32 $0x101000, s10;
	[dreg:$0xd] =	wrdreg s16  }
0x11: {  	s19 =	sor.u32 $0x2000, s9;
	s18 =	sadd.s32 $0x181000, s10;
	[dreg:$0xe] =	wrdreg s17  }
0x12: {  	s31 =	simm.s32 $0x8800;
	s20 =	sadd.s32 s2, s19;
	[dreg:$0xf] =	wrdreg s18  }
0x13: {  	s8 =	sadd.s32 $0x300, s1;
	s22 =	sadd.s32 $0x82000, s10;
	[dreg:$0x10] =	wrdreg s20  }
0x14: {  	s21 =	sor.u32 $0x3000, s9;
	s23 =	sadd.s32 $0x102000, s10;
	[dreg:$0x12] =	wrdreg s22  }
0x15: {  	s6 =	sadd.s32 $0x200, s1;
	s2 =	sadd.s32 s2, s21;
	[dreg:$0x13] =	wrdreg s23  }
0x16: {  	s5 =	sadd.s32 $0x100, s1;
	s24 =	sadd.s32 $0x182000, s10;
	[dreg:$0x14] =	wrdreg s2  }
0x17: {  	s9 =	simm.s32 $0x16800;
	s25 =	smax.u32 s7, $0x1;
	[dreg:$0x16] =	wrdreg s24  }
0x18: {  	s26 =	sadd.s32 $0x83000, s10;
	s28 =	sadd.s32 $0x103000, s10;
	[dreg:$0x17] =	wrdreg s25  }
0x19: {  	s29 =	sadd.s32 $0x183000, s10;
	s7 =	simm.s32 $0x14000;
	[dreg:$0x18] =	wrdreg s26  }
0x1a: {  	s10 =	simm.s32 $0x17000;
	s0 =	sadd.s32 s4, s15;
	[dreg:$0x19] =	wrdreg s28  }
0x1b: {  	[dreg:$0x1a] =	wrdreg s29;
	s22 =	simm.s32 $0x10800;
	s2 =	simm.s32 $0x15000  }
0x1c: {  	s11 =	simm.s32 $0x17800;
	s12 =	simm.s32 $0x18000;
	s13 =	simm.s32 $0x1  }
0x1d: {  	s14 =	simm.s32 $0x3;
	s15 =	simm.s32 $0x2;
	s16 =	simm.s32 $0x4  }
0x1e: {  	v2 =	vlaneseq.u32;
	s17 =	simm.s32 $0x0;
	[dreg:$0xc] =	wrdreg s0;
	s0 =	sadd.s32 s4, s19  }
0x1f: {  	vm0 =	vmmov $0xffff;
	v1 =	vshrl.u32 v2, $0x3;
	[dreg:$0x11] =	wrdreg s0;
	s0 =	sadd.s32 s4, s21;
	s21 =	simm.s32 $0x14800  }
0x20: {  	v0 =	vand.u32 $0x7, v2;
	v2 =	vor.u32 $0x8, v2;
	v1 =	vmul.u32 $0x8, v1;
	s4 =	simm.s32 $0x16000;
	[dreg:$0x15] =	wrdreg s0;
	s0 =	simm.s32 $0x15800  }
.LBB2_1:
0x21: {  	s18 =	rddreg [dreg:$0x5]  }
0x22: {  	[tilespmem:s3], [sflag:$0x5] =	stream.linear.gather [hbm4b:s18+s3], $0x800, $0x38;
	[tilespmem:$0x18800] =	vst v63  }
0x23: {  	_ =	swait.ge [sflag:s30], $0x800  }
0x24: {  	[sflag:s30] =	ssyncset.done $0x0  }
0x25: {  	[sflag:s30] =	ssyncadd.s32 $0xFFFFF800  }
0x26: {  	v3 =	vld [tilespmem:$0x0];
	_ =	sdelay $0x4  }
0x27: {  	v4 =	vshll.u32 v3, $0x3  }
0x28: {  	v3 =	vand.u32 $0x7, v3;
	v4 =	vand.u32 $0xFFFFFFC0, v4  }
0x29: {  	v3 =	vor.u32 v3, v4  }
0x2a: {  	v4 =	vperm.xlane v3, v0;
	_ =	sdelay $0x1  }
0x2b: {  	v4 =	vadd.s32 v1, v4;
	_ =	sdelay $0x4  }
0x2c: {  	[tilespmem:s31], [sflag:$0x1] =	stream.indirect_vreg.gather [hbm4b:s1+s3], $0x80, v4, vm0, $0xb8;
	[tilespmem:$0x18800] =	vst v63  }
0x2d: {  	s29 =	simm.s32 $0x9000;
	v3 =	vperm.xlane v3, v2  }
0x2e: {  	[tilespmem:s29], [sflag:$0x1] =	stream.indirect_vreg.gather [hbm4b:s5+s3], $0x80, v4, vm0, $0xb8;
	[tilespmem:$0x18800] =	vst v63  }
0x2f: {  	s19 =	simm.s32 $0x9800;
	v3 =	vadd.s32 v1, v3  }
0x30: {  	[tilespmem:s19], [sflag:$0x1] =	stream.indirect_vreg.gather [hbm4b:s6+s3], $0x80, v4, vm0, $0xb8;
	[tilespmem:$0x18800] =	vst v63  }
0x31: {  	s20 =	simm.s32 $0xA000  }
0x32: {  	[tilespmem:s20], [sflag:$0x1] =	stream.indirect_vreg.gather [hbm4b:s8+s3], $0x80, v4, vm0, $0xb8;
	[tilespmem:$0x18800] =	vst v63  }
0x33: {  	s23 =	simm.s32 $0xA800  }
0x34: {  	[tilespmem:s23], [sflag:$0x1] =	stream.indirect_vreg.gather [hbm4b:s1+s3], $0x80, v3, vm0, $0xb8;
	[tilespmem:$0x18800] =	vst v63  }
0x35: {  	s24 =	simm.s32 $0xB000  }
0x36: {  	[tilespmem:s24], [sflag:$0x1] =	stream.indirect_vreg.gather [hbm4b:s5+s3], $0x80, v3, vm0, $0xb8;
	[tilespmem:$0x18800] =	vst v63  }
0x37: {  	s25 =	simm.s32 $0xB800  }
0x38: {  	[tilespmem:s25], [sflag:$0x1] =	stream.indirect_vreg.gather [hbm4b:s6+s3], $0x80, v3, vm0, $0xb8;
	[tilespmem:$0x18800] =	vst v63  }
0x39: {  	s26 =	simm.s32 $0xC000  }
0x3a: {  	[tilespmem:s26], [sflag:$0x1] =	stream.indirect_vreg.gather [hbm4b:s8+s3], $0x80, v3, vm0, $0xb8;
	[tilespmem:$0x18800] =	vst v63  }
0x3b: {  	v3 =	vld [tilespmem:$0x10];
	_ =	sdelay $0x4  }
0x3c: {  	v4 =	vshll.u32 v3, $0x3  }
0x3d: {  	v3 =	vand.u32 $0x7, v3;
	v4 =	vand.u32 $0xFFFFFFC0, v4  }
0x3e: {  	v3 =	vor.u32 v3, v4  }
0x3f: {  	v4 =	vperm.xlane v3, v0;
	_ =	sdelay $0x1  }
0x40: {  	v4 =	vadd.s32 v1, v4;
	_ =	sdelay $0x3  }
0x41: {  	s28 =	simm.s32 $0xC800  }
0x42: {  	[tilespmem:s28], [sflag:$0x1] =	stream.indirect_vreg.gather [hbm4b:s1+s3], $0x80, v4, vm0, $0xb8;
	[tilespmem:$0x18800] =	vst v63  }
0x43: {  	s29 =	simm.s32 $0xD000;
	v3 =	vperm.xlane v3, v2  }
0x44: {  	[tilespmem:s29], [sflag:$0x1] =	stream.indirect_vreg.gather [hbm4b:s5+s3], $0x80, v4, vm0, $0xb8;
	[tilespmem:$0x18800] =	vst v63  }
0x45: {  	s19 =	simm.s32 $0xD800;
	v3 =	vadd.s32 v1, v3  }
0x46: {  	[tilespmem:s19], [sflag:$0x1] =	stream.indirect_vreg.gather [hbm4b:s6+s3], $0x80, v4, vm0, $0xb8;
	[tilespmem:$0x18800] =	vst v63  }
0x47: {  	s20 =	simm.s32 $0xE000  }
0x48: {  	[tilespmem:s20], [sflag:$0x1] =	stream.indirect_vreg.gather [hbm4b:s8+s3], $0x80, v4, vm0, $0xb8;
	[tilespmem:$0x18800] =	vst v63  }
0x49: {  	s23 =	simm.s32 $0xE800  }
0x4a: {  	[tilespmem:s23], [sflag:$0x1] =	stream.indirect_vreg.gather [hbm4b:s1+s3], $0x80, v3, vm0, $0xb8;
	[tilespmem:$0x18800] =	vst v63  }
0x4b: {  	s24 =	simm.s32 $0xF000  }
0x4c: {  	[tilespmem:s24], [sflag:$0x1] =	stream.indirect_vreg.gather [hbm4b:s5+s3], $0x80, v3, vm0, $0xb8;
	[tilespmem:$0x18800] =	vst v63  }
0x4d: {  	s25 =	simm.s32 $0xF800  }
0x4e: {  	[tilespmem:s25], [sflag:$0x1] =	stream.indirect_vreg.gather [hbm4b:s6+s3], $0x80, v3, vm0, $0xb8;
	[tilespmem:$0x18800] =	vst v63  }
0x4f: {  	s26 =	simm.s32 $0x10000  }
0x50: {  	[tilespmem:s26], [sflag:$0x1] =	stream.indirect_vreg.gather [hbm4b:s8+s3], $0x80, v3, vm0, $0xb8;
	[tilespmem:$0x18800] =	vst v63  }
0x51: {  	s28 =	rddreg [dreg:$0x7];
	s19 =	simm.s32 $0x800  }
0x52: {  	[tilespmem:s19], [sflag:$0x5] =	stream.linear.gather [hbm4b:s28+s3], $0x8000, $0x38;
	[tilespmem:$0x18800] =	vst v63  }
0x53: {  	_ =	swait.ge [sflag:s30], $0x8000  }
0x54: {  	[sflag:s30] =	ssyncset.done $0x0  }
0x55: {  	[sflag:s30] =	ssyncadd.s32 $0xFFFF8000  }
0x56: {  	v3 =	vld [tilespmem:$0x80];
	_ =	sdelay $0x4  }
0x57: {  	v4 =	vshll.u32 v3, $0x3  }
0x58: {  	v3 =	vand.u32 $0x7, v3;
	v4 =	vand.u32 $0xFFFFFFC0, v4  }
0x59: {  	v3 =	vor.u32 v3, v4  }
0x5a: {  	v4 =	vperm.xlane v3, v0;
	_ =	sdelay $0x1  }
0x5b: {  	v4 =	vadd.s32 v1, v4;
	_ =	sdelay $0x4  }
0x5c: {  	[tilespmem:s22], [sflag:$0x2] =	stream.indirect_vreg.gather [hbm4b:s1+s3], $0x80, v4, vm0, $0xb8;
	[tilespmem:$0x18800] =	vst v63  }
0x5d: {  	s29 =	simm.s32 $0x11000;
	v3 =	vperm.xlane v3, v2  }
0x5e: {  	[tilespmem:s29], [sflag:$0x2] =	stream.indirect_vreg.gather [hbm4b:s5+s3], $0x80, v4, vm0, $0xb8;
	[tilespmem:$0x18800] =	vst v63  }
0x5f: {  	s19 =	simm.s32 $0x11800;
	v3 =	vadd.s32 v1, v3  }
0x60: {  	[tilespmem:s19], [sflag:$0x2] =	stream.indirect_vreg.gather [hbm4b:s6+s3], $0x80, v4, vm0, $0xb8;
	[tilespmem:$0x18800] =	vst v63  }
0x61: {  	s20 =	simm.s32 $0x12000  }
0x62: {  	[tilespmem:s20], [sflag:$0x2] =	stream.indirect_vreg.gather [hbm4b:s8+s3], $0x80, v4, vm0, $0xb8;
	[tilespmem:$0x18800] =	vst v63  }
0x63: {  	s23 =	simm.s32 $0x12800  }
0x64: {  	[tilespmem:s23], [sflag:$0x2] =	stream.indirect_vreg.gather [hbm4b:s1+s3], $0x80, v3, vm0, $0xb8;
	[tilespmem:$0x18800] =	vst v63  }
0x65: {  	s24 =	simm.s32 $0x13000  }
0x66: {  	[tilespmem:s24], [sflag:$0x2] =	stream.indirect_vreg.gather [hbm4b:s5+s3], $0x80, v3, vm0, $0xb8;
	[tilespmem:$0x18800] =	vst v63  }
0x67: {  	s25 =	simm.s32 $0x13800  }
0x68: {  	[tilespmem:s25], [sflag:$0x2] =	stream.indirect_vreg.gather [hbm4b:s6+s3], $0x80, v3, vm0, $0xb8;
	[tilespmem:$0x18800] =	vst v63  }
0x69: {  	_ = 	snop  }
0x6a: {  	[tilespmem:s7], [sflag:$0x2] =	stream.indirect_vreg.gather [hbm4b:s8+s3], $0x80, v3, vm0, $0xb8;
	[tilespmem:$0x18800] =	vst v63  }
0x6b: {  	v3 =	vld [tilespmem:$0x90];
	_ =	sdelay $0x4  }
0x6c: {  	v4 =	vshll.u32 v3, $0x3  }
0x6d: {  	v3 =	vand.u32 $0x7, v3;
	v4 =	vand.u32 $0xFFFFFFC0, v4  }
0x6e: {  	v3 =	vor.u32 v3, v4  }
0x6f: {  	v4 =	vperm.xlane v3, v0;
	_ =	sdelay $0x1  }
0x70: {  	v4 =	vadd.s32 v1, v4;
	_ =	sdelay $0x4  }
0x71: {  	[tilespmem:s21], [sflag:$0x2] =	stream.indirect_vreg.gather [hbm4b:s1+s3], $0x80, v4, vm0, $0xb8;
	[tilespmem:$0x18800] =	vst v63  }
0x72: {  	v3 =	vperm.xlane v3, v2  }
0x73: {  	[tilespmem:s2], [sflag:$0x2] =	stream.indirect_vreg.gather [hbm4b:s5+s3], $0x80, v4, vm0, $0xb8;
	[tilespmem:$0x18800] =	vst v63  }
0x74: {  	v3 =	vadd.s32 v1, v3  }
0x75: {  	[tilespmem:s0], [sflag:$0x2] =	stream.indirect_vreg.gather [hbm4b:s6+s3], $0x80, v4, vm0, $0xb8;
	[tilespmem:$0x18800] =	vst v63  }
0x76: {  	_ = 	snop  }
0x77: {  	[tilespmem:s4], [sflag:$0x2] =	stream.indirect_vreg.gather [hbm4b:s8+s3], $0x80, v4, vm0, $0xb8;
	[tilespmem:$0x18800] =	vst v63  }
0x78: {  	_ = 	snop  }
0x79: {  	[tilespmem:s9], [sflag:$0x2] =	stream.indirect_vreg.gather [hbm4b:s1+s3], $0x80, v3, vm0, $0xb8;
	[tilespmem:$0x18800] =	vst v63  }
0x7a: {  	s26 =	simm.s32 $0x0  }
0x7b: {  	[tilespmem:s10], [sflag:$0x2] =	stream.indirect_vreg.gather [hbm4b:s5+s3], $0x80, v3, vm0, $0xb8;
	[tilespmem:$0x18800] =	vst v63  }
0x7c: {  	s18 =	sand.u32 $0xFFFFE000, s26  }
0x7d: {  	[tilespmem:s11], [sflag:$0x2] =	stream.indirect_vreg.gather [hbm4b:s6+s3], $0x80, v3, vm0, $0xb8;
	[tilespmem:$0x18800] =	vst v63  }
0x7e: {  	s28 =	simm.s32 $0x0;
	s18 =	sadd.s32 $0x0, s18  }
0x7f: {  	[tilespmem:s12], [sflag:$0x2] =	stream.indirect_vreg.gather [hbm4b:s8+s3], $0x80, v3, vm0, $0xb8;
	[tilespmem:$0x18800] =	vst v63  }
0x80: {  	s19 =	sand.u32 $0x380, s28;
	s20 =	simm.s32 $0x0;
	_ =	swait.ge [sflag:s13], $0x8000  }
0x81: {  	s18 =	sadd.s32 s19, s18;
	s29 =	sand.u32 $0xFFFFE000, s20;
	[sflag:s13] =	ssyncset.done $0x0  }
0x82: {  	s18 =	ssub.s32 s18, s29;
	[sflag:s13] =	ssyncadd.s32 $0xFFFF8000  }
0x83: {  	v3 =	vld [tilespmem:s18+$0x8870]  }
0x84: {  	v5 =	vld [tilespmem:s18+$0x870]  }
0x85: {  	v6 =	vld [tilespmem:s18+$0x8800]  }
0x86: {  	v8 =	vld [tilespmem:s18+$0x800]  }
0x87: {  	v9 =	vld [tilespmem:s18+$0x8810]  }
0x88: {  	v10 =	vld [tilespmem:s18+$0x810]  }
0x89: {  	v4 =	vld [tilespmem:s18+$0x8820]  }
0x8a: {  	v7 =	vld [tilespmem:s18+$0x820];
	v5 =	vadd.f32 v5, v3  }
0x8b: {  	v8 =	vadd.f32 v8, v6;
	v3 =	vld [tilespmem:s18+$0x8830]  }
0x8c: {  	v6 =	vld [tilespmem:s18+$0x830];
	[tilespmem:s18+$0x8870] =	vst v5  }
0x8d: {  	s19 =	simm.s32 $0x0;
	s20 =	simm.s32 $0x8;
	s23 =	simm.s32 $0x0;
	[tilespmem:s18+$0x8800] =	vst v8;
	v8 =	vadd.f32 v10, v9;
	v5 =	vld [tilespmem:s18+$0x8840]  }
.LBB2_2:
0x8e: {  	s24 =	sshll.u32 s20, $0x4;
	s25 =	sshll.u32 s20, $0x7;
	v9 =	vld [tilespmem:s18+$0x840];
	s23 =	sadd.s32 $0x400, s23  }
0x8f: {  	s26 =	sshll.u32 s20, $0x1;
	s19 =	sadd.s32 $0x8, s19;
	s24 =	sand.u32 $0xFFFFE000, s24;
	[tilespmem:s18+$0x8810] =	vst v8;
	v4 =	vadd.f32 v7, v4;
	v7 =	vld [tilespmem:s18+$0x8850]  }
0x90: {  	s26 =	sand.u32 $0x380, s26;
	p0 =	slt.u32 s19, $0x7F8;
	s24 =	sadd.s32 s24, s23;
	v8 =	vld [tilespmem:s18+$0x850]  }
0x91: {  	s25 =	sand.u32 $0xFFFFE000, s25;
	s24 =	sadd.s32 s26, s24;
	[tilespmem:s18+$0x8820] =	vst v4;
	v3 =	vadd.f32 v6, v3;
	v4 =	vld [tilespmem:s18+$0x8860]  }
0x92: {  	s24 =	ssub.s32 s24, s25;
	v6 =	vld [tilespmem:s18+$0x860]  }
0x93: {  	v10 =	vld [tilespmem:s24+$0x8870];
	[tilespmem:s18+$0x8830] =	vst v3;
	v3 =	vadd.f32 v9, v5  }
0x94: {  	v5 =	vld [tilespmem:s24+$0x870]  }
0x95: {  	v9 =	vld [tilespmem:s24+$0x8800];
	[tilespmem:s18+$0x8840] =	vst v3;
	v3 =	vadd.f32 v8, v7  }
0x96: {  	v8 =	vld [tilespmem:s24+$0x800]  }
0x97: {  	v11 =	vld [tilespmem:s24+$0x8810];
	[tilespmem:s18+$0x8850] =	vst v3;
	v3 =	vadd.f32 v6, v4  }
0x98: {  	v12 =	vld [tilespmem:s24+$0x810]  }
.Ltmp0:
0x99: {  	v4 =	vld [tilespmem:s24+$0x8820];
	v5 =	vadd.f32 v5, v10;
	[tilespmem:s18+$0x8860] =	vst v3;
	s18 =	smov.u32 s24;
	(pc) =	sbr.rel @p0 .LBB2_2-.Ltmp0, $4  }
0x9a: {  	v7 =	vld [tilespmem:s18+$0x820]  }
0x9b: {  	v8 =	vadd.f32 v8, v9;
	v3 =	vld [tilespmem:s18+$0x8830];
	[tilespmem:s18+$0x8870] =	vst v5  }
0x9c: {  	v6 =	vld [tilespmem:s18+$0x830]  }
0x9d: {  	s20 =	sadd.s32 $0x8, s20;
	[tilespmem:s18+$0x8800] =	vst v8;
	v8 =	vadd.f32 v12, v11;
	v5 =	vld [tilespmem:s18+$0x8840]  }
0x9e: {  	v9 =	vld [tilespmem:s18+$0x840]  }
0x9f: {  	v10 =	vld [tilespmem:s18+$0x8850]  }
0xa0: {  	v11 =	vld [tilespmem:s18+$0x850]  }
0xa1: {  	v12 =	vld [tilespmem:s18+$0x8860]  }
0xa2: {  	v13 =	vld [tilespmem:s18+$0x860]  }
0xa3: {  	v4 =	vadd.f32 v7, v4  }
0xa4: {  	[tilespmem:s18+$0x8810] =	vst v8;
	v3 =	vadd.f32 v6, v3  }
0xa5: {  	[tilespmem:s18+$0x8820] =	vst v4;
	v4 =	vadd.f32 v9, v5  }
0xa6: {  	[tilespmem:s18+$0x8830] =	vst v3;
	v3 =	vadd.f32 v11, v10  }
0xa7: {  	[tilespmem:s18+$0x8840] =	vst v4;
	v4 =	vadd.f32 v13, v12  }
0xa8: {  	[tilespmem:s18+$0x8850] =	vst v3  }
0xa9: {  	[tilespmem:s18+$0x8860] =	vst v4  }
0xaa: {  	s18 =	simm.s32 $0x0;
	s19 =	rddreg [dreg:$0x6]  }
0xab: {  	[hbm4b:s19+s18] =	stream.linear.scatter [tilespmem:s31], [sflag:$0x3], $0x8000, $0x38;
	[tilespmem:$0x18800] =	vst v63  }
0xac: {  	_ =	swait.ge [sflag:s14], $0x8000  }
0xad: {  	[sflag:s14] =	ssyncset.done $0x0  }
0xae: {  	[sflag:s14] =	ssyncadd.s32 $0xFFFF8000  }
0xaf: {  	v3 =	vld [tilespmem:$0x100];
	_ =	sdelay $0x4  }
0xb0: {  	v4 =	vshll.u32 v3, $0x3  }
0xb1: {  	v3 =	vand.u32 $0x7, v3;
	v4 =	vand.u32 $0xFFFFFFC0, v4  }
0xb2: {  	v3 =	vor.u32 v3, v4  }
0xb3: {  	v4 =	vperm.xlane v3, v0;
	_ =	sdelay $0x1  }
0xb4: {  	v4 =	vadd.s32 v1, v4;
	_ =	sdelay $0x4  }
0xb5: {  	[tilespmem:s31], [sflag:$0x1] =	stream.indirect_vreg.gather [hbm4b:s1+s18], $0x80, v4, vm0, $0xb8;
	[tilespmem:$0x18800] =	vst v63  }
0xb6: {  	s25 =	simm.s32 $0x9000;
	v3 =	vperm.xlane v3, v2  }
0xb7: {  	[tilespmem:s25], [sflag:$0x1] =	stream.indirect_vreg.gather [hbm4b:s5+s18], $0x80, v4, vm0, $0xb8;
	[tilespmem:$0x18800] =	vst v63  }
0xb8: {  	s26 =	simm.s32 $0x9800;
	v3 =	vadd.s32 v1, v3  }
0xb9: {  	[tilespmem:s26], [sflag:$0x1] =	stream.indirect_vreg.gather [hbm4b:s6+s18], $0x80, v4, vm0, $0xb8;
	[tilespmem:$0x18800] =	vst v63  }
0xba: {  	s28 =	simm.s32 $0xA000  }
0xbb: {  	[tilespmem:s28], [sflag:$0x1] =	stream.indirect_vreg.gather [hbm4b:s8+s18], $0x80, v4, vm0, $0xb8;
	[tilespmem:$0x18800] =	vst v63  }
0xbc: {  	s29 =	simm.s32 $0xA800  }
0xbd: {  	[tilespmem:s29], [sflag:$0x1] =	stream.indirect_vreg.gather [hbm4b:s1+s18], $0x80, v3, vm0, $0xb8;
	[tilespmem:$0x18800] =	vst v63  }
0xbe: {  	s20 =	simm.s32 $0xB000  }
0xbf: {  	[tilespmem:s20], [sflag:$0x1] =	stream.indirect_vreg.gather [hbm4b:s5+s18], $0x80, v3, vm0, $0xb8;
	[tilespmem:$0x18800] =	vst v63  }
0xc0: {  	s23 =	simm.s32 $0xB800  }
0xc1: {  	[tilespmem:s23], [sflag:$0x1] =	stream.indirect_vreg.gather [hbm4b:s6+s18], $0x80, v3, vm0, $0xb8;
	[tilespmem:$0x18800] =	vst v63  }
0xc2: {  	s24 =	simm.s32 $0xC000  }
0xc3: {  	[tilespmem:s24], [sflag:$0x1] =	stream.indirect_vreg.gather [hbm4b:s8+s18], $0x80, v3, vm0, $0xb8;
	[tilespmem:$0x18800] =	vst v63  }
0xc4: {  	v3 =	vld [tilespmem:$0x110];
	_ =	sdelay $0x4  }
0xc5: {  	v4 =	vshll.u32 v3, $0x3  }
0xc6: {  	v3 =	vand.u32 $0x7, v3;
	v4 =	vand.u32 $0xFFFFFFC0, v4  }
0xc7: {  	v3 =	vor.u32 v3, v4  }
0xc8: {  	v4 =	vperm.xlane v3, v0;
	_ =	sdelay $0x1  }
0xc9: {  	v4 =	vadd.s32 v1, v4;
	_ =	sdelay $0x3  }
0xca: {  	s25 =	simm.s32 $0xC800  }
0xcb: {  	[tilespmem:s25], [sflag:$0x1] =	stream.indirect_vreg.gather [hbm4b:s1+s18], $0x80, v4, vm0, $0xb8;
	[tilespmem:$0x18800] =	vst v63  }
0xcc: {  	s26 =	simm.s32 $0xD000;
	v3 =	vperm.xlane v3, v2  }
0xcd: {  	[tilespmem:s26], [sflag:$0x1] =	stream.indirect_vreg.gather [hbm4b:s5+s18], $0x80, v4, vm0, $0xb8;
	[tilespmem:$0x18800] =	vst v63  }
0xce: {  	s28 =	simm.s32 $0xD800;
	v3 =	vadd.s32 v1, v3  }
0xcf: {  	[tilespmem:s28], [sflag:$0x1] =	stream.indirect_vreg.gather [hbm4b:s6+s18], $0x80, v4, vm0, $0xb8;
	[tilespmem:$0x18800] =	vst v63  }
0xd0: {  	s29 =	simm.s32 $0xE000  }
0xd1: {  	[tilespmem:s29], [sflag:$0x1] =	stream.indirect_vreg.gather [hbm4b:s8+s18], $0x80, v4, vm0, $0xb8;
	[tilespmem:$0x18800] =	vst v63  }
0xd2: {  	s20 =	simm.s32 $0xE800  }
0xd3: {  	[tilespmem:s20], [sflag:$0x1] =	stream.indirect_vreg.gather [hbm4b:s1+s18], $0x80, v3, vm0, $0xb8;
	[tilespmem:$0x18800] =	vst v63  }
0xd4: {  	s23 =	simm.s32 $0xF000  }
0xd5: {  	[tilespmem:s23], [sflag:$0x1] =	stream.indirect_vreg.gather [hbm4b:s5+s18], $0x80, v3, vm0, $0xb8;
	[tilespmem:$0x18800] =	vst v63  }
0xd6: {  	s24 =	simm.s32 $0xF800  }
0xd7: {  	[tilespmem:s24], [sflag:$0x1] =	stream.indirect_vreg.gather [hbm4b:s6+s18], $0x80, v3, vm0, $0xb8;
	[tilespmem:$0x18800] =	vst v63  }
0xd8: {  	s25 =	simm.s32 $0x10000;
	s26 =	simm.s32 $0x0;
	s28 =	simm.s32 $0x0  }
0xd9: {  	[tilespmem:s25], [sflag:$0x1] =	stream.indirect_vreg.gather [hbm4b:s8+s18], $0x80, v3, vm0, $0xb8;
	[tilespmem:$0x18800] =	vst v63  }
0xda: {  	s19 =	sand.u32 $0xE00, s28;
	s20 =	simm.s32 $0x0;
	s18 =	sand.u32 $0xFFFF8000, s26  }
0xdb: {  	s29 =	sand.u32 $0xFFFF8000, s20;
	s18 =	sor.u32 s19, s18  }
0xdc: {  	_ =	swait.ge [sflag:s15], $0x8000;
	s18 =	ssub.s32 s18, s29  }
0xdd: {  	[sflag:s15] =	ssyncset.done $0x0;
	s19 =	sshra.s32 s18, $0x2  }
0xde: {  	[sflag:s15] =	ssyncadd.s32 $0xFFFF8000;
	s18 =	sadd.s32 $0x10840, s19  }
0xdf: {  	s19 =	sadd.s32 $0x870, s19;
	v4 =	vld [tilespmem:s18+$0x30]  }
0xe0: {  	v6 =	vld [tilespmem:s19+$0x0]  }
0xe1: {  	v7 =	vld [tilespmem:s18+$0xFFFFFFC0]  }
0xe2: {  	v9 =	vld [tilespmem:s19+$0xFFFFFF90]  }
0xe3: {  	v5 =	vld [tilespmem:s18+$0xFFFFFFD0]  }
0xe4: {  	v8 =	vld [tilespmem:s19+$0xFFFFFFA0]  }
0xe5: {  	v3 =	vld [tilespmem:s18+$0xFFFFFFE0]  }
0xe6: {  	v10 =	vadd.f32 v6, v4;
	v6 =	vld [tilespmem:s19+$0xFFFFFFB0]  }
0xe7: {  	s20 =	simm.s32 $0x870;
	v4 =	vld [tilespmem:s18+$0xFFFFFFF0];
	v9 =	vadd.f32 v9, v7  }
0xe8: {  	s23 =	simm.s32 $0x10840;
	s24 =	simm.s32 $0x0;
	s25 =	simm.s32 $0x8;
	v7 =	vld [tilespmem:s19+$0xFFFFFFC0];
	[tilespmem:s18+$0x30] =	vst v10  }
.LBB2_4:
0xe9: {  	s26 =	sshll.u32 s25, $0x6;
	s28 =	sshll.u32 s25, $0x3;
	s29 =	sshll.u32 s25, $0x9;
	[tilespmem:s18+$0xFFFFFFC0] =	vst v9;
	v5 =	vadd.f32 v8, v5;
	v8 =	vld [tilespmem:s18+$0x0]  }
0xea: {  	s24 =	sadd.s32 $0x8, s24;
	s26 =	sand.u32 $0xFFFF8000, s26;
	s28 =	sand.u32 $0xE00, s28;
	v9 =	vld [tilespmem:s19+$0xFFFFFFD0]  }
0xeb: {  	p0 =	slt.u32 s24, $0x7F8;
	s26 =	sor.u32 s28, s26;
	s28 =	sand.u32 $0xFFFF8000, s29;
	[tilespmem:s18+$0xFFFFFFD0] =	vst v5;
	v3 =	vadd.f32 v6, v3;
	v5 =	vld [tilespmem:s18+$0x10]  }
0xec: {  	s26 =	ssub.s32 s26, s28;
	v6 =	vld [tilespmem:s19+$0xFFFFFFE0]  }
0xed: {  	s23 =	sadd.s32 $0x400, s23;
	s26 =	sshra.s32 s26, $0x2;
	[tilespmem:s18+$0xFFFFFFE0] =	vst v3;
	v3 =	vadd.f32 v7, v4;
	v4 =	vld [tilespmem:s18+$0x20]  }
0xee: {  	s20 =	sadd.s32 $0x400, s20;
	s28 =	sadd.s32 s26, s23;
	v7 =	vld [tilespmem:s19+$0xFFFFFFF0]  }
0xef: {  	s19 =	sadd.s32 s26, s20;
	v10 =	vld [tilespmem:s28+$0x30];
	[tilespmem:s18+$0xFFFFFFF0] =	vst v3;
	v3 =	vadd.f32 v9, v8  }
0xf0: {  	v9 =	vld [tilespmem:s19+$0x0]  }
0xf1: {  	v11 =	vld [tilespmem:s28+$0xFFFFFFC0];
	[tilespmem:s18+$0x0] =	vst v3;
	v3 =	vadd.f32 v6, v5  }
0xf2: {  	v12 =	vld [tilespmem:s19+$0xFFFFFF90]  }
0xf3: {  	v5 =	vld [tilespmem:s28+$0xFFFFFFD0];
	[tilespmem:s18+$0x10] =	vst v3;
	v4 =	vadd.f32 v7, v4  }
.Ltmp1:
0xf4: {  	v8 =	vld [tilespmem:s19+$0xFFFFFFA0];
	(pc) =	sbr.rel @p0 .LBB2_4-.Ltmp1, $4  }
0xf5: {  	v3 =	vld [tilespmem:s28+$0xFFFFFFE0];
	v7 =	vadd.f32 v9, v10;
	[tilespmem:s18+$0x20] =	vst v4;
	s18 =	smov.u32 s28  }
0xf6: {  	v6 =	vld [tilespmem:s19+$0xFFFFFFB0]  }
0xf7: {  	v9 =	vadd.f32 v12, v11;
	v4 =	vld [tilespmem:s18+$0xFFFFFFF0];
	[tilespmem:s18+$0x30] =	vst v7  }
0xf8: {  	s25 =	sadd.s32 $0x8, s25;
	v7 =	vld [tilespmem:s19+$0xFFFFFFC0]  }
0xf9: {  	v10 =	vld [tilespmem:s18+$0x0]  }
0xfa: {  	v11 =	vld [tilespmem:s19+$0xFFFFFFD0]  }
0xfb: {  	v12 =	vld [tilespmem:s18+$0x10]  }
0xfc: {  	v13 =	vld [tilespmem:s19+$0xFFFFFFE0]  }
0xfd: {  	v14 =	vld [tilespmem:s18+$0x20]  }
0xfe: {  	v5 =	vadd.f32 v8, v5;
	v8 =	vld [tilespmem:s19+$0xFFFFFFF0]  }
0xff: {  	[tilespmem:s18+$0xFFFFFFC0] =	vst v9;
	v3 =	vadd.f32 v6, v3  }
0x100: {  	[tilespmem:s18+$0xFFFFFFD0] =	vst v5;
	v4 =	vadd.f32 v7, v4  }
0x101: {  	[tilespmem:s18+$0xFFFFFFE0] =	vst v3;
	v3 =	vadd.f32 v11, v10  }
0x102: {  	[tilespmem:s18+$0xFFFFFFF0] =	vst v4;
	v4 =	vadd.f32 v13, v12  }
0x103: {  	[tilespmem:s18+$0x0] =	vst v3;
	v3 =	vadd.f32 v8, v14  }
0x104: {  	[tilespmem:s18+$0x10] =	vst v4  }
0x105: {  	[tilespmem:s18+$0x20] =	vst v3  }
0x106: {  	s18 =	simm.s32 $0x0;
	s28 =	rddreg [dreg:$0x8]  }
0x107: {  	[hbm4b:s28+s18] =	stream.linear.scatter [tilespmem:s22], [sflag:$0x4], $0x8000, $0x38;
	[tilespmem:$0x18800] =	vst v63  }
0x108: {  	_ =	swait.ge [sflag:s16], $0x8000  }
0x109: {  	[sflag:s16] =	ssyncset.done $0x0  }
0x10a: {  	[sflag:s16] =	ssyncadd.s32 $0xFFFF8000  }
0x10b: {  	v3 =	vld [tilespmem:$0x180];
	_ =	sdelay $0x4  }
0x10c: {  	v4 =	vshll.u32 v3, $0x3  }
0x10d: {  	v3 =	vand.u32 $0x7, v3;
	v4 =	vand.u32 $0xFFFFFFC0, v4  }
0x10e: {  	v3 =	vor.u32 v3, v4  }
0x10f: {  	v4 =	vperm.xlane v3, v0;
	_ =	sdelay $0x1  }
0x110: {  	v4 =	vadd.s32 v1, v4;
	_ =	sdelay $0x4  }
0x111: {  	[tilespmem:s22], [sflag:$0x2] =	stream.indirect_vreg.gather [hbm4b:s1+s18], $0x80, v4, vm0, $0xb8;
	[tilespmem:$0x18800] =	vst v63  }
0x112: {  	s29 =	simm.s32 $0x11000;
	v3 =	vperm.xlane v3, v2  }
0x113: {  	[tilespmem:s29], [sflag:$0x2] =	stream.indirect_vreg.gather [hbm4b:s5+s18], $0x80, v4, vm0, $0xb8;
	[tilespmem:$0x18800] =	vst v63  }
0x114: {  	s20 =	simm.s32 $0x11800;
	v3 =	vadd.s32 v1, v3  }
0x115: {  	[tilespmem:s20], [sflag:$0x2] =	stream.indirect_vreg.gather [hbm4b:s6+s18], $0x80, v4, vm0, $0xb8;
	[tilespmem:$0x18800] =	vst v63  }
0x116: {  	s23 =	simm.s32 $0x12000  }
0x117: {  	[tilespmem:s23], [sflag:$0x2] =	stream.indirect_vreg.gather [hbm4b:s8+s18], $0x80, v4, vm0, $0xb8;
	[tilespmem:$0x18800] =	vst v63  }
0x118: {  	s24 =	simm.s32 $0x12800  }
0x119: {  	[tilespmem:s24], [sflag:$0x2] =	stream.indirect_vreg.gather [hbm4b:s1+s18], $0x80, v3, vm0, $0xb8;
	[tilespmem:$0x18800] =	vst v63  }
0x11a: {  	s25 =	simm.s32 $0x13000  }
0x11b: {  	[tilespmem:s25], [sflag:$0x2] =	stream.indirect_vreg.gather [hbm4b:s5+s18], $0x80, v3, vm0, $0xb8;
	[tilespmem:$0x18800] =	vst v63  }
0x11c: {  	s26 =	simm.s32 $0x13800  }
0x11d: {  	[tilespmem:s26], [sflag:$0x2] =	stream.indirect_vreg.gather [hbm4b:s6+s18], $0x80, v3, vm0, $0xb8;
	[tilespmem:$0x18800] =	vst v63  }
0x11e: {  	_ = 	snop  }
0x11f: {  	[tilespmem:s7], [sflag:$0x2] =	stream.indirect_vreg.gather [hbm4b:s8+s18], $0x80, v3, vm0, $0xb8;
	[tilespmem:$0x18800] =	vst v63  }
0x120: {  	v3 =	vld [tilespmem:$0x190];
	_ =	sdelay $0x4  }
0x121: {  	v4 =	vshll.u32 v3, $0x3  }
0x122: {  	v3 =	vand.u32 $0x7, v3;
	v4 =	vand.u32 $0xFFFFFFC0, v4  }
0x123: {  	v3 =	vor.u32 v3, v4  }
0x124: {  	v4 =	vperm.xlane v3, v0;
	_ =	sdelay $0x1  }
0x125: {  	v4 =	vadd.s32 v1, v4;
	_ =	sdelay $0x4  }
0x126: {  	[tilespmem:s21], [sflag:$0x2] =	stream.indirect_vreg.gather [hbm4b:s1+s18], $0x80, v4, vm0, $0xb8;
	[tilespmem:$0x18800] =	vst v63  }
0x127: {  	v3 =	vperm.xlane v3, v2  }
0x128: {  	[tilespmem:s2], [sflag:$0x2] =	stream.indirect_vreg.gather [hbm4b:s5+s18], $0x80, v4, vm0, $0xb8;
	[tilespmem:$0x18800] =	vst v63  }
0x129: {  	v3 =	vadd.s32 v1, v3  }
0x12a: {  	[tilespmem:s0], [sflag:$0x2] =	stream.indirect_vreg.gather [hbm4b:s6+s18], $0x80, v4, vm0, $0xb8;
	[tilespmem:$0x18800] =	vst v63  }
0x12b: {  	_ = 	snop  }
0x12c: {  	[tilespmem:s4], [sflag:$0x2] =	stream.indirect_vreg.gather [hbm4b:s8+s18], $0x80, v4, vm0, $0xb8;
	[tilespmem:$0x18800] =	vst v63  }
0x12d: {  	_ = 	snop  }
0x12e: {  	[tilespmem:s9], [sflag:$0x2] =	stream.indirect_vreg.gather [hbm4b:s1+s18], $0x80, v3, vm0, $0xb8;
	[tilespmem:$0x18800] =	vst v63  }
0x12f: {  	s28 =	simm.s32 $0x0  }
0x130: {  	[tilespmem:s10], [sflag:$0x2] =	stream.indirect_vreg.gather [hbm4b:s5+s18], $0x80, v3, vm0, $0xb8;
	[tilespmem:$0x18800] =	vst v63  }
0x131: {  	s19 =	sand.u32 $0xFFFFE000, s28  }
0x132: {  	[tilespmem:s11], [sflag:$0x2] =	stream.indirect_vreg.gather [hbm4b:s6+s18], $0x80, v3, vm0, $0xb8;
	[tilespmem:$0x18800] =	vst v63  }
0x133: {  	s19 =	sadd.s32 $0x0, s19;
	s20 =	simm.s32 $0x0  }
0x134: {  	[tilespmem:s12], [sflag:$0x2] =	stream.indirect_vreg.gather [hbm4b:s8+s18], $0x80, v3, vm0, $0xb8;
	[tilespmem:$0x18800] =	vst v63  }
0x135: {  	s20 =	sand.u32 $0x380, s20;
	s23 =	simm.s32 $0x0;
	_ =	swait.ge [sflag:s13], $0x8000  }
0x136: {  	s19 =	sadd.s32 s20, s19;
	s29 =	sand.u32 $0xFFFFE000, s23;
	[sflag:s13] =	ssyncset.done $0x0  }
0x137: {  	s19 =	ssub.s32 s19, s29;
	[sflag:s13] =	ssyncadd.s32 $0xFFFF8000  }
0x138: {  	v3 =	vld [tilespmem:s19+$0x8870]  }
0x139: {  	v5 =	vld [tilespmem:s19+$0x870]  }
0x13a: {  	v6 =	vld [tilespmem:s19+$0x8800]  }
0x13b: {  	v8 =	vld [tilespmem:s19+$0x800]  }
0x13c: {  	v9 =	vld [tilespmem:s19+$0x8810]  }
0x13d: {  	v10 =	vld [tilespmem:s19+$0x810]  }
0x13e: {  	v4 =	vld [tilespmem:s19+$0x8820]  }
0x13f: {  	v7 =	vld [tilespmem:s19+$0x820];
	v5 =	vadd.f32 v5, v3  }
0x140: {  	v8 =	vadd.f32 v8, v6;
	v3 =	vld [tilespmem:s19+$0x8830]  }
0x141: {  	v6 =	vld [tilespmem:s19+$0x830];
	[tilespmem:s19+$0x8870] =	vst v5  }
0x142: {  	s20 =	simm.s32 $0x0;
	s23 =	simm.s32 $0x8;
	[tilespmem:s19+$0x8800] =	vst v8;
	v8 =	vadd.f32 v10, v9;
	v5 =	vld [tilespmem:s19+$0x8840]  }
.LBB2_6:
0x143: {  	s24 =	sshll.u32 s23, $0x4;
	s25 =	sshll.u32 s23, $0x7;
	v9 =	vld [tilespmem:s19+$0x840];
	s18 =	sadd.s32 $0x400, s18  }
0x144: {  	s26 =	sshll.u32 s23, $0x1;
	s20 =	sadd.s32 $0x8, s20;
	s24 =	sand.u32 $0xFFFFE000, s24;
	[tilespmem:s19+$0x8810] =	vst v8;
	v4 =	vadd.f32 v7, v4;
	v7 =	vld [tilespmem:s19+$0x8850]  }
0x145: {  	s26 =	sand.u32 $0x380, s26;
	p0 =	slt.u32 s20, $0x7F8;
	s24 =	sadd.s32 s24, s18;
	v8 =	vld [tilespmem:s19+$0x850]  }
0x146: {  	s25 =	sand.u32 $0xFFFFE000, s25;
	s24 =	sadd.s32 s26, s24;
	[tilespmem:s19+$0x8820] =	vst v4;
	v3 =	vadd.f32 v6, v3;
	v4 =	vld [tilespmem:s19+$0x8860]  }
0x147: {  	s24 =	ssub.s32 s24, s25;
	v6 =	vld [tilespmem:s19+$0x860]  }
0x148: {  	v10 =	vld [tilespmem:s24+$0x8870];
	[tilespmem:s19+$0x8830] =	vst v3;
	v3 =	vadd.f32 v9, v5  }
0x149: {  	v5 =	vld [tilespmem:s24+$0x870]  }
0x14a: {  	v9 =	vld [tilespmem:s24+$0x8800];
	[tilespmem:s19+$0x8840] =	vst v3;
	v3 =	vadd.f32 v8, v7  }
0x14b: {  	v8 =	vld [tilespmem:s24+$0x800]  }
0x14c: {  	v11 =	vld [tilespmem:s24+$0x8810];
	[tilespmem:s19+$0x8850] =	vst v3;
	v3 =	vadd.f32 v6, v4  }
0x14d: {  	v12 =	vld [tilespmem:s24+$0x810]  }
.Ltmp2:
0x14e: {  	v4 =	vld [tilespmem:s24+$0x8820];
	v5 =	vadd.f32 v5, v10;
	[tilespmem:s19+$0x8860] =	vst v3;
	s19 =	smov.u32 s24;
	(pc) =	sbr.rel @p0 .LBB2_6-.Ltmp2, $4  }
0x14f: {  	v7 =	vld [tilespmem:s19+$0x820]  }
0x150: {  	v8 =	vadd.f32 v8, v9;
	v3 =	vld [tilespmem:s19+$0x8830];
	[tilespmem:s19+$0x8870] =	vst v5  }
0x151: {  	v6 =	vld [tilespmem:s19+$0x830]  }
0x152: {  	s23 =	sadd.s32 $0x8, s23;
	[tilespmem:s19+$0x8800] =	vst v8;
	v8 =	vadd.f32 v12, v11;
	v5 =	vld [tilespmem:s19+$0x8840]  }
0x153: {  	v9 =	vld [tilespmem:s19+$0x840]  }
0x154: {  	v10 =	vld [tilespmem:s19+$0x8850]  }
0x155: {  	v11 =	vld [tilespmem:s19+$0x850]  }
0x156: {  	v12 =	vld [tilespmem:s19+$0x8860]  }
0x157: {  	v13 =	vld [tilespmem:s19+$0x860]  }
0x158: {  	v4 =	vadd.f32 v7, v4  }
0x159: {  	[tilespmem:s19+$0x8810] =	vst v8;
	v3 =	vadd.f32 v6, v3  }
0x15a: {  	[tilespmem:s19+$0x8820] =	vst v4;
	v4 =	vadd.f32 v9, v5  }
0x15b: {  	[tilespmem:s19+$0x8830] =	vst v3;
	v3 =	vadd.f32 v11, v10  }
0x15c: {  	[tilespmem:s19+$0x8840] =	vst v4;
	v4 =	vadd.f32 v13, v12  }
0x15d: {  	[tilespmem:s19+$0x8850] =	vst v3  }
0x15e: {  	[tilespmem:s19+$0x8860] =	vst v4  }
0x15f: {  	s18 =	simm.s32 $0x0;
	s19 =	rddreg [dreg:$0x9]  }
0x160: {  	[hbm4b:s19+s18] =	stream.linear.scatter [tilespmem:s31], [sflag:$0x3], $0x8000, $0x38;
	[tilespmem:$0x18800] =	vst v63  }
0x161: {  	_ =	swait.ge [sflag:s14], $0x8000  }
0x162: {  	[sflag:s14] =	ssyncset.done $0x0  }
0x163: {  	[sflag:s14] =	ssyncadd.s32 $0xFFFF8000  }
0x164: {  	v3 =	vld [tilespmem:$0x200];
	_ =	sdelay $0x4  }
0x165: {  	v4 =	vshll.u32 v3, $0x3  }
0x166: {  	v3 =	vand.u32 $0x7, v3;
	v4 =	vand.u32 $0xFFFFFFC0, v4  }
0x167: {  	v3 =	vor.u32 v3, v4  }
0x168: {  	v4 =	vperm.xlane v3, v0;
	_ =	sdelay $0x1  }
0x169: {  	v4 =	vadd.s32 v1, v4;
	_ =	sdelay $0x4  }
0x16a: {  	[tilespmem:s31], [sflag:$0x1] =	stream.indirect_vreg.gather [hbm4b:s1+s18], $0x80, v4, vm0, $0xb8;
	[tilespmem:$0x18800] =	vst v63  }
0x16b: {  	s25 =	simm.s32 $0x9000;
	v3 =	vperm.xlane v3, v2  }
0x16c: {  	[tilespmem:s25], [sflag:$0x1] =	stream.indirect_vreg.gather [hbm4b:s5+s18], $0x80, v4, vm0, $0xb8;
	[tilespmem:$0x18800] =	vst v63  }
0x16d: {  	s26 =	simm.s32 $0x9800;
	v3 =	vadd.s32 v1, v3  }
0x16e: {  	[tilespmem:s26], [sflag:$0x1] =	stream.indirect_vreg.gather [hbm4b:s6+s18], $0x80, v4, vm0, $0xb8;
	[tilespmem:$0x18800] =	vst v63  }
0x16f: {  	s28 =	simm.s32 $0xA000  }
0x170: {  	[tilespmem:s28], [sflag:$0x1] =	stream.indirect_vreg.gather [hbm4b:s8+s18], $0x80, v4, vm0, $0xb8;
	[tilespmem:$0x18800] =	vst v63  }
0x171: {  	s29 =	simm.s32 $0xA800  }
0x172: {  	[tilespmem:s29], [sflag:$0x1] =	stream.indirect_vreg.gather [hbm4b:s1+s18], $0x80, v3, vm0, $0xb8;
	[tilespmem:$0x18800] =	vst v63  }
0x173: {  	s20 =	simm.s32 $0xB000  }
0x174: {  	[tilespmem:s20], [sflag:$0x1] =	stream.indirect_vreg.gather [hbm4b:s5+s18], $0x80, v3, vm0, $0xb8;
	[tilespmem:$0x18800] =	vst v63  }
0x175: {  	s23 =	simm.s32 $0xB800  }
0x176: {  	[tilespmem:s23], [sflag:$0x1] =	stream.indirect_vreg.gather [hbm4b:s6+s18], $0x80, v3, vm0, $0xb8;
	[tilespmem:$0x18800] =	vst v63  }
0x177: {  	s24 =	simm.s32 $0xC000  }
0x178: {  	[tilespmem:s24], [sflag:$0x1] =	stream.indirect_vreg.gather [hbm4b:s8+s18], $0x80, v3, vm0, $0xb8;
	[tilespmem:$0x18800] =	vst v63  }
0x179: {  	v3 =	vld [tilespmem:$0x210];
	_ =	sdelay $0x4  }
0x17a: {  	v4 =	vshll.u32 v3, $0x3  }
0x17b: {  	v3 =	vand.u32 $0x7, v3;
	v4 =	vand.u32 $0xFFFFFFC0, v4  }
0x17c: {  	v3 =	vor.u32 v3, v4  }
0x17d: {  	v4 =	vperm.xlane v3, v0;
	_ =	sdelay $0x1  }
0x17e: {  	v4 =	vadd.s32 v1, v4;
	_ =	sdelay $0x3  }
0x17f: {  	s25 =	simm.s32 $0xC800  }
0x180: {  	[tilespmem:s25], [sflag:$0x1] =	stream.indirect_vreg.gather [hbm4b:s1+s18], $0x80, v4, vm0, $0xb8;
	[tilespmem:$0x18800] =	vst v63  }
0x181: {  	s26 =	simm.s32 $0xD000;
	v3 =	vperm.xlane v3, v2  }
0x182: {  	[tilespmem:s26], [sflag:$0x1] =	stream.indirect_vreg.gather [hbm4b:s5+s18], $0x80, v4, vm0, $0xb8;
	[tilespmem:$0x18800] =	vst v63  }
0x183: {  	s28 =	simm.s32 $0xD800;
	v3 =	vadd.s32 v1, v3  }
0x184: {  	[tilespmem:s28], [sflag:$0x1] =	stream.indirect_vreg.gather [hbm4b:s6+s18], $0x80, v4, vm0, $0xb8;
	[tilespmem:$0x18800] =	vst v63  }
0x185: {  	s29 =	simm.s32 $0xE000  }
0x186: {  	[tilespmem:s29], [sflag:$0x1] =	stream.indirect_vreg.gather [hbm4b:s8+s18], $0x80, v4, vm0, $0xb8;
	[tilespmem:$0x18800] =	vst v63  }
0x187: {  	s20 =	simm.s32 $0xE800  }
0x188: {  	[tilespmem:s20], [sflag:$0x1] =	stream.indirect_vreg.gather [hbm4b:s1+s18], $0x80, v3, vm0, $0xb8;
	[tilespmem:$0x18800] =	vst v63  }
0x189: {  	s23 =	simm.s32 $0xF000  }
0x18a: {  	[tilespmem:s23], [sflag:$0x1] =	stream.indirect_vreg.gather [hbm4b:s5+s18], $0x80, v3, vm0, $0xb8;
	[tilespmem:$0x18800] =	vst v63  }
0x18b: {  	s24 =	simm.s32 $0xF800  }
0x18c: {  	[tilespmem:s24], [sflag:$0x1] =	stream.indirect_vreg.gather [hbm4b:s6+s18], $0x80, v3, vm0, $0xb8;
	[tilespmem:$0x18800] =	vst v63  }
0x18d: {  	s25 =	simm.s32 $0x10000;
	s26 =	simm.s32 $0x0;
	s28 =	simm.s32 $0x0  }
0x18e: {  	[tilespmem:s25], [sflag:$0x1] =	stream.indirect_vreg.gather [hbm4b:s8+s18], $0x80, v3, vm0, $0xb8;
	[tilespmem:$0x18800] =	vst v63  }
0x18f: {  	s19 =	sand.u32 $0xE00, s28;
	s20 =	simm.s32 $0x0;
	s18 =	sand.u32 $0xFFFF8000, s26  }
0x190: {  	s29 =	sand.u32 $0xFFFF8000, s20;
	s18 =	sor.u32 s19, s18  }
0x191: {  	_ =	swait.ge [sflag:s15], $0x8000;
	s18 =	ssub.s32 s18, s29  }
0x192: {  	[sflag:s15] =	ssyncset.done $0x0;
	s19 =	sshra.s32 s18, $0x2  }
0x193: {  	[sflag:s15] =	ssyncadd.s32 $0xFFFF8000;
	s18 =	sadd.s32 $0x10840, s19  }
0x194: {  	s19 =	sadd.s32 $0x870, s19;
	v4 =	vld [tilespmem:s18+$0x30]  }
0x195: {  	v6 =	vld [tilespmem:s19+$0x0]  }
0x196: {  	v7 =	vld [tilespmem:s18+$0xFFFFFFC0]  }
0x197: {  	v9 =	vld [tilespmem:s19+$0xFFFFFF90]  }
0x198: {  	v5 =	vld [tilespmem:s18+$0xFFFFFFD0]  }
0x199: {  	v8 =	vld [tilespmem:s19+$0xFFFFFFA0]  }
0x19a: {  	v3 =	vld [tilespmem:s18+$0xFFFFFFE0]  }
0x19b: {  	v10 =	vadd.f32 v6, v4;
	v6 =	vld [tilespmem:s19+$0xFFFFFFB0]  }
0x19c: {  	s20 =	simm.s32 $0x870;
	v4 =	vld [tilespmem:s18+$0xFFFFFFF0];
	v9 =	vadd.f32 v9, v7  }
0x19d: {  	s23 =	simm.s32 $0x10840;
	s24 =	simm.s32 $0x0;
	s25 =	simm.s32 $0x8;
	v7 =	vld [tilespmem:s19+$0xFFFFFFC0];
	[tilespmem:s18+$0x30] =	vst v10  }
.LBB2_8:
0x19e: {  	s26 =	sshll.u32 s25, $0x6;
	s28 =	sshll.u32 s25, $0x3;
	s29 =	sshll.u32 s25, $0x9;
	[tilespmem:s18+$0xFFFFFFC0] =	vst v9;
	v5 =	vadd.f32 v8, v5;
	v8 =	vld [tilespmem:s18+$0x0]  }
0x19f: {  	s24 =	sadd.s32 $0x8, s24;
	s26 =	sand.u32 $0xFFFF8000, s26;
	s28 =	sand.u32 $0xE00, s28;
	v9 =	vld [tilespmem:s19+$0xFFFFFFD0]  }
0x1a0: {  	p0 =	slt.u32 s24, $0x7F8;
	s26 =	sor.u32 s28, s26;
	s28 =	sand.u32 $0xFFFF8000, s29;
	[tilespmem:s18+$0xFFFFFFD0] =	vst v5;
	v3 =	vadd.f32 v6, v3;
	v5 =	vld [tilespmem:s18+$0x10]  }
0x1a1: {  	s26 =	ssub.s32 s26, s28;
	v6 =	vld [tilespmem:s19+$0xFFFFFFE0]  }
0x1a2: {  	s23 =	sadd.s32 $0x400, s23;
	s26 =	sshra.s32 s26, $0x2;
	[tilespmem:s18+$0xFFFFFFE0] =	vst v3;
	v3 =	vadd.f32 v7, v4;
	v4 =	vld [tilespmem:s18+$0x20]  }
0x1a3: {  	s20 =	sadd.s32 $0x400, s20;
	s28 =	sadd.s32 s26, s23;
	v7 =	vld [tilespmem:s19+$0xFFFFFFF0]  }
0x1a4: {  	s19 =	sadd.s32 s26, s20;
	v10 =	vld [tilespmem:s28+$0x30];
	[tilespmem:s18+$0xFFFFFFF0] =	vst v3;
	v3 =	vadd.f32 v9, v8  }
0x1a5: {  	v9 =	vld [tilespmem:s19+$0x0]  }
0x1a6: {  	v11 =	vld [tilespmem:s28+$0xFFFFFFC0];
	[tilespmem:s18+$0x0] =	vst v3;
	v3 =	vadd.f32 v6, v5  }
0x1a7: {  	v12 =	vld [tilespmem:s19+$0xFFFFFF90]  }
0x1a8: {  	v5 =	vld [tilespmem:s28+$0xFFFFFFD0];
	[tilespmem:s18+$0x10] =	vst v3;
	v4 =	vadd.f32 v7, v4  }
.Ltmp3:
0x1a9: {  	v8 =	vld [tilespmem:s19+$0xFFFFFFA0];
	(pc) =	sbr.rel @p0 .LBB2_8-.Ltmp3, $4  }
0x1aa: {  	v3 =	vld [tilespmem:s28+$0xFFFFFFE0];
	v7 =	vadd.f32 v9, v10;
	[tilespmem:s18+$0x20] =	vst v4;
	s18 =	smov.u32 s28  }
0x1ab: {  	v6 =	vld [tilespmem:s19+$0xFFFFFFB0]  }
0x1ac: {  	v9 =	vadd.f32 v12, v11;
	v4 =	vld [tilespmem:s18+$0xFFFFFFF0];
	[tilespmem:s18+$0x30] =	vst v7  }
0x1ad: {  	s25 =	sadd.s32 $0x8, s25;
	v7 =	vld [tilespmem:s19+$0xFFFFFFC0]  }
0x1ae: {  	v10 =	vld [tilespmem:s18+$0x0]  }
0x1af: {  	v11 =	vld [tilespmem:s19+$0xFFFFFFD0]  }
0x1b0: {  	v12 =	vld [tilespmem:s18+$0x10]  }
0x1b1: {  	v13 =	vld [tilespmem:s19+$0xFFFFFFE0]  }
0x1b2: {  	v14 =	vld [tilespmem:s18+$0x20]  }
0x1b3: {  	v5 =	vadd.f32 v8, v5;
	v8 =	vld [tilespmem:s19+$0xFFFFFFF0]  }
0x1b4: {  	[tilespmem:s18+$0xFFFFFFC0] =	vst v9;
	v3 =	vadd.f32 v6, v3  }
0x1b5: {  	[tilespmem:s18+$0xFFFFFFD0] =	vst v5;
	v4 =	vadd.f32 v7, v4  }
0x1b6: {  	[tilespmem:s18+$0xFFFFFFE0] =	vst v3;
	v3 =	vadd.f32 v11, v10  }
0x1b7: {  	[tilespmem:s18+$0xFFFFFFF0] =	vst v4;
	v4 =	vadd.f32 v13, v12  }
0x1b8: {  	[tilespmem:s18+$0x0] =	vst v3;
	v3 =	vadd.f32 v8, v14  }
0x1b9: {  	[tilespmem:s18+$0x10] =	vst v4  }
0x1ba: {  	[tilespmem:s18+$0x20] =	vst v3  }
0x1bb: {  	s18 =	simm.s32 $0x0;
	s25 =	rddreg [dreg:$0xa]  }
0x1bc: {  	[hbm4b:s25+s18] =	stream.linear.scatter [tilespmem:s22], [sflag:$0x4], $0x8000, $0x38;
	[tilespmem:$0x18800] =	vst v63  }
0x1bd: {  	s20 =	simm.s32 $0x800;
	s26 =	rddreg [dreg:$0xb]  }
0x1be: {  	[tilespmem:s20], [sflag:$0x5] =	stream.linear.gather [hbm4b:s26+s18], $0x8000, $0x38;
	[tilespmem:$0x18800] =	vst v63  }
0x1bf: {  	_ =	swait.ge [sflag:s30], $0x8000  }
0x1c0: {  	[sflag:s30] =	ssyncset.done $0x0  }
0x1c1: {  	[sflag:s30] =	ssyncadd.s32 $0xFFFF8000  }
0x1c2: {  	_ =	swait.ge [sflag:s16], $0x8000  }
0x1c3: {  	[sflag:s16] =	ssyncset.done $0x0  }
0x1c4: {  	[sflag:s16] =	ssyncadd.s32 $0xFFFF8000  }
0x1c5: {  	v3 =	vld [tilespmem:$0x280];
	_ =	sdelay $0x4  }
0x1c6: {  	v4 =	vshll.u32 v3, $0x3  }
0x1c7: {  	v3 =	vand.u32 $0x7, v3;
	v4 =	vand.u32 $0xFFFFFFC0, v4  }
0x1c8: {  	v3 =	vor.u32 v3, v4  }
0x1c9: {  	v4 =	vperm.xlane v3, v0;
	_ =	sdelay $0x1  }
0x1ca: {  	v4 =	vadd.s32 v1, v4;
	_ =	sdelay $0x4  }
0x1cb: {  	[tilespmem:s22], [sflag:$0x2] =	stream.indirect_vreg.gather [hbm4b:s1+s18], $0x80, v4, vm0, $0xb8;
	[tilespmem:$0x18800] =	vst v63  }
0x1cc: {  	s28 =	simm.s32 $0x11000;
	v3 =	vperm.xlane v3, v2  }
0x1cd: {  	[tilespmem:s28], [sflag:$0x2] =	stream.indirect_vreg.gather [hbm4b:s5+s18], $0x80, v4, vm0, $0xb8;
	[tilespmem:$0x18800] =	vst v63  }
0x1ce: {  	s29 =	simm.s32 $0x11800;
	v3 =	vadd.s32 v1, v3  }
0x1cf: {  	[tilespmem:s29], [sflag:$0x2] =	stream.indirect_vreg.gather [hbm4b:s6+s18], $0x80, v4, vm0, $0xb8;
	[tilespmem:$0x18800] =	vst v63  }
0x1d0: {  	s20 =	simm.s32 $0x12000  }
0x1d1: {  	[tilespmem:s20], [sflag:$0x2] =	stream.indirect_vreg.gather [hbm4b:s8+s18], $0x80, v4, vm0, $0xb8;
	[tilespmem:$0x18800] =	vst v63  }
0x1d2: {  	s23 =	simm.s32 $0x12800  }
0x1d3: {  	[tilespmem:s23], [sflag:$0x2] =	stream.indirect_vreg.gather [hbm4b:s1+s18], $0x80, v3, vm0, $0xb8;
	[tilespmem:$0x18800] =	vst v63  }
0x1d4: {  	s24 =	simm.s32 $0x13000  }
0x1d5: {  	[tilespmem:s24], [sflag:$0x2] =	stream.indirect_vreg.gather [hbm4b:s5+s18], $0x80, v3, vm0, $0xb8;
	[tilespmem:$0x18800] =	vst v63  }
0x1d6: {  	s25 =	simm.s32 $0x13800  }
0x1d7: {  	[tilespmem:s25], [sflag:$0x2] =	stream.indirect_vreg.gather [hbm4b:s6+s18], $0x80, v3, vm0, $0xb8;
	[tilespmem:$0x18800] =	vst v63  }
0x1d8: {  	_ = 	snop  }
0x1d9: {  	[tilespmem:s7], [sflag:$0x2] =	stream.indirect_vreg.gather [hbm4b:s8+s18], $0x80, v3, vm0, $0xb8;
	[tilespmem:$0x18800] =	vst v63  }
0x1da: {  	v3 =	vld [tilespmem:$0x290];
	_ =	sdelay $0x4  }
0x1db: {  	v4 =	vshll.u32 v3, $0x3  }
0x1dc: {  	v3 =	vand.u32 $0x7, v3;
	v4 =	vand.u32 $0xFFFFFFC0, v4  }
0x1dd: {  	v3 =	vor.u32 v3, v4  }
0x1de: {  	v4 =	vperm.xlane v3, v0;
	_ =	sdelay $0x1  }
0x1df: {  	v4 =	vadd.s32 v1, v4;
	_ =	sdelay $0x4  }
0x1e0: {  	[tilespmem:s21], [sflag:$0x2] =	stream.indirect_vreg.gather [hbm4b:s1+s18], $0x80, v4, vm0, $0xb8;
	[tilespmem:$0x18800] =	vst v63  }
0x1e1: {  	v3 =	vperm.xlane v3, v2  }
0x1e2: {  	[tilespmem:s2], [sflag:$0x2] =	stream.indirect_vreg.gather [hbm4b:s5+s18], $0x80, v4, vm0, $0xb8;
	[tilespmem:$0x18800] =	vst v63  }
0x1e3: {  	v3 =	vadd.s32 v1, v3  }
0x1e4: {  	[tilespmem:s0], [sflag:$0x2] =	stream.indirect_vreg.gather [hbm4b:s6+s18], $0x80, v4, vm0, $0xb8;
	[tilespmem:$0x18800] =	vst v63  }
0x1e5: {  	_ = 	snop  }
0x1e6: {  	[tilespmem:s4], [sflag:$0x2] =	stream.indirect_vreg.gather [hbm4b:s8+s18], $0x80, v4, vm0, $0xb8;
	[tilespmem:$0x18800] =	vst v63  }
0x1e7: {  	_ = 	snop  }
0x1e8: {  	[tilespmem:s9], [sflag:$0x2] =	stream.indirect_vreg.gather [hbm4b:s1+s18], $0x80, v3, vm0, $0xb8;
	[tilespmem:$0x18800] =	vst v63  }
0x1e9: {  	s26 =	simm.s32 $0x0  }
0x1ea: {  	[tilespmem:s10], [sflag:$0x2] =	stream.indirect_vreg.gather [hbm4b:s5+s18], $0x80, v3, vm0, $0xb8;
	[tilespmem:$0x18800] =	vst v63  }
0x1eb: {  	s19 =	sand.u32 $0xFFFFE000, s26  }
0x1ec: {  	[tilespmem:s11], [sflag:$0x2] =	stream.indirect_vreg.gather [hbm4b:s6+s18], $0x80, v3, vm0, $0xb8;
	[tilespmem:$0x18800] =	vst v63  }
0x1ed: {  	s19 =	sadd.s32 $0x0, s19;
	s28 =	simm.s32 $0x0  }
0x1ee: {  	[tilespmem:s12], [sflag:$0x2] =	stream.indirect_vreg.gather [hbm4b:s8+s18], $0x80, v3, vm0, $0xb8;
	[tilespmem:$0x18800] =	vst v63  }
0x1ef: {  	s20 =	sand.u32 $0x380, s28;
	s23 =	simm.s32 $0x0;
	_ =	swait.ge [sflag:s13], $0x8000  }
0x1f0: {  	s19 =	sadd.s32 s20, s19;
	s29 =	sand.u32 $0xFFFFE000, s23;
	[sflag:s13] =	ssyncset.done $0x0  }
0x1f1: {  	s19 =	ssub.s32 s19, s29;
	[sflag:s13] =	ssyncadd.s32 $0xFFFF8000  }
0x1f2: {  	v3 =	vld [tilespmem:s19+$0x8870]  }
0x1f3: {  	v5 =	vld [tilespmem:s19+$0x870]  }
0x1f4: {  	v6 =	vld [tilespmem:s19+$0x8800]  }
0x1f5: {  	v8 =	vld [tilespmem:s19+$0x800]  }
0x1f6: {  	v9 =	vld [tilespmem:s19+$0x8810]  }
0x1f7: {  	v10 =	vld [tilespmem:s19+$0x810]  }
0x1f8: {  	v4 =	vld [tilespmem:s19+$0x8820]  }
0x1f9: {  	v7 =	vld [tilespmem:s19+$0x820];
	v5 =	vadd.f32 v5, v3  }
0x1fa: {  	v8 =	vadd.f32 v8, v6;
	v3 =	vld [tilespmem:s19+$0x8830]  }
0x1fb: {  	v6 =	vld [tilespmem:s19+$0x830];
	[tilespmem:s19+$0x8870] =	vst v5  }
0x1fc: {  	s20 =	simm.s32 $0x0;
	s23 =	simm.s32 $0x8;
	[tilespmem:s19+$0x8800] =	vst v8;
	v8 =	vadd.f32 v10, v9;
	v5 =	vld [tilespmem:s19+$0x8840]  }
.LBB2_10:
0x1fd: {  	s24 =	sshll.u32 s23, $0x4;
	s25 =	sshll.u32 s23, $0x7;
	v9 =	vld [tilespmem:s19+$0x840];
	s18 =	sadd.s32 $0x400, s18  }
0x1fe: {  	s26 =	sshll.u32 s23, $0x1;
	s20 =	sadd.s32 $0x8, s20;
	s24 =	sand.u32 $0xFFFFE000, s24;
	[tilespmem:s19+$0x8810] =	vst v8;
	v4 =	vadd.f32 v7, v4;
	v7 =	vld [tilespmem:s19+$0x8850]  }
0x1ff: {  	s26 =	sand.u32 $0x380, s26;
	p0 =	slt.u32 s20, $0x7F8;
	s24 =	sadd.s32 s24, s18;
	v8 =	vld [tilespmem:s19+$0x850]  }
0x200: {  	s25 =	sand.u32 $0xFFFFE000, s25;
	s24 =	sadd.s32 s26, s24;
	[tilespmem:s19+$0x8820] =	vst v4;
	v3 =	vadd.f32 v6, v3;
	v4 =	vld [tilespmem:s19+$0x8860]  }
0x201: {  	s24 =	ssub.s32 s24, s25;
	v6 =	vld [tilespmem:s19+$0x860]  }
0x202: {  	v10 =	vld [tilespmem:s24+$0x8870];
	[tilespmem:s19+$0x8830] =	vst v3;
	v3 =	vadd.f32 v9, v5  }
0x203: {  	v5 =	vld [tilespmem:s24+$0x870]  }
0x204: {  	v9 =	vld [tilespmem:s24+$0x8800];
	[tilespmem:s19+$0x8840] =	vst v3;
	v3 =	vadd.f32 v8, v7  }
0x205: {  	v8 =	vld [tilespmem:s24+$0x800]  }
0x206: {  	v11 =	vld [tilespmem:s24+$0x8810];
	[tilespmem:s19+$0x8850] =	vst v3;
	v3 =	vadd.f32 v6, v4  }
0x207: {  	v12 =	vld [tilespmem:s24+$0x810]  }
.Ltmp4:
0x208: {  	v4 =	vld [tilespmem:s24+$0x8820];
	v5 =	vadd.f32 v5, v10;
	[tilespmem:s19+$0x8860] =	vst v3;
	s19 =	smov.u32 s24;
	(pc) =	sbr.rel @p0 .LBB2_10-.Ltmp4, $4  }
0x209: {  	v7 =	vld [tilespmem:s19+$0x820]  }
0x20a: {  	v8 =	vadd.f32 v8, v9;
	v3 =	vld [tilespmem:s19+$0x8830];
	[tilespmem:s19+$0x8870] =	vst v5  }
0x20b: {  	v6 =	vld [tilespmem:s19+$0x830]  }
0x20c: {  	s23 =	sadd.s32 $0x8, s23;
	[tilespmem:s19+$0x8800] =	vst v8;
	v8 =	vadd.f32 v12, v11;
	v5 =	vld [tilespmem:s19+$0x8840]  }
0x20d: {  	v9 =	vld [tilespmem:s19+$0x840]  }
0x20e: {  	v10 =	vld [tilespmem:s19+$0x8850]  }
0x20f: {  	v11 =	vld [tilespmem:s19+$0x850]  }
0x210: {  	v12 =	vld [tilespmem:s19+$0x8860]  }
0x211: {  	v13 =	vld [tilespmem:s19+$0x860]  }
0x212: {  	v4 =	vadd.f32 v7, v4  }
0x213: {  	[tilespmem:s19+$0x8810] =	vst v8;
	v3 =	vadd.f32 v6, v3  }
0x214: {  	[tilespmem:s19+$0x8820] =	vst v4;
	v4 =	vadd.f32 v9, v5  }
0x215: {  	[tilespmem:s19+$0x8830] =	vst v3;
	v3 =	vadd.f32 v11, v10  }
0x216: {  	[tilespmem:s19+$0x8840] =	vst v4;
	v4 =	vadd.f32 v13, v12  }
0x217: {  	[tilespmem:s19+$0x8850] =	vst v3  }
0x218: {  	[tilespmem:s19+$0x8860] =	vst v4  }
0x219: {  	s18 =	simm.s32 $0x0;
	s19 =	rddreg [dreg:$0xc]  }
0x21a: {  	[hbm4b:s19+s18] =	stream.linear.scatter [tilespmem:s31], [sflag:$0x3], $0x8000, $0x38;
	[tilespmem:$0x18800] =	vst v63  }
0x21b: {  	_ =	swait.ge [sflag:s14], $0x8000  }
0x21c: {  	[sflag:s14] =	ssyncset.done $0x0  }
0x21d: {  	[sflag:s14] =	ssyncadd.s32 $0xFFFF8000  }
0x21e: {  	v3 =	vld [tilespmem:$0x300];
	_ =	sdelay $0x4  }
0x21f: {  	v4 =	vshll.u32 v3, $0x3  }
0x220: {  	v3 =	vand.u32 $0x7, v3;
	v4 =	vand.u32 $0xFFFFFFC0, v4  }
0x221: {  	v3 =	vor.u32 v3, v4  }
0x222: {  	v4 =	vperm.xlane v3, v0;
	_ =	sdelay $0x1  }
0x223: {  	v4 =	vadd.s32 v1, v4;
	_ =	sdelay $0x4  }
0x224: {  	[tilespmem:s31], [sflag:$0x1] =	stream.indirect_vreg.gather [hbm4b:s1+s18], $0x80, v4, vm0, $0xb8;
	[tilespmem:$0x18800] =	vst v63  }
0x225: {  	s25 =	simm.s32 $0x9000;
	v3 =	vperm.xlane v3, v2  }
0x226: {  	[tilespmem:s25], [sflag:$0x1] =	stream.indirect_vreg.gather [hbm4b:s5+s18], $0x80, v4, vm0, $0xb8;
	[tilespmem:$0x18800] =	vst v63  }
0x227: {  	s26 =	simm.s32 $0x9800;
	v3 =	vadd.s32 v1, v3  }
0x228: {  	[tilespmem:s26], [sflag:$0x1] =	stream.indirect_vreg.gather [hbm4b:s6+s18], $0x80, v4, vm0, $0xb8;
	[tilespmem:$0x18800] =	vst v63  }
0x229: {  	s28 =	simm.s32 $0xA000  }
0x22a: {  	[tilespmem:s28], [sflag:$0x1] =	stream.indirect_vreg.gather [hbm4b:s8+s18], $0x80, v4, vm0, $0xb8;
	[tilespmem:$0x18800] =	vst v63  }
0x22b: {  	s29 =	simm.s32 $0xA800  }
0x22c: {  	[tilespmem:s29], [sflag:$0x1] =	stream.indirect_vreg.gather [hbm4b:s1+s18], $0x80, v3, vm0, $0xb8;
	[tilespmem:$0x18800] =	vst v63  }
0x22d: {  	s20 =	simm.s32 $0xB000  }
0x22e: {  	[tilespmem:s20], [sflag:$0x1] =	stream.indirect_vreg.gather [hbm4b:s5+s18], $0x80, v3, vm0, $0xb8;
	[tilespmem:$0x18800] =	vst v63  }
0x22f: {  	s23 =	simm.s32 $0xB800  }
0x230: {  	[tilespmem:s23], [sflag:$0x1] =	stream.indirect_vreg.gather [hbm4b:s6+s18], $0x80, v3, vm0, $0xb8;
	[tilespmem:$0x18800] =	vst v63  }
0x231: {  	s24 =	simm.s32 $0xC000  }
0x232: {  	[tilespmem:s24], [sflag:$0x1] =	stream.indirect_vreg.gather [hbm4b:s8+s18], $0x80, v3, vm0, $0xb8;
	[tilespmem:$0x18800] =	vst v63  }
0x233: {  	v3 =	vld [tilespmem:$0x310];
	_ =	sdelay $0x4  }
0x234: {  	v4 =	vshll.u32 v3, $0x3  }
0x235: {  	v3 =	vand.u32 $0x7, v3;
	v4 =	vand.u32 $0xFFFFFFC0, v4  }
0x236: {  	v3 =	vor.u32 v3, v4  }
0x237: {  	v4 =	vperm.xlane v3, v0;
	_ =	sdelay $0x1  }
0x238: {  	v4 =	vadd.s32 v1, v4;
	_ =	sdelay $0x3  }
0x239: {  	s25 =	simm.s32 $0xC800  }
0x23a: {  	[tilespmem:s25], [sflag:$0x1] =	stream.indirect_vreg.gather [hbm4b:s1+s18], $0x80, v4, vm0, $0xb8;
	[tilespmem:$0x18800] =	vst v63  }
0x23b: {  	s26 =	simm.s32 $0xD000;
	v3 =	vperm.xlane v3, v2  }
0x23c: {  	[tilespmem:s26], [sflag:$0x1] =	stream.indirect_vreg.gather [hbm4b:s5+s18], $0x80, v4, vm0, $0xb8;
	[tilespmem:$0x18800] =	vst v63  }
0x23d: {  	s28 =	simm.s32 $0xD800;
	v3 =	vadd.s32 v1, v3  }
0x23e: {  	[tilespmem:s28], [sflag:$0x1] =	stream.indirect_vreg.gather [hbm4b:s6+s18], $0x80, v4, vm0, $0xb8;
	[tilespmem:$0x18800] =	vst v63  }
0x23f: {  	s29 =	simm.s32 $0xE000  }
0x240: {  	[tilespmem:s29], [sflag:$0x1] =	stream.indirect_vreg.gather [hbm4b:s8+s18], $0x80, v4, vm0, $0xb8;
	[tilespmem:$0x18800] =	vst v63  }
0x241: {  	s20 =	simm.s32 $0xE800  }
0x242: {  	[tilespmem:s20], [sflag:$0x1] =	stream.indirect_vreg.gather [hbm4b:s1+s18], $0x80, v3, vm0, $0xb8;
	[tilespmem:$0x18800] =	vst v63  }
0x243: {  	s23 =	simm.s32 $0xF000  }
0x244: {  	[tilespmem:s23], [sflag:$0x1] =	stream.indirect_vreg.gather [hbm4b:s5+s18], $0x80, v3, vm0, $0xb8;
	[tilespmem:$0x18800] =	vst v63  }
0x245: {  	s24 =	simm.s32 $0xF800  }
0x246: {  	[tilespmem:s24], [sflag:$0x1] =	stream.indirect_vreg.gather [hbm4b:s6+s18], $0x80, v3, vm0, $0xb8;
	[tilespmem:$0x18800] =	vst v63  }
0x247: {  	s25 =	simm.s32 $0x10000;
	s26 =	simm.s32 $0x0;
	s28 =	simm.s32 $0x0  }
0x248: {  	[tilespmem:s25], [sflag:$0x1] =	stream.indirect_vreg.gather [hbm4b:s8+s18], $0x80, v3, vm0, $0xb8;
	[tilespmem:$0x18800] =	vst v63  }
0x249: {  	s19 =	sand.u32 $0xE00, s28;
	s20 =	simm.s32 $0x0;
	s18 =	sand.u32 $0xFFFF8000, s26  }
0x24a: {  	s29 =	sand.u32 $0xFFFF8000, s20;
	s18 =	sor.u32 s19, s18  }
0x24b: {  	_ =	swait.ge [sflag:s15], $0x8000;
	s18 =	ssub.s32 s18, s29  }
0x24c: {  	[sflag:s15] =	ssyncset.done $0x0;
	s19 =	sshra.s32 s18, $0x2  }
0x24d: {  	[sflag:s15] =	ssyncadd.s32 $0xFFFF8000;
	s18 =	sadd.s32 $0x10840, s19  }
0x24e: {  	s19 =	sadd.s32 $0x870, s19;
	v4 =	vld [tilespmem:s18+$0x30]  }
0x24f: {  	v6 =	vld [tilespmem:s19+$0x0]  }
0x250: {  	v7 =	vld [tilespmem:s18+$0xFFFFFFC0]  }
0x251: {  	v9 =	vld [tilespmem:s19+$0xFFFFFF90]  }
0x252: {  	v5 =	vld [tilespmem:s18+$0xFFFFFFD0]  }
0x253: {  	v8 =	vld [tilespmem:s19+$0xFFFFFFA0]  }
0x254: {  	v3 =	vld [tilespmem:s18+$0xFFFFFFE0]  }
0x255: {  	v10 =	vadd.f32 v6, v4;
	v6 =	vld [tilespmem:s19+$0xFFFFFFB0]  }
0x256: {  	s20 =	simm.s32 $0x870;
	v4 =	vld [tilespmem:s18+$0xFFFFFFF0];
	v9 =	vadd.f32 v9, v7  }
0x257: {  	s23 =	simm.s32 $0x10840;
	s24 =	simm.s32 $0x0;
	s25 =	simm.s32 $0x8;
	v7 =	vld [tilespmem:s19+$0xFFFFFFC0];
	[tilespmem:s18+$0x30] =	vst v10  }
.LBB2_12:
0x258: {  	s26 =	sshll.u32 s25, $0x6;
	s28 =	sshll.u32 s25, $0x3;
	s29 =	sshll.u32 s25, $0x9;
	[tilespmem:s18+$0xFFFFFFC0] =	vst v9;
	v5 =	vadd.f32 v8, v5;
	v8 =	vld [tilespmem:s18+$0x0]  }
0x259: {  	s24 =	sadd.s32 $0x8, s24;
	s26 =	sand.u32 $0xFFFF8000, s26;
	s28 =	sand.u32 $0xE00, s28;
	v9 =	vld [tilespmem:s19+$0xFFFFFFD0]  }
0x25a: {  	p0 =	slt.u32 s24, $0x7F8;
	s26 =	sor.u32 s28, s26;
	s28 =	sand.u32 $0xFFFF8000, s29;
	[tilespmem:s18+$0xFFFFFFD0] =	vst v5;
	v3 =	vadd.f32 v6, v3;
	v5 =	vld [tilespmem:s18+$0x10]  }
0x25b: {  	s26 =	ssub.s32 s26, s28;
	v6 =	vld [tilespmem:s19+$0xFFFFFFE0]  }
0x25c: {  	s23 =	sadd.s32 $0x400, s23;
	s26 =	sshra.s32 s26, $0x2;
	[tilespmem:s18+$0xFFFFFFE0] =	vst v3;
	v3 =	vadd.f32 v7, v4;
	v4 =	vld [tilespmem:s18+$0x20]  }
0x25d: {  	s20 =	sadd.s32 $0x400, s20;
	s28 =	sadd.s32 s26, s23;
	v7 =	vld [tilespmem:s19+$0xFFFFFFF0]  }
0x25e: {  	s19 =	sadd.s32 s26, s20;
	v10 =	vld [tilespmem:s28+$0x30];
	[tilespmem:s18+$0xFFFFFFF0] =	vst v3;
	v3 =	vadd.f32 v9, v8  }
0x25f: {  	v9 =	vld [tilespmem:s19+$0x0]  }
0x260: {  	v11 =	vld [tilespmem:s28+$0xFFFFFFC0];
	[tilespmem:s18+$0x0] =	vst v3;
	v3 =	vadd.f32 v6, v5  }
0x261: {  	v12 =	vld [tilespmem:s19+$0xFFFFFF90]  }
0x262: {  	v5 =	vld [tilespmem:s28+$0xFFFFFFD0];
	[tilespmem:s18+$0x10] =	vst v3;
	v4 =	vadd.f32 v7, v4  }
.Ltmp5:
0x263: {  	v8 =	vld [tilespmem:s19+$0xFFFFFFA0];
	(pc) =	sbr.rel @p0 .LBB2_12-.Ltmp5, $4  }
0x264: {  	v3 =	vld [tilespmem:s28+$0xFFFFFFE0];
	v7 =	vadd.f32 v9, v10;
	[tilespmem:s18+$0x20] =	vst v4;
	s18 =	smov.u32 s28  }
0x265: {  	v6 =	vld [tilespmem:s19+$0xFFFFFFB0]  }
0x266: {  	v9 =	vadd.f32 v12, v11;
	v4 =	vld [tilespmem:s18+$0xFFFFFFF0];
	[tilespmem:s18+$0x30] =	vst v7  }
0x267: {  	s25 =	sadd.s32 $0x8, s25;
	v7 =	vld [tilespmem:s19+$0xFFFFFFC0]  }
0x268: {  	v10 =	vld [tilespmem:s18+$0x0]  }
0x269: {  	v11 =	vld [tilespmem:s19+$0xFFFFFFD0]  }
0x26a: {  	v12 =	vld [tilespmem:s18+$0x10]  }
0x26b: {  	v13 =	vld [tilespmem:s19+$0xFFFFFFE0]  }
0x26c: {  	v14 =	vld [tilespmem:s18+$0x20]  }
0x26d: {  	v5 =	vadd.f32 v8, v5;
	v8 =	vld [tilespmem:s19+$0xFFFFFFF0]  }
0x26e: {  	[tilespmem:s18+$0xFFFFFFC0] =	vst v9;
	v3 =	vadd.f32 v6, v3  }
0x26f: {  	[tilespmem:s18+$0xFFFFFFD0] =	vst v5;
	v4 =	vadd.f32 v7, v4  }
0x270: {  	[tilespmem:s18+$0xFFFFFFE0] =	vst v3;
	v3 =	vadd.f32 v11, v10  }
0x271: {  	[tilespmem:s18+$0xFFFFFFF0] =	vst v4;
	v4 =	vadd.f32 v13, v12  }
0x272: {  	[tilespmem:s18+$0x0] =	vst v3;
	v3 =	vadd.f32 v8, v14  }
0x273: {  	[tilespmem:s18+$0x10] =	vst v4  }
0x274: {  	[tilespmem:s18+$0x20] =	vst v3  }
0x275: {  	s18 =	simm.s32 $0x0;
	s28 =	rddreg [dreg:$0xd]  }
0x276: {  	[hbm4b:s28+s18] =	stream.linear.scatter [tilespmem:s22], [sflag:$0x4], $0x8000, $0x38;
	[tilespmem:$0x18800] =	vst v63  }
0x277: {  	_ =	swait.ge [sflag:s16], $0x8000  }
0x278: {  	[sflag:s16] =	ssyncset.done $0x0  }
0x279: {  	[sflag:s16] =	ssyncadd.s32 $0xFFFF8000  }
0x27a: {  	v3 =	vld [tilespmem:$0x380];
	_ =	sdelay $0x4  }
0x27b: {  	v4 =	vshll.u32 v3, $0x3  }
0x27c: {  	v3 =	vand.u32 $0x7, v3;
	v4 =	vand.u32 $0xFFFFFFC0, v4  }
0x27d: {  	v3 =	vor.u32 v3, v4  }
0x27e: {  	v4 =	vperm.xlane v3, v0;
	_ =	sdelay $0x1  }
0x27f: {  	v4 =	vadd.s32 v1, v4;
	_ =	sdelay $0x4  }
0x280: {  	[tilespmem:s22], [sflag:$0x2] =	stream.indirect_vreg.gather [hbm4b:s1+s18], $0x80, v4, vm0, $0xb8;
	[tilespmem:$0x18800] =	vst v63  }
0x281: {  	s29 =	simm.s32 $0x11000;
	v3 =	vperm.xlane v3, v2  }
0x282: {  	[tilespmem:s29], [sflag:$0x2] =	stream.indirect_vreg.gather [hbm4b:s5+s18], $0x80, v4, vm0, $0xb8;
	[tilespmem:$0x18800] =	vst v63  }
0x283: {  	s20 =	simm.s32 $0x11800;
	v3 =	vadd.s32 v1, v3  }
0x284: {  	[tilespmem:s20], [sflag:$0x2] =	stream.indirect_vreg.gather [hbm4b:s6+s18], $0x80, v4, vm0, $0xb8;
	[tilespmem:$0x18800] =	vst v63  }
0x285: {  	s23 =	simm.s32 $0x12000  }
0x286: {  	[tilespmem:s23], [sflag:$0x2] =	stream.indirect_vreg.gather [hbm4b:s8+s18], $0x80, v4, vm0, $0xb8;
	[tilespmem:$0x18800] =	vst v63  }
0x287: {  	s24 =	simm.s32 $0x12800  }
0x288: {  	[tilespmem:s24], [sflag:$0x2] =	stream.indirect_vreg.gather [hbm4b:s1+s18], $0x80, v3, vm0, $0xb8;
	[tilespmem:$0x18800] =	vst v63  }
0x289: {  	s25 =	simm.s32 $0x13000  }
0x28a: {  	[tilespmem:s25], [sflag:$0x2] =	stream.indirect_vreg.gather [hbm4b:s5+s18], $0x80, v3, vm0, $0xb8;
	[tilespmem:$0x18800] =	vst v63  }
0x28b: {  	s26 =	simm.s32 $0x13800  }
0x28c: {  	[tilespmem:s26], [sflag:$0x2] =	stream.indirect_vreg.gather [hbm4b:s6+s18], $0x80, v3, vm0, $0xb8;
	[tilespmem:$0x18800] =	vst v63  }
0x28d: {  	_ = 	snop  }
0x28e: {  	[tilespmem:s7], [sflag:$0x2] =	stream.indirect_vreg.gather [hbm4b:s8+s18], $0x80, v3, vm0, $0xb8;
	[tilespmem:$0x18800] =	vst v63  }
0x28f: {  	v3 =	vld [tilespmem:$0x390];
	_ =	sdelay $0x4  }
0x290: {  	v4 =	vshll.u32 v3, $0x3  }
0x291: {  	v3 =	vand.u32 $0x7, v3;
	v4 =	vand.u32 $0xFFFFFFC0, v4  }
0x292: {  	v3 =	vor.u32 v3, v4  }
0x293: {  	v4 =	vperm.xlane v3, v0;
	_ =	sdelay $0x1  }
0x294: {  	v4 =	vadd.s32 v1, v4;
	_ =	sdelay $0x4  }
0x295: {  	[tilespmem:s21], [sflag:$0x2] =	stream.indirect_vreg.gather [hbm4b:s1+s18], $0x80, v4, vm0, $0xb8;
	[tilespmem:$0x18800] =	vst v63  }
0x296: {  	v3 =	vperm.xlane v3, v2  }
0x297: {  	[tilespmem:s2], [sflag:$0x2] =	stream.indirect_vreg.gather [hbm4b:s5+s18], $0x80, v4, vm0, $0xb8;
	[tilespmem:$0x18800] =	vst v63  }
0x298: {  	v3 =	vadd.s32 v1, v3  }
0x299: {  	[tilespmem:s0], [sflag:$0x2] =	stream.indirect_vreg.gather [hbm4b:s6+s18], $0x80, v4, vm0, $0xb8;
	[tilespmem:$0x18800] =	vst v63  }
0x29a: {  	_ = 	snop  }
0x29b: {  	[tilespmem:s4], [sflag:$0x2] =	stream.indirect_vreg.gather [hbm4b:s8+s18], $0x80, v4, vm0, $0xb8;
	[tilespmem:$0x18800] =	vst v63  }
0x29c: {  	_ = 	snop  }
0x29d: {  	[tilespmem:s9], [sflag:$0x2] =	stream.indirect_vreg.gather [hbm4b:s1+s18], $0x80, v3, vm0, $0xb8;
	[tilespmem:$0x18800] =	vst v63  }
0x29e: {  	s28 =	simm.s32 $0x0  }
0x29f: {  	[tilespmem:s10], [sflag:$0x2] =	stream.indirect_vreg.gather [hbm4b:s5+s18], $0x80, v3, vm0, $0xb8;
	[tilespmem:$0x18800] =	vst v63  }
0x2a0: {  	s19 =	sand.u32 $0xFFFFE000, s28  }
0x2a1: {  	[tilespmem:s11], [sflag:$0x2] =	stream.indirect_vreg.gather [hbm4b:s6+s18], $0x80, v3, vm0, $0xb8;
	[tilespmem:$0x18800] =	vst v63  }
0x2a2: {  	s19 =	sadd.s32 $0x0, s19;
	s20 =	simm.s32 $0x0  }
0x2a3: {  	[tilespmem:s12], [sflag:$0x2] =	stream.indirect_vreg.gather [hbm4b:s8+s18], $0x80, v3, vm0, $0xb8;
	[tilespmem:$0x18800] =	vst v63  }
0x2a4: {  	s20 =	sand.u32 $0x380, s20;
	s23 =	simm.s32 $0x0;
	_ =	swait.ge [sflag:s13], $0x8000  }
0x2a5: {  	s19 =	sadd.s32 s20, s19;
	s29 =	sand.u32 $0xFFFFE000, s23;
	[sflag:s13] =	ssyncset.done $0x0  }
0x2a6: {  	s19 =	ssub.s32 s19, s29;
	[sflag:s13] =	ssyncadd.s32 $0xFFFF8000  }
0x2a7: {  	v3 =	vld [tilespmem:s19+$0x8870]  }
0x2a8: {  	v5 =	vld [tilespmem:s19+$0x870]  }
0x2a9: {  	v6 =	vld [tilespmem:s19+$0x8800]  }
0x2aa: {  	v8 =	vld [tilespmem:s19+$0x800]  }
0x2ab: {  	v9 =	vld [tilespmem:s19+$0x8810]  }
0x2ac: {  	v10 =	vld [tilespmem:s19+$0x810]  }
0x2ad: {  	v4 =	vld [tilespmem:s19+$0x8820]  }
0x2ae: {  	v7 =	vld [tilespmem:s19+$0x820];
	v5 =	vadd.f32 v5, v3  }
0x2af: {  	v8 =	vadd.f32 v8, v6;
	v3 =	vld [tilespmem:s19+$0x8830]  }
0x2b0: {  	v6 =	vld [tilespmem:s19+$0x830];
	[tilespmem:s19+$0x8870] =	vst v5  }
0x2b1: {  	s20 =	simm.s32 $0x0;
	s23 =	simm.s32 $0x8;
	[tilespmem:s19+$0x8800] =	vst v8;
	v8 =	vadd.f32 v10, v9;
	v5 =	vld [tilespmem:s19+$0x8840]  }
.LBB2_14:
0x2b2: {  	s24 =	sshll.u32 s23, $0x4;
	s25 =	sshll.u32 s23, $0x7;
	v9 =	vld [tilespmem:s19+$0x840];
	s18 =	sadd.s32 $0x400, s18  }
0x2b3: {  	s26 =	sshll.u32 s23, $0x1;
	s20 =	sadd.s32 $0x8, s20;
	s24 =	sand.u32 $0xFFFFE000, s24;
	[tilespmem:s19+$0x8810] =	vst v8;
	v4 =	vadd.f32 v7, v4;
	v7 =	vld [tilespmem:s19+$0x8850]  }
0x2b4: {  	s26 =	sand.u32 $0x380, s26;
	p0 =	slt.u32 s20, $0x7F8;
	s24 =	sadd.s32 s24, s18;
	v8 =	vld [tilespmem:s19+$0x850]  }
0x2b5: {  	s25 =	sand.u32 $0xFFFFE000, s25;
	s24 =	sadd.s32 s26, s24;
	[tilespmem:s19+$0x8820] =	vst v4;
	v3 =	vadd.f32 v6, v3;
	v4 =	vld [tilespmem:s19+$0x8860]  }
0x2b6: {  	s24 =	ssub.s32 s24, s25;
	v6 =	vld [tilespmem:s19+$0x860]  }
0x2b7: {  	v10 =	vld [tilespmem:s24+$0x8870];
	[tilespmem:s19+$0x8830] =	vst v3;
	v3 =	vadd.f32 v9, v5  }
0x2b8: {  	v5 =	vld [tilespmem:s24+$0x870]  }
0x2b9: {  	v9 =	vld [tilespmem:s24+$0x8800];
	[tilespmem:s19+$0x8840] =	vst v3;
	v3 =	vadd.f32 v8, v7  }
0x2ba: {  	v8 =	vld [tilespmem:s24+$0x800]  }
0x2bb: {  	v11 =	vld [tilespmem:s24+$0x8810];
	[tilespmem:s19+$0x8850] =	vst v3;
	v3 =	vadd.f32 v6, v4  }
0x2bc: {  	v12 =	vld [tilespmem:s24+$0x810]  }
.Ltmp6:
0x2bd: {  	v4 =	vld [tilespmem:s24+$0x8820];
	v5 =	vadd.f32 v5, v10;
	[tilespmem:s19+$0x8860] =	vst v3;
	s19 =	smov.u32 s24;
	(pc) =	sbr.rel @p0 .LBB2_14-.Ltmp6, $4  }
0x2be: {  	v7 =	vld [tilespmem:s19+$0x820]  }
0x2bf: {  	v8 =	vadd.f32 v8, v9;
	v3 =	vld [tilespmem:s19+$0x8830];
	[tilespmem:s19+$0x8870] =	vst v5  }
0x2c0: {  	v6 =	vld [tilespmem:s19+$0x830]  }
0x2c1: {  	s23 =	sadd.s32 $0x8, s23;
	[tilespmem:s19+$0x8800] =	vst v8;
	v8 =	vadd.f32 v12, v11;
	v5 =	vld [tilespmem:s19+$0x8840]  }
0x2c2: {  	v9 =	vld [tilespmem:s19+$0x840]  }
0x2c3: {  	v10 =	vld [tilespmem:s19+$0x8850]  }
0x2c4: {  	v11 =	vld [tilespmem:s19+$0x850]  }
0x2c5: {  	v12 =	vld [tilespmem:s19+$0x8860]  }
0x2c6: {  	v13 =	vld [tilespmem:s19+$0x860]  }
0x2c7: {  	v4 =	vadd.f32 v7, v4  }
0x2c8: {  	[tilespmem:s19+$0x8810] =	vst v8;
	v3 =	vadd.f32 v6, v3  }
0x2c9: {  	[tilespmem:s19+$0x8820] =	vst v4;
	v4 =	vadd.f32 v9, v5  }
0x2ca: {  	[tilespmem:s19+$0x8830] =	vst v3;
	v3 =	vadd.f32 v11, v10  }
0x2cb: {  	[tilespmem:s19+$0x8840] =	vst v4;
	v4 =	vadd.f32 v13, v12  }
0x2cc: {  	[tilespmem:s19+$0x8850] =	vst v3  }
0x2cd: {  	[tilespmem:s19+$0x8860] =	vst v4  }
0x2ce: {  	s18 =	simm.s32 $0x0;
	s19 =	rddreg [dreg:$0xe]  }
0x2cf: {  	[hbm4b:s19+s18] =	stream.linear.scatter [tilespmem:s31], [sflag:$0x3], $0x8000, $0x38;
	[tilespmem:$0x18800] =	vst v63  }
0x2d0: {  	_ =	swait.ge [sflag:s14], $0x8000  }
0x2d1: {  	[sflag:s14] =	ssyncset.done $0x0  }
0x2d2: {  	[sflag:s14] =	ssyncadd.s32 $0xFFFF8000  }
0x2d3: {  	v3 =	vld [tilespmem:$0x400];
	_ =	sdelay $0x4  }
0x2d4: {  	v4 =	vshll.u32 v3, $0x3  }
0x2d5: {  	v3 =	vand.u32 $0x7, v3;
	v4 =	vand.u32 $0xFFFFFFC0, v4  }
0x2d6: {  	v3 =	vor.u32 v3, v4  }
0x2d7: {  	v4 =	vperm.xlane v3, v0;
	_ =	sdelay $0x1  }
0x2d8: {  	v4 =	vadd.s32 v1, v4;
	_ =	sdelay $0x4  }
0x2d9: {  	[tilespmem:s31], [sflag:$0x1] =	stream.indirect_vreg.gather [hbm4b:s1+s18], $0x80, v4, vm0, $0xb8;
	[tilespmem:$0x18800] =	vst v63  }
0x2da: {  	s25 =	simm.s32 $0x9000;
	v3 =	vperm.xlane v3, v2  }
0x2db: {  	[tilespmem:s25], [sflag:$0x1] =	stream.indirect_vreg.gather [hbm4b:s5+s18], $0x80, v4, vm0, $0xb8;
	[tilespmem:$0x18800] =	vst v63  }
0x2dc: {  	s26 =	simm.s32 $0x9800;
	v3 =	vadd.s32 v1, v3  }
0x2dd: {  	[tilespmem:s26], [sflag:$0x1] =	stream.indirect_vreg.gather [hbm4b:s6+s18], $0x80, v4, vm0, $0xb8;
	[tilespmem:$0x18800] =	vst v63  }
0x2de: {  	s28 =	simm.s32 $0xA000  }
0x2df: {  	[tilespmem:s28], [sflag:$0x1] =	stream.indirect_vreg.gather [hbm4b:s8+s18], $0x80, v4, vm0, $0xb8;
	[tilespmem:$0x18800] =	vst v63  }
0x2e0: {  	s29 =	simm.s32 $0xA800  }
0x2e1: {  	[tilespmem:s29], [sflag:$0x1] =	stream.indirect_vreg.gather [hbm4b:s1+s18], $0x80, v3, vm0, $0xb8;
	[tilespmem:$0x18800] =	vst v63  }
0x2e2: {  	s20 =	simm.s32 $0xB000  }
0x2e3: {  	[tilespmem:s20], [sflag:$0x1] =	stream.indirect_vreg.gather [hbm4b:s5+s18], $0x80, v3, vm0, $0xb8;
	[tilespmem:$0x18800] =	vst v63  }
0x2e4: {  	s23 =	simm.s32 $0xB800  }
0x2e5: {  	[tilespmem:s23], [sflag:$0x1] =	stream.indirect_vreg.gather [hbm4b:s6+s18], $0x80, v3, vm0, $0xb8;
	[tilespmem:$0x18800] =	vst v63  }
0x2e6: {  	s24 =	simm.s32 $0xC000  }
0x2e7: {  	[tilespmem:s24], [sflag:$0x1] =	stream.indirect_vreg.gather [hbm4b:s8+s18], $0x80, v3, vm0, $0xb8;
	[tilespmem:$0x18800] =	vst v63  }
0x2e8: {  	v3 =	vld [tilespmem:$0x410];
	_ =	sdelay $0x4  }
0x2e9: {  	v4 =	vshll.u32 v3, $0x3  }
0x2ea: {  	v3 =	vand.u32 $0x7, v3;
	v4 =	vand.u32 $0xFFFFFFC0, v4  }
0x2eb: {  	v3 =	vor.u32 v3, v4  }
0x2ec: {  	v4 =	vperm.xlane v3, v0;
	_ =	sdelay $0x1  }
0x2ed: {  	v4 =	vadd.s32 v1, v4;
	_ =	sdelay $0x3  }
0x2ee: {  	s25 =	simm.s32 $0xC800  }
0x2ef: {  	[tilespmem:s25], [sflag:$0x1] =	stream.indirect_vreg.gather [hbm4b:s1+s18], $0x80, v4, vm0, $0xb8;
	[tilespmem:$0x18800] =	vst v63  }
0x2f0: {  	s26 =	simm.s32 $0xD000;
	v3 =	vperm.xlane v3, v2  }
0x2f1: {  	[tilespmem:s26], [sflag:$0x1] =	stream.indirect_vreg.gather [hbm4b:s5+s18], $0x80, v4, vm0, $0xb8;
	[tilespmem:$0x18800] =	vst v63  }
0x2f2: {  	s28 =	simm.s32 $0xD800;
	v3 =	vadd.s32 v1, v3  }
0x2f3: {  	[tilespmem:s28], [sflag:$0x1] =	stream.indirect_vreg.gather [hbm4b:s6+s18], $0x80, v4, vm0, $0xb8;
	[tilespmem:$0x18800] =	vst v63  }
0x2f4: {  	s29 =	simm.s32 $0xE000  }
0x2f5: {  	[tilespmem:s29], [sflag:$0x1] =	stream.indirect_vreg.gather [hbm4b:s8+s18], $0x80, v4, vm0, $0xb8;
	[tilespmem:$0x18800] =	vst v63  }
0x2f6: {  	s20 =	simm.s32 $0xE800  }
0x2f7: {  	[tilespmem:s20], [sflag:$0x1] =	stream.indirect_vreg.gather [hbm4b:s1+s18], $0x80, v3, vm0, $0xb8;
	[tilespmem:$0x18800] =	vst v63  }
0x2f8: {  	s23 =	simm.s32 $0xF000  }
0x2f9: {  	[tilespmem:s23], [sflag:$0x1] =	stream.indirect_vreg.gather [hbm4b:s5+s18], $0x80, v3, vm0, $0xb8;
	[tilespmem:$0x18800] =	vst v63  }
0x2fa: {  	s24 =	simm.s32 $0xF800  }
0x2fb: {  	[tilespmem:s24], [sflag:$0x1] =	stream.indirect_vreg.gather [hbm4b:s6+s18], $0x80, v3, vm0, $0xb8;
	[tilespmem:$0x18800] =	vst v63  }
0x2fc: {  	s25 =	simm.s32 $0x10000;
	s26 =	simm.s32 $0x0;
	s28 =	simm.s32 $0x0  }
0x2fd: {  	[tilespmem:s25], [sflag:$0x1] =	stream.indirect_vreg.gather [hbm4b:s8+s18], $0x80, v3, vm0, $0xb8;
	[tilespmem:$0x18800] =	vst v63  }
0x2fe: {  	s19 =	sand.u32 $0xE00, s28;
	s20 =	simm.s32 $0x0;
	s18 =	sand.u32 $0xFFFF8000, s26  }
0x2ff: {  	s29 =	sand.u32 $0xFFFF8000, s20;
	s18 =	sor.u32 s19, s18  }
0x300: {  	_ =	swait.ge [sflag:s15], $0x8000;
	s18 =	ssub.s32 s18, s29  }
0x301: {  	[sflag:s15] =	ssyncset.done $0x0;
	s19 =	sshra.s32 s18, $0x2  }
0x302: {  	[sflag:s15] =	ssyncadd.s32 $0xFFFF8000;
	s18 =	sadd.s32 $0x10840, s19  }
0x303: {  	s19 =	sadd.s32 $0x870, s19;
	v4 =	vld [tilespmem:s18+$0x30]  }
0x304: {  	v6 =	vld [tilespmem:s19+$0x0]  }
0x305: {  	v7 =	vld [tilespmem:s18+$0xFFFFFFC0]  }
0x306: {  	v9 =	vld [tilespmem:s19+$0xFFFFFF90]  }
0x307: {  	v5 =	vld [tilespmem:s18+$0xFFFFFFD0]  }
0x308: {  	v8 =	vld [tilespmem:s19+$0xFFFFFFA0]  }
0x309: {  	v3 =	vld [tilespmem:s18+$0xFFFFFFE0]  }
0x30a: {  	v10 =	vadd.f32 v6, v4;
	v6 =	vld [tilespmem:s19+$0xFFFFFFB0]  }
0x30b: {  	s20 =	simm.s32 $0x870;
	v4 =	vld [tilespmem:s18+$0xFFFFFFF0];
	v9 =	vadd.f32 v9, v7  }
0x30c: {  	s23 =	simm.s32 $0x10840;
	s24 =	simm.s32 $0x0;
	s25 =	simm.s32 $0x8;
	v7 =	vld [tilespmem:s19+$0xFFFFFFC0];
	[tilespmem:s18+$0x30] =	vst v10  }
.LBB2_16:
0x30d: {  	s26 =	sshll.u32 s25, $0x6;
	s28 =	sshll.u32 s25, $0x3;
	s29 =	sshll.u32 s25, $0x9;
	[tilespmem:s18+$0xFFFFFFC0] =	vst v9;
	v5 =	vadd.f32 v8, v5;
	v8 =	vld [tilespmem:s18+$0x0]  }
0x30e: {  	s24 =	sadd.s32 $0x8, s24;
	s26 =	sand.u32 $0xFFFF8000, s26;
	s28 =	sand.u32 $0xE00, s28;
	v9 =	vld [tilespmem:s19+$0xFFFFFFD0]  }
0x30f: {  	p0 =	slt.u32 s24, $0x7F8;
	s26 =	sor.u32 s28, s26;
	s28 =	sand.u32 $0xFFFF8000, s29;
	[tilespmem:s18+$0xFFFFFFD0] =	vst v5;
	v3 =	vadd.f32 v6, v3;
	v5 =	vld [tilespmem:s18+$0x10]  }
0x310: {  	s26 =	ssub.s32 s26, s28;
	v6 =	vld [tilespmem:s19+$0xFFFFFFE0]  }
0x311: {  	s23 =	sadd.s32 $0x400, s23;
	s26 =	sshra.s32 s26, $0x2;
	[tilespmem:s18+$0xFFFFFFE0] =	vst v3;
	v3 =	vadd.f32 v7, v4;
	v4 =	vld [tilespmem:s18+$0x20]  }
0x312: {  	s20 =	sadd.s32 $0x400, s20;
	s28 =	sadd.s32 s26, s23;
	v7 =	vld [tilespmem:s19+$0xFFFFFFF0]  }
0x313: {  	s19 =	sadd.s32 s26, s20;
	v10 =	vld [tilespmem:s28+$0x30];
	[tilespmem:s18+$0xFFFFFFF0] =	vst v3;
	v3 =	vadd.f32 v9, v8  }
0x314: {  	v9 =	vld [tilespmem:s19+$0x0]  }
0x315: {  	v11 =	vld [tilespmem:s28+$0xFFFFFFC0];
	[tilespmem:s18+$0x0] =	vst v3;
	v3 =	vadd.f32 v6, v5  }
0x316: {  	v12 =	vld [tilespmem:s19+$0xFFFFFF90]  }
0x317: {  	v5 =	vld [tilespmem:s28+$0xFFFFFFD0];
	[tilespmem:s18+$0x10] =	vst v3;
	v4 =	vadd.f32 v7, v4  }
.Ltmp7:
0x318: {  	v8 =	vld [tilespmem:s19+$0xFFFFFFA0];
	(pc) =	sbr.rel @p0 .LBB2_16-.Ltmp7, $4  }
0x319: {  	v3 =	vld [tilespmem:s28+$0xFFFFFFE0];
	v7 =	vadd.f32 v9, v10;
	[tilespmem:s18+$0x20] =	vst v4;
	s18 =	smov.u32 s28  }
0x31a: {  	v6 =	vld [tilespmem:s19+$0xFFFFFFB0]  }
0x31b: {  	v9 =	vadd.f32 v12, v11;
	v4 =	vld [tilespmem:s18+$0xFFFFFFF0];
	[tilespmem:s18+$0x30] =	vst v7  }
0x31c: {  	s25 =	sadd.s32 $0x8, s25;
	v7 =	vld [tilespmem:s19+$0xFFFFFFC0]  }
0x31d: {  	v10 =	vld [tilespmem:s18+$0x0]  }
0x31e: {  	v11 =	vld [tilespmem:s19+$0xFFFFFFD0]  }
0x31f: {  	v12 =	vld [tilespmem:s18+$0x10]  }
0x320: {  	v13 =	vld [tilespmem:s19+$0xFFFFFFE0]  }
0x321: {  	v14 =	vld [tilespmem:s18+$0x20]  }
0x322: {  	v5 =	vadd.f32 v8, v5;
	v8 =	vld [tilespmem:s19+$0xFFFFFFF0]  }
0x323: {  	[tilespmem:s18+$0xFFFFFFC0] =	vst v9;
	v3 =	vadd.f32 v6, v3  }
0x324: {  	[tilespmem:s18+$0xFFFFFFD0] =	vst v5;
	v4 =	vadd.f32 v7, v4  }
0x325: {  	[tilespmem:s18+$0xFFFFFFE0] =	vst v3;
	v3 =	vadd.f32 v11, v10  }
0x326: {  	[tilespmem:s18+$0xFFFFFFF0] =	vst v4;
	v4 =	vadd.f32 v13, v12  }
0x327: {  	[tilespmem:s18+$0x0] =	vst v3;
	v3 =	vadd.f32 v8, v14  }
0x328: {  	[tilespmem:s18+$0x10] =	vst v4  }
0x329: {  	[tilespmem:s18+$0x20] =	vst v3  }
0x32a: {  	s18 =	simm.s32 $0x0;
	s25 =	rddreg [dreg:$0xf]  }
0x32b: {  	[hbm4b:s25+s18] =	stream.linear.scatter [tilespmem:s22], [sflag:$0x4], $0x8000, $0x38;
	[tilespmem:$0x18800] =	vst v63  }
0x32c: {  	s20 =	simm.s32 $0x800;
	s26 =	rddreg [dreg:$0x10]  }
0x32d: {  	[tilespmem:s20], [sflag:$0x5] =	stream.linear.gather [hbm4b:s26+s18], $0x8000, $0x38;
	[tilespmem:$0x18800] =	vst v63  }
0x32e: {  	_ =	swait.ge [sflag:s30], $0x8000  }
0x32f: {  	[sflag:s30] =	ssyncset.done $0x0  }
0x330: {  	[sflag:s30] =	ssyncadd.s32 $0xFFFF8000  }
0x331: {  	_ =	swait.ge [sflag:s16], $0x8000  }
0x332: {  	[sflag:s16] =	ssyncset.done $0x0  }
0x333: {  	[sflag:s16] =	ssyncadd.s32 $0xFFFF8000  }
0x334: {  	v3 =	vld [tilespmem:$0x480];
	_ =	sdelay $0x4  }
0x335: {  	v4 =	vshll.u32 v3, $0x3  }
0x336: {  	v3 =	vand.u32 $0x7, v3;
	v4 =	vand.u32 $0xFFFFFFC0, v4  }
0x337: {  	v3 =	vor.u32 v3, v4  }
0x338: {  	v4 =	vperm.xlane v3, v0;
	_ =	sdelay $0x1  }
0x339: {  	v4 =	vadd.s32 v1, v4;
	_ =	sdelay $0x4  }
0x33a: {  	[tilespmem:s22], [sflag:$0x2] =	stream.indirect_vreg.gather [hbm4b:s1+s18], $0x80, v4, vm0, $0xb8;
	[tilespmem:$0x18800] =	vst v63  }
0x33b: {  	s28 =	simm.s32 $0x11000;
	v3 =	vperm.xlane v3, v2  }
0x33c: {  	[tilespmem:s28], [sflag:$0x2] =	stream.indirect_vreg.gather [hbm4b:s5+s18], $0x80, v4, vm0, $0xb8;
	[tilespmem:$0x18800] =	vst v63  }
0x33d: {  	s29 =	simm.s32 $0x11800;
	v3 =	vadd.s32 v1, v3  }
0x33e: {  	[tilespmem:s29], [sflag:$0x2] =	stream.indirect_vreg.gather [hbm4b:s6+s18], $0x80, v4, vm0, $0xb8;
	[tilespmem:$0x18800] =	vst v63  }
0x33f: {  	s20 =	simm.s32 $0x12000  }
0x340: {  	[tilespmem:s20], [sflag:$0x2] =	stream.indirect_vreg.gather [hbm4b:s8+s18], $0x80, v4, vm0, $0xb8;
	[tilespmem:$0x18800] =	vst v63  }
0x341: {  	s23 =	simm.s32 $0x12800  }
0x342: {  	[tilespmem:s23], [sflag:$0x2] =	stream.indirect_vreg.gather [hbm4b:s1+s18], $0x80, v3, vm0, $0xb8;
	[tilespmem:$0x18800] =	vst v63  }
0x343: {  	s24 =	simm.s32 $0x13000  }
0x344: {  	[tilespmem:s24], [sflag:$0x2] =	stream.indirect_vreg.gather [hbm4b:s5+s18], $0x80, v3, vm0, $0xb8;
	[tilespmem:$0x18800] =	vst v63  }
0x345: {  	s25 =	simm.s32 $0x13800  }
0x346: {  	[tilespmem:s25], [sflag:$0x2] =	stream.indirect_vreg.gather [hbm4b:s6+s18], $0x80, v3, vm0, $0xb8;
	[tilespmem:$0x18800] =	vst v63  }
0x347: {  	_ = 	snop  }
0x348: {  	[tilespmem:s7], [sflag:$0x2] =	stream.indirect_vreg.gather [hbm4b:s8+s18], $0x80, v3, vm0, $0xb8;
	[tilespmem:$0x18800] =	vst v63  }
0x349: {  	v3 =	vld [tilespmem:$0x490];
	_ =	sdelay $0x4  }
0x34a: {  	v4 =	vshll.u32 v3, $0x3  }
0x34b: {  	v3 =	vand.u32 $0x7, v3;
	v4 =	vand.u32 $0xFFFFFFC0, v4  }
0x34c: {  	v3 =	vor.u32 v3, v4  }
0x34d: {  	v4 =	vperm.xlane v3, v0;
	_ =	sdelay $0x1  }
0x34e: {  	v4 =	vadd.s32 v1, v4;
	_ =	sdelay $0x4  }
0x34f: {  	[tilespmem:s21], [sflag:$0x2] =	stream.indirect_vreg.gather [hbm4b:s1+s18], $0x80, v4, vm0, $0xb8;
	[tilespmem:$0x18800] =	vst v63  }
0x350: {  	v3 =	vperm.xlane v3, v2  }
0x351: {  	[tilespmem:s2], [sflag:$0x2] =	stream.indirect_vreg.gather [hbm4b:s5+s18], $0x80, v4, vm0, $0xb8;
	[tilespmem:$0x18800] =	vst v63  }
0x352: {  	v3 =	vadd.s32 v1, v3  }
0x353: {  	[tilespmem:s0], [sflag:$0x2] =	stream.indirect_vreg.gather [hbm4b:s6+s18], $0x80, v4, vm0, $0xb8;
	[tilespmem:$0x18800] =	vst v63  }
0x354: {  	_ = 	snop  }
0x355: {  	[tilespmem:s4], [sflag:$0x2] =	stream.indirect_vreg.gather [hbm4b:s8+s18], $0x80, v4, vm0, $0xb8;
	[tilespmem:$0x18800] =	vst v63  }
0x356: {  	_ = 	snop  }
0x357: {  	[tilespmem:s9], [sflag:$0x2] =	stream.indirect_vreg.gather [hbm4b:s1+s18], $0x80, v3, vm0, $0xb8;
	[tilespmem:$0x18800] =	vst v63  }
0x358: {  	s26 =	simm.s32 $0x0  }
0x359: {  	[tilespmem:s10], [sflag:$0x2] =	stream.indirect_vreg.gather [hbm4b:s5+s18], $0x80, v3, vm0, $0xb8;
	[tilespmem:$0x18800] =	vst v63  }
0x35a: {  	s19 =	sand.u32 $0xFFFFE000, s26  }
0x35b: {  	[tilespmem:s11], [sflag:$0x2] =	stream.indirect_vreg.gather [hbm4b:s6+s18], $0x80, v3, vm0, $0xb8;
	[tilespmem:$0x18800] =	vst v63  }
0x35c: {  	s19 =	sadd.s32 $0x0, s19;
	s28 =	simm.s32 $0x0  }
0x35d: {  	[tilespmem:s12], [sflag:$0x2] =	stream.indirect_vreg.gather [hbm4b:s8+s18], $0x80, v3, vm0, $0xb8;
	[tilespmem:$0x18800] =	vst v63  }
0x35e: {  	s20 =	sand.u32 $0x380, s28;
	s23 =	simm.s32 $0x0;
	_ =	swait.ge [sflag:s13], $0x8000  }
0x35f: {  	s19 =	sadd.s32 s20, s19;
	s29 =	sand.u32 $0xFFFFE000, s23;
	[sflag:s13] =	ssyncset.done $0x0  }
0x360: {  	s19 =	ssub.s32 s19, s29;
	[sflag:s13] =	ssyncadd.s32 $0xFFFF8000  }
0x361: {  	v3 =	vld [tilespmem:s19+$0x8870]  }
0x362: {  	v5 =	vld [tilespmem:s19+$0x870]  }
0x363: {  	v6 =	vld [tilespmem:s19+$0x8800]  }
0x364: {  	v8 =	vld [tilespmem:s19+$0x800]  }
0x365: {  	v9 =	vld [tilespmem:s19+$0x8810]  }
0x366: {  	v10 =	vld [tilespmem:s19+$0x810]  }
0x367: {  	v4 =	vld [tilespmem:s19+$0x8820]  }
0x368: {  	v7 =	vld [tilespmem:s19+$0x820];
	v5 =	vadd.f32 v5, v3  }
0x369: {  	v8 =	vadd.f32 v8, v6;
	v3 =	vld [tilespmem:s19+$0x8830]  }
0x36a: {  	v6 =	vld [tilespmem:s19+$0x830];
	[tilespmem:s19+$0x8870] =	vst v5  }
0x36b: {  	s20 =	simm.s32 $0x0;
	s23 =	simm.s32 $0x8;
	[tilespmem:s19+$0x8800] =	vst v8;
	v8 =	vadd.f32 v10, v9;
	v5 =	vld [tilespmem:s19+$0x8840]  }
.LBB2_18:
0x36c: {  	s24 =	sshll.u32 s23, $0x4;
	s25 =	sshll.u32 s23, $0x7;
	v9 =	vld [tilespmem:s19+$0x840];
	s18 =	sadd.s32 $0x400, s18  }
0x36d: {  	s26 =	sshll.u32 s23, $0x1;
	s20 =	sadd.s32 $0x8, s20;
	s24 =	sand.u32 $0xFFFFE000, s24;
	[tilespmem:s19+$0x8810] =	vst v8;
	v4 =	vadd.f32 v7, v4;
	v7 =	vld [tilespmem:s19+$0x8850]  }
0x36e: {  	s26 =	sand.u32 $0x380, s26;
	p0 =	slt.u32 s20, $0x7F8;
	s24 =	sadd.s32 s24, s18;
	v8 =	vld [tilespmem:s19+$0x850]  }
0x36f: {  	s25 =	sand.u32 $0xFFFFE000, s25;
	s24 =	sadd.s32 s26, s24;
	[tilespmem:s19+$0x8820] =	vst v4;
	v3 =	vadd.f32 v6, v3;
	v4 =	vld [tilespmem:s19+$0x8860]  }
0x370: {  	s24 =	ssub.s32 s24, s25;
	v6 =	vld [tilespmem:s19+$0x860]  }
0x371: {  	v10 =	vld [tilespmem:s24+$0x8870];
	[tilespmem:s19+$0x8830] =	vst v3;
	v3 =	vadd.f32 v9, v5  }
0x372: {  	v5 =	vld [tilespmem:s24+$0x870]  }
0x373: {  	v9 =	vld [tilespmem:s24+$0x8800];
	[tilespmem:s19+$0x8840] =	vst v3;
	v3 =	vadd.f32 v8, v7  }
0x374: {  	v8 =	vld [tilespmem:s24+$0x800]  }
0x375: {  	v11 =	vld [tilespmem:s24+$0x8810];
	[tilespmem:s19+$0x8850] =	vst v3;
	v3 =	vadd.f32 v6, v4  }
0x376: {  	v12 =	vld [tilespmem:s24+$0x810]  }
.Ltmp8:
0x377: {  	v4 =	vld [tilespmem:s24+$0x8820];
	v5 =	vadd.f32 v5, v10;
	[tilespmem:s19+$0x8860] =	vst v3;
	s19 =	smov.u32 s24;
	(pc) =	sbr.rel @p0 .LBB2_18-.Ltmp8, $4  }
0x378: {  	v7 =	vld [tilespmem:s19+$0x820]  }
0x379: {  	v8 =	vadd.f32 v8, v9;
	v3 =	vld [tilespmem:s19+$0x8830];
	[tilespmem:s19+$0x8870] =	vst v5  }
0x37a: {  	v6 =	vld [tilespmem:s19+$0x830]  }
0x37b: {  	s23 =	sadd.s32 $0x8, s23;
	[tilespmem:s19+$0x8800] =	vst v8;
	v8 =	vadd.f32 v12, v11;
	v5 =	vld [tilespmem:s19+$0x8840]  }
0x37c: {  	v9 =	vld [tilespmem:s19+$0x840]  }
0x37d: {  	v10 =	vld [tilespmem:s19+$0x8850]  }
0x37e: {  	v11 =	vld [tilespmem:s19+$0x850]  }
0x37f: {  	v12 =	vld [tilespmem:s19+$0x8860]  }
0x380: {  	v13 =	vld [tilespmem:s19+$0x860]  }
0x381: {  	v4 =	vadd.f32 v7, v4  }
0x382: {  	[tilespmem:s19+$0x8810] =	vst v8;
	v3 =	vadd.f32 v6, v3  }
0x383: {  	[tilespmem:s19+$0x8820] =	vst v4;
	v4 =	vadd.f32 v9, v5  }
0x384: {  	[tilespmem:s19+$0x8830] =	vst v3;
	v3 =	vadd.f32 v11, v10  }
0x385: {  	[tilespmem:s19+$0x8840] =	vst v4;
	v4 =	vadd.f32 v13, v12  }
0x386: {  	[tilespmem:s19+$0x8850] =	vst v3  }
0x387: {  	[tilespmem:s19+$0x8860] =	vst v4  }
0x388: {  	s18 =	simm.s32 $0x0;
	s19 =	rddreg [dreg:$0x11]  }
0x389: {  	[hbm4b:s19+s18] =	stream.linear.scatter [tilespmem:s31], [sflag:$0x3], $0x8000, $0x38;
	[tilespmem:$0x18800] =	vst v63  }
0x38a: {  	_ =	swait.ge [sflag:s14], $0x8000  }
0x38b: {  	[sflag:s14] =	ssyncset.done $0x0  }
0x38c: {  	[sflag:s14] =	ssyncadd.s32 $0xFFFF8000  }
0x38d: {  	v3 =	vld [tilespmem:$0x500];
	_ =	sdelay $0x4  }
0x38e: {  	v4 =	vshll.u32 v3, $0x3  }
0x38f: {  	v3 =	vand.u32 $0x7, v3;
	v4 =	vand.u32 $0xFFFFFFC0, v4  }
0x390: {  	v3 =	vor.u32 v3, v4  }
0x391: {  	v4 =	vperm.xlane v3, v0;
	_ =	sdelay $0x1  }
0x392: {  	v4 =	vadd.s32 v1, v4;
	_ =	sdelay $0x4  }
0x393: {  	[tilespmem:s31], [sflag:$0x1] =	stream.indirect_vreg.gather [hbm4b:s1+s18], $0x80, v4, vm0, $0xb8;
	[tilespmem:$0x18800] =	vst v63  }
0x394: {  	s25 =	simm.s32 $0x9000;
	v3 =	vperm.xlane v3, v2  }
0x395: {  	[tilespmem:s25], [sflag:$0x1] =	stream.indirect_vreg.gather [hbm4b:s5+s18], $0x80, v4, vm0, $0xb8;
	[tilespmem:$0x18800] =	vst v63  }
0x396: {  	s26 =	simm.s32 $0x9800;
	v3 =	vadd.s32 v1, v3  }
0x397: {  	[tilespmem:s26], [sflag:$0x1] =	stream.indirect_vreg.gather [hbm4b:s6+s18], $0x80, v4, vm0, $0xb8;
	[tilespmem:$0x18800] =	vst v63  }
0x398: {  	s28 =	simm.s32 $0xA000  }
0x399: {  	[tilespmem:s28], [sflag:$0x1] =	stream.indirect_vreg.gather [hbm4b:s8+s18], $0x80, v4, vm0, $0xb8;
	[tilespmem:$0x18800] =	vst v63  }
0x39a: {  	s29 =	simm.s32 $0xA800  }
0x39b: {  	[tilespmem:s29], [sflag:$0x1] =	stream.indirect_vreg.gather [hbm4b:s1+s18], $0x80, v3, vm0, $0xb8;
	[tilespmem:$0x18800] =	vst v63  }
0x39c: {  	s20 =	simm.s32 $0xB000  }
0x39d: {  	[tilespmem:s20], [sflag:$0x1] =	stream.indirect_vreg.gather [hbm4b:s5+s18], $0x80, v3, vm0, $0xb8;
	[tilespmem:$0x18800] =	vst v63  }
0x39e: {  	s23 =	simm.s32 $0xB800  }
0x39f: {  	[tilespmem:s23], [sflag:$0x1] =	stream.indirect_vreg.gather [hbm4b:s6+s18], $0x80, v3, vm0, $0xb8;
	[tilespmem:$0x18800] =	vst v63  }
0x3a0: {  	s24 =	simm.s32 $0xC000  }
0x3a1: {  	[tilespmem:s24], [sflag:$0x1] =	stream.indirect_vreg.gather [hbm4b:s8+s18], $0x80, v3, vm0, $0xb8;
	[tilespmem:$0x18800] =	vst v63  }
0x3a2: {  	v3 =	vld [tilespmem:$0x510];
	_ =	sdelay $0x4  }
0x3a3: {  	v4 =	vshll.u32 v3, $0x3  }
0x3a4: {  	v3 =	vand.u32 $0x7, v3;
	v4 =	vand.u32 $0xFFFFFFC0, v4  }
0x3a5: {  	v3 =	vor.u32 v3, v4  }
0x3a6: {  	v4 =	vperm.xlane v3, v0;
	_ =	sdelay $0x1  }
0x3a7: {  	v4 =	vadd.s32 v1, v4;
	_ =	sdelay $0x3  }
0x3a8: {  	s25 =	simm.s32 $0xC800  }
0x3a9: {  	[tilespmem:s25], [sflag:$0x1] =	stream.indirect_vreg.gather [hbm4b:s1+s18], $0x80, v4, vm0, $0xb8;
	[tilespmem:$0x18800] =	vst v63  }
0x3aa: {  	s26 =	simm.s32 $0xD000;
	v3 =	vperm.xlane v3, v2  }
0x3ab: {  	[tilespmem:s26], [sflag:$0x1] =	stream.indirect_vreg.gather [hbm4b:s5+s18], $0x80, v4, vm0, $0xb8;
	[tilespmem:$0x18800] =	vst v63  }
0x3ac: {  	s28 =	simm.s32 $0xD800;
	v3 =	vadd.s32 v1, v3  }
0x3ad: {  	[tilespmem:s28], [sflag:$0x1] =	stream.indirect_vreg.gather [hbm4b:s6+s18], $0x80, v4, vm0, $0xb8;
	[tilespmem:$0x18800] =	vst v63  }
0x3ae: {  	s29 =	simm.s32 $0xE000  }
0x3af: {  	[tilespmem:s29], [sflag:$0x1] =	stream.indirect_vreg.gather [hbm4b:s8+s18], $0x80, v4, vm0, $0xb8;
	[tilespmem:$0x18800] =	vst v63  }
0x3b0: {  	s20 =	simm.s32 $0xE800  }
0x3b1: {  	[tilespmem:s20], [sflag:$0x1] =	stream.indirect_vreg.gather [hbm4b:s1+s18], $0x80, v3, vm0, $0xb8;
	[tilespmem:$0x18800] =	vst v63  }
0x3b2: {  	s23 =	simm.s32 $0xF000  }
0x3b3: {  	[tilespmem:s23], [sflag:$0x1] =	stream.indirect_vreg.gather [hbm4b:s5+s18], $0x80, v3, vm0, $0xb8;
	[tilespmem:$0x18800] =	vst v63  }
0x3b4: {  	s24 =	simm.s32 $0xF800  }
0x3b5: {  	[tilespmem:s24], [sflag:$0x1] =	stream.indirect_vreg.gather [hbm4b:s6+s18], $0x80, v3, vm0, $0xb8;
	[tilespmem:$0x18800] =	vst v63  }
0x3b6: {  	s25 =	simm.s32 $0x10000;
	s26 =	simm.s32 $0x0;
	s28 =	simm.s32 $0x0  }
0x3b7: {  	[tilespmem:s25], [sflag:$0x1] =	stream.indirect_vreg.gather [hbm4b:s8+s18], $0x80, v3, vm0, $0xb8;
	[tilespmem:$0x18800] =	vst v63  }
0x3b8: {  	s19 =	sand.u32 $0xE00, s28;
	s20 =	simm.s32 $0x0;
	s18 =	sand.u32 $0xFFFF8000, s26  }
0x3b9: {  	s29 =	sand.u32 $0xFFFF8000, s20;
	s18 =	sor.u32 s19, s18  }
0x3ba: {  	_ =	swait.ge [sflag:s15], $0x8000;
	s18 =	ssub.s32 s18, s29  }
0x3bb: {  	[sflag:s15] =	ssyncset.done $0x0;
	s19 =	sshra.s32 s18, $0x2  }
0x3bc: {  	[sflag:s15] =	ssyncadd.s32 $0xFFFF8000;
	s18 =	sadd.s32 $0x10840, s19  }
0x3bd: {  	s19 =	sadd.s32 $0x870, s19;
	v4 =	vld [tilespmem:s18+$0x30]  }
0x3be: {  	v6 =	vld [tilespmem:s19+$0x0]  }
0x3bf: {  	v7 =	vld [tilespmem:s18+$0xFFFFFFC0]  }
0x3c0: {  	v9 =	vld [tilespmem:s19+$0xFFFFFF90]  }
0x3c1: {  	v5 =	vld [tilespmem:s18+$0xFFFFFFD0]  }
0x3c2: {  	v8 =	vld [tilespmem:s19+$0xFFFFFFA0]  }
0x3c3: {  	v3 =	vld [tilespmem:s18+$0xFFFFFFE0]  }
0x3c4: {  	v10 =	vadd.f32 v6, v4;
	v6 =	vld [tilespmem:s19+$0xFFFFFFB0]  }
0x3c5: {  	s20 =	simm.s32 $0x870;
	v4 =	vld [tilespmem:s18+$0xFFFFFFF0];
	v9 =	vadd.f32 v9, v7  }
0x3c6: {  	s23 =	simm.s32 $0x10840;
	s24 =	simm.s32 $0x0;
	s25 =	simm.s32 $0x8;
	v7 =	vld [tilespmem:s19+$0xFFFFFFC0];
	[tilespmem:s18+$0x30] =	vst v10  }
.LBB2_20:
0x3c7: {  	s26 =	sshll.u32 s25, $0x6;
	s28 =	sshll.u32 s25, $0x3;
	s29 =	sshll.u32 s25, $0x9;
	[tilespmem:s18+$0xFFFFFFC0] =	vst v9;
	v5 =	vadd.f32 v8, v5;
	v8 =	vld [tilespmem:s18+$0x0]  }
0x3c8: {  	s24 =	sadd.s32 $0x8, s24;
	s26 =	sand.u32 $0xFFFF8000, s26;
	s28 =	sand.u32 $0xE00, s28;
	v9 =	vld [tilespmem:s19+$0xFFFFFFD0]  }
0x3c9: {  	p0 =	slt.u32 s24, $0x7F8;
	s26 =	sor.u32 s28, s26;
	s28 =	sand.u32 $0xFFFF8000, s29;
	[tilespmem:s18+$0xFFFFFFD0] =	vst v5;
	v3 =	vadd.f32 v6, v3;
	v5 =	vld [tilespmem:s18+$0x10]  }
0x3ca: {  	s26 =	ssub.s32 s26, s28;
	v6 =	vld [tilespmem:s19+$0xFFFFFFE0]  }
0x3cb: {  	s23 =	sadd.s32 $0x400, s23;
	s26 =	sshra.s32 s26, $0x2;
	[tilespmem:s18+$0xFFFFFFE0] =	vst v3;
	v3 =	vadd.f32 v7, v4;
	v4 =	vld [tilespmem:s18+$0x20]  }
0x3cc: {  	s20 =	sadd.s32 $0x400, s20;
	s28 =	sadd.s32 s26, s23;
	v7 =	vld [tilespmem:s19+$0xFFFFFFF0]  }
0x3cd: {  	s19 =	sadd.s32 s26, s20;
	v10 =	vld [tilespmem:s28+$0x30];
	[tilespmem:s18+$0xFFFFFFF0] =	vst v3;
	v3 =	vadd.f32 v9, v8  }
0x3ce: {  	v9 =	vld [tilespmem:s19+$0x0]  }
0x3cf: {  	v11 =	vld [tilespmem:s28+$0xFFFFFFC0];
	[tilespmem:s18+$0x0] =	vst v3;
	v3 =	vadd.f32 v6, v5  }
0x3d0: {  	v12 =	vld [tilespmem:s19+$0xFFFFFF90]  }
0x3d1: {  	v5 =	vld [tilespmem:s28+$0xFFFFFFD0];
	[tilespmem:s18+$0x10] =	vst v3;
	v4 =	vadd.f32 v7, v4  }
.Ltmp9:
0x3d2: {  	v8 =	vld [tilespmem:s19+$0xFFFFFFA0];
	(pc) =	sbr.rel @p0 .LBB2_20-.Ltmp9, $4  }
0x3d3: {  	v3 =	vld [tilespmem:s28+$0xFFFFFFE0];
	v7 =	vadd.f32 v9, v10;
	[tilespmem:s18+$0x20] =	vst v4;
	s18 =	smov.u32 s28  }
0x3d4: {  	v6 =	vld [tilespmem:s19+$0xFFFFFFB0]  }
0x3d5: {  	v9 =	vadd.f32 v12, v11;
	v4 =	vld [tilespmem:s18+$0xFFFFFFF0];
	[tilespmem:s18+$0x30] =	vst v7  }
0x3d6: {  	s25 =	sadd.s32 $0x8, s25;
	v7 =	vld [tilespmem:s19+$0xFFFFFFC0]  }
0x3d7: {  	v10 =	vld [tilespmem:s18+$0x0]  }
0x3d8: {  	v11 =	vld [tilespmem:s19+$0xFFFFFFD0]  }
0x3d9: {  	v12 =	vld [tilespmem:s18+$0x10]  }
0x3da: {  	v13 =	vld [tilespmem:s19+$0xFFFFFFE0]  }
0x3db: {  	v14 =	vld [tilespmem:s18+$0x20]  }
0x3dc: {  	v5 =	vadd.f32 v8, v5;
	v8 =	vld [tilespmem:s19+$0xFFFFFFF0]  }
0x3dd: {  	[tilespmem:s18+$0xFFFFFFC0] =	vst v9;
	v3 =	vadd.f32 v6, v3  }
0x3de: {  	[tilespmem:s18+$0xFFFFFFD0] =	vst v5;
	v4 =	vadd.f32 v7, v4  }
0x3df: {  	[tilespmem:s18+$0xFFFFFFE0] =	vst v3;
	v3 =	vadd.f32 v11, v10  }
0x3e0: {  	[tilespmem:s18+$0xFFFFFFF0] =	vst v4;
	v4 =	vadd.f32 v13, v12  }
0x3e1: {  	[tilespmem:s18+$0x0] =	vst v3;
	v3 =	vadd.f32 v8, v14  }
0x3e2: {  	[tilespmem:s18+$0x10] =	vst v4  }
0x3e3: {  	[tilespmem:s18+$0x20] =	vst v3  }
0x3e4: {  	s18 =	simm.s32 $0x0;
	s28 =	rddreg [dreg:$0x12]  }
0x3e5: {  	[hbm4b:s28+s18] =	stream.linear.scatter [tilespmem:s22], [sflag:$0x4], $0x8000, $0x38;
	[tilespmem:$0x18800] =	vst v63  }
0x3e6: {  	_ =	swait.ge [sflag:s16], $0x8000  }
0x3e7: {  	[sflag:s16] =	ssyncset.done $0x0  }
0x3e8: {  	[sflag:s16] =	ssyncadd.s32 $0xFFFF8000  }
0x3e9: {  	v3 =	vld [tilespmem:$0x580];
	_ =	sdelay $0x4  }
0x3ea: {  	v4 =	vshll.u32 v3, $0x3  }
0x3eb: {  	v3 =	vand.u32 $0x7, v3;
	v4 =	vand.u32 $0xFFFFFFC0, v4  }
0x3ec: {  	v3 =	vor.u32 v3, v4  }
0x3ed: {  	v4 =	vperm.xlane v3, v0;
	_ =	sdelay $0x1  }
0x3ee: {  	v4 =	vadd.s32 v1, v4;
	_ =	sdelay $0x4  }
0x3ef: {  	[tilespmem:s22], [sflag:$0x2] =	stream.indirect_vreg.gather [hbm4b:s1+s18], $0x80, v4, vm0, $0xb8;
	[tilespmem:$0x18800] =	vst v63  }
0x3f0: {  	s29 =	simm.s32 $0x11000;
	v3 =	vperm.xlane v3, v2  }
0x3f1: {  	[tilespmem:s29], [sflag:$0x2] =	stream.indirect_vreg.gather [hbm4b:s5+s18], $0x80, v4, vm0, $0xb8;
	[tilespmem:$0x18800] =	vst v63  }
0x3f2: {  	s20 =	simm.s32 $0x11800;
	v3 =	vadd.s32 v1, v3  }
0x3f3: {  	[tilespmem:s20], [sflag:$0x2] =	stream.indirect_vreg.gather [hbm4b:s6+s18], $0x80, v4, vm0, $0xb8;
	[tilespmem:$0x18800] =	vst v63  }
0x3f4: {  	s23 =	simm.s32 $0x12000  }
0x3f5: {  	[tilespmem:s23], [sflag:$0x2] =	stream.indirect_vreg.gather [hbm4b:s8+s18], $0x80, v4, vm0, $0xb8;
	[tilespmem:$0x18800] =	vst v63  }
0x3f6: {  	s24 =	simm.s32 $0x12800  }
0x3f7: {  	[tilespmem:s24], [sflag:$0x2] =	stream.indirect_vreg.gather [hbm4b:s1+s18], $0x80, v3, vm0, $0xb8;
	[tilespmem:$0x18800] =	vst v63  }
0x3f8: {  	s25 =	simm.s32 $0x13000  }
0x3f9: {  	[tilespmem:s25], [sflag:$0x2] =	stream.indirect_vreg.gather [hbm4b:s5+s18], $0x80, v3, vm0, $0xb8;
	[tilespmem:$0x18800] =	vst v63  }
0x3fa: {  	s26 =	simm.s32 $0x13800  }
0x3fb: {  	[tilespmem:s26], [sflag:$0x2] =	stream.indirect_vreg.gather [hbm4b:s6+s18], $0x80, v3, vm0, $0xb8;
	[tilespmem:$0x18800] =	vst v63  }
0x3fc: {  	_ = 	snop  }
0x3fd: {  	[tilespmem:s7], [sflag:$0x2] =	stream.indirect_vreg.gather [hbm4b:s8+s18], $0x80, v3, vm0, $0xb8;
	[tilespmem:$0x18800] =	vst v63  }
0x3fe: {  	v3 =	vld [tilespmem:$0x590];
	_ =	sdelay $0x4  }
0x3ff: {  	v4 =	vshll.u32 v3, $0x3  }
0x400: {  	v3 =	vand.u32 $0x7, v3;
	v4 =	vand.u32 $0xFFFFFFC0, v4  }
0x401: {  	v3 =	vor.u32 v3, v4  }
0x402: {  	v4 =	vperm.xlane v3, v0;
	_ =	sdelay $0x1  }
0x403: {  	v4 =	vadd.s32 v1, v4;
	_ =	sdelay $0x4  }
0x404: {  	[tilespmem:s21], [sflag:$0x2] =	stream.indirect_vreg.gather [hbm4b:s1+s18], $0x80, v4, vm0, $0xb8;
	[tilespmem:$0x18800] =	vst v63  }
0x405: {  	v3 =	vperm.xlane v3, v2  }
0x406: {  	[tilespmem:s2], [sflag:$0x2] =	stream.indirect_vreg.gather [hbm4b:s5+s18], $0x80, v4, vm0, $0xb8;
	[tilespmem:$0x18800] =	vst v63  }
0x407: {  	v3 =	vadd.s32 v1, v3  }
0x408: {  	[tilespmem:s0], [sflag:$0x2] =	stream.indirect_vreg.gather [hbm4b:s6+s18], $0x80, v4, vm0, $0xb8;
	[tilespmem:$0x18800] =	vst v63  }
0x409: {  	_ = 	snop  }
0x40a: {  	[tilespmem:s4], [sflag:$0x2] =	stream.indirect_vreg.gather [hbm4b:s8+s18], $0x80, v4, vm0, $0xb8;
	[tilespmem:$0x18800] =	vst v63  }
0x40b: {  	_ = 	snop  }
0x40c: {  	[tilespmem:s9], [sflag:$0x2] =	stream.indirect_vreg.gather [hbm4b:s1+s18], $0x80, v3, vm0, $0xb8;
	[tilespmem:$0x18800] =	vst v63  }
0x40d: {  	s28 =	simm.s32 $0x0  }
0x40e: {  	[tilespmem:s10], [sflag:$0x2] =	stream.indirect_vreg.gather [hbm4b:s5+s18], $0x80, v3, vm0, $0xb8;
	[tilespmem:$0x18800] =	vst v63  }
0x40f: {  	s19 =	sand.u32 $0xFFFFE000, s28  }
0x410: {  	[tilespmem:s11], [sflag:$0x2] =	stream.indirect_vreg.gather [hbm4b:s6+s18], $0x80, v3, vm0, $0xb8;
	[tilespmem:$0x18800] =	vst v63  }
0x411: {  	s19 =	sadd.s32 $0x0, s19;
	s20 =	simm.s32 $0x0  }
0x412: {  	[tilespmem:s12], [sflag:$0x2] =	stream.indirect_vreg.gather [hbm4b:s8+s18], $0x80, v3, vm0, $0xb8;
	[tilespmem:$0x18800] =	vst v63  }
0x413: {  	s20 =	sand.u32 $0x380, s20;
	s23 =	simm.s32 $0x0;
	_ =	swait.ge [sflag:s13], $0x8000  }
0x414: {  	s19 =	sadd.s32 s20, s19;
	s29 =	sand.u32 $0xFFFFE000, s23;
	[sflag:s13] =	ssyncset.done $0x0  }
0x415: {  	s19 =	ssub.s32 s19, s29;
	[sflag:s13] =	ssyncadd.s32 $0xFFFF8000  }
0x416: {  	v3 =	vld [tilespmem:s19+$0x8870]  }
0x417: {  	v5 =	vld [tilespmem:s19+$0x870]  }
0x418: {  	v6 =	vld [tilespmem:s19+$0x8800]  }
0x419: {  	v8 =	vld [tilespmem:s19+$0x800]  }
0x41a: {  	v9 =	vld [tilespmem:s19+$0x8810]  }
0x41b: {  	v10 =	vld [tilespmem:s19+$0x810]  }
0x41c: {  	v4 =	vld [tilespmem:s19+$0x8820]  }
0x41d: {  	v7 =	vld [tilespmem:s19+$0x820];
	v5 =	vadd.f32 v5, v3  }
0x41e: {  	v8 =	vadd.f32 v8, v6;
	v3 =	vld [tilespmem:s19+$0x8830]  }
0x41f: {  	v6 =	vld [tilespmem:s19+$0x830];
	[tilespmem:s19+$0x8870] =	vst v5  }
0x420: {  	s20 =	simm.s32 $0x0;
	s23 =	simm.s32 $0x8;
	[tilespmem:s19+$0x8800] =	vst v8;
	v8 =	vadd.f32 v10, v9;
	v5 =	vld [tilespmem:s19+$0x8840]  }
.LBB2_22:
0x421: {  	s24 =	sshll.u32 s23, $0x4;
	s25 =	sshll.u32 s23, $0x7;
	v9 =	vld [tilespmem:s19+$0x840];
	s18 =	sadd.s32 $0x400, s18  }
0x422: {  	s26 =	sshll.u32 s23, $0x1;
	s20 =	sadd.s32 $0x8, s20;
	s24 =	sand.u32 $0xFFFFE000, s24;
	[tilespmem:s19+$0x8810] =	vst v8;
	v4 =	vadd.f32 v7, v4;
	v7 =	vld [tilespmem:s19+$0x8850]  }
0x423: {  	s26 =	sand.u32 $0x380, s26;
	p0 =	slt.u32 s20, $0x7F8;
	s24 =	sadd.s32 s24, s18;
	v8 =	vld [tilespmem:s19+$0x850]  }
0x424: {  	s25 =	sand.u32 $0xFFFFE000, s25;
	s24 =	sadd.s32 s26, s24;
	[tilespmem:s19+$0x8820] =	vst v4;
	v3 =	vadd.f32 v6, v3;
	v4 =	vld [tilespmem:s19+$0x8860]  }
0x425: {  	s24 =	ssub.s32 s24, s25;
	v6 =	vld [tilespmem:s19+$0x860]  }
0x426: {  	v10 =	vld [tilespmem:s24+$0x8870];
	[tilespmem:s19+$0x8830] =	vst v3;
	v3 =	vadd.f32 v9, v5  }
0x427: {  	v5 =	vld [tilespmem:s24+$0x870]  }
0x428: {  	v9 =	vld [tilespmem:s24+$0x8800];
	[tilespmem:s19+$0x8840] =	vst v3;
	v3 =	vadd.f32 v8, v7  }
0x429: {  	v8 =	vld [tilespmem:s24+$0x800]  }
0x42a: {  	v11 =	vld [tilespmem:s24+$0x8810];
	[tilespmem:s19+$0x8850] =	vst v3;
	v3 =	vadd.f32 v6, v4  }
0x42b: {  	v12 =	vld [tilespmem:s24+$0x810]  }
.Ltmp10:
0x42c: {  	v4 =	vld [tilespmem:s24+$0x8820];
	v5 =	vadd.f32 v5, v10;
	[tilespmem:s19+$0x8860] =	vst v3;
	s19 =	smov.u32 s24;
	(pc) =	sbr.rel @p0 .LBB2_22-.Ltmp10, $4  }
0x42d: {  	v7 =	vld [tilespmem:s19+$0x820]  }
0x42e: {  	v8 =	vadd.f32 v8, v9;
	v3 =	vld [tilespmem:s19+$0x8830];
	[tilespmem:s19+$0x8870] =	vst v5  }
0x42f: {  	v6 =	vld [tilespmem:s19+$0x830]  }
0x430: {  	s23 =	sadd.s32 $0x8, s23;
	[tilespmem:s19+$0x8800] =	vst v8;
	v8 =	vadd.f32 v12, v11;
	v5 =	vld [tilespmem:s19+$0x8840]  }
0x431: {  	v9 =	vld [tilespmem:s19+$0x840]  }
0x432: {  	v10 =	vld [tilespmem:s19+$0x8850]  }
0x433: {  	v11 =	vld [tilespmem:s19+$0x850]  }
0x434: {  	v12 =	vld [tilespmem:s19+$0x8860]  }
0x435: {  	v13 =	vld [tilespmem:s19+$0x860]  }
0x436: {  	v4 =	vadd.f32 v7, v4  }
0x437: {  	[tilespmem:s19+$0x8810] =	vst v8;
	v3 =	vadd.f32 v6, v3  }
0x438: {  	[tilespmem:s19+$0x8820] =	vst v4;
	v4 =	vadd.f32 v9, v5  }
0x439: {  	[tilespmem:s19+$0x8830] =	vst v3;
	v3 =	vadd.f32 v11, v10  }
0x43a: {  	[tilespmem:s19+$0x8840] =	vst v4;
	v4 =	vadd.f32 v13, v12  }
0x43b: {  	[tilespmem:s19+$0x8850] =	vst v3  }
0x43c: {  	[tilespmem:s19+$0x8860] =	vst v4  }
0x43d: {  	s18 =	simm.s32 $0x0;
	s19 =	rddreg [dreg:$0x13]  }
0x43e: {  	[hbm4b:s19+s18] =	stream.linear.scatter [tilespmem:s31], [sflag:$0x3], $0x8000, $0x38;
	[tilespmem:$0x18800] =	vst v63  }
0x43f: {  	_ =	swait.ge [sflag:s14], $0x8000  }
0x440: {  	[sflag:s14] =	ssyncset.done $0x0  }
0x441: {  	[sflag:s14] =	ssyncadd.s32 $0xFFFF8000  }
0x442: {  	v3 =	vld [tilespmem:$0x600];
	_ =	sdelay $0x4  }
0x443: {  	v4 =	vshll.u32 v3, $0x3  }
0x444: {  	v3 =	vand.u32 $0x7, v3;
	v4 =	vand.u32 $0xFFFFFFC0, v4  }
0x445: {  	v3 =	vor.u32 v3, v4  }
0x446: {  	v4 =	vperm.xlane v3, v0;
	_ =	sdelay $0x1  }
0x447: {  	v4 =	vadd.s32 v1, v4;
	_ =	sdelay $0x4  }
0x448: {  	[tilespmem:s31], [sflag:$0x1] =	stream.indirect_vreg.gather [hbm4b:s1+s18], $0x80, v4, vm0, $0xb8;
	[tilespmem:$0x18800] =	vst v63  }
0x449: {  	s25 =	simm.s32 $0x9000;
	v3 =	vperm.xlane v3, v2  }
0x44a: {  	[tilespmem:s25], [sflag:$0x1] =	stream.indirect_vreg.gather [hbm4b:s5+s18], $0x80, v4, vm0, $0xb8;
	[tilespmem:$0x18800] =	vst v63  }
0x44b: {  	s26 =	simm.s32 $0x9800;
	v3 =	vadd.s32 v1, v3  }
0x44c: {  	[tilespmem:s26], [sflag:$0x1] =	stream.indirect_vreg.gather [hbm4b:s6+s18], $0x80, v4, vm0, $0xb8;
	[tilespmem:$0x18800] =	vst v63  }
0x44d: {  	s28 =	simm.s32 $0xA000  }
0x44e: {  	[tilespmem:s28], [sflag:$0x1] =	stream.indirect_vreg.gather [hbm4b:s8+s18], $0x80, v4, vm0, $0xb8;
	[tilespmem:$0x18800] =	vst v63  }
0x44f: {  	s29 =	simm.s32 $0xA800  }
0x450: {  	[tilespmem:s29], [sflag:$0x1] =	stream.indirect_vreg.gather [hbm4b:s1+s18], $0x80, v3, vm0, $0xb8;
	[tilespmem:$0x18800] =	vst v63  }
0x451: {  	s20 =	simm.s32 $0xB000  }
0x452: {  	[tilespmem:s20], [sflag:$0x1] =	stream.indirect_vreg.gather [hbm4b:s5+s18], $0x80, v3, vm0, $0xb8;
	[tilespmem:$0x18800] =	vst v63  }
0x453: {  	s23 =	simm.s32 $0xB800  }
0x454: {  	[tilespmem:s23], [sflag:$0x1] =	stream.indirect_vreg.gather [hbm4b:s6+s18], $0x80, v3, vm0, $0xb8;
	[tilespmem:$0x18800] =	vst v63  }
0x455: {  	s24 =	simm.s32 $0xC000  }
0x456: {  	[tilespmem:s24], [sflag:$0x1] =	stream.indirect_vreg.gather [hbm4b:s8+s18], $0x80, v3, vm0, $0xb8;
	[tilespmem:$0x18800] =	vst v63  }
0x457: {  	v3 =	vld [tilespmem:$0x610];
	_ =	sdelay $0x4  }
0x458: {  	v4 =	vshll.u32 v3, $0x3  }
0x459: {  	v3 =	vand.u32 $0x7, v3;
	v4 =	vand.u32 $0xFFFFFFC0, v4  }
0x45a: {  	v3 =	vor.u32 v3, v4  }
0x45b: {  	v4 =	vperm.xlane v3, v0;
	_ =	sdelay $0x1  }
0x45c: {  	v4 =	vadd.s32 v1, v4;
	_ =	sdelay $0x3  }
0x45d: {  	s25 =	simm.s32 $0xC800  }
0x45e: {  	[tilespmem:s25], [sflag:$0x1] =	stream.indirect_vreg.gather [hbm4b:s1+s18], $0x80, v4, vm0, $0xb8;
	[tilespmem:$0x18800] =	vst v63  }
0x45f: {  	s26 =	simm.s32 $0xD000;
	v3 =	vperm.xlane v3, v2  }
0x460: {  	[tilespmem:s26], [sflag:$0x1] =	stream.indirect_vreg.gather [hbm4b:s5+s18], $0x80, v4, vm0, $0xb8;
	[tilespmem:$0x18800] =	vst v63  }
0x461: {  	s28 =	simm.s32 $0xD800;
	v3 =	vadd.s32 v1, v3  }
0x462: {  	[tilespmem:s28], [sflag:$0x1] =	stream.indirect_vreg.gather [hbm4b:s6+s18], $0x80, v4, vm0, $0xb8;
	[tilespmem:$0x18800] =	vst v63  }
0x463: {  	s29 =	simm.s32 $0xE000  }
0x464: {  	[tilespmem:s29], [sflag:$0x1] =	stream.indirect_vreg.gather [hbm4b:s8+s18], $0x80, v4, vm0, $0xb8;
	[tilespmem:$0x18800] =	vst v63  }
0x465: {  	s20 =	simm.s32 $0xE800  }
0x466: {  	[tilespmem:s20], [sflag:$0x1] =	stream.indirect_vreg.gather [hbm4b:s1+s18], $0x80, v3, vm0, $0xb8;
	[tilespmem:$0x18800] =	vst v63  }
0x467: {  	s23 =	simm.s32 $0xF000  }
0x468: {  	[tilespmem:s23], [sflag:$0x1] =	stream.indirect_vreg.gather [hbm4b:s5+s18], $0x80, v3, vm0, $0xb8;
	[tilespmem:$0x18800] =	vst v63  }
0x469: {  	s24 =	simm.s32 $0xF800  }
0x46a: {  	[tilespmem:s24], [sflag:$0x1] =	stream.indirect_vreg.gather [hbm4b:s6+s18], $0x80, v3, vm0, $0xb8;
	[tilespmem:$0x18800] =	vst v63  }
0x46b: {  	s25 =	simm.s32 $0x10000;
	s26 =	simm.s32 $0x0;
	s28 =	simm.s32 $0x0  }
0x46c: {  	[tilespmem:s25], [sflag:$0x1] =	stream.indirect_vreg.gather [hbm4b:s8+s18], $0x80, v3, vm0, $0xb8;
	[tilespmem:$0x18800] =	vst v63  }
0x46d: {  	s19 =	sand.u32 $0xE00, s28;
	s20 =	simm.s32 $0x0;
	s18 =	sand.u32 $0xFFFF8000, s26  }
0x46e: {  	s29 =	sand.u32 $0xFFFF8000, s20;
	s18 =	sor.u32 s19, s18  }
0x46f: {  	_ =	swait.ge [sflag:s15], $0x8000;
	s18 =	ssub.s32 s18, s29  }
0x470: {  	[sflag:s15] =	ssyncset.done $0x0;
	s19 =	sshra.s32 s18, $0x2  }
0x471: {  	[sflag:s15] =	ssyncadd.s32 $0xFFFF8000;
	s18 =	sadd.s32 $0x10840, s19  }
0x472: {  	s19 =	sadd.s32 $0x870, s19;
	v4 =	vld [tilespmem:s18+$0x30]  }
0x473: {  	v6 =	vld [tilespmem:s19+$0x0]  }
0x474: {  	v7 =	vld [tilespmem:s18+$0xFFFFFFC0]  }
0x475: {  	v9 =	vld [tilespmem:s19+$0xFFFFFF90]  }
0x476: {  	v5 =	vld [tilespmem:s18+$0xFFFFFFD0]  }
0x477: {  	v8 =	vld [tilespmem:s19+$0xFFFFFFA0]  }
0x478: {  	v3 =	vld [tilespmem:s18+$0xFFFFFFE0]  }
0x479: {  	v10 =	vadd.f32 v6, v4;
	v6 =	vld [tilespmem:s19+$0xFFFFFFB0]  }
0x47a: {  	s20 =	simm.s32 $0x870;
	v4 =	vld [tilespmem:s18+$0xFFFFFFF0];
	v9 =	vadd.f32 v9, v7  }
0x47b: {  	s23 =	simm.s32 $0x10840;
	s24 =	simm.s32 $0x0;
	s25 =	simm.s32 $0x8;
	v7 =	vld [tilespmem:s19+$0xFFFFFFC0];
	[tilespmem:s18+$0x30] =	vst v10  }
.LBB2_24:
0x47c: {  	s26 =	sshll.u32 s25, $0x6;
	s28 =	sshll.u32 s25, $0x3;
	s29 =	sshll.u32 s25, $0x9;
	[tilespmem:s18+$0xFFFFFFC0] =	vst v9;
	v5 =	vadd.f32 v8, v5;
	v8 =	vld [tilespmem:s18+$0x0]  }
0x47d: {  	s24 =	sadd.s32 $0x8, s24;
	s26 =	sand.u32 $0xFFFF8000, s26;
	s28 =	sand.u32 $0xE00, s28;
	v9 =	vld [tilespmem:s19+$0xFFFFFFD0]  }
0x47e: {  	p0 =	slt.u32 s24, $0x7F8;
	s26 =	sor.u32 s28, s26;
	s28 =	sand.u32 $0xFFFF8000, s29;
	[tilespmem:s18+$0xFFFFFFD0] =	vst v5;
	v3 =	vadd.f32 v6, v3;
	v5 =	vld [tilespmem:s18+$0x10]  }
0x47f: {  	s26 =	ssub.s32 s26, s28;
	v6 =	vld [tilespmem:s19+$0xFFFFFFE0]  }
0x480: {  	s23 =	sadd.s32 $0x400, s23;
	s26 =	sshra.s32 s26, $0x2;
	[tilespmem:s18+$0xFFFFFFE0] =	vst v3;
	v3 =	vadd.f32 v7, v4;
	v4 =	vld [tilespmem:s18+$0x20]  }
0x481: {  	s20 =	sadd.s32 $0x400, s20;
	s28 =	sadd.s32 s26, s23;
	v7 =	vld [tilespmem:s19+$0xFFFFFFF0]  }
0x482: {  	s19 =	sadd.s32 s26, s20;
	v10 =	vld [tilespmem:s28+$0x30];
	[tilespmem:s18+$0xFFFFFFF0] =	vst v3;
	v3 =	vadd.f32 v9, v8  }
0x483: {  	v9 =	vld [tilespmem:s19+$0x0]  }
0x484: {  	v11 =	vld [tilespmem:s28+$0xFFFFFFC0];
	[tilespmem:s18+$0x0] =	vst v3;
	v3 =	vadd.f32 v6, v5  }
0x485: {  	v12 =	vld [tilespmem:s19+$0xFFFFFF90]  }
0x486: {  	v5 =	vld [tilespmem:s28+$0xFFFFFFD0];
	[tilespmem:s18+$0x10] =	vst v3;
	v4 =	vadd.f32 v7, v4  }
.Ltmp11:
0x487: {  	v8 =	vld [tilespmem:s19+$0xFFFFFFA0];
	(pc) =	sbr.rel @p0 .LBB2_24-.Ltmp11, $4  }
0x488: {  	v3 =	vld [tilespmem:s28+$0xFFFFFFE0];
	v7 =	vadd.f32 v9, v10;
	[tilespmem:s18+$0x20] =	vst v4;
	s18 =	smov.u32 s28  }
0x489: {  	v6 =	vld [tilespmem:s19+$0xFFFFFFB0]  }
0x48a: {  	v9 =	vadd.f32 v12, v11;
	v4 =	vld [tilespmem:s18+$0xFFFFFFF0];
	[tilespmem:s18+$0x30] =	vst v7  }
0x48b: {  	s25 =	sadd.s32 $0x8, s25;
	v7 =	vld [tilespmem:s19+$0xFFFFFFC0]  }
0x48c: {  	v10 =	vld [tilespmem:s18+$0x0]  }
0x48d: {  	v11 =	vld [tilespmem:s19+$0xFFFFFFD0]  }
0x48e: {  	v12 =	vld [tilespmem:s18+$0x10]  }
0x48f: {  	v13 =	vld [tilespmem:s19+$0xFFFFFFE0]  }
0x490: {  	v14 =	vld [tilespmem:s18+$0x20]  }
0x491: {  	v5 =	vadd.f32 v8, v5;
	v8 =	vld [tilespmem:s19+$0xFFFFFFF0]  }
0x492: {  	[tilespmem:s18+$0xFFFFFFC0] =	vst v9;
	v3 =	vadd.f32 v6, v3  }
0x493: {  	[tilespmem:s18+$0xFFFFFFD0] =	vst v5;
	v4 =	vadd.f32 v7, v4  }
0x494: {  	[tilespmem:s18+$0xFFFFFFE0] =	vst v3;
	v3 =	vadd.f32 v11, v10  }
0x495: {  	[tilespmem:s18+$0xFFFFFFF0] =	vst v4;
	v4 =	vadd.f32 v13, v12  }
0x496: {  	[tilespmem:s18+$0x0] =	vst v3;
	v3 =	vadd.f32 v8, v14  }
0x497: {  	[tilespmem:s18+$0x10] =	vst v4  }
0x498: {  	[tilespmem:s18+$0x20] =	vst v3  }
0x499: {  	s18 =	simm.s32 $0x0;
	s25 =	rddreg [dreg:$0x16]  }
0x49a: {  	[hbm4b:s25+s18] =	stream.linear.scatter [tilespmem:s22], [sflag:$0x4], $0x8000, $0x38;
	[tilespmem:$0x18800] =	vst v63  }
0x49b: {  	s20 =	simm.s32 $0x800;
	s26 =	rddreg [dreg:$0x14]  }
0x49c: {  	[tilespmem:s20], [sflag:$0x5] =	stream.linear.gather [hbm4b:s26+s18], $0x8000, $0x38;
	[tilespmem:$0x18800] =	vst v63  }
0x49d: {  	_ =	swait.ge [sflag:s30], $0x8000  }
0x49e: {  	[sflag:s30] =	ssyncset.done $0x0  }
0x49f: {  	[sflag:s30] =	ssyncadd.s32 $0xFFFF8000  }
0x4a0: {  	_ =	swait.ge [sflag:s16], $0x8000  }
0x4a1: {  	[sflag:s16] =	ssyncset.done $0x0  }
0x4a2: {  	[sflag:s16] =	ssyncadd.s32 $0xFFFF8000  }
0x4a3: {  	v3 =	vld [tilespmem:$0x680];
	_ =	sdelay $0x4  }
0x4a4: {  	v4 =	vshll.u32 v3, $0x3  }
0x4a5: {  	v3 =	vand.u32 $0x7, v3;
	v4 =	vand.u32 $0xFFFFFFC0, v4  }
0x4a6: {  	v3 =	vor.u32 v3, v4  }
0x4a7: {  	v4 =	vperm.xlane v3, v0;
	_ =	sdelay $0x1  }
0x4a8: {  	v4 =	vadd.s32 v1, v4;
	_ =	sdelay $0x4  }
0x4a9: {  	[tilespmem:s22], [sflag:$0x2] =	stream.indirect_vreg.gather [hbm4b:s1+s18], $0x80, v4, vm0, $0xb8;
	[tilespmem:$0x18800] =	vst v63  }
0x4aa: {  	s28 =	simm.s32 $0x11000;
	v3 =	vperm.xlane v3, v2  }
0x4ab: {  	[tilespmem:s28], [sflag:$0x2] =	stream.indirect_vreg.gather [hbm4b:s5+s18], $0x80, v4, vm0, $0xb8;
	[tilespmem:$0x18800] =	vst v63  }
0x4ac: {  	s29 =	simm.s32 $0x11800;
	v3 =	vadd.s32 v1, v3  }
0x4ad: {  	[tilespmem:s29], [sflag:$0x2] =	stream.indirect_vreg.gather [hbm4b:s6+s18], $0x80, v4, vm0, $0xb8;
	[tilespmem:$0x18800] =	vst v63  }
0x4ae: {  	s20 =	simm.s32 $0x12000  }
0x4af: {  	[tilespmem:s20], [sflag:$0x2] =	stream.indirect_vreg.gather [hbm4b:s8+s18], $0x80, v4, vm0, $0xb8;
	[tilespmem:$0x18800] =	vst v63  }
0x4b0: {  	s23 =	simm.s32 $0x12800  }
0x4b1: {  	[tilespmem:s23], [sflag:$0x2] =	stream.indirect_vreg.gather [hbm4b:s1+s18], $0x80, v3, vm0, $0xb8;
	[tilespmem:$0x18800] =	vst v63  }
0x4b2: {  	s24 =	simm.s32 $0x13000  }
0x4b3: {  	[tilespmem:s24], [sflag:$0x2] =	stream.indirect_vreg.gather [hbm4b:s5+s18], $0x80, v3, vm0, $0xb8;
	[tilespmem:$0x18800] =	vst v63  }
0x4b4: {  	s25 =	simm.s32 $0x13800  }
0x4b5: {  	[tilespmem:s25], [sflag:$0x2] =	stream.indirect_vreg.gather [hbm4b:s6+s18], $0x80, v3, vm0, $0xb8;
	[tilespmem:$0x18800] =	vst v63  }
0x4b6: {  	_ = 	snop  }
0x4b7: {  	[tilespmem:s7], [sflag:$0x2] =	stream.indirect_vreg.gather [hbm4b:s8+s18], $0x80, v3, vm0, $0xb8;
	[tilespmem:$0x18800] =	vst v63  }
0x4b8: {  	v3 =	vld [tilespmem:$0x690];
	_ =	sdelay $0x4  }
0x4b9: {  	v4 =	vshll.u32 v3, $0x3  }
0x4ba: {  	v3 =	vand.u32 $0x7, v3;
	v4 =	vand.u32 $0xFFFFFFC0, v4  }
0x4bb: {  	v3 =	vor.u32 v3, v4  }
0x4bc: {  	v4 =	vperm.xlane v3, v0;
	_ =	sdelay $0x1  }
0x4bd: {  	v4 =	vadd.s32 v1, v4;
	_ =	sdelay $0x4  }
0x4be: {  	[tilespmem:s21], [sflag:$0x2] =	stream.indirect_vreg.gather [hbm4b:s1+s18], $0x80, v4, vm0, $0xb8;
	[tilespmem:$0x18800] =	vst v63  }
0x4bf: {  	v3 =	vperm.xlane v3, v2  }
0x4c0: {  	[tilespmem:s2], [sflag:$0x2] =	stream.indirect_vreg.gather [hbm4b:s5+s18], $0x80, v4, vm0, $0xb8;
	[tilespmem:$0x18800] =	vst v63  }
0x4c1: {  	v3 =	vadd.s32 v1, v3  }
0x4c2: {  	[tilespmem:s0], [sflag:$0x2] =	stream.indirect_vreg.gather [hbm4b:s6+s18], $0x80, v4, vm0, $0xb8;
	[tilespmem:$0x18800] =	vst v63  }
0x4c3: {  	_ = 	snop  }
0x4c4: {  	[tilespmem:s4], [sflag:$0x2] =	stream.indirect_vreg.gather [hbm4b:s8+s18], $0x80, v4, vm0, $0xb8;
	[tilespmem:$0x18800] =	vst v63  }
0x4c5: {  	_ = 	snop  }
0x4c6: {  	[tilespmem:s9], [sflag:$0x2] =	stream.indirect_vreg.gather [hbm4b:s1+s18], $0x80, v3, vm0, $0xb8;
	[tilespmem:$0x18800] =	vst v63  }
0x4c7: {  	s26 =	simm.s32 $0x0  }
0x4c8: {  	[tilespmem:s10], [sflag:$0x2] =	stream.indirect_vreg.gather [hbm4b:s5+s18], $0x80, v3, vm0, $0xb8;
	[tilespmem:$0x18800] =	vst v63  }
0x4c9: {  	s19 =	sand.u32 $0xFFFFE000, s26  }
0x4ca: {  	[tilespmem:s11], [sflag:$0x2] =	stream.indirect_vreg.gather [hbm4b:s6+s18], $0x80, v3, vm0, $0xb8;
	[tilespmem:$0x18800] =	vst v63  }
0x4cb: {  	s19 =	sadd.s32 $0x0, s19;
	s28 =	simm.s32 $0x0  }
0x4cc: {  	[tilespmem:s12], [sflag:$0x2] =	stream.indirect_vreg.gather [hbm4b:s8+s18], $0x80, v3, vm0, $0xb8;
	[tilespmem:$0x18800] =	vst v63  }
0x4cd: {  	s20 =	sand.u32 $0x380, s28;
	s23 =	simm.s32 $0x0;
	_ =	swait.ge [sflag:s13], $0x8000  }
0x4ce: {  	s19 =	sadd.s32 s20, s19;
	s29 =	sand.u32 $0xFFFFE000, s23;
	[sflag:s13] =	ssyncset.done $0x0  }
0x4cf: {  	s19 =	ssub.s32 s19, s29;
	[sflag:s13] =	ssyncadd.s32 $0xFFFF8000  }
0x4d0: {  	v3 =	vld [tilespmem:s19+$0x8870]  }
0x4d1: {  	v5 =	vld [tilespmem:s19+$0x870]  }
0x4d2: {  	v6 =	vld [tilespmem:s19+$0x8800]  }
0x4d3: {  	v8 =	vld [tilespmem:s19+$0x800]  }
0x4d4: {  	v9 =	vld [tilespmem:s19+$0x8810]  }
0x4d5: {  	v10 =	vld [tilespmem:s19+$0x810]  }
0x4d6: {  	v4 =	vld [tilespmem:s19+$0x8820]  }
0x4d7: {  	v7 =	vld [tilespmem:s19+$0x820];
	v5 =	vadd.f32 v5, v3  }
0x4d8: {  	v8 =	vadd.f32 v8, v6;
	v3 =	vld [tilespmem:s19+$0x8830]  }
0x4d9: {  	v6 =	vld [tilespmem:s19+$0x830];
	[tilespmem:s19+$0x8870] =	vst v5  }
0x4da: {  	s20 =	simm.s32 $0x0;
	s23 =	simm.s32 $0x8;
	[tilespmem:s19+$0x8800] =	vst v8;
	v8 =	vadd.f32 v10, v9;
	v5 =	vld [tilespmem:s19+$0x8840]  }
.LBB2_26:
0x4db: {  	s24 =	sshll.u32 s23, $0x4;
	s25 =	sshll.u32 s23, $0x7;
	v9 =	vld [tilespmem:s19+$0x840];
	s18 =	sadd.s32 $0x400, s18  }
0x4dc: {  	s26 =	sshll.u32 s23, $0x1;
	s20 =	sadd.s32 $0x8, s20;
	s24 =	sand.u32 $0xFFFFE000, s24;
	[tilespmem:s19+$0x8810] =	vst v8;
	v4 =	vadd.f32 v7, v4;
	v7 =	vld [tilespmem:s19+$0x8850]  }
0x4dd: {  	s26 =	sand.u32 $0x380, s26;
	p0 =	slt.u32 s20, $0x7F8;
	s24 =	sadd.s32 s24, s18;
	v8 =	vld [tilespmem:s19+$0x850]  }
0x4de: {  	s25 =	sand.u32 $0xFFFFE000, s25;
	s24 =	sadd.s32 s26, s24;
	[tilespmem:s19+$0x8820] =	vst v4;
	v3 =	vadd.f32 v6, v3;
	v4 =	vld [tilespmem:s19+$0x8860]  }
0x4df: {  	s24 =	ssub.s32 s24, s25;
	v6 =	vld [tilespmem:s19+$0x860]  }
0x4e0: {  	v10 =	vld [tilespmem:s24+$0x8870];
	[tilespmem:s19+$0x8830] =	vst v3;
	v3 =	vadd.f32 v9, v5  }
0x4e1: {  	v5 =	vld [tilespmem:s24+$0x870]  }
0x4e2: {  	v9 =	vld [tilespmem:s24+$0x8800];
	[tilespmem:s19+$0x8840] =	vst v3;
	v3 =	vadd.f32 v8, v7  }
0x4e3: {  	v8 =	vld [tilespmem:s24+$0x800]  }
0x4e4: {  	v11 =	vld [tilespmem:s24+$0x8810];
	[tilespmem:s19+$0x8850] =	vst v3;
	v3 =	vadd.f32 v6, v4  }
0x4e5: {  	v12 =	vld [tilespmem:s24+$0x810]  }
.Ltmp12:
0x4e6: {  	v4 =	vld [tilespmem:s24+$0x8820];
	v5 =	vadd.f32 v5, v10;
	[tilespmem:s19+$0x8860] =	vst v3;
	s19 =	smov.u32 s24;
	(pc) =	sbr.rel @p0 .LBB2_26-.Ltmp12, $4  }
0x4e7: {  	v7 =	vld [tilespmem:s19+$0x820]  }
0x4e8: {  	v8 =	vadd.f32 v8, v9;
	v3 =	vld [tilespmem:s19+$0x8830];
	[tilespmem:s19+$0x8870] =	vst v5  }
0x4e9: {  	v6 =	vld [tilespmem:s19+$0x830]  }
0x4ea: {  	s23 =	sadd.s32 $0x8, s23;
	[tilespmem:s19+$0x8800] =	vst v8;
	v8 =	vadd.f32 v12, v11;
	v5 =	vld [tilespmem:s19+$0x8840]  }
0x4eb: {  	v9 =	vld [tilespmem:s19+$0x840]  }
0x4ec: {  	v10 =	vld [tilespmem:s19+$0x8850]  }
0x4ed: {  	v11 =	vld [tilespmem:s19+$0x850]  }
0x4ee: {  	v12 =	vld [tilespmem:s19+$0x8860]  }
0x4ef: {  	v13 =	vld [tilespmem:s19+$0x860]  }
0x4f0: {  	v4 =	vadd.f32 v7, v4  }
0x4f1: {  	[tilespmem:s19+$0x8810] =	vst v8;
	v3 =	vadd.f32 v6, v3  }
0x4f2: {  	[tilespmem:s19+$0x8820] =	vst v4;
	v4 =	vadd.f32 v9, v5  }
0x4f3: {  	[tilespmem:s19+$0x8830] =	vst v3;
	v3 =	vadd.f32 v11, v10  }
0x4f4: {  	[tilespmem:s19+$0x8840] =	vst v4;
	v4 =	vadd.f32 v13, v12  }
0x4f5: {  	[tilespmem:s19+$0x8850] =	vst v3  }
0x4f6: {  	[tilespmem:s19+$0x8860] =	vst v4  }
0x4f7: {  	s18 =	simm.s32 $0x0;
	s19 =	rddreg [dreg:$0x15]  }
0x4f8: {  	[hbm4b:s19+s18] =	stream.linear.scatter [tilespmem:s31], [sflag:$0x3], $0x8000, $0x38;
	[tilespmem:$0x18800] =	vst v63  }
0x4f9: {  	_ =	swait.ge [sflag:s14], $0x8000  }
0x4fa: {  	[sflag:s14] =	ssyncset.done $0x0  }
0x4fb: {  	[sflag:s14] =	ssyncadd.s32 $0xFFFF8000  }
0x4fc: {  	v3 =	vld [tilespmem:$0x700];
	_ =	sdelay $0x4  }
0x4fd: {  	v4 =	vshll.u32 v3, $0x3  }
0x4fe: {  	v3 =	vand.u32 $0x7, v3;
	v4 =	vand.u32 $0xFFFFFFC0, v4  }
0x4ff: {  	v3 =	vor.u32 v3, v4  }
0x500: {  	v4 =	vperm.xlane v3, v0;
	_ =	sdelay $0x1  }
0x501: {  	v4 =	vadd.s32 v1, v4;
	_ =	sdelay $0x4  }
0x502: {  	[tilespmem:s31], [sflag:$0x1] =	stream.indirect_vreg.gather [hbm4b:s1+s18], $0x80, v4, vm0, $0xb8;
	[tilespmem:$0x18800] =	vst v63  }
0x503: {  	s25 =	simm.s32 $0x9000;
	v3 =	vperm.xlane v3, v2  }
0x504: {  	[tilespmem:s25], [sflag:$0x1] =	stream.indirect_vreg.gather [hbm4b:s5+s18], $0x80, v4, vm0, $0xb8;
	[tilespmem:$0x18800] =	vst v63  }
0x505: {  	s26 =	simm.s32 $0x9800;
	v3 =	vadd.s32 v1, v3  }
0x506: {  	[tilespmem:s26], [sflag:$0x1] =	stream.indirect_vreg.gather [hbm4b:s6+s18], $0x80, v4, vm0, $0xb8;
	[tilespmem:$0x18800] =	vst v63  }
0x507: {  	s28 =	simm.s32 $0xA000  }
0x508: {  	[tilespmem:s28], [sflag:$0x1] =	stream.indirect_vreg.gather [hbm4b:s8+s18], $0x80, v4, vm0, $0xb8;
	[tilespmem:$0x18800] =	vst v63  }
0x509: {  	s29 =	simm.s32 $0xA800  }
0x50a: {  	[tilespmem:s29], [sflag:$0x1] =	stream.indirect_vreg.gather [hbm4b:s1+s18], $0x80, v3, vm0, $0xb8;
	[tilespmem:$0x18800] =	vst v63  }
0x50b: {  	s20 =	simm.s32 $0xB000  }
0x50c: {  	[tilespmem:s20], [sflag:$0x1] =	stream.indirect_vreg.gather [hbm4b:s5+s18], $0x80, v3, vm0, $0xb8;
	[tilespmem:$0x18800] =	vst v63  }
0x50d: {  	s23 =	simm.s32 $0xB800  }
0x50e: {  	[tilespmem:s23], [sflag:$0x1] =	stream.indirect_vreg.gather [hbm4b:s6+s18], $0x80, v3, vm0, $0xb8;
	[tilespmem:$0x18800] =	vst v63  }
0x50f: {  	s24 =	simm.s32 $0xC000  }
0x510: {  	[tilespmem:s24], [sflag:$0x1] =	stream.indirect_vreg.gather [hbm4b:s8+s18], $0x80, v3, vm0, $0xb8;
	[tilespmem:$0x18800] =	vst v63  }
0x511: {  	v3 =	vld [tilespmem:$0x710];
	_ =	sdelay $0x4  }
0x512: {  	v4 =	vshll.u32 v3, $0x3  }
0x513: {  	v3 =	vand.u32 $0x7, v3;
	v4 =	vand.u32 $0xFFFFFFC0, v4  }
0x514: {  	v3 =	vor.u32 v3, v4  }
0x515: {  	v4 =	vperm.xlane v3, v0;
	_ =	sdelay $0x1  }
0x516: {  	v4 =	vadd.s32 v1, v4;
	_ =	sdelay $0x3  }
0x517: {  	s25 =	simm.s32 $0xC800  }
0x518: {  	[tilespmem:s25], [sflag:$0x1] =	stream.indirect_vreg.gather [hbm4b:s1+s18], $0x80, v4, vm0, $0xb8;
	[tilespmem:$0x18800] =	vst v63  }
0x519: {  	s26 =	simm.s32 $0xD000;
	v3 =	vperm.xlane v3, v2  }
0x51a: {  	[tilespmem:s26], [sflag:$0x1] =	stream.indirect_vreg.gather [hbm4b:s5+s18], $0x80, v4, vm0, $0xb8;
	[tilespmem:$0x18800] =	vst v63  }
0x51b: {  	s28 =	simm.s32 $0xD800;
	v3 =	vadd.s32 v1, v3  }
0x51c: {  	[tilespmem:s28], [sflag:$0x1] =	stream.indirect_vreg.gather [hbm4b:s6+s18], $0x80, v4, vm0, $0xb8;
	[tilespmem:$0x18800] =	vst v63  }
0x51d: {  	s29 =	simm.s32 $0xE000  }
0x51e: {  	[tilespmem:s29], [sflag:$0x1] =	stream.indirect_vreg.gather [hbm4b:s8+s18], $0x80, v4, vm0, $0xb8;
	[tilespmem:$0x18800] =	vst v63  }
0x51f: {  	s20 =	simm.s32 $0xE800  }
0x520: {  	[tilespmem:s20], [sflag:$0x1] =	stream.indirect_vreg.gather [hbm4b:s1+s18], $0x80, v3, vm0, $0xb8;
	[tilespmem:$0x18800] =	vst v63  }
0x521: {  	s23 =	simm.s32 $0xF000  }
0x522: {  	[tilespmem:s23], [sflag:$0x1] =	stream.indirect_vreg.gather [hbm4b:s5+s18], $0x80, v3, vm0, $0xb8;
	[tilespmem:$0x18800] =	vst v63  }
0x523: {  	s24 =	simm.s32 $0xF800  }
0x524: {  	[tilespmem:s24], [sflag:$0x1] =	stream.indirect_vreg.gather [hbm4b:s6+s18], $0x80, v3, vm0, $0xb8;
	[tilespmem:$0x18800] =	vst v63  }
0x525: {  	s25 =	simm.s32 $0x10000;
	s26 =	simm.s32 $0x0;
	s28 =	simm.s32 $0x0  }
0x526: {  	[tilespmem:s25], [sflag:$0x1] =	stream.indirect_vreg.gather [hbm4b:s8+s18], $0x80, v3, vm0, $0xb8;
	[tilespmem:$0x18800] =	vst v63  }
0x527: {  	s19 =	sand.u32 $0xE00, s28;
	s20 =	simm.s32 $0x0;
	s18 =	sand.u32 $0xFFFF8000, s26  }
0x528: {  	s29 =	sand.u32 $0xFFFF8000, s20;
	s18 =	sor.u32 s19, s18  }
0x529: {  	_ =	swait.ge [sflag:s15], $0x8000;
	s18 =	ssub.s32 s18, s29  }
0x52a: {  	[sflag:s15] =	ssyncset.done $0x0;
	s19 =	sshra.s32 s18, $0x2  }
0x52b: {  	[sflag:s15] =	ssyncadd.s32 $0xFFFF8000;
	s18 =	sadd.s32 $0x10840, s19  }
0x52c: {  	s19 =	sadd.s32 $0x870, s19;
	v4 =	vld [tilespmem:s18+$0x30]  }
0x52d: {  	v6 =	vld [tilespmem:s19+$0x0]  }
0x52e: {  	v7 =	vld [tilespmem:s18+$0xFFFFFFC0]  }
0x52f: {  	v9 =	vld [tilespmem:s19+$0xFFFFFF90]  }
0x530: {  	v5 =	vld [tilespmem:s18+$0xFFFFFFD0]  }
0x531: {  	v8 =	vld [tilespmem:s19+$0xFFFFFFA0]  }
0x532: {  	v3 =	vld [tilespmem:s18+$0xFFFFFFE0]  }
0x533: {  	v10 =	vadd.f32 v6, v4;
	v6 =	vld [tilespmem:s19+$0xFFFFFFB0]  }
0x534: {  	s20 =	simm.s32 $0x870;
	v4 =	vld [tilespmem:s18+$0xFFFFFFF0];
	v9 =	vadd.f32 v9, v7  }
0x535: {  	s23 =	simm.s32 $0x10840;
	s24 =	simm.s32 $0x0;
	s25 =	simm.s32 $0x8;
	v7 =	vld [tilespmem:s19+$0xFFFFFFC0];
	[tilespmem:s18+$0x30] =	vst v10  }
.LBB2_28:
0x536: {  	s26 =	sshll.u32 s25, $0x6;
	s28 =	sshll.u32 s25, $0x3;
	s29 =	sshll.u32 s25, $0x9;
	[tilespmem:s18+$0xFFFFFFC0] =	vst v9;
	v5 =	vadd.f32 v8, v5;
	v8 =	vld [tilespmem:s18+$0x0]  }
0x537: {  	s24 =	sadd.s32 $0x8, s24;
	s26 =	sand.u32 $0xFFFF8000, s26;
	s28 =	sand.u32 $0xE00, s28;
	v9 =	vld [tilespmem:s19+$0xFFFFFFD0]  }
0x538: {  	p0 =	slt.u32 s24, $0x7F8;
	s26 =	sor.u32 s28, s26;
	s28 =	sand.u32 $0xFFFF8000, s29;
	[tilespmem:s18+$0xFFFFFFD0] =	vst v5;
	v3 =	vadd.f32 v6, v3;
	v5 =	vld [tilespmem:s18+$0x10]  }
0x539: {  	s26 =	ssub.s32 s26, s28;
	v6 =	vld [tilespmem:s19+$0xFFFFFFE0]  }
0x53a: {  	s23 =	sadd.s32 $0x400, s23;
	s26 =	sshra.s32 s26, $0x2;
	[tilespmem:s18+$0xFFFFFFE0] =	vst v3;
	v3 =	vadd.f32 v7, v4;
	v4 =	vld [tilespmem:s18+$0x20]  }
0x53b: {  	s20 =	sadd.s32 $0x400, s20;
	s28 =	sadd.s32 s26, s23;
	v7 =	vld [tilespmem:s19+$0xFFFFFFF0]  }
0x53c: {  	s19 =	sadd.s32 s26, s20;
	v10 =	vld [tilespmem:s28+$0x30];
	[tilespmem:s18+$0xFFFFFFF0] =	vst v3;
	v3 =	vadd.f32 v9, v8  }
0x53d: {  	v9 =	vld [tilespmem:s19+$0x0]  }
0x53e: {  	v11 =	vld [tilespmem:s28+$0xFFFFFFC0];
	[tilespmem:s18+$0x0] =	vst v3;
	v3 =	vadd.f32 v6, v5  }
0x53f: {  	v12 =	vld [tilespmem:s19+$0xFFFFFF90]  }
0x540: {  	v5 =	vld [tilespmem:s28+$0xFFFFFFD0];
	[tilespmem:s18+$0x10] =	vst v3;
	v4 =	vadd.f32 v7, v4  }
.Ltmp13:
0x541: {  	v8 =	vld [tilespmem:s19+$0xFFFFFFA0];
	(pc) =	sbr.rel @p0 .LBB2_28-.Ltmp13, $4  }
0x542: {  	v3 =	vld [tilespmem:s28+$0xFFFFFFE0];
	v7 =	vadd.f32 v9, v10;
	[tilespmem:s18+$0x20] =	vst v4;
	s18 =	smov.u32 s28  }
0x543: {  	v6 =	vld [tilespmem:s19+$0xFFFFFFB0]  }
0x544: {  	v9 =	vadd.f32 v12, v11;
	v4 =	vld [tilespmem:s18+$0xFFFFFFF0];
	[tilespmem:s18+$0x30] =	vst v7  }
0x545: {  	s25 =	sadd.s32 $0x8, s25;
	v7 =	vld [tilespmem:s19+$0xFFFFFFC0]  }
0x546: {  	v10 =	vld [tilespmem:s18+$0x0]  }
0x547: {  	v11 =	vld [tilespmem:s19+$0xFFFFFFD0]  }
0x548: {  	v12 =	vld [tilespmem:s18+$0x10]  }
0x549: {  	v13 =	vld [tilespmem:s19+$0xFFFFFFE0]  }
0x54a: {  	v14 =	vld [tilespmem:s18+$0x20]  }
0x54b: {  	v5 =	vadd.f32 v8, v5;
	v8 =	vld [tilespmem:s19+$0xFFFFFFF0]  }
0x54c: {  	[tilespmem:s18+$0xFFFFFFC0] =	vst v9;
	v3 =	vadd.f32 v6, v3  }
0x54d: {  	[tilespmem:s18+$0xFFFFFFD0] =	vst v5;
	v4 =	vadd.f32 v7, v4  }
0x54e: {  	[tilespmem:s18+$0xFFFFFFE0] =	vst v3;
	v3 =	vadd.f32 v11, v10  }
0x54f: {  	[tilespmem:s18+$0xFFFFFFF0] =	vst v4;
	v4 =	vadd.f32 v13, v12  }
0x550: {  	[tilespmem:s18+$0x0] =	vst v3;
	v3 =	vadd.f32 v8, v14  }
0x551: {  	[tilespmem:s18+$0x10] =	vst v4  }
0x552: {  	[tilespmem:s18+$0x20] =	vst v3  }
0x553: {  	s18 =	simm.s32 $0x0;
	s28 =	rddreg [dreg:$0x18]  }
0x554: {  	[hbm4b:s28+s18] =	stream.linear.scatter [tilespmem:s22], [sflag:$0x4], $0x8000, $0x38;
	[tilespmem:$0x18800] =	vst v63  }
0x555: {  	_ =	swait.ge [sflag:s16], $0x8000  }
0x556: {  	[sflag:s16] =	ssyncset.done $0x0  }
0x557: {  	[sflag:s16] =	ssyncadd.s32 $0xFFFF8000  }
0x558: {  	v3 =	vld [tilespmem:$0x780];
	_ =	sdelay $0x4  }
0x559: {  	v4 =	vshll.u32 v3, $0x3  }
0x55a: {  	v3 =	vand.u32 $0x7, v3;
	v4 =	vand.u32 $0xFFFFFFC0, v4  }
0x55b: {  	v3 =	vor.u32 v3, v4  }
0x55c: {  	v4 =	vperm.xlane v3, v0;
	_ =	sdelay $0x1  }
0x55d: {  	v4 =	vadd.s32 v1, v4;
	_ =	sdelay $0x4  }
0x55e: {  	[tilespmem:s22], [sflag:$0x2] =	stream.indirect_vreg.gather [hbm4b:s1+s18], $0x80, v4, vm0, $0xb8;
	[tilespmem:$0x18800] =	vst v63  }
0x55f: {  	s29 =	simm.s32 $0x11000;
	v3 =	vperm.xlane v3, v2  }
0x560: {  	[tilespmem:s29], [sflag:$0x2] =	stream.indirect_vreg.gather [hbm4b:s5+s18], $0x80, v4, vm0, $0xb8;
	[tilespmem:$0x18800] =	vst v63  }
0x561: {  	s20 =	simm.s32 $0x11800;
	v3 =	vadd.s32 v1, v3  }
0x562: {  	[tilespmem:s20], [sflag:$0x2] =	stream.indirect_vreg.gather [hbm4b:s6+s18], $0x80, v4, vm0, $0xb8;
	[tilespmem:$0x18800] =	vst v63  }
0x563: {  	s23 =	simm.s32 $0x12000  }
0x564: {  	[tilespmem:s23], [sflag:$0x2] =	stream.indirect_vreg.gather [hbm4b:s8+s18], $0x80, v4, vm0, $0xb8;
	[tilespmem:$0x18800] =	vst v63  }
0x565: {  	s24 =	simm.s32 $0x12800  }
0x566: {  	[tilespmem:s24], [sflag:$0x2] =	stream.indirect_vreg.gather [hbm4b:s1+s18], $0x80, v3, vm0, $0xb8;
	[tilespmem:$0x18800] =	vst v63  }
0x567: {  	s25 =	simm.s32 $0x13000  }
0x568: {  	[tilespmem:s25], [sflag:$0x2] =	stream.indirect_vreg.gather [hbm4b:s5+s18], $0x80, v3, vm0, $0xb8;
	[tilespmem:$0x18800] =	vst v63  }
0x569: {  	s26 =	simm.s32 $0x13800  }
0x56a: {  	[tilespmem:s26], [sflag:$0x2] =	stream.indirect_vreg.gather [hbm4b:s6+s18], $0x80, v3, vm0, $0xb8;
	[tilespmem:$0x18800] =	vst v63  }
0x56b: {  	_ = 	snop  }
0x56c: {  	[tilespmem:s7], [sflag:$0x2] =	stream.indirect_vreg.gather [hbm4b:s8+s18], $0x80, v3, vm0, $0xb8;
	[tilespmem:$0x18800] =	vst v63  }
0x56d: {  	v3 =	vld [tilespmem:$0x790];
	_ =	sdelay $0x4  }
0x56e: {  	v4 =	vshll.u32 v3, $0x3  }
0x56f: {  	v3 =	vand.u32 $0x7, v3;
	v4 =	vand.u32 $0xFFFFFFC0, v4  }
0x570: {  	v3 =	vor.u32 v3, v4  }
0x571: {  	v4 =	vperm.xlane v3, v0;
	_ =	sdelay $0x1  }
0x572: {  	v4 =	vadd.s32 v1, v4;
	_ =	sdelay $0x4  }
0x573: {  	[tilespmem:s21], [sflag:$0x2] =	stream.indirect_vreg.gather [hbm4b:s1+s18], $0x80, v4, vm0, $0xb8;
	[tilespmem:$0x18800] =	vst v63  }
0x574: {  	v3 =	vperm.xlane v3, v2  }
0x575: {  	[tilespmem:s2], [sflag:$0x2] =	stream.indirect_vreg.gather [hbm4b:s5+s18], $0x80, v4, vm0, $0xb8;
	[tilespmem:$0x18800] =	vst v63  }
0x576: {  	v3 =	vadd.s32 v1, v3  }
0x577: {  	[tilespmem:s0], [sflag:$0x2] =	stream.indirect_vreg.gather [hbm4b:s6+s18], $0x80, v4, vm0, $0xb8;
	[tilespmem:$0x18800] =	vst v63  }
0x578: {  	_ = 	snop  }
0x579: {  	[tilespmem:s4], [sflag:$0x2] =	stream.indirect_vreg.gather [hbm4b:s8+s18], $0x80, v4, vm0, $0xb8;
	[tilespmem:$0x18800] =	vst v63  }
0x57a: {  	_ = 	snop  }
0x57b: {  	[tilespmem:s9], [sflag:$0x2] =	stream.indirect_vreg.gather [hbm4b:s1+s18], $0x80, v3, vm0, $0xb8;
	[tilespmem:$0x18800] =	vst v63  }
0x57c: {  	s28 =	simm.s32 $0x0  }
0x57d: {  	[tilespmem:s10], [sflag:$0x2] =	stream.indirect_vreg.gather [hbm4b:s5+s18], $0x80, v3, vm0, $0xb8;
	[tilespmem:$0x18800] =	vst v63  }
0x57e: {  	s19 =	sand.u32 $0xFFFFE000, s28  }
0x57f: {  	[tilespmem:s11], [sflag:$0x2] =	stream.indirect_vreg.gather [hbm4b:s6+s18], $0x80, v3, vm0, $0xb8;
	[tilespmem:$0x18800] =	vst v63  }
0x580: {  	s19 =	sadd.s32 $0x0, s19;
	s20 =	simm.s32 $0x0  }
0x581: {  	[tilespmem:s12], [sflag:$0x2] =	stream.indirect_vreg.gather [hbm4b:s8+s18], $0x80, v3, vm0, $0xb8;
	[tilespmem:$0x18800] =	vst v63  }
0x582: {  	s20 =	sand.u32 $0x380, s20;
	s23 =	simm.s32 $0x0;
	_ =	swait.ge [sflag:s13], $0x8000  }
0x583: {  	s19 =	sadd.s32 s20, s19;
	s29 =	sand.u32 $0xFFFFE000, s23;
	[sflag:s13] =	ssyncset.done $0x0  }
0x584: {  	s19 =	ssub.s32 s19, s29;
	[sflag:s13] =	ssyncadd.s32 $0xFFFF8000  }
0x585: {  	v3 =	vld [tilespmem:s19+$0x8870]  }
0x586: {  	v5 =	vld [tilespmem:s19+$0x870]  }
0x587: {  	v6 =	vld [tilespmem:s19+$0x8800]  }
0x588: {  	v8 =	vld [tilespmem:s19+$0x800]  }
0x589: {  	v9 =	vld [tilespmem:s19+$0x8810]  }
0x58a: {  	v10 =	vld [tilespmem:s19+$0x810]  }
0x58b: {  	v4 =	vld [tilespmem:s19+$0x8820]  }
0x58c: {  	v7 =	vld [tilespmem:s19+$0x820];
	v5 =	vadd.f32 v5, v3  }
0x58d: {  	v8 =	vadd.f32 v8, v6;
	v3 =	vld [tilespmem:s19+$0x8830]  }
0x58e: {  	v6 =	vld [tilespmem:s19+$0x830];
	[tilespmem:s19+$0x8870] =	vst v5  }
0x58f: {  	s20 =	simm.s32 $0x0;
	s23 =	simm.s32 $0x8;
	[tilespmem:s19+$0x8800] =	vst v8;
	v8 =	vadd.f32 v10, v9;
	v5 =	vld [tilespmem:s19+$0x8840]  }
.LBB2_30:
0x590: {  	s24 =	sshll.u32 s23, $0x4;
	s25 =	sshll.u32 s23, $0x7;
	v9 =	vld [tilespmem:s19+$0x840];
	s18 =	sadd.s32 $0x400, s18  }
0x591: {  	s26 =	sshll.u32 s23, $0x1;
	s20 =	sadd.s32 $0x8, s20;
	s24 =	sand.u32 $0xFFFFE000, s24;
	[tilespmem:s19+$0x8810] =	vst v8;
	v4 =	vadd.f32 v7, v4;
	v7 =	vld [tilespmem:s19+$0x8850]  }
0x592: {  	s26 =	sand.u32 $0x380, s26;
	p0 =	slt.u32 s20, $0x7F8;
	s24 =	sadd.s32 s24, s18;
	v8 =	vld [tilespmem:s19+$0x850]  }
0x593: {  	s25 =	sand.u32 $0xFFFFE000, s25;
	s24 =	sadd.s32 s26, s24;
	[tilespmem:s19+$0x8820] =	vst v4;
	v3 =	vadd.f32 v6, v3;
	v4 =	vld [tilespmem:s19+$0x8860]  }
0x594: {  	s24 =	ssub.s32 s24, s25;
	v6 =	vld [tilespmem:s19+$0x860]  }
0x595: {  	v10 =	vld [tilespmem:s24+$0x8870];
	[tilespmem:s19+$0x8830] =	vst v3;
	v3 =	vadd.f32 v9, v5  }
0x596: {  	v5 =	vld [tilespmem:s24+$0x870]  }
0x597: {  	v9 =	vld [tilespmem:s24+$0x8800];
	[tilespmem:s19+$0x8840] =	vst v3;
	v3 =	vadd.f32 v8, v7  }
0x598: {  	v8 =	vld [tilespmem:s24+$0x800]  }
0x599: {  	v11 =	vld [tilespmem:s24+$0x8810];
	[tilespmem:s19+$0x8850] =	vst v3;
	v3 =	vadd.f32 v6, v4  }
0x59a: {  	v12 =	vld [tilespmem:s24+$0x810]  }
.Ltmp14:
0x59b: {  	v4 =	vld [tilespmem:s24+$0x8820];
	v5 =	vadd.f32 v5, v10;
	[tilespmem:s19+$0x8860] =	vst v3;
	s19 =	smov.u32 s24;
	(pc) =	sbr.rel @p0 .LBB2_30-.Ltmp14, $4  }
0x59c: {  	v7 =	vld [tilespmem:s19+$0x820]  }
0x59d: {  	v8 =	vadd.f32 v8, v9;
	v3 =	vld [tilespmem:s19+$0x8830];
	[tilespmem:s19+$0x8870] =	vst v5  }
0x59e: {  	v6 =	vld [tilespmem:s19+$0x830]  }
0x59f: {  	s23 =	sadd.s32 $0x8, s23;
	[tilespmem:s19+$0x8800] =	vst v8;
	v8 =	vadd.f32 v12, v11;
	v5 =	vld [tilespmem:s19+$0x8840]  }
0x5a0: {  	v9 =	vld [tilespmem:s19+$0x840]  }
0x5a1: {  	v10 =	vld [tilespmem:s19+$0x8850]  }
0x5a2: {  	v11 =	vld [tilespmem:s19+$0x850]  }
0x5a3: {  	v12 =	vld [tilespmem:s19+$0x8860]  }
0x5a4: {  	v13 =	vld [tilespmem:s19+$0x860]  }
0x5a5: {  	v4 =	vadd.f32 v7, v4  }
0x5a6: {  	[tilespmem:s19+$0x8810] =	vst v8;
	v3 =	vadd.f32 v6, v3  }
0x5a7: {  	[tilespmem:s19+$0x8820] =	vst v4;
	v4 =	vadd.f32 v9, v5  }
0x5a8: {  	[tilespmem:s19+$0x8830] =	vst v3;
	v3 =	vadd.f32 v11, v10  }
0x5a9: {  	[tilespmem:s19+$0x8840] =	vst v4;
	v4 =	vadd.f32 v13, v12  }
0x5aa: {  	[tilespmem:s19+$0x8850] =	vst v3  }
0x5ab: {  	s18 =	simm.s32 $0x0;
	[tilespmem:s19+$0x8860] =	vst v4  }
0x5ac: {  	s26 =	simm.s32 $0x0;
	s28 =	simm.s32 $0x0;
	s19 =	rddreg [dreg:$0x19]  }
0x5ad: {  	[hbm4b:s19+s18] =	stream.linear.scatter [tilespmem:s31], [sflag:$0x3], $0x8000, $0x38;
	[tilespmem:$0x18800] =	vst v63  }
0x5ae: {  	s20 =	simm.s32 $0x0;
	s18 =	sand.u32 $0xFFFF8000, s26;
	s19 =	sand.u32 $0xE00, s28  }
0x5af: {  	s29 =	sand.u32 $0xFFFF8000, s20;
	s18 =	sor.u32 s19, s18  }
0x5b0: {  	_ =	swait.ge [sflag:s15], $0x8000;
	s18 =	ssub.s32 s18, s29  }
0x5b1: {  	[sflag:s15] =	ssyncset.done $0x0;
	s19 =	sshra.s32 s18, $0x2  }
0x5b2: {  	[sflag:s15] =	ssyncadd.s32 $0xFFFF8000;
	s18 =	sadd.s32 $0x10840, s19  }
0x5b3: {  	s19 =	sadd.s32 $0x870, s19;
	v4 =	vld [tilespmem:s18+$0x30]  }
0x5b4: {  	v6 =	vld [tilespmem:s19+$0x0]  }
0x5b5: {  	v7 =	vld [tilespmem:s18+$0xFFFFFFC0]  }
0x5b6: {  	v9 =	vld [tilespmem:s19+$0xFFFFFF90]  }
0x5b7: {  	v5 =	vld [tilespmem:s18+$0xFFFFFFD0]  }
0x5b8: {  	v8 =	vld [tilespmem:s19+$0xFFFFFFA0]  }
0x5b9: {  	v3 =	vld [tilespmem:s18+$0xFFFFFFE0]  }
0x5ba: {  	v10 =	vadd.f32 v6, v4;
	v6 =	vld [tilespmem:s19+$0xFFFFFFB0]  }
0x5bb: {  	s23 =	simm.s32 $0x10840;
	v4 =	vld [tilespmem:s18+$0xFFFFFFF0];
	v9 =	vadd.f32 v9, v7  }
0x5bc: {  	s24 =	simm.s32 $0x0;
	s25 =	simm.s32 $0x8;
	s20 =	simm.s32 $0x870;
	v7 =	vld [tilespmem:s19+$0xFFFFFFC0];
	[tilespmem:s18+$0x30] =	vst v10  }
.LBB2_32:
0x5bd: {  	s26 =	sshll.u32 s25, $0x6;
	s28 =	sshll.u32 s25, $0x3;
	s29 =	sshll.u32 s25, $0x9;
	[tilespmem:s18+$0xFFFFFFC0] =	vst v9;
	v5 =	vadd.f32 v8, v5;
	v8 =	vld [tilespmem:s18+$0x0]  }
0x5be: {  	s24 =	sadd.s32 $0x8, s24;
	s26 =	sand.u32 $0xFFFF8000, s26;
	s28 =	sand.u32 $0xE00, s28;
	v9 =	vld [tilespmem:s19+$0xFFFFFFD0]  }
0x5bf: {  	p0 =	slt.u32 s24, $0x7F8;
	s26 =	sor.u32 s28, s26;
	s28 =	sand.u32 $0xFFFF8000, s29;
	[tilespmem:s18+$0xFFFFFFD0] =	vst v5;
	v3 =	vadd.f32 v6, v3;
	v5 =	vld [tilespmem:s18+$0x10]  }
0x5c0: {  	s26 =	ssub.s32 s26, s28;
	v6 =	vld [tilespmem:s19+$0xFFFFFFE0]  }
0x5c1: {  	s23 =	sadd.s32 $0x400, s23;
	s26 =	sshra.s32 s26, $0x2;
	[tilespmem:s18+$0xFFFFFFE0] =	vst v3;
	v3 =	vadd.f32 v7, v4;
	v4 =	vld [tilespmem:s18+$0x20]  }
0x5c2: {  	s20 =	sadd.s32 $0x400, s20;
	s28 =	sadd.s32 s26, s23;
	v7 =	vld [tilespmem:s19+$0xFFFFFFF0]  }
0x5c3: {  	s19 =	sadd.s32 s26, s20;
	v10 =	vld [tilespmem:s28+$0x30];
	[tilespmem:s18+$0xFFFFFFF0] =	vst v3;
	v3 =	vadd.f32 v9, v8  }
0x5c4: {  	v9 =	vld [tilespmem:s19+$0x0]  }
0x5c5: {  	v11 =	vld [tilespmem:s28+$0xFFFFFFC0];
	[tilespmem:s18+$0x0] =	vst v3;
	v3 =	vadd.f32 v6, v5  }
0x5c6: {  	v12 =	vld [tilespmem:s19+$0xFFFFFF90]  }
0x5c7: {  	v5 =	vld [tilespmem:s28+$0xFFFFFFD0];
	[tilespmem:s18+$0x10] =	vst v3;
	v4 =	vadd.f32 v7, v4  }
.Ltmp15:
0x5c8: {  	v8 =	vld [tilespmem:s19+$0xFFFFFFA0];
	(pc) =	sbr.rel @p0 .LBB2_32-.Ltmp15, $4  }
0x5c9: {  	v3 =	vld [tilespmem:s28+$0xFFFFFFE0];
	v7 =	vadd.f32 v9, v10;
	[tilespmem:s18+$0x20] =	vst v4;
	s18 =	smov.u32 s28  }
0x5ca: {  	v6 =	vld [tilespmem:s19+$0xFFFFFFB0]  }
0x5cb: {  	v9 =	vadd.f32 v12, v11;
	v4 =	vld [tilespmem:s18+$0xFFFFFFF0];
	[tilespmem:s18+$0x30] =	vst v7  }
0x5cc: {  	s25 =	sadd.s32 $0x8, s25;
	v7 =	vld [tilespmem:s19+$0xFFFFFFC0]  }
0x5cd: {  	v10 =	vld [tilespmem:s18+$0x0]  }
0x5ce: {  	v11 =	vld [tilespmem:s19+$0xFFFFFFD0]  }
0x5cf: {  	v12 =	vld [tilespmem:s18+$0x10]  }
0x5d0: {  	v13 =	vld [tilespmem:s19+$0xFFFFFFE0]  }
0x5d1: {  	v14 =	vld [tilespmem:s18+$0x20]  }
0x5d2: {  	v5 =	vadd.f32 v8, v5;
	v62 =	vld [tilespmem:s19+$0xFFFFFFF0]  }
0x5d3: {  	[tilespmem:s18+$0xFFFFFFC0] =	vst v9;
	v3 =	vadd.f32 v6, v3  }
0x5d4: {  	[tilespmem:s18+$0xFFFFFFD0] =	vst v5;
	v4 =	vadd.f32 v7, v4  }
0x5d5: {  	[tilespmem:s18+$0xFFFFFFE0] =	vst v3;
	v3 =	vadd.f32 v11, v10  }
0x5d6: {  	v63 =	vadd.f32 v13, v12;
	[tilespmem:s18+$0xFFFFFFF0] =	vst v4  }
0x5d7: {  	[tilespmem:s18+$0x0] =	vst v3;
	v3 =	vadd.f32 v62, v14  }
0x5d8: {  	[tilespmem:s18+$0x10] =	vst v63  }
0x5d9: {  	[tilespmem:s18+$0x20] =	vst v3  }
0x5da: {  	s18 =	rddreg [dreg:$0x1a]  }
0x5db: {  	[hbm4b:s18+s3] =	stream.linear.scatter [tilespmem:s22], [sflag:$0x4], $0x8000, $0x38;
	[tilespmem:$0x18800] =	vst v63  }
0x5dc: {  	_ =	swait.ge [sflag:s14], $0x8000  }
0x5dd: {  	[sflag:s14] =	ssyncset.done $0x0  }
0x5de: {  	[sflag:s14] =	ssyncadd.s32 $0xFFFF8000  }
0x5df: {  	_ =	swait.ge [sflag:s16], $0x8000  }
0x5e0: {  	s17 =	sadd.s32 $0x1, s17;
	s29 =	rddreg [dreg:$0x17]  }
0x5e1: {  	p0 =	sne.s32 s17, s29  }
.Ltmp16:
0x5e2: {  	_ = 	snop;
	(pc) =	sbr.rel @p0 .LBB2_1-.Ltmp16, $3  }
0x5e3: {  	_ =	sdelay $0x1  }
0x5e4: {  	[sflag:s16] =	ssyncset.done $0x0  }
0x5e5: {  	[sflag:s16] =	ssyncadd.s32 $0xFFFF8000  }
0x5e6: {  	_ =	sfence.sel $0x180000  }
0x5e7: {  	[bflag:$0x0] =	sbarrier.arrive $0xFFFF  }
0x5e8: {  	_ =	strace $0x90000047  }
0x5e9: {  	s0 =	stileid.u32;
	[bflag:$0x2] =	sbarrier.arrive $0xFFFF  }
0x5ea: {  	p0 =	sne.s32 s0, $0x0;
	s0 =	rddreg [dreg:$0x4]  }
0x5eb: {  	s0 =	sadd.s32 @!p0 $0x100000, s0  }
0x5ec: {  	[sflag:s0] =	ssyncadd.tile.s32 @!p0 $0x1;
	_ =	shalt  }
.Lfunc_end2:
_tile_overlayer_lowered:
.L_overlay_start_2:
0x5ed: {  	(tag) =	ssettag $0x2  }
0x5ee: {  	s0 =	rddreg [dreg:$0x0];
	s2 =	stileid.u32  }
0x5ef: {  	s1 =	rddreg [dreg:$0x1];
	p0 =	sne.s32 s2, $0x0  }
0x5f0: {  	s3 =	rddreg [dreg:$0x2];
	[bflag:$0x3] =	sbarrier.arrive $0xFFFF;
	s2 =	simm.s32 @!p0 $0x1C05  }
0x5f1: {  	[timem:s3], [sflag:s2] =	dma.local @!p0 [hbm:s0], s1  }
0x5f2: {  	s0 =	simm.s32 @!p0 $0x5  }
0x5f3: {  	_ =	swait.ge @!p0 [sflag:s0], s1  }
0x5f4: {  	s1 =	ssub.s32 @!p0 $0x0, s1;
	[sflag:s0] =	ssyncset.done @!p0 $0x0  }
0x5f5: {  	[sflag:s0] =	ssyncadd.s32 @!p0 s1  }
0x5f6: {  	[bflag:$0x3] =	sbarrier.arrive $0xFFFF  }
0x5f7: {  	_ =	shalt  }

</sc_bundles>
